<compile_context>
chip_gen: v7x
topology: tpu7x:2x2x1
jax: 0.10.2.dev20260603
libtpu: 0.0.44.dev20260713+nightly
codegen_flags: <defaults>
</compile_context>

<pallas_src>
import functools

import jax
import jax.numpy as jnp
from jax import lax
from jax.experimental import pallas as pl
from jax.experimental.pallas import tpu as pltpu
from jax.experimental.pallas import tpu_sc as plsc

N = 10000
D = 128
E = 320000
NC = 2
NS = 16
LANES = 128
CHUNKS = 79
CDATA = 80
EW = CDATA * LANES
EPAD = NC * NS * EW
RPS = 624
TAIL = N - NS * RPS
HIST = 10240
HRPS = HIST // NS

_mesh = plsc.VectorSubcoreMesh(core_axis_name="c", subcore_axis_name="s")


def _deg_partials(dst3):

    @functools.partial(
        pl.kernel,
        out_type=jax.ShapeDtypeStruct((NC, HIST), jnp.float32),
        mesh=_mesh,
        scratch_types=[
            pltpu.VMEM((CDATA, LANES), jnp.int32),
            pltpu.VMEM((HRPS,), jnp.float32),
            pltpu.VMEM((LANES,), jnp.float32),
            pltpu.VMEM_SHARED((HIST,), jnp.float32),
            pltpu.SemaphoreType.DMA,
            pltpu.SemaphoreType.DMA,
        ],
    )
    def k(dst_hbm, out_hbm, dst_loc, zbuf, ones, hist_sh, dsem, hsem):
        cid = lax.axis_index("c")
        sid = lax.axis_index("s")
        wid = cid * NS + sid
        pltpu.async_copy(dst_hbm.at[wid], dst_loc, dsem)

        def fillz(i, _):
            zbuf[pl.ds(i * 16, 16)] = jnp.zeros((16,), jnp.float32)
            return 0

        lax.fori_loop(0, HRPS // 16, fillz, 0)

        def fillo(i, _):
            ones[pl.ds(i * 16, 16)] = jnp.ones((16,), jnp.float32)
            return 0

        lax.fori_loop(0, LANES // 16, fillo, 0)

        pltpu.sync_copy(zbuf, hist_sh.at[pl.ds(sid * HRPS, HRPS)])
        pltpu.make_async_copy(dst_hbm.at[wid], dst_loc, dsem).wait()
        plsc.subcore_barrier()

        def fire(j, _):
            pltpu.async_copy(ones, hist_sh.at[dst_loc.at[j]], hsem, add=True)
            return 0

        def drain(j, _):
            pltpu.make_async_copy(
                ones, hist_sh.at[dst_loc.at[j]], hsem
            ).wait()
            return 0

        lax.fori_loop(0, 4, fire, 0)

        def body(j, _):
            drain(j - 4, 0)
            fire(j, 0)
            return 0

        lax.fori_loop(4, CHUNKS, body, 0)
        lax.fori_loop(CHUNKS - 4, CHUNKS, drain, 0)
        plsc.subcore_barrier()
        pltpu.sync_copy(
            hist_sh.at[pl.ds(sid * HRPS, HRPS)],
            out_hbm.at[cid, pl.ds(sid * HRPS, HRPS)],
        )

    return k(dst3)


def _scatter_partials(z, si3):

    @functools.partial(
        pl.kernel,
        out_type=jax.ShapeDtypeStruct((NC, N, D), jnp.float32),
        mesh=_mesh,
        scratch_types=[
            pltpu.VMEM((2, 4, 2, LANES), jnp.int32),
            pltpu.VMEM((2, LANES, D), jnp.float32),
            pltpu.VMEM_SHARED((N + 16, D), jnp.float32),
            pltpu.SemaphoreType.DMA((2,)),
            pltpu.SemaphoreType.DMA((2,)),
            pltpu.SemaphoreType.DMA((2,)),
        ],
    )
    def k(z_hbm, si_hbm, out_hbm, ibuf, rows, acc_sh, gsem, isem, ssem):
        cid = lax.axis_index("c")
        sid = lax.axis_index("s")
        wid = cid * NS + sid
        pltpu.sync_copy(si_hbm.at[wid, pl.ds(0, 4)], ibuf.at[0])
        pltpu.async_copy(si_hbm.at[wid, pl.ds(4, 4)], ibuf.at[1], isem.at[1])
        pltpu.async_copy(z_hbm.at[ibuf.at[0, 0, 0]], rows.at[0], gsem.at[0])

        pltpu.sync_copy(
            z_hbm.at[pl.ds(sid * RPS, RPS)],
            acc_sh.at[pl.ds(sid * RPS, RPS)],
        )

        @pl.when(sid == 0)
        def _():
            pltpu.sync_copy(
                z_hbm.at[pl.ds(NS * RPS, TAIL)],
                acc_sh.at[pl.ds(NS * RPS, TAIL)],
            )

        plsc.subcore_barrier()


        def step(q, b, B, first, loadg, gsrc):
            if not first:
                pltpu.make_async_copy(
                    rows.at[1 - b],
                    acc_sh.at[ibuf.at[B, q, 1]],
                    ssem.at[1 - b],
                ).wait()
            if loadg is not None:
                pltpu.async_copy(
                    si_hbm.at[wid, pl.ds(4 * loadg, 4)],
                    ibuf.at[1 - B],
                    isem.at[1 - B],
                )
            if gsrc is not None:
                gb, gp = gsrc
                if gb != B:
                    pltpu.make_async_copy(
                        si_hbm.at[wid, pl.ds(0, 4)], ibuf.at[gb], isem.at[gb]
                    ).wait()
                pltpu.async_copy(
                    z_hbm.at[ibuf.at[gb, gp, 0]],
                    rows.at[1 - b],
                    gsem.at[1 - b],
                )
            pltpu.make_async_copy(
                z_hbm.at[ibuf.at[B, q, 0]], rows.at[b], gsem.at[b]
            ).wait()
            pltpu.async_copy(
                rows.at[b], acc_sh.at[ibuf.at[B, q, 1]], ssem.at[b], add=True
            )

        for q in (0, 1, 2, 3):
            step(q, q % 2, 0, q == 0, None,
                 (0, q + 1) if q < 3 else (1, 0))

        def body(i, _):
            for G in (1, 2):
                g = 2 * i + G
                B = G % 2
                for q in (0, 1, 2, 3):
                    step(q, q % 2, B,
                         False,
                         g + 1 if q == 0 else None,
                         (B, q + 1) if q < 3 else (1 - B, 0))
            return 0

        lax.fori_loop(0, 9, body, 0)
        step(0, 0, 1, False, None, (1, 1))
        step(1, 1, 1, False, None, (1, 2))
        step(2, 0, 1, False, None, None)
        pltpu.make_async_copy(
            rows.at[0], acc_sh.at[ibuf.at[1, 2, 1]], ssem.at[0]
        ).wait()
        plsc.subcore_barrier()
        pltpu.sync_copy(
            acc_sh.at[pl.ds(sid * RPS, RPS)],
            out_hbm.at[cid, pl.ds(sid * RPS, RPS)],
        )

        @pl.when(sid == 0)
        def _():
            pltpu.sync_copy(
                acc_sh.at[pl.ds(NS * RPS, TAIL)],
                out_hbm.at[cid, pl.ds(NS * RPS, TAIL)],
            )

    return k(z, si3)


_BN = 2000


def _tc_fc(x, W_fc, b_fc, W1, degT):

    def body(x_ref, wfc_ref, bfc_ref, w1_ref, degT_ref, z1_ref, dinv_ref):
        deg = degT_ref[:, 0:1] + degT_ref[:, 1:2] + 1.0
        dinv = lax.rsqrt(deg)
        h = jnp.dot(x_ref[...], wfc_ref[...], preferred_element_type=jnp.float32)
        h = jnp.maximum(h + bfc_ref[...], 0.0)
        y1 = jnp.dot(h, w1_ref[...], preferred_element_type=jnp.float32)
        z1_ref[...] = y1 * dinv
        dinv_ref[...] = dinv

    return pl.pallas_call(
        body,
        grid=(N // _BN,),
        in_specs=[
            pl.BlockSpec((_BN, D), lambda i: (i, 0)),
            pl.BlockSpec((D, D), lambda i: (0, 0)),
            pl.BlockSpec((1, D), lambda i: (0, 0)),
            pl.BlockSpec((D, D), lambda i: (0, 0)),
            pl.BlockSpec((_BN, 2), lambda i: (i, 0)),
        ],
        out_specs=[
            pl.BlockSpec((_BN, D), lambda i: (i, 0)),
            pl.BlockSpec((_BN, 1), lambda i: (i, 0)),
        ],
        out_shape=[
            jax.ShapeDtypeStruct((N, D), jnp.float32),
            jax.ShapeDtypeStruct((N, 1), jnp.float32),
        ],
    )(x, W_fc, b_fc, W1, degT)


def _tc_mid(s1, z1, dinv, b1, W2):

    def body(s_ref, z_ref, dinv_ref, b_ref, w2_ref, z2_ref):
        agg = dinv_ref[...] * (s_ref[0] + s_ref[1] - z_ref[...])
        h2 = jnp.maximum(agg + b_ref[...], 0.0)
        y2 = jnp.dot(h2, w2_ref[...], preferred_element_type=jnp.float32)
        z2_ref[...] = y2 * dinv_ref[...]

    return pl.pallas_call(
        body,
        grid=(N // _BN,),
        in_specs=[
            pl.BlockSpec((NC, _BN, D), lambda i: (0, i, 0)),
            pl.BlockSpec((_BN, D), lambda i: (i, 0)),
            pl.BlockSpec((_BN, 1), lambda i: (i, 0)),
            pl.BlockSpec((1, D), lambda i: (0, 0)),
            pl.BlockSpec((D, D), lambda i: (0, 0)),
        ],
        out_specs=pl.BlockSpec((_BN, D), lambda i: (i, 0)),
        out_shape=jax.ShapeDtypeStruct((N, D), jnp.float32),
    )(s1, z1, dinv, b1, W2)


def _tc_out(s2, z2, dinv, b2):

    def body(s_ref, z_ref, dinv_ref, b_ref, o_ref):
        o_ref[...] = dinv_ref[...] * (s_ref[0] + s_ref[1] - z_ref[...]) + b_ref[...]

    return pl.pallas_call(
        body,
        grid=(N // _BN,),
        in_specs=[
            pl.BlockSpec((NC, _BN, D), lambda i: (0, i, 0)),
            pl.BlockSpec((_BN, D), lambda i: (i, 0)),
            pl.BlockSpec((_BN, 1), lambda i: (i, 0)),
            pl.BlockSpec((1, D), lambda i: (0, 0)),
        ],
        out_specs=pl.BlockSpec((_BN, D), lambda i: (i, 0)),
        out_shape=jax.ShapeDtypeStruct((N, D), jnp.float32),
    )(s2, z2, dinv, b2)


def kernel(x, edge_index, W_fc, b_fc, W1, b1, W2, b2):
    src = edge_index[0].astype(jnp.int32)
    dst = edge_index[1].astype(jnp.int32)
    nw = NC * NS
    ppw = (EPAD - E) // nw
    dummy = (jnp.arange(ppw, dtype=jnp.int32) % 16)[None, :].repeat(nw, axis=0)
    src3 = jnp.concatenate(
        [src.reshape(nw, E // nw), dummy], axis=1).reshape(nw, CDATA, LANES)
    dst3 = jnp.concatenate(
        [dst.reshape(nw, E // nw), dummy + N], axis=1).reshape(nw, CDATA, LANES)
    si3 = jnp.stack([src3, dst3], axis=2)

    degp = _deg_partials(dst3)
    degT = jnp.transpose(degp)[:N]

    b_fc2 = b_fc.reshape(1, D)
    b12 = b1.reshape(1, D)
    b22 = b2.reshape(1, D)

    z1, dinv = _tc_fc(x, W_fc, b_fc2, W1, degT)
    s1 = _scatter_partials(z1, si3)
    z2 = _tc_mid(s1, z1, dinv, b12, W2)
    s2 = _scatter_partials(z2, si3)
    return _tc_out(s2, z2, dinv, b22)

# --- scband reference (transcript-rebuilt; emitter-appended) ---
"""Pipeline reference for scband-gcn-49143015801254 (READ-ONLY COPY).

The authoritative reference and input builder live on the scoring server;
editing this copy changes nothing except your own understanding.
"""

import jax, jax.numpy as jnp
import numpy as np

N_NODES = 10000
N_EDGES = 320000
D_IN = 128
D_H = 128


def setup_inputs(seed: int = 0) -> dict:
    key = jax.random.key(seed)
    ks = jax.random.split(key, 8)
    x = jax.random.normal(ks[0], (N_NODES, D_IN), dtype=jnp.float32)
    edge_index = jax.random.randint(ks[1], (2, N_EDGES), 0, N_NODES, dtype=jnp.int64)
    s = 1.0 / np.sqrt(D_IN)
    W_fc = jax.random.uniform(ks[2], (D_IN, D_H), dtype=jnp.float32, minval=-s, maxval=s)
    b_fc = jnp.zeros((D_H,), dtype=jnp.float32)
    sh = 1.0 / np.sqrt(D_H)
    W1 = jax.random.uniform(ks[3], (D_H, D_H), dtype=jnp.float32, minval=-sh, maxval=sh)
    b1 = jnp.zeros((D_H,), dtype=jnp.float32)
    W2 = jax.random.uniform(ks[4], (D_H, D_H), dtype=jnp.float32, minval=-sh, maxval=sh)
    b2 = jnp.zeros((D_H,), dtype=jnp.float32)
    return {"x": x, "edge_index": edge_index, "W_fc": W_fc, "b_fc": b_fc,
            "W1": W1, "b1": b1, "W2": W2, "b2": b2}


def _gcn_conv(x, src, dst, W, b, n_nodes):
    # PyG GCNConv: linear transform, then symmetric-normalized aggregation with self-loops
    x = x @ W
    loop = jnp.arange(n_nodes, dtype=src.dtype)
    src_f = jnp.concatenate([src, loop])
    dst_f = jnp.concatenate([dst, loop])
    ew = jnp.ones((src_f.shape[0],), dtype=x.dtype)
    deg = jnp.zeros((n_nodes,), dtype=x.dtype).at[dst_f].add(ew)
    deg_inv_sqrt = jnp.where(deg > 0, 1.0 / jnp.sqrt(deg), 0.0)
    norm = deg_inv_sqrt[src_f] * deg_inv_sqrt[dst_f]
    msg = x[src_f] * norm[:, None]
    out = jnp.zeros_like(x).at[dst_f].add(msg)
    return out + b


def reference(x, edge_index, W_fc, b_fc, W1, b1, W2, b2):
    src = edge_index[0]
    dst = edge_index[1]
    n_nodes = x.shape[0]
    # dropout is identity in eval mode
    h = jax.nn.relu(x @ W_fc + b_fc)
    h = jax.nn.relu(_gcn_conv(h, src, dst, W1, b1, n_nodes))
    out = _gcn_conv(h, src, dst, W2, b2, n_nodes)
    return out

if __name__ == "__main__":
    import jax
    _d = setup_inputs()
    print(jax.jit(kernel)(*tuple(_d.values())))

</pallas_src>

<mosaic_0001>
#map = affine_map<(d0, d1) -> (0, 0, 0)>
#map1 = affine_map<(d0, d1) -> (0, 0)>
module attributes {stable_mosaic.version = 14 : i64} {
  func.func @k(%arg0: i32, %arg1: i32, %arg2: memref<32x80x128xi32, #tpu.memory_space<hbm>>, %arg3: memref<2x10240xf32, #tpu.memory_space<hbm>>, %arg4: memref<80x128xi32, #tpu.memory_space<vmem>>, %arg5: memref<640xf32, #tpu.memory_space<vmem>>, %arg6: memref<128xf32, #tpu.memory_space<vmem>>, %arg7: memref<10240xf32, #tpu.memory_space<vmem_shared>>, %arg8: memref<!tpu.dma_semaphore, #tpu.memory_space<semaphore_mem>>, %arg9: memref<!tpu.dma_semaphore, #tpu.memory_space<semaphore_mem>>) attributes {dimension_semantics = [#tpu.dimension_semantics<core_parallel>, #tpu.dimension_semantics<subcore_parallel>], iteration_bounds = array<i64: 2, 16>, scalar_prefetch = 0 : i64, scratch_operands = 6 : i64, tpu.core_type = #tpu.core_type<sc_vector_subcore>, window_params = [{transform_indices = #map}, {transform_indices = #map1}]} {
    %mul3A = arith.constant 16 : i32
    %mul3A_0 = arith.muli %arg0, %mul3A : i32
    %add3A = arith.addi %mul3A_0, %arg1 : i32
    %dma_start3A = arith.constant 0 : i32
    %dma_start3A_1 = arith.constant 0 : i32
    %dma_start3A_2 = tpu.memref_slice %arg2[%add3A, %dma_start3A, %dma_start3A_1] : memref<32x80x128xi32, #tpu.memory_space<hbm>> -> memref<1x80x128xi32, #tpu.memory_space<hbm>>
    %dma_start3A_3 = tpu.memref_squeeze %dma_start3A_2 : memref<1x80x128xi32, #tpu.memory_space<hbm>> -> memref<80x128xi32, #tpu.memory_space<hbm>>
    %dma_start3A_4 = arith.constant 0 : i32
    %dma_start3A_5 = arith.constant 0 : i32
    %dma_start3A_6 = tpu.memref_slice %arg2[%add3A, %dma_start3A_4, %dma_start3A_5] : memref<32x80x128xi32, #tpu.memory_space<hbm>> -> memref<1x80x128xi32, #tpu.memory_space<hbm>>
    %dma_start3A_7 = tpu.memref_squeeze %dma_start3A_6 : memref<1x80x128xi32, #tpu.memory_space<hbm>> -> memref<80x128xi32, #tpu.memory_space<hbm>>
    tpu.enqueue_dma source(%dma_start3A_7 : memref<80x128xi32, #tpu.memory_space<hbm>>) target(%arg4 : memref<80x128xi32, #tpu.memory_space<vmem>>) target_semaphore(%arg8 : memref<!tpu.dma_semaphore, #tpu.memory_space<semaphore_mem>>)
    %scan3A = arith.constant 0 : i32
    %scan3A_8 = arith.constant 0 : i32
    %scan3A_9 = arith.constant 40 : i32
    %scan3A_10 = arith.addi %scan3A_8, %scan3A_9 : i32
    %scan3A_11 = arith.constant 1 : i32
    %scan3A_12 = scf.for %scan3A_56 = %scan3A_8 to %scan3A_10 step %scan3A_11 iter_args(%scan3A_57 = %scan3A) -> (i32)  : i32 {
      %broadcast_in_dim3A = arith.constant 0.000000e+00 : f32
      %broadcast_in_dim3A_58 = vector.broadcast %broadcast_in_dim3A : f32 to vector<16xf32>
      %mul3A_59 = arith.constant 16 : i32
      %mul3A_60 = arith.muli %scan3A_56, %mul3A_59 : i32
      %swap3A = arith.index_cast %mul3A_60 : i32 to index
      %swap3A_61 = tpu.vector_load %arg5[%swap3A] {strides = array<i32>} : memref<640xf32, #tpu.memory_space<vmem>>, vector<16xf32>,
      %swap3A_62 = vector.shape_cast %swap3A_61 : vector<16xf32> to vector<16xf32>
      %swap3A_63 = vector.shape_cast %broadcast_in_dim3A_58 : vector<16xf32> to vector<16xf32>
      tpu.vector_store %arg5[%swap3A], %swap3A_63 {strides = array<i32>} : memref<640xf32, #tpu.memory_space<vmem>>, vector<16xf32>,
      %scan3A_64 = arith.constant 0 : i32
      scf.yield %scan3A_64 : i32
    }
    %scan3A_13 = arith.constant 40 : i32
    %scan3A_14 = arith.constant 0 : i32
    %scan3A_15 = arith.constant 0 : i32
    %scan3A_16 = arith.constant 8 : i32
    %scan3A_17 = arith.addi %scan3A_15, %scan3A_16 : i32
    %scan3A_18 = arith.constant 1 : i32
    %scan3A_19 = scf.for %scan3A_56 = %scan3A_15 to %scan3A_17 step %scan3A_18 iter_args(%scan3A_57 = %scan3A_14) -> (i32)  : i32 {
      %broadcast_in_dim3A = arith.constant 1.000000e+00 : f32
      %broadcast_in_dim3A_58 = vector.broadcast %broadcast_in_dim3A : f32 to vector<16xf32>
      %mul3A_59 = arith.constant 16 : i32
      %mul3A_60 = arith.muli %scan3A_56, %mul3A_59 : i32
      %swap3A = arith.index_cast %mul3A_60 : i32 to index
      %swap3A_61 = tpu.vector_load %arg6[%swap3A] {strides = array<i32>} : memref<128xf32, #tpu.memory_space<vmem>>, vector<16xf32>,
      %swap3A_62 = vector.shape_cast %swap3A_61 : vector<16xf32> to vector<16xf32>
      %swap3A_63 = vector.shape_cast %broadcast_in_dim3A_58 : vector<16xf32> to vector<16xf32>
      tpu.vector_store %arg6[%swap3A], %swap3A_63 {strides = array<i32>} : memref<128xf32, #tpu.memory_space<vmem>>, vector<16xf32>,
      %scan3A_64 = arith.constant 0 : i32
      scf.yield %scan3A_64 : i32
    }
    %scan3A_20 = arith.constant 8 : i32
    %mul3A_21 = arith.constant 640 : i32
    %mul3A_22 = arith.muli %arg1, %mul3A_21 : i32
    "tpu.region"() ({
      %run_scoped3A = tpu.sem_alloc : memref<!tpu.dma_semaphore, #tpu.memory_space<semaphore_mem>>
      %dma_start3A_56 = tpu.memref_slice %arg7[%mul3A_22] : memref<10240xf32, #tpu.memory_space<vmem_shared>> -> memref<640xf32, #tpu.memory_space<vmem_shared>>
      %dma_start3A_57 = tpu.memref_slice %arg7[%mul3A_22] : memref<10240xf32, #tpu.memory_space<vmem_shared>> -> memref<640xf32, #tpu.memory_space<vmem_shared>>
      tpu.enqueue_dma source(%arg5 : memref<640xf32, #tpu.memory_space<vmem>>) target(%dma_start3A_57 : memref<640xf32, #tpu.memory_space<vmem_shared>>) target_semaphore(%run_scoped3A : memref<!tpu.dma_semaphore, #tpu.memory_space<semaphore_mem>>)
      %dma_wait3A_58 = tpu.memref_slice %arg7[%mul3A_22] : memref<10240xf32, #tpu.memory_space<vmem_shared>> -> memref<640xf32, #tpu.memory_space<vmem_shared>>
      %dma_wait3A_59 = tpu.memref_slice %arg7[%mul3A_22] : memref<10240xf32, #tpu.memory_space<vmem_shared>> -> memref<640xf32, #tpu.memory_space<vmem_shared>>
      tpu.wait_dma2 semaphore(%run_scoped3A : memref<!tpu.dma_semaphore, #tpu.memory_space<semaphore_mem>>) src(%arg5 : memref<640xf32, #tpu.memory_space<vmem>>) dst(%dma_wait3A_59 : memref<640xf32, #tpu.memory_space<vmem_shared>>)
      tpu.yield
    }) : () -> ()
    %dma_wait3A = arith.constant 0 : i32
    %dma_wait3A_23 = arith.constant 0 : i32
    %dma_wait3A_24 = tpu.memref_slice %arg2[%add3A, %dma_wait3A, %dma_wait3A_23] : memref<32x80x128xi32, #tpu.memory_space<hbm>> -> memref<1x80x128xi32, #tpu.memory_space<hbm>>
    %dma_wait3A_25 = tpu.memref_squeeze %dma_wait3A_24 : memref<1x80x128xi32, #tpu.memory_space<hbm>> -> memref<80x128xi32, #tpu.memory_space<hbm>>
    %dma_wait3A_26 = arith.constant 0 : i32
    %dma_wait3A_27 = arith.constant 0 : i32
    %dma_wait3A_28 = tpu.memref_slice %arg2[%add3A, %dma_wait3A_26, %dma_wait3A_27] : memref<32x80x128xi32, #tpu.memory_space<hbm>> -> memref<1x80x128xi32, #tpu.memory_space<hbm>>
    %dma_wait3A_29 = tpu.memref_squeeze %dma_wait3A_28 : memref<1x80x128xi32, #tpu.memory_space<hbm>> -> memref<80x128xi32, #tpu.memory_space<hbm>>
    tpu.wait_dma2 semaphore(%arg8 : memref<!tpu.dma_semaphore, #tpu.memory_space<semaphore_mem>>) src(%dma_wait3A_29 : memref<80x128xi32, #tpu.memory_space<hbm>>) dst(%arg4 : memref<80x128xi32, #tpu.memory_space<vmem>>)
    %barrier3A = arith.constant 0 : index
    tpu.barrier barrier_id(%barrier3A)
    %scan3A_30 = arith.constant 0 : i32
    %scan3A_31 = arith.constant 0 : i32
    %scan3A_32 = arith.constant 4 : i32
    %scan3A_33 = arith.addi %scan3A_31, %scan3A_32 : i32
    %scan3A_34 = arith.constant 1 : i32
    %scan3A_35 = scf.for %scan3A_56 = %scan3A_31 to %scan3A_33 step %scan3A_34 iter_args(%scan3A_57 = %scan3A_30) -> (i32)  : i32 {
      %dma_start3A_58 = arith.constant 0 : i32
      %dma_start3A_59 = tpu.memref_slice %arg4[%scan3A_56, %dma_start3A_58] : memref<80x128xi32, #tpu.memory_space<vmem>> -> memref<1x128xi32, #tpu.memory_space<vmem>>
      %dma_start3A_60 = tpu.memref_squeeze %dma_start3A_59 : memref<1x128xi32, #tpu.memory_space<vmem>> -> memref<128xi32, #tpu.memory_space<vmem>>
      %dma_start3A_61 = arith.constant 0 : i32
      %dma_start3A_62 = tpu.memref_slice %arg7[%dma_start3A_61] : memref<10240xf32, #tpu.memory_space<vmem_shared>> -> memref<10240xf32, #tpu.memory_space<vmem_shared>>
      tpu.enqueue_indirect_dma source(%arg6 : memref<128xf32, #tpu.memory_space<vmem>>) target(%dma_start3A_62 : memref<10240xf32, #tpu.memory_space<vmem_shared>>) offsets(%dma_start3A_60 : memref<128xi32, #tpu.memory_space<vmem>>) semaphore(%arg9 : memref<!tpu.dma_semaphore, #tpu.memory_space<semaphore_mem>>) {add = true}
      %scan3A_63 = arith.constant 0 : i32
      scf.yield %scan3A_63 : i32
    }
    %scan3A_36 = arith.constant 4 : i32
    %scan3A_37 = arith.constant 0 : i32
    %scan3A_38 = arith.constant 4 : i32
    %scan3A_39 = arith.constant 75 : i32
    %scan3A_40 = arith.addi %scan3A_38, %scan3A_39 : i32
    %scan3A_41 = arith.constant 1 : i32
    %scan3A_42 = scf.for %scan3A_56 = %scan3A_38 to %scan3A_40 step %scan3A_41 iter_args(%scan3A_57 = %scan3A_37) -> (i32)  : i32 {
      %sub3A = arith.constant 4 : i32
      %sub3A_58 = arith.subi %scan3A_56, %sub3A : i32
      %dma_wait3A_59 = arith.constant 0 : i32
      %dma_wait3A_60 = tpu.memref_slice %arg4[%sub3A_58, %dma_wait3A_59] : memref<80x128xi32, #tpu.memory_space<vmem>> -> memref<1x128xi32, #tpu.memory_space<vmem>>
      %dma_wait3A_61 = tpu.memref_squeeze %dma_wait3A_60 : memref<1x128xi32, #tpu.memory_space<vmem>> -> memref<128xi32, #tpu.memory_space<vmem>>
      %dma_wait3A_62 = arith.constant 0 : i32
      %dma_wait3A_63 = tpu.memref_slice %arg7[%dma_wait3A_62] : memref<10240xf32, #tpu.memory_space<vmem_shared>> -> memref<10240xf32, #tpu.memory_space<vmem_shared>>
      tpu.wait_indirect_dma semaphore(%arg9 : memref<!tpu.dma_semaphore, #tpu.memory_space<semaphore_mem>>) src(%arg6 : memref<128xf32, #tpu.memory_space<vmem>>) dst(%dma_wait3A_63 : memref<10240xf32, #tpu.memory_space<vmem_shared>>)
      %dma_start3A_64 = arith.constant 0 : i32
      %dma_start3A_65 = tpu.memref_slice %arg4[%scan3A_56, %dma_start3A_64] : memref<80x128xi32, #tpu.memory_space<vmem>> -> memref<1x128xi32, #tpu.memory_space<vmem>>
      %dma_start3A_66 = tpu.memref_squeeze %dma_start3A_65 : memref<1x128xi32, #tpu.memory_space<vmem>> -> memref<128xi32, #tpu.memory_space<vmem>>
      %dma_start3A_67 = arith.constant 0 : i32
      %dma_start3A_68 = tpu.memref_slice %arg7[%dma_start3A_67] : memref<10240xf32, #tpu.memory_space<vmem_shared>> -> memref<10240xf32, #tpu.memory_space<vmem_shared>>
      tpu.enqueue_indirect_dma source(%arg6 : memref<128xf32, #tpu.memory_space<vmem>>) target(%dma_start3A_68 : memref<10240xf32, #tpu.memory_space<vmem_shared>>) offsets(%dma_start3A_66 : memref<128xi32, #tpu.memory_space<vmem>>) semaphore(%arg9 : memref<!tpu.dma_semaphore, #tpu.memory_space<semaphore_mem>>) {add = true}
      %scan3A_69 = arith.constant 0 : i32
      scf.yield %scan3A_69 : i32
    }
    %scan3A_43 = arith.constant 75 : i32
    %scan3A_44 = arith.constant 0 : i32
    %scan3A_45 = arith.constant 75 : i32
    %scan3A_46 = arith.constant 4 : i32
    %scan3A_47 = arith.addi %scan3A_45, %scan3A_46 : i32
    %scan3A_48 = arith.constant 1 : i32
    %scan3A_49 = scf.for %scan3A_56 = %scan3A_45 to %scan3A_47 step %scan3A_48 iter_args(%scan3A_57 = %scan3A_44) -> (i32)  : i32 {
      %dma_wait3A_58 = arith.constant 0 : i32
      %dma_wait3A_59 = tpu.memref_slice %arg4[%scan3A_56, %dma_wait3A_58] : memref<80x128xi32, #tpu.memory_space<vmem>> -> memref<1x128xi32, #tpu.memory_space<vmem>>
      %dma_wait3A_60 = tpu.memref_squeeze %dma_wait3A_59 : memref<1x128xi32, #tpu.memory_space<vmem>> -> memref<128xi32, #tpu.memory_space<vmem>>
      %dma_wait3A_61 = arith.constant 0 : i32
      %dma_wait3A_62 = tpu.memref_slice %arg7[%dma_wait3A_61] : memref<10240xf32, #tpu.memory_space<vmem_shared>> -> memref<10240xf32, #tpu.memory_space<vmem_shared>>
      tpu.wait_indirect_dma semaphore(%arg9 : memref<!tpu.dma_semaphore, #tpu.memory_space<semaphore_mem>>) src(%arg6 : memref<128xf32, #tpu.memory_space<vmem>>) dst(%dma_wait3A_62 : memref<10240xf32, #tpu.memory_space<vmem_shared>>)
      %scan3A_63 = arith.constant 0 : i32
      scf.yield %scan3A_63 : i32
    }
    %scan3A_50 = arith.constant 4 : i32
    %barrier3A_51 = arith.constant 0 : index
    tpu.barrier barrier_id(%barrier3A_51)
    %mul3A_52 = arith.constant 640 : i32
    %mul3A_53 = arith.muli %arg1, %mul3A_52 : i32
    %mul3A_54 = arith.constant 640 : i32
    %mul3A_55 = arith.muli %arg1, %mul3A_54 : i32
    "tpu.region"() ({
      %run_scoped3A = tpu.sem_alloc : memref<!tpu.dma_semaphore, #tpu.memory_space<semaphore_mem>>
      %dma_start3A_56 = tpu.memref_slice %arg3[%arg0, %mul3A_55] : memref<2x10240xf32, #tpu.memory_space<hbm>> -> memref<1x640xf32, #tpu.memory_space<hbm>>
      %dma_start3A_57 = tpu.memref_squeeze %dma_start3A_56 : memref<1x640xf32, #tpu.memory_space<hbm>> -> memref<640xf32, #tpu.memory_space<hbm>>
      %dma_start3A_58 = tpu.memref_slice %arg7[%mul3A_53] : memref<10240xf32, #tpu.memory_space<vmem_shared>> -> memref<640xf32, #tpu.memory_space<vmem_shared>>
      tpu.enqueue_dma source(%dma_start3A_58 : memref<640xf32, #tpu.memory_space<vmem_shared>>) target(%dma_start3A_57 : memref<640xf32, #tpu.memory_space<hbm>>) target_semaphore(%run_scoped3A : memref<!tpu.dma_semaphore, #tpu.memory_space<semaphore_mem>>)
      %dma_wait3A_59 = tpu.memref_slice %arg3[%arg0, %mul3A_55] : memref<2x10240xf32, #tpu.memory_space<hbm>> -> memref<1x640xf32, #tpu.memory_space<hbm>>
      %dma_wait3A_60 = tpu.memref_squeeze %dma_wait3A_59 : memref<1x640xf32, #tpu.memory_space<hbm>> -> memref<640xf32, #tpu.memory_space<hbm>>
      %dma_wait3A_61 = tpu.memref_slice %arg7[%mul3A_53] : memref<10240xf32, #tpu.memory_space<vmem_shared>> -> memref<640xf32, #tpu.memory_space<vmem_shared>>
      tpu.wait_dma2 semaphore(%run_scoped3A : memref<!tpu.dma_semaphore, #tpu.memory_space<semaphore_mem>>) src(%dma_wait3A_61 : memref<640xf32, #tpu.memory_space<vmem_shared>>) dst(%dma_wait3A_60 : memref<640xf32, #tpu.memory_space<hbm>>)
      tpu.yield
    }) : () -> ()
    return
  }
}

#map = affine_map<(d0, d1) -> (0, 0)>
#map1 = affine_map<(d0, d1) -> (0, 0, 0, 0)>
#map2 = affine_map<(d0, d1) -> (0, 0, 0)>
module attributes {stable_mosaic.version = 14 : i64} {
  func.func @k(%arg0: i32, %arg1: i32, %arg2: memref<10000x128xf32, #tpu.memory_space<hbm>>, %arg3: memref<32x80x2x128xi32, #tpu.memory_space<hbm>>, %arg4: memref<2x10000x128xf32, #tpu.memory_space<hbm>>, %arg5: memref<2x4x2x128xi32, #tpu.memory_space<vmem>>, %arg6: memref<2x128x128xf32, #tpu.memory_space<vmem>>, %arg7: memref<10016x128xf32, #tpu.memory_space<vmem_shared>>, %arg8: memref<2x!tpu.dma_semaphore, #tpu.memory_space<semaphore_mem>>, %arg9: memref<2x!tpu.dma_semaphore, #tpu.memory_space<semaphore_mem>>, %arg10: memref<2x!tpu.dma_semaphore, #tpu.memory_space<semaphore_mem>>) attributes {dimension_semantics = [#tpu.dimension_semantics<core_parallel>, #tpu.dimension_semantics<subcore_parallel>], iteration_bounds = array<i64: 2, 16>, scalar_prefetch = 0 : i64, scratch_operands = 6 : i64, tpu.core_type = #tpu.core_type<sc_vector_subcore>, window_params = [{transform_indices = #map}, {transform_indices = #map1}, {transform_indices = #map2}]} {
    %mul3A = arith.constant 16 : i32
    %mul3A_0 = arith.muli %arg0, %mul3A : i32
    %add3A = arith.addi %mul3A_0, %arg1 : i32
    %run_scoped3A = arith.constant 0 : i32
    "tpu.region"() ({
      %run_scoped3A_545 = tpu.sem_alloc : memref<!tpu.dma_semaphore, #tpu.memory_space<semaphore_mem>>
      %dma_start3A_546 = arith.constant 0 : i32
      %dma_start3A_547 = arith.constant 0 : i32
      %dma_start3A_548 = arith.constant 0 : i32
      %dma_start3A_549 = tpu.memref_slice %arg5[%run_scoped3A, %dma_start3A_546, %dma_start3A_547, %dma_start3A_548] : memref<2x4x2x128xi32, #tpu.memory_space<vmem>> -> memref<1x4x2x128xi32, #tpu.memory_space<vmem>>
      %dma_start3A_550 = tpu.memref_squeeze %dma_start3A_549 : memref<1x4x2x128xi32, #tpu.memory_space<vmem>> -> memref<4x2x128xi32, #tpu.memory_space<vmem>>
      %dma_start3A_551 = arith.constant 0 : i32
      %dma_start3A_552 = arith.constant 0 : i32
      %dma_start3A_553 = arith.constant 0 : i32
      %dma_start3A_554 = tpu.memref_slice %arg3[%add3A, %dma_start3A_551, %dma_start3A_552, %dma_start3A_553] : memref<32x80x2x128xi32, #tpu.memory_space<hbm>> -> memref<1x4x2x128xi32, #tpu.memory_space<hbm>>
      %dma_start3A_555 = tpu.memref_squeeze %dma_start3A_554 : memref<1x4x2x128xi32, #tpu.memory_space<hbm>> -> memref<4x2x128xi32, #tpu.memory_space<hbm>>
      %dma_start3A_556 = arith.constant 0 : i32
      %dma_start3A_557 = arith.constant 0 : i32
      %dma_start3A_558 = arith.constant 0 : i32
      %dma_start3A_559 = tpu.memref_slice %arg5[%run_scoped3A, %dma_start3A_556, %dma_start3A_557, %dma_start3A_558] : memref<2x4x2x128xi32, #tpu.memory_space<vmem>> -> memref<1x4x2x128xi32, #tpu.memory_space<vmem>>
      %dma_start3A_560 = tpu.memref_squeeze %dma_start3A_559 : memref<1x4x2x128xi32, #tpu.memory_space<vmem>> -> memref<4x2x128xi32, #tpu.memory_space<vmem>>
      %dma_start3A_561 = arith.constant 0 : i32
      %dma_start3A_562 = arith.constant 0 : i32
      %dma_start3A_563 = arith.constant 0 : i32
      %dma_start3A_564 = tpu.memref_slice %arg3[%add3A, %dma_start3A_561, %dma_start3A_562, %dma_start3A_563] : memref<32x80x2x128xi32, #tpu.memory_space<hbm>> -> memref<1x4x2x128xi32, #tpu.memory_space<hbm>>
      %dma_start3A_565 = tpu.memref_squeeze %dma_start3A_564 : memref<1x4x2x128xi32, #tpu.memory_space<hbm>> -> memref<4x2x128xi32, #tpu.memory_space<hbm>>
      tpu.enqueue_dma source(%dma_start3A_565 : memref<4x2x128xi32, #tpu.memory_space<hbm>>) target(%dma_start3A_560 : memref<4x2x128xi32, #tpu.memory_space<vmem>>) target_semaphore(%run_scoped3A_545 : memref<!tpu.dma_semaphore, #tpu.memory_space<semaphore_mem>>)
      %dma_wait3A_566 = arith.constant 0 : i32
      %dma_wait3A_567 = arith.constant 0 : i32
      %dma_wait3A_568 = arith.constant 0 : i32
      %dma_wait3A_569 = tpu.memref_slice %arg5[%run_scoped3A, %dma_wait3A_566, %dma_wait3A_567, %dma_wait3A_568] : memref<2x4x2x128xi32, #tpu.memory_space<vmem>> -> memref<1x4x2x128xi32, #tpu.memory_space<vmem>>
      %dma_wait3A_570 = tpu.memref_squeeze %dma_wait3A_569 : memref<1x4x2x128xi32, #tpu.memory_space<vmem>> -> memref<4x2x128xi32, #tpu.memory_space<vmem>>
      %dma_wait3A_571 = arith.constant 0 : i32
      %dma_wait3A_572 = arith.constant 0 : i32
      %dma_wait3A_573 = arith.constant 0 : i32
      %dma_wait3A_574 = tpu.memref_slice %arg3[%add3A, %dma_wait3A_571, %dma_wait3A_572, %dma_wait3A_573] : memref<32x80x2x128xi32, #tpu.memory_space<hbm>> -> memref<1x4x2x128xi32, #tpu.memory_space<hbm>>
      %dma_wait3A_575 = tpu.memref_squeeze %dma_wait3A_574 : memref<1x4x2x128xi32, #tpu.memory_space<hbm>> -> memref<4x2x128xi32, #tpu.memory_space<hbm>>
      %dma_wait3A_576 = arith.constant 0 : i32
      %dma_wait3A_577 = arith.constant 0 : i32
      %dma_wait3A_578 = arith.constant 0 : i32
      %dma_wait3A_579 = tpu.memref_slice %arg5[%run_scoped3A, %dma_wait3A_576, %dma_wait3A_577, %dma_wait3A_578] : memref<2x4x2x128xi32, #tpu.memory_space<vmem>> -> memref<1x4x2x128xi32, #tpu.memory_space<vmem>>
      %dma_wait3A_580 = tpu.memref_squeeze %dma_wait3A_579 : memref<1x4x2x128xi32, #tpu.memory_space<vmem>> -> memref<4x2x128xi32, #tpu.memory_space<vmem>>
      %dma_wait3A_581 = arith.constant 0 : i32
      %dma_wait3A_582 = arith.constant 0 : i32
      %dma_wait3A_583 = arith.constant 0 : i32
      %dma_wait3A_584 = tpu.memref_slice %arg3[%add3A, %dma_wait3A_581, %dma_wait3A_582, %dma_wait3A_583] : memref<32x80x2x128xi32, #tpu.memory_space<hbm>> -> memref<1x4x2x128xi32, #tpu.memory_space<hbm>>
      %dma_wait3A_585 = tpu.memref_squeeze %dma_wait3A_584 : memref<1x4x2x128xi32, #tpu.memory_space<hbm>> -> memref<4x2x128xi32, #tpu.memory_space<hbm>>
      tpu.wait_dma2 semaphore(%run_scoped3A_545 : memref<!tpu.dma_semaphore, #tpu.memory_space<semaphore_mem>>) src(%dma_wait3A_585 : memref<4x2x128xi32, #tpu.memory_space<hbm>>) dst(%dma_wait3A_580 : memref<4x2x128xi32, #tpu.memory_space<vmem>>)
      tpu.yield
    }) : () -> ()
    %dma_start3A = arith.constant 1 : i32
    %dma_start3A_1 = arith.constant 1 : i32
    %dma_start3A_2 = arith.constant 0 : i32
    %dma_start3A_3 = arith.constant 0 : i32
    %dma_start3A_4 = arith.constant 0 : i32
    %dma_start3A_5 = tpu.memref_slice %arg5[%dma_start3A, %dma_start3A_2, %dma_start3A_3, %dma_start3A_4] : memref<2x4x2x128xi32, #tpu.memory_space<vmem>> -> memref<1x4x2x128xi32, #tpu.memory_space<vmem>>
    %dma_start3A_6 = tpu.memref_squeeze %dma_start3A_5 : memref<1x4x2x128xi32, #tpu.memory_space<vmem>> -> memref<4x2x128xi32, #tpu.memory_space<vmem>>
    %dma_start3A_7 = arith.constant 4 : i32
    %dma_start3A_8 = arith.constant 0 : i32
    %dma_start3A_9 = arith.constant 0 : i32
    %dma_start3A_10 = tpu.memref_slice %arg3[%add3A, %dma_start3A_7, %dma_start3A_8, %dma_start3A_9] : memref<32x80x2x128xi32, #tpu.memory_space<hbm>> -> memref<1x4x2x128xi32, #tpu.memory_space<hbm>>
    %dma_start3A_11 = tpu.memref_squeeze %dma_start3A_10 : memref<1x4x2x128xi32, #tpu.memory_space<hbm>> -> memref<4x2x128xi32, #tpu.memory_space<hbm>>
    %dma_start3A_12 = tpu.memref_slice %arg9[%dma_start3A_1] : memref<2x!tpu.dma_semaphore, #tpu.memory_space<semaphore_mem>> -> memref<1x!tpu.dma_semaphore, #tpu.memory_space<semaphore_mem>>
    %dma_start3A_13 = tpu.memref_squeeze %dma_start3A_12 : memref<1x!tpu.dma_semaphore, #tpu.memory_space<semaphore_mem>> -> memref<!tpu.dma_semaphore, #tpu.memory_space<semaphore_mem>>
    %dma_start3A_14 = arith.constant 0 : i32
    %dma_start3A_15 = arith.constant 0 : i32
    %dma_start3A_16 = arith.constant 0 : i32
    %dma_start3A_17 = tpu.memref_slice %arg5[%dma_start3A, %dma_start3A_14, %dma_start3A_15, %dma_start3A_16] : memref<2x4x2x128xi32, #tpu.memory_space<vmem>> -> memref<1x4x2x128xi32, #tpu.memory_space<vmem>>
    %dma_start3A_18 = tpu.memref_squeeze %dma_start3A_17 : memref<1x4x2x128xi32, #tpu.memory_space<vmem>> -> memref<4x2x128xi32, #tpu.memory_space<vmem>>
    %dma_start3A_19 = arith.constant 4 : i32
    %dma_start3A_20 = arith.constant 0 : i32
    %dma_start3A_21 = arith.constant 0 : i32
    %dma_start3A_22 = tpu.memref_slice %arg3[%add3A, %dma_start3A_19, %dma_start3A_20, %dma_start3A_21] : memref<32x80x2x128xi32, #tpu.memory_space<hbm>> -> memref<1x4x2x128xi32, #tpu.memory_space<hbm>>
    %dma_start3A_23 = tpu.memref_squeeze %dma_start3A_22 : memref<1x4x2x128xi32, #tpu.memory_space<hbm>> -> memref<4x2x128xi32, #tpu.memory_space<hbm>>
    tpu.enqueue_dma source(%dma_start3A_23 : memref<4x2x128xi32, #tpu.memory_space<hbm>>) target(%dma_start3A_18 : memref<4x2x128xi32, #tpu.memory_space<vmem>>) target_semaphore(%dma_start3A_13 : memref<!tpu.dma_semaphore, #tpu.memory_space<semaphore_mem>>)
    %dma_start3A_24 = arith.constant 0 : i32
    %dma_start3A_25 = arith.constant 0 : i32
    %dma_start3A_26 = arith.constant 0 : i32
    %dma_start3A_27 = arith.constant 0 : i32
    %dma_start3A_28 = arith.constant 0 : i32
    %dma_start3A_29 = arith.constant 0 : i32
    %dma_start3A_30 = arith.constant 0 : i32
    %dma_start3A_31 = tpu.memref_slice %arg6[%dma_start3A_27, %dma_start3A_29, %dma_start3A_30] : memref<2x128x128xf32, #tpu.memory_space<vmem>> -> memref<1x128x128xf32, #tpu.memory_space<vmem>>
    %dma_start3A_32 = tpu.memref_squeeze %dma_start3A_31 : memref<1x128x128xf32, #tpu.memory_space<vmem>> -> memref<128x128xf32, #tpu.memory_space<vmem>>
    %dma_start3A_33 = arith.constant 0 : i32
    %dma_start3A_34 = tpu.memref_slice %arg5[%dma_start3A_24, %dma_start3A_25, %dma_start3A_26, %dma_start3A_33] : memref<2x4x2x128xi32, #tpu.memory_space<vmem>> -> memref<1x1x1x128xi32, #tpu.memory_space<vmem>>
    %dma_start3A_35 = tpu.memref_squeeze %dma_start3A_34 : memref<1x1x1x128xi32, #tpu.memory_space<vmem>> -> memref<128xi32, #tpu.memory_space<vmem>>
    %dma_start3A_36 = arith.constant 0 : i32
    %dma_start3A_37 = arith.constant 0 : i32
    %dma_start3A_38 = tpu.memref_slice %arg2[%dma_start3A_36, %dma_start3A_37] : memref<10000x128xf32, #tpu.memory_space<hbm>> -> memref<10000x128xf32, #tpu.memory_space<hbm>>
    %dma_start3A_39 = tpu.memref_slice %arg8[%dma_start3A_28] : memref<2x!tpu.dma_semaphore, #tpu.memory_space<semaphore_mem>> -> memref<1x!tpu.dma_semaphore, #tpu.memory_space<semaphore_mem>>
    %dma_start3A_40 = tpu.memref_squeeze %dma_start3A_39 : memref<1x!tpu.dma_semaphore, #tpu.memory_space<semaphore_mem>> -> memref<!tpu.dma_semaphore, #tpu.memory_space<semaphore_mem>>
    tpu.enqueue_indirect_dma source(%dma_start3A_38 : memref<10000x128xf32, #tpu.memory_space<hbm>>) target(%dma_start3A_32 : memref<128x128xf32, #tpu.memory_space<vmem>>) offsets(%dma_start3A_35 : memref<128xi32, #tpu.memory_space<vmem>>) semaphore(%dma_start3A_40 : memref<!tpu.dma_semaphore, #tpu.memory_space<semaphore_mem>>)
    %mul3A_41 = arith.constant 624 : i32
    %mul3A_42 = arith.muli %arg1, %mul3A_41 : i32
    %mul3A_43 = arith.constant 624 : i32
    %mul3A_44 = arith.muli %arg1, %mul3A_43 : i32
    "tpu.region"() ({
      %run_scoped3A_545 = tpu.sem_alloc : memref<!tpu.dma_semaphore, #tpu.memory_space<semaphore_mem>>
      %dma_start3A_546 = arith.constant 0 : i32
      %dma_start3A_547 = tpu.memref_slice %arg7[%mul3A_44, %dma_start3A_546] : memref<10016x128xf32, #tpu.memory_space<vmem_shared>> -> memref<624x128xf32, #tpu.memory_space<vmem_shared>>
      %dma_start3A_548 = arith.constant 0 : i32
      %dma_start3A_549 = tpu.memref_slice %arg2[%mul3A_42, %dma_start3A_548] : memref<10000x128xf32, #tpu.memory_space<hbm>> -> memref<624x128xf32, #tpu.memory_space<hbm>>
      tpu.enqueue_dma source(%dma_start3A_549 : memref<624x128xf32, #tpu.memory_space<hbm>>) target(%dma_start3A_547 : memref<624x128xf32, #tpu.memory_space<vmem_shared>>) target_semaphore(%run_scoped3A_545 : memref<!tpu.dma_semaphore, #tpu.memory_space<semaphore_mem>>)
      %dma_wait3A_550 = arith.constant 0 : i32
      %dma_wait3A_551 = tpu.memref_slice %arg7[%mul3A_44, %dma_wait3A_550] : memref<10016x128xf32, #tpu.memory_space<vmem_shared>> -> memref<624x128xf32, #tpu.memory_space<vmem_shared>>
      %dma_wait3A_552 = arith.constant 0 : i32
      %dma_wait3A_553 = tpu.memref_slice %arg2[%mul3A_42, %dma_wait3A_552] : memref<10000x128xf32, #tpu.memory_space<hbm>> -> memref<624x128xf32, #tpu.memory_space<hbm>>
      tpu.wait_dma2 semaphore(%run_scoped3A_545 : memref<!tpu.dma_semaphore, #tpu.memory_space<semaphore_mem>>) src(%dma_wait3A_553 : memref<624x128xf32, #tpu.memory_space<hbm>>) dst(%dma_wait3A_551 : memref<624x128xf32, #tpu.memory_space<vmem_shared>>)
      tpu.yield
    }) : () -> ()
    %eq3A = arith.constant 0 : i32
    %eq3A_45 = arith.cmpi eq, %arg1, %eq3A : i32
    %convert_element_type3A = arith.extui %eq3A_45 : i1 to i32
    %cond3A = arith.constant 0 : i32
    %cond3A_46 = arith.cmpi ne, %convert_element_type3A, %cond3A : i32
    scf.if %cond3A_46 {
      "tpu.region"() ({
        %run_scoped3A_545 = tpu.sem_alloc : memref<!tpu.dma_semaphore, #tpu.memory_space<semaphore_mem>>
        %dma_start3A_546 = arith.constant 9984 : i32
        %dma_start3A_547 = arith.constant 0 : i32
        %dma_start3A_548 = tpu.memref_slice %arg7[%dma_start3A_546, %dma_start3A_547] : memref<10016x128xf32, #tpu.memory_space<vmem_shared>> -> memref<16x128xf32, #tpu.memory_space<vmem_shared>>
        %dma_start3A_549 = arith.constant 9984 : i32
        %dma_start3A_550 = arith.constant 0 : i32
        %dma_start3A_551 = tpu.memref_slice %arg2[%dma_start3A_549, %dma_start3A_550] : memref<10000x128xf32, #tpu.memory_space<hbm>> -> memref<16x128xf32, #tpu.memory_space<hbm>>
        tpu.enqueue_dma source(%dma_start3A_551 : memref<16x128xf32, #tpu.memory_space<hbm>>) target(%dma_start3A_548 : memref<16x128xf32, #tpu.memory_space<vmem_shared>>) target_semaphore(%run_scoped3A_545 : memref<!tpu.dma_semaphore, #tpu.memory_space<semaphore_mem>>)
        %dma_wait3A_552 = arith.constant 9984 : i32
        %dma_wait3A_553 = arith.constant 0 : i32
        %dma_wait3A_554 = tpu.memref_slice %arg7[%dma_wait3A_552, %dma_wait3A_553] : memref<10016x128xf32, #tpu.memory_space<vmem_shared>> -> memref<16x128xf32, #tpu.memory_space<vmem_shared>>
        %dma_wait3A_555 = arith.constant 9984 : i32
        %dma_wait3A_556 = arith.constant 0 : i32
        %dma_wait3A_557 = tpu.memref_slice %arg2[%dma_wait3A_555, %dma_wait3A_556] : memref<10000x128xf32, #tpu.memory_space<hbm>> -> memref<16x128xf32, #tpu.memory_space<hbm>>
        tpu.wait_dma2 semaphore(%run_scoped3A_545 : memref<!tpu.dma_semaphore, #tpu.memory_space<semaphore_mem>>) src(%dma_wait3A_557 : memref<16x128xf32, #tpu.memory_space<hbm>>) dst(%dma_wait3A_554 : memref<16x128xf32, #tpu.memory_space<vmem_shared>>)
        tpu.yield
      }) : () -> ()
    } else {
    }
    %barrier3A = arith.constant 0 : index
    tpu.barrier barrier_id(%barrier3A)
    %dma_start3A_47 = arith.constant 0 : i32
    %dma_start3A_48 = arith.constant 1 : i32
    %dma_start3A_49 = arith.constant 0 : i32
    %dma_start3A_50 = arith.constant 1 : i32
    %dma_start3A_51 = arith.constant 1 : i32
    %dma_start3A_52 = arith.constant 0 : i32
    %dma_start3A_53 = arith.constant 0 : i32
    %dma_start3A_54 = tpu.memref_slice %arg6[%dma_start3A_50, %dma_start3A_52, %dma_start3A_53] : memref<2x128x128xf32, #tpu.memory_space<vmem>> -> memref<1x128x128xf32, #tpu.memory_space<vmem>>
    %dma_start3A_55 = tpu.memref_squeeze %dma_start3A_54 : memref<1x128x128xf32, #tpu.memory_space<vmem>> -> memref<128x128xf32, #tpu.memory_space<vmem>>
    %dma_start3A_56 = arith.constant 0 : i32
    %dma_start3A_57 = tpu.memref_slice %arg5[%dma_start3A_47, %dma_start3A_48, %dma_start3A_49, %dma_start3A_56] : memref<2x4x2x128xi32, #tpu.memory_space<vmem>> -> memref<1x1x1x128xi32, #tpu.memory_space<vmem>>
    %dma_start3A_58 = tpu.memref_squeeze %dma_start3A_57 : memref<1x1x1x128xi32, #tpu.memory_space<vmem>> -> memref<128xi32, #tpu.memory_space<vmem>>
    %dma_start3A_59 = arith.constant 0 : i32
    %dma_start3A_60 = arith.constant 0 : i32
    %dma_start3A_61 = tpu.memref_slice %arg2[%dma_start3A_59, %dma_start3A_60] : memref<10000x128xf32, #tpu.memory_space<hbm>> -> memref<10000x128xf32, #tpu.memory_space<hbm>>
    %dma_start3A_62 = tpu.memref_slice %arg8[%dma_start3A_51] : memref<2x!tpu.dma_semaphore, #tpu.memory_space<semaphore_mem>> -> memref<1x!tpu.dma_semaphore, #tpu.memory_space<semaphore_mem>>
    %dma_start3A_63 = tpu.memref_squeeze %dma_start3A_62 : memref<1x!tpu.dma_semaphore, #tpu.memory_space<semaphore_mem>> -> memref<!tpu.dma_semaphore, #tpu.memory_space<semaphore_mem>>
    tpu.enqueue_indirect_dma source(%dma_start3A_61 : memref<10000x128xf32, #tpu.memory_space<hbm>>) target(%dma_start3A_55 : memref<128x128xf32, #tpu.memory_space<vmem>>) offsets(%dma_start3A_58 : memref<128xi32, #tpu.memory_space<vmem>>) semaphore(%dma_start3A_63 : memref<!tpu.dma_semaphore, #tpu.memory_space<semaphore_mem>>)
    %dma_wait3A = arith.constant 0 : i32
    %dma_wait3A_64 = arith.constant 0 : i32
    %dma_wait3A_65 = arith.constant 0 : i32
    %dma_wait3A_66 = arith.constant 0 : i32
    %dma_wait3A_67 = arith.constant 0 : i32
    %dma_wait3A_68 = arith.constant 0 : i32
    %dma_wait3A_69 = arith.constant 0 : i32
    %dma_wait3A_70 = tpu.memref_slice %arg6[%dma_wait3A_66, %dma_wait3A_68, %dma_wait3A_69] : memref<2x128x128xf32, #tpu.memory_space<vmem>> -> memref<1x128x128xf32, #tpu.memory_space<vmem>>
    %dma_wait3A_71 = tpu.memref_squeeze %dma_wait3A_70 : memref<1x128x128xf32, #tpu.memory_space<vmem>> -> memref<128x128xf32, #tpu.memory_space<vmem>>
    %dma_wait3A_72 = arith.constant 0 : i32
    %dma_wait3A_73 = tpu.memref_slice %arg5[%dma_wait3A, %dma_wait3A_64, %dma_wait3A_65, %dma_wait3A_72] : memref<2x4x2x128xi32, #tpu.memory_space<vmem>> -> memref<1x1x1x128xi32, #tpu.memory_space<vmem>>
    %dma_wait3A_74 = tpu.memref_squeeze %dma_wait3A_73 : memref<1x1x1x128xi32, #tpu.memory_space<vmem>> -> memref<128xi32, #tpu.memory_space<vmem>>
    %dma_wait3A_75 = arith.constant 0 : i32
    %dma_wait3A_76 = arith.constant 0 : i32
    %dma_wait3A_77 = tpu.memref_slice %arg2[%dma_wait3A_75, %dma_wait3A_76] : memref<10000x128xf32, #tpu.memory_space<hbm>> -> memref<10000x128xf32, #tpu.memory_space<hbm>>
    %dma_wait3A_78 = tpu.memref_slice %arg8[%dma_wait3A_67] : memref<2x!tpu.dma_semaphore, #tpu.memory_space<semaphore_mem>> -> memref<1x!tpu.dma_semaphore, #tpu.memory_space<semaphore_mem>>
    %dma_wait3A_79 = tpu.memref_squeeze %dma_wait3A_78 : memref<1x!tpu.dma_semaphore, #tpu.memory_space<semaphore_mem>> -> memref<!tpu.dma_semaphore, #tpu.memory_space<semaphore_mem>>
    tpu.wait_indirect_dma semaphore(%dma_wait3A_79 : memref<!tpu.dma_semaphore, #tpu.memory_space<semaphore_mem>>) src(%dma_wait3A_77 : memref<10000x128xf32, #tpu.memory_space<hbm>>) dst(%dma_wait3A_71 : memref<128x128xf32, #tpu.memory_space<vmem>>)
    %dma_start3A_80 = arith.constant 0 : i32
    %dma_start3A_81 = arith.constant 0 : i32
    %dma_start3A_82 = arith.constant 0 : i32
    %dma_start3A_83 = arith.constant 1 : i32
    %dma_start3A_84 = arith.constant 0 : i32
    %dma_start3A_85 = arith.constant 0 : i32
    %dma_start3A_86 = arith.constant 0 : i32
    %dma_start3A_87 = tpu.memref_slice %arg6[%dma_start3A_80, %dma_start3A_85, %dma_start3A_86] : memref<2x128x128xf32, #tpu.memory_space<vmem>> -> memref<1x128x128xf32, #tpu.memory_space<vmem>>
    %dma_start3A_88 = tpu.memref_squeeze %dma_start3A_87 : memref<1x128x128xf32, #tpu.memory_space<vmem>> -> memref<128x128xf32, #tpu.memory_space<vmem>>
    %dma_start3A_89 = arith.constant 0 : i32
    %dma_start3A_90 = tpu.memref_slice %arg5[%dma_start3A_81, %dma_start3A_82, %dma_start3A_83, %dma_start3A_89] : memref<2x4x2x128xi32, #tpu.memory_space<vmem>> -> memref<1x1x1x128xi32, #tpu.memory_space<vmem>>
    %dma_start3A_91 = tpu.memref_squeeze %dma_start3A_90 : memref<1x1x1x128xi32, #tpu.memory_space<vmem>> -> memref<128xi32, #tpu.memory_space<vmem>>
    %dma_start3A_92 = arith.constant 0 : i32
    %dma_start3A_93 = arith.constant 0 : i32
    %dma_start3A_94 = tpu.memref_slice %arg7[%dma_start3A_92, %dma_start3A_93] : memref<10016x128xf32, #tpu.memory_space<vmem_shared>> -> memref<10016x128xf32, #tpu.memory_space<vmem_shared>>
    %dma_start3A_95 = tpu.memref_slice %arg10[%dma_start3A_84] : memref<2x!tpu.dma_semaphore, #tpu.memory_space<semaphore_mem>> -> memref<1x!tpu.dma_semaphore, #tpu.memory_space<semaphore_mem>>
    %dma_start3A_96 = tpu.memref_squeeze %dma_start3A_95 : memref<1x!tpu.dma_semaphore, #tpu.memory_space<semaphore_mem>> -> memref<!tpu.dma_semaphore, #tpu.memory_space<semaphore_mem>>
    tpu.enqueue_indirect_dma source(%dma_start3A_88 : memref<128x128xf32, #tpu.memory_space<vmem>>) target(%dma_start3A_94 : memref<10016x128xf32, #tpu.memory_space<vmem_shared>>) offsets(%dma_start3A_91 : memref<128xi32, #tpu.memory_space<vmem>>) semaphore(%dma_start3A_96 : memref<!tpu.dma_semaphore, #tpu.memory_space<semaphore_mem>>) {add = true}
    %dma_wait3A_97 = arith.constant 0 : i32
    %dma_wait3A_98 = arith.constant 0 : i32
    %dma_wait3A_99 = arith.constant 1 : i32
    %dma_wait3A_100 = arith.constant 1 : i32
    %dma_wait3A_101 = arith.constant 0 : i32
    %dma_wait3A_102 = arith.constant 0 : i32
    %dma_wait3A_103 = arith.constant 0 : i32
    %dma_wait3A_104 = tpu.memref_slice %arg6[%dma_wait3A_97, %dma_wait3A_102, %dma_wait3A_103] : memref<2x128x128xf32, #tpu.memory_space<vmem>> -> memref<1x128x128xf32, #tpu.memory_space<vmem>>
    %dma_wait3A_105 = tpu.memref_squeeze %dma_wait3A_104 : memref<1x128x128xf32, #tpu.memory_space<vmem>> -> memref<128x128xf32, #tpu.memory_space<vmem>>
    %dma_wait3A_106 = arith.constant 0 : i32
    %dma_wait3A_107 = tpu.memref_slice %arg5[%dma_wait3A_98, %dma_wait3A_99, %dma_wait3A_100, %dma_wait3A_106] : memref<2x4x2x128xi32, #tpu.memory_space<vmem>> -> memref<1x1x1x128xi32, #tpu.memory_space<vmem>>
    %dma_wait3A_108 = tpu.memref_squeeze %dma_wait3A_107 : memref<1x1x1x128xi32, #tpu.memory_space<vmem>> -> memref<128xi32, #tpu.memory_space<vmem>>
    %dma_wait3A_109 = arith.constant 0 : i32
    %dma_wait3A_110 = arith.constant 0 : i32
    %dma_wait3A_111 = tpu.memref_slice %arg7[%dma_wait3A_109, %dma_wait3A_110] : memref<10016x128xf32, #tpu.memory_space<vmem_shared>> -> memref<10016x128xf32, #tpu.memory_space<vmem_shared>>
    %dma_wait3A_112 = tpu.memref_slice %arg10[%dma_wait3A_101] : memref<2x!tpu.dma_semaphore, #tpu.memory_space<semaphore_mem>> -> memref<1x!tpu.dma_semaphore, #tpu.memory_space<semaphore_mem>>
    %dma_wait3A_113 = tpu.memref_squeeze %dma_wait3A_112 : memref<1x!tpu.dma_semaphore, #tpu.memory_space<semaphore_mem>> -> memref<!tpu.dma_semaphore, #tpu.memory_space<semaphore_mem>>
    tpu.wait_indirect_dma semaphore(%dma_wait3A_113 : memref<!tpu.dma_semaphore, #tpu.memory_space<semaphore_mem>>) src(%dma_wait3A_105 : memref<128x128xf32, #tpu.memory_space<vmem>>) dst(%dma_wait3A_111 : memref<10016x128xf32, #tpu.memory_space<vmem_shared>>)
    %dma_start3A_114 = arith.constant 0 : i32
    %dma_start3A_115 = arith.constant 2 : i32
    %dma_start3A_116 = arith.constant 0 : i32
    %dma_start3A_117 = arith.constant 0 : i32
    %dma_start3A_118 = arith.constant 0 : i32
    %dma_start3A_119 = arith.constant 0 : i32
    %dma_start3A_120 = arith.constant 0 : i32
    %dma_start3A_121 = tpu.memref_slice %arg6[%dma_start3A_117, %dma_start3A_119, %dma_start3A_120] : memref<2x128x128xf32, #tpu.memory_space<vmem>> -> memref<1x128x128xf32, #tpu.memory_space<vmem>>
    %dma_start3A_122 = tpu.memref_squeeze %dma_start3A_121 : memref<1x128x128xf32, #tpu.memory_space<vmem>> -> memref<128x128xf32, #tpu.memory_space<vmem>>
    %dma_start3A_123 = arith.constant 0 : i32
    %dma_start3A_124 = tpu.memref_slice %arg5[%dma_start3A_114, %dma_start3A_115, %dma_start3A_116, %dma_start3A_123] : memref<2x4x2x128xi32, #tpu.memory_space<vmem>> -> memref<1x1x1x128xi32, #tpu.memory_space<vmem>>
    %dma_start3A_125 = tpu.memref_squeeze %dma_start3A_124 : memref<1x1x1x128xi32, #tpu.memory_space<vmem>> -> memref<128xi32, #tpu.memory_space<vmem>>
    %dma_start3A_126 = arith.constant 0 : i32
    %dma_start3A_127 = arith.constant 0 : i32
    %dma_start3A_128 = tpu.memref_slice %arg2[%dma_start3A_126, %dma_start3A_127] : memref<10000x128xf32, #tpu.memory_space<hbm>> -> memref<10000x128xf32, #tpu.memory_space<hbm>>
    %dma_start3A_129 = tpu.memref_slice %arg8[%dma_start3A_118] : memref<2x!tpu.dma_semaphore, #tpu.memory_space<semaphore_mem>> -> memref<1x!tpu.dma_semaphore, #tpu.memory_space<semaphore_mem>>
    %dma_start3A_130 = tpu.memref_squeeze %dma_start3A_129 : memref<1x!tpu.dma_semaphore, #tpu.memory_space<semaphore_mem>> -> memref<!tpu.dma_semaphore, #tpu.memory_space<semaphore_mem>>
    tpu.enqueue_indirect_dma source(%dma_start3A_128 : memref<10000x128xf32, #tpu.memory_space<hbm>>) target(%dma_start3A_122 : memref<128x128xf32, #tpu.memory_space<vmem>>) offsets(%dma_start3A_125 : memref<128xi32, #tpu.memory_space<vmem>>) semaphore(%dma_start3A_130 : memref<!tpu.dma_semaphore, #tpu.memory_space<semaphore_mem>>)
    %dma_wait3A_131 = arith.constant 0 : i32
    %dma_wait3A_132 = arith.constant 1 : i32
    %dma_wait3A_133 = arith.constant 0 : i32
    %dma_wait3A_134 = arith.constant 1 : i32
    %dma_wait3A_135 = arith.constant 1 : i32
    %dma_wait3A_136 = arith.constant 0 : i32
    %dma_wait3A_137 = arith.constant 0 : i32
    %dma_wait3A_138 = tpu.memref_slice %arg6[%dma_wait3A_134, %dma_wait3A_136, %dma_wait3A_137] : memref<2x128x128xf32, #tpu.memory_space<vmem>> -> memref<1x128x128xf32, #tpu.memory_space<vmem>>
    %dma_wait3A_139 = tpu.memref_squeeze %dma_wait3A_138 : memref<1x128x128xf32, #tpu.memory_space<vmem>> -> memref<128x128xf32, #tpu.memory_space<vmem>>
    %dma_wait3A_140 = arith.constant 0 : i32
    %dma_wait3A_141 = tpu.memref_slice %arg5[%dma_wait3A_131, %dma_wait3A_132, %dma_wait3A_133, %dma_wait3A_140] : memref<2x4x2x128xi32, #tpu.memory_space<vmem>> -> memref<1x1x1x128xi32, #tpu.memory_space<vmem>>
    %dma_wait3A_142 = tpu.memref_squeeze %dma_wait3A_141 : memref<1x1x1x128xi32, #tpu.memory_space<vmem>> -> memref<128xi32, #tpu.memory_space<vmem>>
    %dma_wait3A_143 = arith.constant 0 : i32
    %dma_wait3A_144 = arith.constant 0 : i32
    %dma_wait3A_145 = tpu.memref_slice %arg2[%dma_wait3A_143, %dma_wait3A_144] : memref<10000x128xf32, #tpu.memory_space<hbm>> -> memref<10000x128xf32, #tpu.memory_space<hbm>>
    %dma_wait3A_146 = tpu.memref_slice %arg8[%dma_wait3A_135] : memref<2x!tpu.dma_semaphore, #tpu.memory_space<semaphore_mem>> -> memref<1x!tpu.dma_semaphore, #tpu.memory_space<semaphore_mem>>
    %dma_wait3A_147 = tpu.memref_squeeze %dma_wait3A_146 : memref<1x!tpu.dma_semaphore, #tpu.memory_space<semaphore_mem>> -> memref<!tpu.dma_semaphore, #tpu.memory_space<semaphore_mem>>
    tpu.wait_indirect_dma semaphore(%dma_wait3A_147 : memref<!tpu.dma_semaphore, #tpu.memory_space<semaphore_mem>>) src(%dma_wait3A_145 : memref<10000x128xf32, #tpu.memory_space<hbm>>) dst(%dma_wait3A_139 : memref<128x128xf32, #tpu.memory_space<vmem>>)
    %dma_start3A_148 = arith.constant 1 : i32
    %dma_start3A_149 = arith.constant 0 : i32
    %dma_start3A_150 = arith.constant 1 : i32
    %dma_start3A_151 = arith.constant 1 : i32
    %dma_start3A_152 = arith.constant 1 : i32
    %dma_start3A_153 = arith.constant 0 : i32
    %dma_start3A_154 = arith.constant 0 : i32
    %dma_start3A_155 = tpu.memref_slice %arg6[%dma_start3A_148, %dma_start3A_153, %dma_start3A_154] : memref<2x128x128xf32, #tpu.memory_space<vmem>> -> memref<1x128x128xf32, #tpu.memory_space<vmem>>
    %dma_start3A_156 = tpu.memref_squeeze %dma_start3A_155 : memref<1x128x128xf32, #tpu.memory_space<vmem>> -> memref<128x128xf32, #tpu.memory_space<vmem>>
    %dma_start3A_157 = arith.constant 0 : i32
    %dma_start3A_158 = tpu.memref_slice %arg5[%dma_start3A_149, %dma_start3A_150, %dma_start3A_151, %dma_start3A_157] : memref<2x4x2x128xi32, #tpu.memory_space<vmem>> -> memref<1x1x1x128xi32, #tpu.memory_space<vmem>>
    %dma_start3A_159 = tpu.memref_squeeze %dma_start3A_158 : memref<1x1x1x128xi32, #tpu.memory_space<vmem>> -> memref<128xi32, #tpu.memory_space<vmem>>
    %dma_start3A_160 = arith.constant 0 : i32
    %dma_start3A_161 = arith.constant 0 : i32
    %dma_start3A_162 = tpu.memref_slice %arg7[%dma_start3A_160, %dma_start3A_161] : memref<10016x128xf32, #tpu.memory_space<vmem_shared>> -> memref<10016x128xf32, #tpu.memory_space<vmem_shared>>
    %dma_start3A_163 = tpu.memref_slice %arg10[%dma_start3A_152] : memref<2x!tpu.dma_semaphore, #tpu.memory_space<semaphore_mem>> -> memref<1x!tpu.dma_semaphore, #tpu.memory_space<semaphore_mem>>
    %dma_start3A_164 = tpu.memref_squeeze %dma_start3A_163 : memref<1x!tpu.dma_semaphore, #tpu.memory_space<semaphore_mem>> -> memref<!tpu.dma_semaphore, #tpu.memory_space<semaphore_mem>>
    tpu.enqueue_indirect_dma source(%dma_start3A_156 : memref<128x128xf32, #tpu.memory_space<vmem>>) target(%dma_start3A_162 : memref<10016x128xf32, #tpu.memory_space<vmem_shared>>) offsets(%dma_start3A_159 : memref<128xi32, #tpu.memory_space<vmem>>) semaphore(%dma_start3A_164 : memref<!tpu.dma_semaphore, #tpu.memory_space<semaphore_mem>>) {add = true}
    %dma_wait3A_165 = arith.constant 1 : i32
    %dma_wait3A_166 = arith.constant 0 : i32
    %dma_wait3A_167 = arith.constant 2 : i32
    %dma_wait3A_168 = arith.constant 1 : i32
    %dma_wait3A_169 = arith.constant 1 : i32
    %dma_wait3A_170 = arith.constant 0 : i32
    %dma_wait3A_171 = arith.constant 0 : i32
    %dma_wait3A_172 = tpu.memref_slice %arg6[%dma_wait3A_165, %dma_wait3A_170, %dma_wait3A_171] : memref<2x128x128xf32, #tpu.memory_space<vmem>> -> memref<1x128x128xf32, #tpu.memory_space<vmem>>
    %dma_wait3A_173 = tpu.memref_squeeze %dma_wait3A_172 : memref<1x128x128xf32, #tpu.memory_space<vmem>> -> memref<128x128xf32, #tpu.memory_space<vmem>>
    %dma_wait3A_174 = arith.constant 0 : i32
    %dma_wait3A_175 = tpu.memref_slice %arg5[%dma_wait3A_166, %dma_wait3A_167, %dma_wait3A_168, %dma_wait3A_174] : memref<2x4x2x128xi32, #tpu.memory_space<vmem>> -> memref<1x1x1x128xi32, #tpu.memory_space<vmem>>
    %dma_wait3A_176 = tpu.memref_squeeze %dma_wait3A_175 : memref<1x1x1x128xi32, #tpu.memory_space<vmem>> -> memref<128xi32, #tpu.memory_space<vmem>>
    %dma_wait3A_177 = arith.constant 0 : i32
    %dma_wait3A_178 = arith.constant 0 : i32
    %dma_wait3A_179 = tpu.memref_slice %arg7[%dma_wait3A_177, %dma_wait3A_178] : memref<10016x128xf32, #tpu.memory_space<vmem_shared>> -> memref<10016x128xf32, #tpu.memory_space<vmem_shared>>
    %dma_wait3A_180 = tpu.memref_slice %arg10[%dma_wait3A_169] : memref<2x!tpu.dma_semaphore, #tpu.memory_space<semaphore_mem>> -> memref<1x!tpu.dma_semaphore, #tpu.memory_space<semaphore_mem>>
    %dma_wait3A_181 = tpu.memref_squeeze %dma_wait3A_180 : memref<1x!tpu.dma_semaphore, #tpu.memory_space<semaphore_mem>> -> memref<!tpu.dma_semaphore, #tpu.memory_space<semaphore_mem>>
    tpu.wait_indirect_dma semaphore(%dma_wait3A_181 : memref<!tpu.dma_semaphore, #tpu.memory_space<semaphore_mem>>) src(%dma_wait3A_173 : memref<128x128xf32, #tpu.memory_space<vmem>>) dst(%dma_wait3A_179 : memref<10016x128xf32, #tpu.memory_space<vmem_shared>>)
    %dma_start3A_182 = arith.constant 0 : i32
    %dma_start3A_183 = arith.constant 3 : i32
    %dma_start3A_184 = arith.constant 0 : i32
    %dma_start3A_185 = arith.constant 1 : i32
    %dma_start3A_186 = arith.constant 1 : i32
    %dma_start3A_187 = arith.constant 0 : i32
    %dma_start3A_188 = arith.constant 0 : i32
    %dma_start3A_189 = tpu.memref_slice %arg6[%dma_start3A_185, %dma_start3A_187, %dma_start3A_188] : memref<2x128x128xf32, #tpu.memory_space<vmem>> -> memref<1x128x128xf32, #tpu.memory_space<vmem>>
    %dma_start3A_190 = tpu.memref_squeeze %dma_start3A_189 : memref<1x128x128xf32, #tpu.memory_space<vmem>> -> memref<128x128xf32, #tpu.memory_space<vmem>>
    %dma_start3A_191 = arith.constant 0 : i32
    %dma_start3A_192 = tpu.memref_slice %arg5[%dma_start3A_182, %dma_start3A_183, %dma_start3A_184, %dma_start3A_191] : memref<2x4x2x128xi32, #tpu.memory_space<vmem>> -> memref<1x1x1x128xi32, #tpu.memory_space<vmem>>
    %dma_start3A_193 = tpu.memref_squeeze %dma_start3A_192 : memref<1x1x1x128xi32, #tpu.memory_space<vmem>> -> memref<128xi32, #tpu.memory_space<vmem>>
    %dma_start3A_194 = arith.constant 0 : i32
    %dma_start3A_195 = arith.constant 0 : i32
    %dma_start3A_196 = tpu.memref_slice %arg2[%dma_start3A_194, %dma_start3A_195] : memref<10000x128xf32, #tpu.memory_space<hbm>> -> memref<10000x128xf32, #tpu.memory_space<hbm>>
    %dma_start3A_197 = tpu.memref_slice %arg8[%dma_start3A_186] : memref<2x!tpu.dma_semaphore, #tpu.memory_space<semaphore_mem>> -> memref<1x!tpu.dma_semaphore, #tpu.memory_space<semaphore_mem>>
    %dma_start3A_198 = tpu.memref_squeeze %dma_start3A_197 : memref<1x!tpu.dma_semaphore, #tpu.memory_space<semaphore_mem>> -> memref<!tpu.dma_semaphore, #tpu.memory_space<semaphore_mem>>
    tpu.enqueue_indirect_dma source(%dma_start3A_196 : memref<10000x128xf32, #tpu.memory_space<hbm>>) target(%dma_start3A_190 : memref<128x128xf32, #tpu.memory_space<vmem>>) offsets(%dma_start3A_193 : memref<128xi32, #tpu.memory_space<vmem>>) semaphore(%dma_start3A_198 : memref<!tpu.dma_semaphore, #tpu.memory_space<semaphore_mem>>)
    %dma_wait3A_199 = arith.constant 0 : i32
    %dma_wait3A_200 = arith.constant 2 : i32
    %dma_wait3A_201 = arith.constant 0 : i32
    %dma_wait3A_202 = arith.constant 0 : i32
    %dma_wait3A_203 = arith.constant 0 : i32
    %dma_wait3A_204 = arith.constant 0 : i32
    %dma_wait3A_205 = arith.constant 0 : i32
    %dma_wait3A_206 = tpu.memref_slice %arg6[%dma_wait3A_202, %dma_wait3A_204, %dma_wait3A_205] : memref<2x128x128xf32, #tpu.memory_space<vmem>> -> memref<1x128x128xf32, #tpu.memory_space<vmem>>
    %dma_wait3A_207 = tpu.memref_squeeze %dma_wait3A_206 : memref<1x128x128xf32, #tpu.memory_space<vmem>> -> memref<128x128xf32, #tpu.memory_space<vmem>>
    %dma_wait3A_208 = arith.constant 0 : i32
    %dma_wait3A_209 = tpu.memref_slice %arg5[%dma_wait3A_199, %dma_wait3A_200, %dma_wait3A_201, %dma_wait3A_208] : memref<2x4x2x128xi32, #tpu.memory_space<vmem>> -> memref<1x1x1x128xi32, #tpu.memory_space<vmem>>
    %dma_wait3A_210 = tpu.memref_squeeze %dma_wait3A_209 : memref<1x1x1x128xi32, #tpu.memory_space<vmem>> -> memref<128xi32, #tpu.memory_space<vmem>>
    %dma_wait3A_211 = arith.constant 0 : i32
    %dma_wait3A_212 = arith.constant 0 : i32
    %dma_wait3A_213 = tpu.memref_slice %arg2[%dma_wait3A_211, %dma_wait3A_212] : memref<10000x128xf32, #tpu.memory_space<hbm>> -> memref<10000x128xf32, #tpu.memory_space<hbm>>
    %dma_wait3A_214 = tpu.memref_slice %arg8[%dma_wait3A_203] : memref<2x!tpu.dma_semaphore, #tpu.memory_space<semaphore_mem>> -> memref<1x!tpu.dma_semaphore, #tpu.memory_space<semaphore_mem>>
    %dma_wait3A_215 = tpu.memref_squeeze %dma_wait3A_214 : memref<1x!tpu.dma_semaphore, #tpu.memory_space<semaphore_mem>> -> memref<!tpu.dma_semaphore, #tpu.memory_space<semaphore_mem>>
    tpu.wait_indirect_dma semaphore(%dma_wait3A_215 : memref<!tpu.dma_semaphore, #tpu.memory_space<semaphore_mem>>) src(%dma_wait3A_213 : memref<10000x128xf32, #tpu.memory_space<hbm>>) dst(%dma_wait3A_207 : memref<128x128xf32, #tpu.memory_space<vmem>>)
    %dma_start3A_216 = arith.constant 0 : i32
    %dma_start3A_217 = arith.constant 0 : i32
    %dma_start3A_218 = arith.constant 2 : i32
    %dma_start3A_219 = arith.constant 1 : i32
    %dma_start3A_220 = arith.constant 0 : i32
    %dma_start3A_221 = arith.constant 0 : i32
    %dma_start3A_222 = arith.constant 0 : i32
    %dma_start3A_223 = tpu.memref_slice %arg6[%dma_start3A_216, %dma_start3A_221, %dma_start3A_222] : memref<2x128x128xf32, #tpu.memory_space<vmem>> -> memref<1x128x128xf32, #tpu.memory_space<vmem>>
    %dma_start3A_224 = tpu.memref_squeeze %dma_start3A_223 : memref<1x128x128xf32, #tpu.memory_space<vmem>> -> memref<128x128xf32, #tpu.memory_space<vmem>>
    %dma_start3A_225 = arith.constant 0 : i32
    %dma_start3A_226 = tpu.memref_slice %arg5[%dma_start3A_217, %dma_start3A_218, %dma_start3A_219, %dma_start3A_225] : memref<2x4x2x128xi32, #tpu.memory_space<vmem>> -> memref<1x1x1x128xi32, #tpu.memory_space<vmem>>
    %dma_start3A_227 = tpu.memref_squeeze %dma_start3A_226 : memref<1x1x1x128xi32, #tpu.memory_space<vmem>> -> memref<128xi32, #tpu.memory_space<vmem>>
    %dma_start3A_228 = arith.constant 0 : i32
    %dma_start3A_229 = arith.constant 0 : i32
    %dma_start3A_230 = tpu.memref_slice %arg7[%dma_start3A_228, %dma_start3A_229] : memref<10016x128xf32, #tpu.memory_space<vmem_shared>> -> memref<10016x128xf32, #tpu.memory_space<vmem_shared>>
    %dma_start3A_231 = tpu.memref_slice %arg10[%dma_start3A_220] : memref<2x!tpu.dma_semaphore, #tpu.memory_space<semaphore_mem>> -> memref<1x!tpu.dma_semaphore, #tpu.memory_space<semaphore_mem>>
    %dma_start3A_232 = tpu.memref_squeeze %dma_start3A_231 : memref<1x!tpu.dma_semaphore, #tpu.memory_space<semaphore_mem>> -> memref<!tpu.dma_semaphore, #tpu.memory_space<semaphore_mem>>
    tpu.enqueue_indirect_dma source(%dma_start3A_224 : memref<128x128xf32, #tpu.memory_space<vmem>>) target(%dma_start3A_230 : memref<10016x128xf32, #tpu.memory_space<vmem_shared>>) offsets(%dma_start3A_227 : memref<128xi32, #tpu.memory_space<vmem>>) semaphore(%dma_start3A_232 : memref<!tpu.dma_semaphore, #tpu.memory_space<semaphore_mem>>) {add = true}
    %dma_wait3A_233 = arith.constant 0 : i32
    %dma_wait3A_234 = arith.constant 0 : i32
    %dma_wait3A_235 = arith.constant 3 : i32
    %dma_wait3A_236 = arith.constant 1 : i32
    %dma_wait3A_237 = arith.constant 0 : i32
    %dma_wait3A_238 = arith.constant 0 : i32
    %dma_wait3A_239 = arith.constant 0 : i32
    %dma_wait3A_240 = tpu.memref_slice %arg6[%dma_wait3A_233, %dma_wait3A_238, %dma_wait3A_239] : memref<2x128x128xf32, #tpu.memory_space<vmem>> -> memref<1x128x128xf32, #tpu.memory_space<vmem>>
    %dma_wait3A_241 = tpu.memref_squeeze %dma_wait3A_240 : memref<1x128x128xf32, #tpu.memory_space<vmem>> -> memref<128x128xf32, #tpu.memory_space<vmem>>
    %dma_wait3A_242 = arith.constant 0 : i32
    %dma_wait3A_243 = tpu.memref_slice %arg5[%dma_wait3A_234, %dma_wait3A_235, %dma_wait3A_236, %dma_wait3A_242] : memref<2x4x2x128xi32, #tpu.memory_space<vmem>> -> memref<1x1x1x128xi32, #tpu.memory_space<vmem>>
    %dma_wait3A_244 = tpu.memref_squeeze %dma_wait3A_243 : memref<1x1x1x128xi32, #tpu.memory_space<vmem>> -> memref<128xi32, #tpu.memory_space<vmem>>
    %dma_wait3A_245 = arith.constant 0 : i32
    %dma_wait3A_246 = arith.constant 0 : i32
    %dma_wait3A_247 = tpu.memref_slice %arg7[%dma_wait3A_245, %dma_wait3A_246] : memref<10016x128xf32, #tpu.memory_space<vmem_shared>> -> memref<10016x128xf32, #tpu.memory_space<vmem_shared>>
    %dma_wait3A_248 = tpu.memref_slice %arg10[%dma_wait3A_237] : memref<2x!tpu.dma_semaphore, #tpu.memory_space<semaphore_mem>> -> memref<1x!tpu.dma_semaphore, #tpu.memory_space<semaphore_mem>>
    %dma_wait3A_249 = tpu.memref_squeeze %dma_wait3A_248 : memref<1x!tpu.dma_semaphore, #tpu.memory_space<semaphore_mem>> -> memref<!tpu.dma_semaphore, #tpu.memory_space<semaphore_mem>>
    tpu.wait_indirect_dma semaphore(%dma_wait3A_249 : memref<!tpu.dma_semaphore, #tpu.memory_space<semaphore_mem>>) src(%dma_wait3A_241 : memref<128x128xf32, #tpu.memory_space<vmem>>) dst(%dma_wait3A_247 : memref<10016x128xf32, #tpu.memory_space<vmem_shared>>)
    %dma_wait3A_250 = arith.constant 1 : i32
    %dma_wait3A_251 = arith.constant 1 : i32
    %dma_wait3A_252 = arith.constant 0 : i32
    %dma_wait3A_253 = arith.constant 0 : i32
    %dma_wait3A_254 = arith.constant 0 : i32
    %dma_wait3A_255 = tpu.memref_slice %arg5[%dma_wait3A_250, %dma_wait3A_252, %dma_wait3A_253, %dma_wait3A_254] : memref<2x4x2x128xi32, #tpu.memory_space<vmem>> -> memref<1x4x2x128xi32, #tpu.memory_space<vmem>>
    %dma_wait3A_256 = tpu.memref_squeeze %dma_wait3A_255 : memref<1x4x2x128xi32, #tpu.memory_space<vmem>> -> memref<4x2x128xi32, #tpu.memory_space<vmem>>
    %dma_wait3A_257 = arith.constant 0 : i32
    %dma_wait3A_258 = arith.constant 0 : i32
    %dma_wait3A_259 = arith.constant 0 : i32
    %dma_wait3A_260 = tpu.memref_slice %arg3[%add3A, %dma_wait3A_257, %dma_wait3A_258, %dma_wait3A_259] : memref<32x80x2x128xi32, #tpu.memory_space<hbm>> -> memref<1x4x2x128xi32, #tpu.memory_space<hbm>>
    %dma_wait3A_261 = tpu.memref_squeeze %dma_wait3A_260 : memref<1x4x2x128xi32, #tpu.memory_space<hbm>> -> memref<4x2x128xi32, #tpu.memory_space<hbm>>
    %dma_wait3A_262 = tpu.memref_slice %arg9[%dma_wait3A_251] : memref<2x!tpu.dma_semaphore, #tpu.memory_space<semaphore_mem>> -> memref<1x!tpu.dma_semaphore, #tpu.memory_space<semaphore_mem>>
    %dma_wait3A_263 = tpu.memref_squeeze %dma_wait3A_262 : memref<1x!tpu.dma_semaphore, #tpu.memory_space<semaphore_mem>> -> memref<!tpu.dma_semaphore, #tpu.memory_space<semaphore_mem>>
    %dma_wait3A_264 = arith.constant 0 : i32
    %dma_wait3A_265 = arith.constant 0 : i32
    %dma_wait3A_266 = arith.constant 0 : i32
    %dma_wait3A_267 = tpu.memref_slice %arg5[%dma_wait3A_250, %dma_wait3A_264, %dma_wait3A_265, %dma_wait3A_266] : memref<2x4x2x128xi32, #tpu.memory_space<vmem>> -> memref<1x4x2x128xi32, #tpu.memory_space<vmem>>
    %dma_wait3A_268 = tpu.memref_squeeze %dma_wait3A_267 : memref<1x4x2x128xi32, #tpu.memory_space<vmem>> -> memref<4x2x128xi32, #tpu.memory_space<vmem>>
    %dma_wait3A_269 = arith.constant 0 : i32
    %dma_wait3A_270 = arith.constant 0 : i32
    %dma_wait3A_271 = arith.constant 0 : i32
    %dma_wait3A_272 = tpu.memref_slice %arg3[%add3A, %dma_wait3A_269, %dma_wait3A_270, %dma_wait3A_271] : memref<32x80x2x128xi32, #tpu.memory_space<hbm>> -> memref<1x4x2x128xi32, #tpu.memory_space<hbm>>
    %dma_wait3A_273 = tpu.memref_squeeze %dma_wait3A_272 : memref<1x4x2x128xi32, #tpu.memory_space<hbm>> -> memref<4x2x128xi32, #tpu.memory_space<hbm>>
    tpu.wait_dma2 semaphore(%dma_wait3A_263 : memref<!tpu.dma_semaphore, #tpu.memory_space<semaphore_mem>>) src(%dma_wait3A_273 : memref<4x2x128xi32, #tpu.memory_space<hbm>>) dst(%dma_wait3A_268 : memref<4x2x128xi32, #tpu.memory_space<vmem>>)
    %dma_start3A_274 = arith.constant 1 : i32
    %dma_start3A_275 = arith.constant 0 : i32
    %dma_start3A_276 = arith.constant 0 : i32
    %dma_start3A_277 = arith.constant 0 : i32
    %dma_start3A_278 = arith.constant 0 : i32
    %dma_start3A_279 = arith.constant 0 : i32
    %dma_start3A_280 = arith.constant 0 : i32
    %dma_start3A_281 = tpu.memref_slice %arg6[%dma_start3A_277, %dma_start3A_279, %dma_start3A_280] : memref<2x128x128xf32, #tpu.memory_space<vmem>> -> memref<1x128x128xf32, #tpu.memory_space<vmem>>
    %dma_start3A_282 = tpu.memref_squeeze %dma_start3A_281 : memref<1x128x128xf32, #tpu.memory_space<vmem>> -> memref<128x128xf32, #tpu.memory_space<vmem>>
    %dma_start3A_283 = arith.constant 0 : i32
    %dma_start3A_284 = tpu.memref_slice %arg5[%dma_start3A_274, %dma_start3A_275, %dma_start3A_276, %dma_start3A_283] : memref<2x4x2x128xi32, #tpu.memory_space<vmem>> -> memref<1x1x1x128xi32, #tpu.memory_space<vmem>>
    %dma_start3A_285 = tpu.memref_squeeze %dma_start3A_284 : memref<1x1x1x128xi32, #tpu.memory_space<vmem>> -> memref<128xi32, #tpu.memory_space<vmem>>
    %dma_start3A_286 = arith.constant 0 : i32
    %dma_start3A_287 = arith.constant 0 : i32
    %dma_start3A_288 = tpu.memref_slice %arg2[%dma_start3A_286, %dma_start3A_287] : memref<10000x128xf32, #tpu.memory_space<hbm>> -> memref<10000x128xf32, #tpu.memory_space<hbm>>
    %dma_start3A_289 = tpu.memref_slice %arg8[%dma_start3A_278] : memref<2x!tpu.dma_semaphore, #tpu.memory_space<semaphore_mem>> -> memref<1x!tpu.dma_semaphore, #tpu.memory_space<semaphore_mem>>
    %dma_start3A_290 = tpu.memref_squeeze %dma_start3A_289 : memref<1x!tpu.dma_semaphore, #tpu.memory_space<semaphore_mem>> -> memref<!tpu.dma_semaphore, #tpu.memory_space<semaphore_mem>>
    tpu.enqueue_indirect_dma source(%dma_start3A_288 : memref<10000x128xf32, #tpu.memory_space<hbm>>) target(%dma_start3A_282 : memref<128x128xf32, #tpu.memory_space<vmem>>) offsets(%dma_start3A_285 : memref<128xi32, #tpu.memory_space<vmem>>) semaphore(%dma_start3A_290 : memref<!tpu.dma_semaphore, #tpu.memory_space<semaphore_mem>>)
    %dma_wait3A_291 = arith.constant 0 : i32
    %dma_wait3A_292 = arith.constant 3 : i32
    %dma_wait3A_293 = arith.constant 0 : i32
    %dma_wait3A_294 = arith.constant 1 : i32
    %dma_wait3A_295 = arith.constant 1 : i32
    %dma_wait3A_296 = arith.constant 0 : i32
    %dma_wait3A_297 = arith.constant 0 : i32
    %dma_wait3A_298 = tpu.memref_slice %arg6[%dma_wait3A_294, %dma_wait3A_296, %dma_wait3A_297] : memref<2x128x128xf32, #tpu.memory_space<vmem>> -> memref<1x128x128xf32, #tpu.memory_space<vmem>>
    %dma_wait3A_299 = tpu.memref_squeeze %dma_wait3A_298 : memref<1x128x128xf32, #tpu.memory_space<vmem>> -> memref<128x128xf32, #tpu.memory_space<vmem>>
    %dma_wait3A_300 = arith.constant 0 : i32
    %dma_wait3A_301 = tpu.memref_slice %arg5[%dma_wait3A_291, %dma_wait3A_292, %dma_wait3A_293, %dma_wait3A_300] : memref<2x4x2x128xi32, #tpu.memory_space<vmem>> -> memref<1x1x1x128xi32, #tpu.memory_space<vmem>>
    %dma_wait3A_302 = tpu.memref_squeeze %dma_wait3A_301 : memref<1x1x1x128xi32, #tpu.memory_space<vmem>> -> memref<128xi32, #tpu.memory_space<vmem>>
    %dma_wait3A_303 = arith.constant 0 : i32
    %dma_wait3A_304 = arith.constant 0 : i32
    %dma_wait3A_305 = tpu.memref_slice %arg2[%dma_wait3A_303, %dma_wait3A_304] : memref<10000x128xf32, #tpu.memory_space<hbm>> -> memref<10000x128xf32, #tpu.memory_space<hbm>>
    %dma_wait3A_306 = tpu.memref_slice %arg8[%dma_wait3A_295] : memref<2x!tpu.dma_semaphore, #tpu.memory_space<semaphore_mem>> -> memref<1x!tpu.dma_semaphore, #tpu.memory_space<semaphore_mem>>
    %dma_wait3A_307 = tpu.memref_squeeze %dma_wait3A_306 : memref<1x!tpu.dma_semaphore, #tpu.memory_space<semaphore_mem>> -> memref<!tpu.dma_semaphore, #tpu.memory_space<semaphore_mem>>
    tpu.wait_indirect_dma semaphore(%dma_wait3A_307 : memref<!tpu.dma_semaphore, #tpu.memory_space<semaphore_mem>>) src(%dma_wait3A_305 : memref<10000x128xf32, #tpu.memory_space<hbm>>) dst(%dma_wait3A_299 : memref<128x128xf32, #tpu.memory_space<vmem>>)
    %dma_start3A_308 = arith.constant 1 : i32
    %dma_start3A_309 = arith.constant 0 : i32
    %dma_start3A_310 = arith.constant 3 : i32
    %dma_start3A_311 = arith.constant 1 : i32
    %dma_start3A_312 = arith.constant 1 : i32
    %dma_start3A_313 = arith.constant 0 : i32
    %dma_start3A_314 = arith.constant 0 : i32
    %dma_start3A_315 = tpu.memref_slice %arg6[%dma_start3A_308, %dma_start3A_313, %dma_start3A_314] : memref<2x128x128xf32, #tpu.memory_space<vmem>> -> memref<1x128x128xf32, #tpu.memory_space<vmem>>
    %dma_start3A_316 = tpu.memref_squeeze %dma_start3A_315 : memref<1x128x128xf32, #tpu.memory_space<vmem>> -> memref<128x128xf32, #tpu.memory_space<vmem>>
    %dma_start3A_317 = arith.constant 0 : i32
    %dma_start3A_318 = tpu.memref_slice %arg5[%dma_start3A_309, %dma_start3A_310, %dma_start3A_311, %dma_start3A_317] : memref<2x4x2x128xi32, #tpu.memory_space<vmem>> -> memref<1x1x1x128xi32, #tpu.memory_space<vmem>>
    %dma_start3A_319 = tpu.memref_squeeze %dma_start3A_318 : memref<1x1x1x128xi32, #tpu.memory_space<vmem>> -> memref<128xi32, #tpu.memory_space<vmem>>
    %dma_start3A_320 = arith.constant 0 : i32
    %dma_start3A_321 = arith.constant 0 : i32
    %dma_start3A_322 = tpu.memref_slice %arg7[%dma_start3A_320, %dma_start3A_321] : memref<10016x128xf32, #tpu.memory_space<vmem_shared>> -> memref<10016x128xf32, #tpu.memory_space<vmem_shared>>
    %dma_start3A_323 = tpu.memref_slice %arg10[%dma_start3A_312] : memref<2x!tpu.dma_semaphore, #tpu.memory_space<semaphore_mem>> -> memref<1x!tpu.dma_semaphore, #tpu.memory_space<semaphore_mem>>
    %dma_start3A_324 = tpu.memref_squeeze %dma_start3A_323 : memref<1x!tpu.dma_semaphore, #tpu.memory_space<semaphore_mem>> -> memref<!tpu.dma_semaphore, #tpu.memory_space<semaphore_mem>>
    tpu.enqueue_indirect_dma source(%dma_start3A_316 : memref<128x128xf32, #tpu.memory_space<vmem>>) target(%dma_start3A_322 : memref<10016x128xf32, #tpu.memory_space<vmem_shared>>) offsets(%dma_start3A_319 : memref<128xi32, #tpu.memory_space<vmem>>) semaphore(%dma_start3A_324 : memref<!tpu.dma_semaphore, #tpu.memory_space<semaphore_mem>>) {add = true}
    %scan3A = arith.constant 0 : i32
    %scan3A_325 = arith.constant 0 : i32
    %scan3A_326 = arith.constant 9 : i32
    %scan3A_327 = arith.addi %scan3A_325, %scan3A_326 : i32
    %scan3A_328 = arith.constant 1 : i32
    %scan3A_329 = scf.for %scan3A_545 = %scan3A_325 to %scan3A_327 step %scan3A_328 iter_args(%scan3A_546 = %scan3A) -> (i32)  : i32 {
      %mul3A_547 = arith.constant 2 : i32
      %mul3A_548 = arith.muli %mul3A_547, %scan3A_545 : i32
      %add3A_549 = arith.constant 1 : i32
      %add3A_550 = arith.addi %mul3A_548, %add3A_549 : i32
      %add3A_551 = arith.constant 1 : i32
      %add3A_552 = arith.addi %add3A_550, %add3A_551 : i32
      %dma_wait3A_553 = arith.constant 1 : i32
      %dma_wait3A_554 = arith.constant 1 : i32
      %dma_wait3A_555 = arith.constant 0 : i32
      %dma_wait3A_556 = arith.constant 1 : i32
      %dma_wait3A_557 = arith.constant 1 : i32
      %dma_wait3A_558 = arith.constant 0 : i32
      %dma_wait3A_559 = arith.constant 0 : i32
      %dma_wait3A_560 = tpu.memref_slice %arg6[%dma_wait3A_553, %dma_wait3A_558, %dma_wait3A_559] : memref<2x128x128xf32, #tpu.memory_space<vmem>> -> memref<1x128x128xf32, #tpu.memory_space<vmem>>
      %dma_wait3A_561 = tpu.memref_squeeze %dma_wait3A_560 : memref<1x128x128xf32, #tpu.memory_space<vmem>> -> memref<128x128xf32, #tpu.memory_space<vmem>>
      %dma_wait3A_562 = arith.constant 0 : i32
      %dma_wait3A_563 = tpu.memref_slice %arg5[%dma_wait3A_554, %dma_wait3A_555, %dma_wait3A_556, %dma_wait3A_562] : memref<2x4x2x128xi32, #tpu.memory_space<vmem>> -> memref<1x1x1x128xi32, #tpu.memory_space<vmem>>
      %dma_wait3A_564 = tpu.memref_squeeze %dma_wait3A_563 : memref<1x1x1x128xi32, #tpu.memory_space<vmem>> -> memref<128xi32, #tpu.memory_space<vmem>>
      %dma_wait3A_565 = arith.constant 0 : i32
      %dma_wait3A_566 = arith.constant 0 : i32
      %dma_wait3A_567 = tpu.memref_slice %arg7[%dma_wait3A_565, %dma_wait3A_566] : memref<10016x128xf32, #tpu.memory_space<vmem_shared>> -> memref<10016x128xf32, #tpu.memory_space<vmem_shared>>
      %dma_wait3A_568 = tpu.memref_slice %arg10[%dma_wait3A_557] : memref<2x!tpu.dma_semaphore, #tpu.memory_space<semaphore_mem>> -> memref<1x!tpu.dma_semaphore, #tpu.memory_space<semaphore_mem>>
      %dma_wait3A_569 = tpu.memref_squeeze %dma_wait3A_568 : memref<1x!tpu.dma_semaphore, #tpu.memory_space<semaphore_mem>> -> memref<!tpu.dma_semaphore, #tpu.memory_space<semaphore_mem>>
      tpu.wait_indirect_dma semaphore(%dma_wait3A_569 : memref<!tpu.dma_semaphore, #tpu.memory_space<semaphore_mem>>) src(%dma_wait3A_561 : memref<128x128xf32, #tpu.memory_space<vmem>>) dst(%dma_wait3A_567 : memref<10016x128xf32, #tpu.memory_space<vmem_shared>>)
      %mul3A_570 = arith.constant 4 : i32
      %mul3A_571 = arith.muli %mul3A_570, %add3A_552 : i32
      %dma_start3A_572 = arith.constant 0 : i32
      %dma_start3A_573 = arith.constant 0 : i32
      %dma_start3A_574 = arith.constant 0 : i32
      %dma_start3A_575 = arith.constant 0 : i32
      %dma_start3A_576 = arith.constant 0 : i32
      %dma_start3A_577 = tpu.memref_slice %arg5[%dma_start3A_572, %dma_start3A_574, %dma_start3A_575, %dma_start3A_576] : memref<2x4x2x128xi32, #tpu.memory_space<vmem>> -> memref<1x4x2x128xi32, #tpu.memory_space<vmem>>
      %dma_start3A_578 = tpu.memref_squeeze %dma_start3A_577 : memref<1x4x2x128xi32, #tpu.memory_space<vmem>> -> memref<4x2x128xi32, #tpu.memory_space<vmem>>
      %dma_start3A_579 = arith.constant 0 : i32
      %dma_start3A_580 = arith.constant 0 : i32
      %dma_start3A_581 = tpu.memref_slice %arg3[%add3A, %mul3A_571, %dma_start3A_579, %dma_start3A_580] : memref<32x80x2x128xi32, #tpu.memory_space<hbm>> -> memref<1x4x2x128xi32, #tpu.memory_space<hbm>>
      %dma_start3A_582 = tpu.memref_squeeze %dma_start3A_581 : memref<1x4x2x128xi32, #tpu.memory_space<hbm>> -> memref<4x2x128xi32, #tpu.memory_space<hbm>>
      %dma_start3A_583 = tpu.memref_slice %arg9[%dma_start3A_573] : memref<2x!tpu.dma_semaphore, #tpu.memory_space<semaphore_mem>> -> memref<1x!tpu.dma_semaphore, #tpu.memory_space<semaphore_mem>>
      %dma_start3A_584 = tpu.memref_squeeze %dma_start3A_583 : memref<1x!tpu.dma_semaphore, #tpu.memory_space<semaphore_mem>> -> memref<!tpu.dma_semaphore, #tpu.memory_space<semaphore_mem>>
      %dma_start3A_585 = arith.constant 0 : i32
      %dma_start3A_586 = arith.constant 0 : i32
      %dma_start3A_587 = arith.constant 0 : i32
      %dma_start3A_588 = tpu.memref_slice %arg5[%dma_start3A_572, %dma_start3A_585, %dma_start3A_586, %dma_start3A_587] : memref<2x4x2x128xi32, #tpu.memory_space<vmem>> -> memref<1x4x2x128xi32, #tpu.memory_space<vmem>>
      %dma_start3A_589 = tpu.memref_squeeze %dma_start3A_588 : memref<1x4x2x128xi32, #tpu.memory_space<vmem>> -> memref<4x2x128xi32, #tpu.memory_space<vmem>>
      %dma_start3A_590 = arith.constant 0 : i32
      %dma_start3A_591 = arith.constant 0 : i32
      %dma_start3A_592 = tpu.memref_slice %arg3[%add3A, %mul3A_571, %dma_start3A_590, %dma_start3A_591] : memref<32x80x2x128xi32, #tpu.memory_space<hbm>> -> memref<1x4x2x128xi32, #tpu.memory_space<hbm>>
      %dma_start3A_593 = tpu.memref_squeeze %dma_start3A_592 : memref<1x4x2x128xi32, #tpu.memory_space<hbm>> -> memref<4x2x128xi32, #tpu.memory_space<hbm>>
      tpu.enqueue_dma source(%dma_start3A_593 : memref<4x2x128xi32, #tpu.memory_space<hbm>>) target(%dma_start3A_589 : memref<4x2x128xi32, #tpu.memory_space<vmem>>) target_semaphore(%dma_start3A_584 : memref<!tpu.dma_semaphore, #tpu.memory_space<semaphore_mem>>)
      %dma_start3A_594 = arith.constant 1 : i32
      %dma_start3A_595 = arith.constant 1 : i32
      %dma_start3A_596 = arith.constant 0 : i32
      %dma_start3A_597 = arith.constant 1 : i32
      %dma_start3A_598 = arith.constant 1 : i32
      %dma_start3A_599 = arith.constant 0 : i32
      %dma_start3A_600 = arith.constant 0 : i32
      %dma_start3A_601 = tpu.memref_slice %arg6[%dma_start3A_597, %dma_start3A_599, %dma_start3A_600] : memref<2x128x128xf32, #tpu.memory_space<vmem>> -> memref<1x128x128xf32, #tpu.memory_space<vmem>>
      %dma_start3A_602 = tpu.memref_squeeze %dma_start3A_601 : memref<1x128x128xf32, #tpu.memory_space<vmem>> -> memref<128x128xf32, #tpu.memory_space<vmem>>
      %dma_start3A_603 = arith.constant 0 : i32
      %dma_start3A_604 = tpu.memref_slice %arg5[%dma_start3A_594, %dma_start3A_595, %dma_start3A_596, %dma_start3A_603] : memref<2x4x2x128xi32, #tpu.memory_space<vmem>> -> memref<1x1x1x128xi32, #tpu.memory_space<vmem>>
      %dma_start3A_605 = tpu.memref_squeeze %dma_start3A_604 : memref<1x1x1x128xi32, #tpu.memory_space<vmem>> -> memref<128xi32, #tpu.memory_space<vmem>>
      %dma_start3A_606 = arith.constant 0 : i32
      %dma_start3A_607 = arith.constant 0 : i32
      %dma_start3A_608 = tpu.memref_slice %arg2[%dma_start3A_606, %dma_start3A_607] : memref<10000x128xf32, #tpu.memory_space<hbm>> -> memref<10000x128xf32, #tpu.memory_space<hbm>>
      %dma_start3A_609 = tpu.memref_slice %arg8[%dma_start3A_598] : memref<2x!tpu.dma_semaphore, #tpu.memory_space<semaphore_mem>> -> memref<1x!tpu.dma_semaphore, #tpu.memory_space<semaphore_mem>>
      %dma_start3A_610 = tpu.memref_squeeze %dma_start3A_609 : memref<1x!tpu.dma_semaphore, #tpu.memory_space<semaphore_mem>> -> memref<!tpu.dma_semaphore, #tpu.memory_space<semaphore_mem>>
      tpu.enqueue_indirect_dma source(%dma_start3A_608 : memref<10000x128xf32, #tpu.memory_space<hbm>>) target(%dma_start3A_602 : memref<128x128xf32, #tpu.memory_space<vmem>>) offsets(%dma_start3A_605 : memref<128xi32, #tpu.memory_space<vmem>>) semaphore(%dma_start3A_610 : memref<!tpu.dma_semaphore, #tpu.memory_space<semaphore_mem>>)
      %dma_wait3A_611 = arith.constant 1 : i32
      %dma_wait3A_612 = arith.constant 0 : i32
      %dma_wait3A_613 = arith.constant 0 : i32
      %dma_wait3A_614 = arith.constant 0 : i32
      %dma_wait3A_615 = arith.constant 0 : i32
      %dma_wait3A_616 = arith.constant 0 : i32
      %dma_wait3A_617 = arith.constant 0 : i32
      %dma_wait3A_618 = tpu.memref_slice %arg6[%dma_wait3A_614, %dma_wait3A_616, %dma_wait3A_617] : memref<2x128x128xf32, #tpu.memory_space<vmem>> -> memref<1x128x128xf32, #tpu.memory_space<vmem>>
      %dma_wait3A_619 = tpu.memref_squeeze %dma_wait3A_618 : memref<1x128x128xf32, #tpu.memory_space<vmem>> -> memref<128x128xf32, #tpu.memory_space<vmem>>
      %dma_wait3A_620 = arith.constant 0 : i32
      %dma_wait3A_621 = tpu.memref_slice %arg5[%dma_wait3A_611, %dma_wait3A_612, %dma_wait3A_613, %dma_wait3A_620] : memref<2x4x2x128xi32, #tpu.memory_space<vmem>> -> memref<1x1x1x128xi32, #tpu.memory_space<vmem>>
      %dma_wait3A_622 = tpu.memref_squeeze %dma_wait3A_621 : memref<1x1x1x128xi32, #tpu.memory_space<vmem>> -> memref<128xi32, #tpu.memory_space<vmem>>
      %dma_wait3A_623 = arith.constant 0 : i32
      %dma_wait3A_624 = arith.constant 0 : i32
      %dma_wait3A_625 = tpu.memref_slice %arg2[%dma_wait3A_623, %dma_wait3A_624] : memref<10000x128xf32, #tpu.memory_space<hbm>> -> memref<10000x128xf32, #tpu.memory_space<hbm>>
      %dma_wait3A_626 = tpu.memref_slice %arg8[%dma_wait3A_615] : memref<2x!tpu.dma_semaphore, #tpu.memory_space<semaphore_mem>> -> memref<1x!tpu.dma_semaphore, #tpu.memory_space<semaphore_mem>>
      %dma_wait3A_627 = tpu.memref_squeeze %dma_wait3A_626 : memref<1x!tpu.dma_semaphore, #tpu.memory_space<semaphore_mem>> -> memref<!tpu.dma_semaphore, #tpu.memory_space<semaphore_mem>>
      tpu.wait_indirect_dma semaphore(%dma_wait3A_627 : memref<!tpu.dma_semaphore, #tpu.memory_space<semaphore_mem>>) src(%dma_wait3A_625 : memref<10000x128xf32, #tpu.memory_space<hbm>>) dst(%dma_wait3A_619 : memref<128x128xf32, #tpu.memory_space<vmem>>)
      %dma_start3A_628 = arith.constant 0 : i32
      %dma_start3A_629 = arith.constant 1 : i32
      %dma_start3A_630 = arith.constant 0 : i32
      %dma_start3A_631 = arith.constant 1 : i32
      %dma_start3A_632 = arith.constant 0 : i32
      %dma_start3A_633 = arith.constant 0 : i32
      %dma_start3A_634 = arith.constant 0 : i32
      %dma_start3A_635 = tpu.memref_slice %arg6[%dma_start3A_628, %dma_start3A_633, %dma_start3A_634] : memref<2x128x128xf32, #tpu.memory_space<vmem>> -> memref<1x128x128xf32, #tpu.memory_space<vmem>>
      %dma_start3A_636 = tpu.memref_squeeze %dma_start3A_635 : memref<1x128x128xf32, #tpu.memory_space<vmem>> -> memref<128x128xf32, #tpu.memory_space<vmem>>
      %dma_start3A_637 = arith.constant 0 : i32
      %dma_start3A_638 = tpu.memref_slice %arg5[%dma_start3A_629, %dma_start3A_630, %dma_start3A_631, %dma_start3A_637] : memref<2x4x2x128xi32, #tpu.memory_space<vmem>> -> memref<1x1x1x128xi32, #tpu.memory_space<vmem>>
      %dma_start3A_639 = tpu.memref_squeeze %dma_start3A_638 : memref<1x1x1x128xi32, #tpu.memory_space<vmem>> -> memref<128xi32, #tpu.memory_space<vmem>>
      %dma_start3A_640 = arith.constant 0 : i32
      %dma_start3A_641 = arith.constant 0 : i32
      %dma_start3A_642 = tpu.memref_slice %arg7[%dma_start3A_640, %dma_start3A_641] : memref<10016x128xf32, #tpu.memory_space<vmem_shared>> -> memref<10016x128xf32, #tpu.memory_space<vmem_shared>>
      %dma_start3A_643 = tpu.memref_slice %arg10[%dma_start3A_632] : memref<2x!tpu.dma_semaphore, #tpu.memory_space<semaphore_mem>> -> memref<1x!tpu.dma_semaphore, #tpu.memory_space<semaphore_mem>>
      %dma_start3A_644 = tpu.memref_squeeze %dma_start3A_643 : memref<1x!tpu.dma_semaphore, #tpu.memory_space<semaphore_mem>> -> memref<!tpu.dma_semaphore, #tpu.memory_space<semaphore_mem>>
      tpu.enqueue_indirect_dma source(%dma_start3A_636 : memref<128x128xf32, #tpu.memory_space<vmem>>) target(%dma_start3A_642 : memref<10016x128xf32, #tpu.memory_space<vmem_shared>>) offsets(%dma_start3A_639 : memref<128xi32, #tpu.memory_space<vmem>>) semaphore(%dma_start3A_644 : memref<!tpu.dma_semaphore, #tpu.memory_space<semaphore_mem>>) {add = true}
      %dma_wait3A_645 = arith.constant 0 : i32
      %dma_wait3A_646 = arith.constant 1 : i32
      %dma_wait3A_647 = arith.constant 1 : i32
      %dma_wait3A_648 = arith.constant 1 : i32
      %dma_wait3A_649 = arith.constant 0 : i32
      %dma_wait3A_650 = arith.constant 0 : i32
      %dma_wait3A_651 = arith.constant 0 : i32
      %dma_wait3A_652 = tpu.memref_slice %arg6[%dma_wait3A_645, %dma_wait3A_650, %dma_wait3A_651] : memref<2x128x128xf32, #tpu.memory_space<vmem>> -> memref<1x128x128xf32, #tpu.memory_space<vmem>>
      %dma_wait3A_653 = tpu.memref_squeeze %dma_wait3A_652 : memref<1x128x128xf32, #tpu.memory_space<vmem>> -> memref<128x128xf32, #tpu.memory_space<vmem>>
      %dma_wait3A_654 = arith.constant 0 : i32
      %dma_wait3A_655 = tpu.memref_slice %arg5[%dma_wait3A_646, %dma_wait3A_647, %dma_wait3A_648, %dma_wait3A_654] : memref<2x4x2x128xi32, #tpu.memory_space<vmem>> -> memref<1x1x1x128xi32, #tpu.memory_space<vmem>>
      %dma_wait3A_656 = tpu.memref_squeeze %dma_wait3A_655 : memref<1x1x1x128xi32, #tpu.memory_space<vmem>> -> memref<128xi32, #tpu.memory_space<vmem>>
      %dma_wait3A_657 = arith.constant 0 : i32
      %dma_wait3A_658 = arith.constant 0 : i32
      %dma_wait3A_659 = tpu.memref_slice %arg7[%dma_wait3A_657, %dma_wait3A_658] : memref<10016x128xf32, #tpu.memory_space<vmem_shared>> -> memref<10016x128xf32, #tpu.memory_space<vmem_shared>>
      %dma_wait3A_660 = tpu.memref_slice %arg10[%dma_wait3A_649] : memref<2x!tpu.dma_semaphore, #tpu.memory_space<semaphore_mem>> -> memref<1x!tpu.dma_semaphore, #tpu.memory_space<semaphore_mem>>
      %dma_wait3A_661 = tpu.memref_squeeze %dma_wait3A_660 : memref<1x!tpu.dma_semaphore, #tpu.memory_space<semaphore_mem>> -> memref<!tpu.dma_semaphore, #tpu.memory_space<semaphore_mem>>
      tpu.wait_indirect_dma semaphore(%dma_wait3A_661 : memref<!tpu.dma_semaphore, #tpu.memory_space<semaphore_mem>>) src(%dma_wait3A_653 : memref<128x128xf32, #tpu.memory_space<vmem>>) dst(%dma_wait3A_659 : memref<10016x128xf32, #tpu.memory_space<vmem_shared>>)
      %dma_start3A_662 = arith.constant 1 : i32
      %dma_start3A_663 = arith.constant 2 : i32
      %dma_start3A_664 = arith.constant 0 : i32
      %dma_start3A_665 = arith.constant 0 : i32
      %dma_start3A_666 = arith.constant 0 : i32
      %dma_start3A_667 = arith.constant 0 : i32
      %dma_start3A_668 = arith.constant 0 : i32
      %dma_start3A_669 = tpu.memref_slice %arg6[%dma_start3A_665, %dma_start3A_667, %dma_start3A_668] : memref<2x128x128xf32, #tpu.memory_space<vmem>> -> memref<1x128x128xf32, #tpu.memory_space<vmem>>
      %dma_start3A_670 = tpu.memref_squeeze %dma_start3A_669 : memref<1x128x128xf32, #tpu.memory_space<vmem>> -> memref<128x128xf32, #tpu.memory_space<vmem>>
      %dma_start3A_671 = arith.constant 0 : i32
      %dma_start3A_672 = tpu.memref_slice %arg5[%dma_start3A_662, %dma_start3A_663, %dma_start3A_664, %dma_start3A_671] : memref<2x4x2x128xi32, #tpu.memory_space<vmem>> -> memref<1x1x1x128xi32, #tpu.memory_space<vmem>>
      %dma_start3A_673 = tpu.memref_squeeze %dma_start3A_672 : memref<1x1x1x128xi32, #tpu.memory_space<vmem>> -> memref<128xi32, #tpu.memory_space<vmem>>
      %dma_start3A_674 = arith.constant 0 : i32
      %dma_start3A_675 = arith.constant 0 : i32
      %dma_start3A_676 = tpu.memref_slice %arg2[%dma_start3A_674, %dma_start3A_675] : memref<10000x128xf32, #tpu.memory_space<hbm>> -> memref<10000x128xf32, #tpu.memory_space<hbm>>
      %dma_start3A_677 = tpu.memref_slice %arg8[%dma_start3A_666] : memref<2x!tpu.dma_semaphore, #tpu.memory_space<semaphore_mem>> -> memref<1x!tpu.dma_semaphore, #tpu.memory_space<semaphore_mem>>
      %dma_start3A_678 = tpu.memref_squeeze %dma_start3A_677 : memref<1x!tpu.dma_semaphore, #tpu.memory_space<semaphore_mem>> -> memref<!tpu.dma_semaphore, #tpu.memory_space<semaphore_mem>>
      tpu.enqueue_indirect_dma source(%dma_start3A_676 : memref<10000x128xf32, #tpu.memory_space<hbm>>) target(%dma_start3A_670 : memref<128x128xf32, #tpu.memory_space<vmem>>) offsets(%dma_start3A_673 : memref<128xi32, #tpu.memory_space<vmem>>) semaphore(%dma_start3A_678 : memref<!tpu.dma_semaphore, #tpu.memory_space<semaphore_mem>>)
      %dma_wait3A_679 = arith.constant 1 : i32
      %dma_wait3A_680 = arith.constant 1 : i32
      %dma_wait3A_681 = arith.constant 0 : i32
      %dma_wait3A_682 = arith.constant 1 : i32
      %dma_wait3A_683 = arith.constant 1 : i32
      %dma_wait3A_684 = arith.constant 0 : i32
      %dma_wait3A_685 = arith.constant 0 : i32
      %dma_wait3A_686 = tpu.memref_slice %arg6[%dma_wait3A_682, %dma_wait3A_684, %dma_wait3A_685] : memref<2x128x128xf32, #tpu.memory_space<vmem>> -> memref<1x128x128xf32, #tpu.memory_space<vmem>>
      %dma_wait3A_687 = tpu.memref_squeeze %dma_wait3A_686 : memref<1x128x128xf32, #tpu.memory_space<vmem>> -> memref<128x128xf32, #tpu.memory_space<vmem>>
      %dma_wait3A_688 = arith.constant 0 : i32
      %dma_wait3A_689 = tpu.memref_slice %arg5[%dma_wait3A_679, %dma_wait3A_680, %dma_wait3A_681, %dma_wait3A_688] : memref<2x4x2x128xi32, #tpu.memory_space<vmem>> -> memref<1x1x1x128xi32, #tpu.memory_space<vmem>>
      %dma_wait3A_690 = tpu.memref_squeeze %dma_wait3A_689 : memref<1x1x1x128xi32, #tpu.memory_space<vmem>> -> memref<128xi32, #tpu.memory_space<vmem>>
      %dma_wait3A_691 = arith.constant 0 : i32
      %dma_wait3A_692 = arith.constant 0 : i32
      %dma_wait3A_693 = tpu.memref_slice %arg2[%dma_wait3A_691, %dma_wait3A_692] : memref<10000x128xf32, #tpu.memory_space<hbm>> -> memref<10000x128xf32, #tpu.memory_space<hbm>>
      %dma_wait3A_694 = tpu.memref_slice %arg8[%dma_wait3A_683] : memref<2x!tpu.dma_semaphore, #tpu.memory_space<semaphore_mem>> -> memref<1x!tpu.dma_semaphore, #tpu.memory_space<semaphore_mem>>
      %dma_wait3A_695 = tpu.memref_squeeze %dma_wait3A_694 : memref<1x!tpu.dma_semaphore, #tpu.memory_space<semaphore_mem>> -> memref<!tpu.dma_semaphore, #tpu.memory_space<semaphore_mem>>
      tpu.wait_indirect_dma semaphore(%dma_wait3A_695 : memref<!tpu.dma_semaphore, #tpu.memory_space<semaphore_mem>>) src(%dma_wait3A_693 : memref<10000x128xf32, #tpu.memory_space<hbm>>) dst(%dma_wait3A_687 : memref<128x128xf32, #tpu.memory_space<vmem>>)
      %dma_start3A_696 = arith.constant 1 : i32
      %dma_start3A_697 = arith.constant 1 : i32
      %dma_start3A_698 = arith.constant 1 : i32
      %dma_start3A_699 = arith.constant 1 : i32
      %dma_start3A_700 = arith.constant 1 : i32
      %dma_start3A_701 = arith.constant 0 : i32
      %dma_start3A_702 = arith.constant 0 : i32
      %dma_start3A_703 = tpu.memref_slice %arg6[%dma_start3A_696, %dma_start3A_701, %dma_start3A_702] : memref<2x128x128xf32, #tpu.memory_space<vmem>> -> memref<1x128x128xf32, #tpu.memory_space<vmem>>
      %dma_start3A_704 = tpu.memref_squeeze %dma_start3A_703 : memref<1x128x128xf32, #tpu.memory_space<vmem>> -> memref<128x128xf32, #tpu.memory_space<vmem>>
      %dma_start3A_705 = arith.constant 0 : i32
      %dma_start3A_706 = tpu.memref_slice %arg5[%dma_start3A_697, %dma_start3A_698, %dma_start3A_699, %dma_start3A_705] : memref<2x4x2x128xi32, #tpu.memory_space<vmem>> -> memref<1x1x1x128xi32, #tpu.memory_space<vmem>>
      %dma_start3A_707 = tpu.memref_squeeze %dma_start3A_706 : memref<1x1x1x128xi32, #tpu.memory_space<vmem>> -> memref<128xi32, #tpu.memory_space<vmem>>
      %dma_start3A_708 = arith.constant 0 : i32
      %dma_start3A_709 = arith.constant 0 : i32
      %dma_start3A_710 = tpu.memref_slice %arg7[%dma_start3A_708, %dma_start3A_709] : memref<10016x128xf32, #tpu.memory_space<vmem_shared>> -> memref<10016x128xf32, #tpu.memory_space<vmem_shared>>
      %dma_start3A_711 = tpu.memref_slice %arg10[%dma_start3A_700] : memref<2x!tpu.dma_semaphore, #tpu.memory_space<semaphore_mem>> -> memref<1x!tpu.dma_semaphore, #tpu.memory_space<semaphore_mem>>
      %dma_start3A_712 = tpu.memref_squeeze %dma_start3A_711 : memref<1x!tpu.dma_semaphore, #tpu.memory_space<semaphore_mem>> -> memref<!tpu.dma_semaphore, #tpu.memory_space<semaphore_mem>>
      tpu.enqueue_indirect_dma source(%dma_start3A_704 : memref<128x128xf32, #tpu.memory_space<vmem>>) target(%dma_start3A_710 : memref<10016x128xf32, #tpu.memory_space<vmem_shared>>) offsets(%dma_start3A_707 : memref<128xi32, #tpu.memory_space<vmem>>) semaphore(%dma_start3A_712 : memref<!tpu.dma_semaphore, #tpu.memory_space<semaphore_mem>>) {add = true}
      %dma_wait3A_713 = arith.constant 1 : i32
      %dma_wait3A_714 = arith.constant 1 : i32
      %dma_wait3A_715 = arith.constant 2 : i32
      %dma_wait3A_716 = arith.constant 1 : i32
      %dma_wait3A_717 = arith.constant 1 : i32
      %dma_wait3A_718 = arith.constant 0 : i32
      %dma_wait3A_719 = arith.constant 0 : i32
      %dma_wait3A_720 = tpu.memref_slice %arg6[%dma_wait3A_713, %dma_wait3A_718, %dma_wait3A_719] : memref<2x128x128xf32, #tpu.memory_space<vmem>> -> memref<1x128x128xf32, #tpu.memory_space<vmem>>
      %dma_wait3A_721 = tpu.memref_squeeze %dma_wait3A_720 : memref<1x128x128xf32, #tpu.memory_space<vmem>> -> memref<128x128xf32, #tpu.memory_space<vmem>>
      %dma_wait3A_722 = arith.constant 0 : i32
      %dma_wait3A_723 = tpu.memref_slice %arg5[%dma_wait3A_714, %dma_wait3A_715, %dma_wait3A_716, %dma_wait3A_722] : memref<2x4x2x128xi32, #tpu.memory_space<vmem>> -> memref<1x1x1x128xi32, #tpu.memory_space<vmem>>
      %dma_wait3A_724 = tpu.memref_squeeze %dma_wait3A_723 : memref<1x1x1x128xi32, #tpu.memory_space<vmem>> -> memref<128xi32, #tpu.memory_space<vmem>>
      %dma_wait3A_725 = arith.constant 0 : i32
      %dma_wait3A_726 = arith.constant 0 : i32
      %dma_wait3A_727 = tpu.memref_slice %arg7[%dma_wait3A_725, %dma_wait3A_726] : memref<10016x128xf32, #tpu.memory_space<vmem_shared>> -> memref<10016x128xf32, #tpu.memory_space<vmem_shared>>
      %dma_wait3A_728 = tpu.memref_slice %arg10[%dma_wait3A_717] : memref<2x!tpu.dma_semaphore, #tpu.memory_space<semaphore_mem>> -> memref<1x!tpu.dma_semaphore, #tpu.memory_space<semaphore_mem>>
      %dma_wait3A_729 = tpu.memref_squeeze %dma_wait3A_728 : memref<1x!tpu.dma_semaphore, #tpu.memory_space<semaphore_mem>> -> memref<!tpu.dma_semaphore, #tpu.memory_space<semaphore_mem>>
      tpu.wait_indirect_dma semaphore(%dma_wait3A_729 : memref<!tpu.dma_semaphore, #tpu.memory_space<semaphore_mem>>) src(%dma_wait3A_721 : memref<128x128xf32, #tpu.memory_space<vmem>>) dst(%dma_wait3A_727 : memref<10016x128xf32, #tpu.memory_space<vmem_shared>>)
      %dma_start3A_730 = arith.constant 1 : i32
      %dma_start3A_731 = arith.constant 3 : i32
      %dma_start3A_732 = arith.constant 0 : i32
      %dma_start3A_733 = arith.constant 1 : i32
      %dma_start3A_734 = arith.constant 1 : i32
      %dma_start3A_735 = arith.constant 0 : i32
      %dma_start3A_736 = arith.constant 0 : i32
      %dma_start3A_737 = tpu.memref_slice %arg6[%dma_start3A_733, %dma_start3A_735, %dma_start3A_736] : memref<2x128x128xf32, #tpu.memory_space<vmem>> -> memref<1x128x128xf32, #tpu.memory_space<vmem>>
      %dma_start3A_738 = tpu.memref_squeeze %dma_start3A_737 : memref<1x128x128xf32, #tpu.memory_space<vmem>> -> memref<128x128xf32, #tpu.memory_space<vmem>>
      %dma_start3A_739 = arith.constant 0 : i32
      %dma_start3A_740 = tpu.memref_slice %arg5[%dma_start3A_730, %dma_start3A_731, %dma_start3A_732, %dma_start3A_739] : memref<2x4x2x128xi32, #tpu.memory_space<vmem>> -> memref<1x1x1x128xi32, #tpu.memory_space<vmem>>
      %dma_start3A_741 = tpu.memref_squeeze %dma_start3A_740 : memref<1x1x1x128xi32, #tpu.memory_space<vmem>> -> memref<128xi32, #tpu.memory_space<vmem>>
      %dma_start3A_742 = arith.constant 0 : i32
      %dma_start3A_743 = arith.constant 0 : i32
      %dma_start3A_744 = tpu.memref_slice %arg2[%dma_start3A_742, %dma_start3A_743] : memref<10000x128xf32, #tpu.memory_space<hbm>> -> memref<10000x128xf32, #tpu.memory_space<hbm>>
      %dma_start3A_745 = tpu.memref_slice %arg8[%dma_start3A_734] : memref<2x!tpu.dma_semaphore, #tpu.memory_space<semaphore_mem>> -> memref<1x!tpu.dma_semaphore, #tpu.memory_space<semaphore_mem>>
      %dma_start3A_746 = tpu.memref_squeeze %dma_start3A_745 : memref<1x!tpu.dma_semaphore, #tpu.memory_space<semaphore_mem>> -> memref<!tpu.dma_semaphore, #tpu.memory_space<semaphore_mem>>
      tpu.enqueue_indirect_dma source(%dma_start3A_744 : memref<10000x128xf32, #tpu.memory_space<hbm>>) target(%dma_start3A_738 : memref<128x128xf32, #tpu.memory_space<vmem>>) offsets(%dma_start3A_741 : memref<128xi32, #tpu.memory_space<vmem>>) semaphore(%dma_start3A_746 : memref<!tpu.dma_semaphore, #tpu.memory_space<semaphore_mem>>)
      %dma_wait3A_747 = arith.constant 1 : i32
      %dma_wait3A_748 = arith.constant 2 : i32
      %dma_wait3A_749 = arith.constant 0 : i32
      %dma_wait3A_750 = arith.constant 0 : i32
      %dma_wait3A_751 = arith.constant 0 : i32
      %dma_wait3A_752 = arith.constant 0 : i32
      %dma_wait3A_753 = arith.constant 0 : i32
      %dma_wait3A_754 = tpu.memref_slice %arg6[%dma_wait3A_750, %dma_wait3A_752, %dma_wait3A_753] : memref<2x128x128xf32, #tpu.memory_space<vmem>> -> memref<1x128x128xf32, #tpu.memory_space<vmem>>
      %dma_wait3A_755 = tpu.memref_squeeze %dma_wait3A_754 : memref<1x128x128xf32, #tpu.memory_space<vmem>> -> memref<128x128xf32, #tpu.memory_space<vmem>>
      %dma_wait3A_756 = arith.constant 0 : i32
      %dma_wait3A_757 = tpu.memref_slice %arg5[%dma_wait3A_747, %dma_wait3A_748, %dma_wait3A_749, %dma_wait3A_756] : memref<2x4x2x128xi32, #tpu.memory_space<vmem>> -> memref<1x1x1x128xi32, #tpu.memory_space<vmem>>
      %dma_wait3A_758 = tpu.memref_squeeze %dma_wait3A_757 : memref<1x1x1x128xi32, #tpu.memory_space<vmem>> -> memref<128xi32, #tpu.memory_space<vmem>>
      %dma_wait3A_759 = arith.constant 0 : i32
      %dma_wait3A_760 = arith.constant 0 : i32
      %dma_wait3A_761 = tpu.memref_slice %arg2[%dma_wait3A_759, %dma_wait3A_760] : memref<10000x128xf32, #tpu.memory_space<hbm>> -> memref<10000x128xf32, #tpu.memory_space<hbm>>
      %dma_wait3A_762 = tpu.memref_slice %arg8[%dma_wait3A_751] : memref<2x!tpu.dma_semaphore, #tpu.memory_space<semaphore_mem>> -> memref<1x!tpu.dma_semaphore, #tpu.memory_space<semaphore_mem>>
      %dma_wait3A_763 = tpu.memref_squeeze %dma_wait3A_762 : memref<1x!tpu.dma_semaphore, #tpu.memory_space<semaphore_mem>> -> memref<!tpu.dma_semaphore, #tpu.memory_space<semaphore_mem>>
      tpu.wait_indirect_dma semaphore(%dma_wait3A_763 : memref<!tpu.dma_semaphore, #tpu.memory_space<semaphore_mem>>) src(%dma_wait3A_761 : memref<10000x128xf32, #tpu.memory_space<hbm>>) dst(%dma_wait3A_755 : memref<128x128xf32, #tpu.memory_space<vmem>>)
      %dma_start3A_764 = arith.constant 0 : i32
      %dma_start3A_765 = arith.constant 1 : i32
      %dma_start3A_766 = arith.constant 2 : i32
      %dma_start3A_767 = arith.constant 1 : i32
      %dma_start3A_768 = arith.constant 0 : i32
      %dma_start3A_769 = arith.constant 0 : i32
      %dma_start3A_770 = arith.constant 0 : i32
      %dma_start3A_771 = tpu.memref_slice %arg6[%dma_start3A_764, %dma_start3A_769, %dma_start3A_770] : memref<2x128x128xf32, #tpu.memory_space<vmem>> -> memref<1x128x128xf32, #tpu.memory_space<vmem>>
      %dma_start3A_772 = tpu.memref_squeeze %dma_start3A_771 : memref<1x128x128xf32, #tpu.memory_space<vmem>> -> memref<128x128xf32, #tpu.memory_space<vmem>>
      %dma_start3A_773 = arith.constant 0 : i32
      %dma_start3A_774 = tpu.memref_slice %arg5[%dma_start3A_765, %dma_start3A_766, %dma_start3A_767, %dma_start3A_773] : memref<2x4x2x128xi32, #tpu.memory_space<vmem>> -> memref<1x1x1x128xi32, #tpu.memory_space<vmem>>
      %dma_start3A_775 = tpu.memref_squeeze %dma_start3A_774 : memref<1x1x1x128xi32, #tpu.memory_space<vmem>> -> memref<128xi32, #tpu.memory_space<vmem>>
      %dma_start3A_776 = arith.constant 0 : i32
      %dma_start3A_777 = arith.constant 0 : i32
      %dma_start3A_778 = tpu.memref_slice %arg7[%dma_start3A_776, %dma_start3A_777] : memref<10016x128xf32, #tpu.memory_space<vmem_shared>> -> memref<10016x128xf32, #tpu.memory_space<vmem_shared>>
      %dma_start3A_779 = tpu.memref_slice %arg10[%dma_start3A_768] : memref<2x!tpu.dma_semaphore, #tpu.memory_space<semaphore_mem>> -> memref<1x!tpu.dma_semaphore, #tpu.memory_space<semaphore_mem>>
      %dma_start3A_780 = tpu.memref_squeeze %dma_start3A_779 : memref<1x!tpu.dma_semaphore, #tpu.memory_space<semaphore_mem>> -> memref<!tpu.dma_semaphore, #tpu.memory_space<semaphore_mem>>
      tpu.enqueue_indirect_dma source(%dma_start3A_772 : memref<128x128xf32, #tpu.memory_space<vmem>>) target(%dma_start3A_778 : memref<10016x128xf32, #tpu.memory_space<vmem_shared>>) offsets(%dma_start3A_775 : memref<128xi32, #tpu.memory_space<vmem>>) semaphore(%dma_start3A_780 : memref<!tpu.dma_semaphore, #tpu.memory_space<semaphore_mem>>) {add = true}
      %dma_wait3A_781 = arith.constant 0 : i32
      %dma_wait3A_782 = arith.constant 1 : i32
      %dma_wait3A_783 = arith.constant 3 : i32
      %dma_wait3A_784 = arith.constant 1 : i32
      %dma_wait3A_785 = arith.constant 0 : i32
      %dma_wait3A_786 = arith.constant 0 : i32
      %dma_wait3A_787 = arith.constant 0 : i32
      %dma_wait3A_788 = tpu.memref_slice %arg6[%dma_wait3A_781, %dma_wait3A_786, %dma_wait3A_787] : memref<2x128x128xf32, #tpu.memory_space<vmem>> -> memref<1x128x128xf32, #tpu.memory_space<vmem>>
      %dma_wait3A_789 = tpu.memref_squeeze %dma_wait3A_788 : memref<1x128x128xf32, #tpu.memory_space<vmem>> -> memref<128x128xf32, #tpu.memory_space<vmem>>
      %dma_wait3A_790 = arith.constant 0 : i32
      %dma_wait3A_791 = tpu.memref_slice %arg5[%dma_wait3A_782, %dma_wait3A_783, %dma_wait3A_784, %dma_wait3A_790] : memref<2x4x2x128xi32, #tpu.memory_space<vmem>> -> memref<1x1x1x128xi32, #tpu.memory_space<vmem>>
      %dma_wait3A_792 = tpu.memref_squeeze %dma_wait3A_791 : memref<1x1x1x128xi32, #tpu.memory_space<vmem>> -> memref<128xi32, #tpu.memory_space<vmem>>
      %dma_wait3A_793 = arith.constant 0 : i32
      %dma_wait3A_794 = arith.constant 0 : i32
      %dma_wait3A_795 = tpu.memref_slice %arg7[%dma_wait3A_793, %dma_wait3A_794] : memref<10016x128xf32, #tpu.memory_space<vmem_shared>> -> memref<10016x128xf32, #tpu.memory_space<vmem_shared>>
      %dma_wait3A_796 = tpu.memref_slice %arg10[%dma_wait3A_785] : memref<2x!tpu.dma_semaphore, #tpu.memory_space<semaphore_mem>> -> memref<1x!tpu.dma_semaphore, #tpu.memory_space<semaphore_mem>>
      %dma_wait3A_797 = tpu.memref_squeeze %dma_wait3A_796 : memref<1x!tpu.dma_semaphore, #tpu.memory_space<semaphore_mem>> -> memref<!tpu.dma_semaphore, #tpu.memory_space<semaphore_mem>>
      tpu.wait_indirect_dma semaphore(%dma_wait3A_797 : memref<!tpu.dma_semaphore, #tpu.memory_space<semaphore_mem>>) src(%dma_wait3A_789 : memref<128x128xf32, #tpu.memory_space<vmem>>) dst(%dma_wait3A_795 : memref<10016x128xf32, #tpu.memory_space<vmem_shared>>)
      %dma_wait3A_798 = arith.constant 0 : i32
      %dma_wait3A_799 = arith.constant 0 : i32
      %dma_wait3A_800 = arith.constant 0 : i32
      %dma_wait3A_801 = arith.constant 0 : i32
      %dma_wait3A_802 = arith.constant 0 : i32
      %dma_wait3A_803 = tpu.memref_slice %arg5[%dma_wait3A_798, %dma_wait3A_800, %dma_wait3A_801, %dma_wait3A_802] : memref<2x4x2x128xi32, #tpu.memory_space<vmem>> -> memref<1x4x2x128xi32, #tpu.memory_space<vmem>>
      %dma_wait3A_804 = tpu.memref_squeeze %dma_wait3A_803 : memref<1x4x2x128xi32, #tpu.memory_space<vmem>> -> memref<4x2x128xi32, #tpu.memory_space<vmem>>
      %dma_wait3A_805 = arith.constant 0 : i32
      %dma_wait3A_806 = arith.constant 0 : i32
      %dma_wait3A_807 = arith.constant 0 : i32
      %dma_wait3A_808 = tpu.memref_slice %arg3[%add3A, %dma_wait3A_805, %dma_wait3A_806, %dma_wait3A_807] : memref<32x80x2x128xi32, #tpu.memory_space<hbm>> -> memref<1x4x2x128xi32, #tpu.memory_space<hbm>>
      %dma_wait3A_809 = tpu.memref_squeeze %dma_wait3A_808 : memref<1x4x2x128xi32, #tpu.memory_space<hbm>> -> memref<4x2x128xi32, #tpu.memory_space<hbm>>
      %dma_wait3A_810 = tpu.memref_slice %arg9[%dma_wait3A_799] : memref<2x!tpu.dma_semaphore, #tpu.memory_space<semaphore_mem>> -> memref<1x!tpu.dma_semaphore, #tpu.memory_space<semaphore_mem>>
      %dma_wait3A_811 = tpu.memref_squeeze %dma_wait3A_810 : memref<1x!tpu.dma_semaphore, #tpu.memory_space<semaphore_mem>> -> memref<!tpu.dma_semaphore, #tpu.memory_space<semaphore_mem>>
      %dma_wait3A_812 = arith.constant 0 : i32
      %dma_wait3A_813 = arith.constant 0 : i32
      %dma_wait3A_814 = arith.constant 0 : i32
      %dma_wait3A_815 = tpu.memref_slice %arg5[%dma_wait3A_798, %dma_wait3A_812, %dma_wait3A_813, %dma_wait3A_814] : memref<2x4x2x128xi32, #tpu.memory_space<vmem>> -> memref<1x4x2x128xi32, #tpu.memory_space<vmem>>
      %dma_wait3A_816 = tpu.memref_squeeze %dma_wait3A_815 : memref<1x4x2x128xi32, #tpu.memory_space<vmem>> -> memref<4x2x128xi32, #tpu.memory_space<vmem>>
      %dma_wait3A_817 = arith.constant 0 : i32
      %dma_wait3A_818 = arith.constant 0 : i32
      %dma_wait3A_819 = arith.constant 0 : i32
      %dma_wait3A_820 = tpu.memref_slice %arg3[%add3A, %dma_wait3A_817, %dma_wait3A_818, %dma_wait3A_819] : memref<32x80x2x128xi32, #tpu.memory_space<hbm>> -> memref<1x4x2x128xi32, #tpu.memory_space<hbm>>
      %dma_wait3A_821 = tpu.memref_squeeze %dma_wait3A_820 : memref<1x4x2x128xi32, #tpu.memory_space<hbm>> -> memref<4x2x128xi32, #tpu.memory_space<hbm>>
      tpu.wait_dma2 semaphore(%dma_wait3A_811 : memref<!tpu.dma_semaphore, #tpu.memory_space<semaphore_mem>>) src(%dma_wait3A_821 : memref<4x2x128xi32, #tpu.memory_space<hbm>>) dst(%dma_wait3A_816 : memref<4x2x128xi32, #tpu.memory_space<vmem>>)
      %dma_start3A_822 = arith.constant 0 : i32
      %dma_start3A_823 = arith.constant 0 : i32
      %dma_start3A_824 = arith.constant 0 : i32
      %dma_start3A_825 = arith.constant 0 : i32
      %dma_start3A_826 = arith.constant 0 : i32
      %dma_start3A_827 = arith.constant 0 : i32
      %dma_start3A_828 = arith.constant 0 : i32
      %dma_start3A_829 = tpu.memref_slice %arg6[%dma_start3A_825, %dma_start3A_827, %dma_start3A_828] : memref<2x128x128xf32, #tpu.memory_space<vmem>> -> memref<1x128x128xf32, #tpu.memory_space<vmem>>
      %dma_start3A_830 = tpu.memref_squeeze %dma_start3A_829 : memref<1x128x128xf32, #tpu.memory_space<vmem>> -> memref<128x128xf32, #tpu.memory_space<vmem>>
      %dma_start3A_831 = arith.constant 0 : i32
      %dma_start3A_832 = tpu.memref_slice %arg5[%dma_start3A_822, %dma_start3A_823, %dma_start3A_824, %dma_start3A_831] : memref<2x4x2x128xi32, #tpu.memory_space<vmem>> -> memref<1x1x1x128xi32, #tpu.memory_space<vmem>>
      %dma_start3A_833 = tpu.memref_squeeze %dma_start3A_832 : memref<1x1x1x128xi32, #tpu.memory_space<vmem>> -> memref<128xi32, #tpu.memory_space<vmem>>
      %dma_start3A_834 = arith.constant 0 : i32
      %dma_start3A_835 = arith.constant 0 : i32
      %dma_start3A_836 = tpu.memref_slice %arg2[%dma_start3A_834, %dma_start3A_835] : memref<10000x128xf32, #tpu.memory_space<hbm>> -> memref<10000x128xf32, #tpu.memory_space<hbm>>
      %dma_start3A_837 = tpu.memref_slice %arg8[%dma_start3A_826] : memref<2x!tpu.dma_semaphore, #tpu.memory_space<semaphore_mem>> -> memref<1x!tpu.dma_semaphore, #tpu.memory_space<semaphore_mem>>
      %dma_start3A_838 = tpu.memref_squeeze %dma_start3A_837 : memref<1x!tpu.dma_semaphore, #tpu.memory_space<semaphore_mem>> -> memref<!tpu.dma_semaphore, #tpu.memory_space<semaphore_mem>>
      tpu.enqueue_indirect_dma source(%dma_start3A_836 : memref<10000x128xf32, #tpu.memory_space<hbm>>) target(%dma_start3A_830 : memref<128x128xf32, #tpu.memory_space<vmem>>) offsets(%dma_start3A_833 : memref<128xi32, #tpu.memory_space<vmem>>) semaphore(%dma_start3A_838 : memref<!tpu.dma_semaphore, #tpu.memory_space<semaphore_mem>>)
      %dma_wait3A_839 = arith.constant 1 : i32
      %dma_wait3A_840 = arith.constant 3 : i32
      %dma_wait3A_841 = arith.constant 0 : i32
      %dma_wait3A_842 = arith.constant 1 : i32
      %dma_wait3A_843 = arith.constant 1 : i32
      %dma_wait3A_844 = arith.constant 0 : i32
      %dma_wait3A_845 = arith.constant 0 : i32
      %dma_wait3A_846 = tpu.memref_slice %arg6[%dma_wait3A_842, %dma_wait3A_844, %dma_wait3A_845] : memref<2x128x128xf32, #tpu.memory_space<vmem>> -> memref<1x128x128xf32, #tpu.memory_space<vmem>>
      %dma_wait3A_847 = tpu.memref_squeeze %dma_wait3A_846 : memref<1x128x128xf32, #tpu.memory_space<vmem>> -> memref<128x128xf32, #tpu.memory_space<vmem>>
      %dma_wait3A_848 = arith.constant 0 : i32
      %dma_wait3A_849 = tpu.memref_slice %arg5[%dma_wait3A_839, %dma_wait3A_840, %dma_wait3A_841, %dma_wait3A_848] : memref<2x4x2x128xi32, #tpu.memory_space<vmem>> -> memref<1x1x1x128xi32, #tpu.memory_space<vmem>>
      %dma_wait3A_850 = tpu.memref_squeeze %dma_wait3A_849 : memref<1x1x1x128xi32, #tpu.memory_space<vmem>> -> memref<128xi32, #tpu.memory_space<vmem>>
      %dma_wait3A_851 = arith.constant 0 : i32
      %dma_wait3A_852 = arith.constant 0 : i32
      %dma_wait3A_853 = tpu.memref_slice %arg2[%dma_wait3A_851, %dma_wait3A_852] : memref<10000x128xf32, #tpu.memory_space<hbm>> -> memref<10000x128xf32, #tpu.memory_space<hbm>>
      %dma_wait3A_854 = tpu.memref_slice %arg8[%dma_wait3A_843] : memref<2x!tpu.dma_semaphore, #tpu.memory_space<semaphore_mem>> -> memref<1x!tpu.dma_semaphore, #tpu.memory_space<semaphore_mem>>
      %dma_wait3A_855 = tpu.memref_squeeze %dma_wait3A_854 : memref<1x!tpu.dma_semaphore, #tpu.memory_space<semaphore_mem>> -> memref<!tpu.dma_semaphore, #tpu.memory_space<semaphore_mem>>
      tpu.wait_indirect_dma semaphore(%dma_wait3A_855 : memref<!tpu.dma_semaphore, #tpu.memory_space<semaphore_mem>>) src(%dma_wait3A_853 : memref<10000x128xf32, #tpu.memory_space<hbm>>) dst(%dma_wait3A_847 : memref<128x128xf32, #tpu.memory_space<vmem>>)
      %dma_start3A_856 = arith.constant 1 : i32
      %dma_start3A_857 = arith.constant 1 : i32
      %dma_start3A_858 = arith.constant 3 : i32
      %dma_start3A_859 = arith.constant 1 : i32
      %dma_start3A_860 = arith.constant 1 : i32
      %dma_start3A_861 = arith.constant 0 : i32
      %dma_start3A_862 = arith.constant 0 : i32
      %dma_start3A_863 = tpu.memref_slice %arg6[%dma_start3A_856, %dma_start3A_861, %dma_start3A_862] : memref<2x128x128xf32, #tpu.memory_space<vmem>> -> memref<1x128x128xf32, #tpu.memory_space<vmem>>
      %dma_start3A_864 = tpu.memref_squeeze %dma_start3A_863 : memref<1x128x128xf32, #tpu.memory_space<vmem>> -> memref<128x128xf32, #tpu.memory_space<vmem>>
      %dma_start3A_865 = arith.constant 0 : i32
      %dma_start3A_866 = tpu.memref_slice %arg5[%dma_start3A_857, %dma_start3A_858, %dma_start3A_859, %dma_start3A_865] : memref<2x4x2x128xi32, #tpu.memory_space<vmem>> -> memref<1x1x1x128xi32, #tpu.memory_space<vmem>>
      %dma_start3A_867 = tpu.memref_squeeze %dma_start3A_866 : memref<1x1x1x128xi32, #tpu.memory_space<vmem>> -> memref<128xi32, #tpu.memory_space<vmem>>
      %dma_start3A_868 = arith.constant 0 : i32
      %dma_start3A_869 = arith.constant 0 : i32
      %dma_start3A_870 = tpu.memref_slice %arg7[%dma_start3A_868, %dma_start3A_869] : memref<10016x128xf32, #tpu.memory_space<vmem_shared>> -> memref<10016x128xf32, #tpu.memory_space<vmem_shared>>
      %dma_start3A_871 = tpu.memref_slice %arg10[%dma_start3A_860] : memref<2x!tpu.dma_semaphore, #tpu.memory_space<semaphore_mem>> -> memref<1x!tpu.dma_semaphore, #tpu.memory_space<semaphore_mem>>
      %dma_start3A_872 = tpu.memref_squeeze %dma_start3A_871 : memref<1x!tpu.dma_semaphore, #tpu.memory_space<semaphore_mem>> -> memref<!tpu.dma_semaphore, #tpu.memory_space<semaphore_mem>>
      tpu.enqueue_indirect_dma source(%dma_start3A_864 : memref<128x128xf32, #tpu.memory_space<vmem>>) target(%dma_start3A_870 : memref<10016x128xf32, #tpu.memory_space<vmem_shared>>) offsets(%dma_start3A_867 : memref<128xi32, #tpu.memory_space<vmem>>) semaphore(%dma_start3A_872 : memref<!tpu.dma_semaphore, #tpu.memory_space<semaphore_mem>>) {add = true}
      %mul3A_873 = arith.constant 2 : i32
      %mul3A_874 = arith.muli %mul3A_873, %scan3A_545 : i32
      %add3A_875 = arith.constant 2 : i32
      %add3A_876 = arith.addi %mul3A_874, %add3A_875 : i32
      %add3A_877 = arith.constant 1 : i32
      %add3A_878 = arith.addi %add3A_876, %add3A_877 : i32
      %dma_wait3A_879 = arith.constant 1 : i32
      %dma_wait3A_880 = arith.constant 0 : i32
      %dma_wait3A_881 = arith.constant 0 : i32
      %dma_wait3A_882 = arith.constant 1 : i32
      %dma_wait3A_883 = arith.constant 1 : i32
      %dma_wait3A_884 = arith.constant 0 : i32
      %dma_wait3A_885 = arith.constant 0 : i32
      %dma_wait3A_886 = tpu.memref_slice %arg6[%dma_wait3A_879, %dma_wait3A_884, %dma_wait3A_885] : memref<2x128x128xf32, #tpu.memory_space<vmem>> -> memref<1x128x128xf32, #tpu.memory_space<vmem>>
      %dma_wait3A_887 = tpu.memref_squeeze %dma_wait3A_886 : memref<1x128x128xf32, #tpu.memory_space<vmem>> -> memref<128x128xf32, #tpu.memory_space<vmem>>
      %dma_wait3A_888 = arith.constant 0 : i32
      %dma_wait3A_889 = tpu.memref_slice %arg5[%dma_wait3A_880, %dma_wait3A_881, %dma_wait3A_882, %dma_wait3A_888] : memref<2x4x2x128xi32, #tpu.memory_space<vmem>> -> memref<1x1x1x128xi32, #tpu.memory_space<vmem>>
      %dma_wait3A_890 = tpu.memref_squeeze %dma_wait3A_889 : memref<1x1x1x128xi32, #tpu.memory_space<vmem>> -> memref<128xi32, #tpu.memory_space<vmem>>
      %dma_wait3A_891 = arith.constant 0 : i32
      %dma_wait3A_892 = arith.constant 0 : i32
      %dma_wait3A_893 = tpu.memref_slice %arg7[%dma_wait3A_891, %dma_wait3A_892] : memref<10016x128xf32, #tpu.memory_space<vmem_shared>> -> memref<10016x128xf32, #tpu.memory_space<vmem_shared>>
      %dma_wait3A_894 = tpu.memref_slice %arg10[%dma_wait3A_883] : memref<2x!tpu.dma_semaphore, #tpu.memory_space<semaphore_mem>> -> memref<1x!tpu.dma_semaphore, #tpu.memory_space<semaphore_mem>>
      %dma_wait3A_895 = tpu.memref_squeeze %dma_wait3A_894 : memref<1x!tpu.dma_semaphore, #tpu.memory_space<semaphore_mem>> -> memref<!tpu.dma_semaphore, #tpu.memory_space<semaphore_mem>>
      tpu.wait_indirect_dma semaphore(%dma_wait3A_895 : memref<!tpu.dma_semaphore, #tpu.memory_space<semaphore_mem>>) src(%dma_wait3A_887 : memref<128x128xf32, #tpu.memory_space<vmem>>) dst(%dma_wait3A_893 : memref<10016x128xf32, #tpu.memory_space<vmem_shared>>)
      %mul3A_896 = arith.constant 4 : i32
      %mul3A_897 = arith.muli %mul3A_896, %add3A_878 : i32
      %dma_start3A_898 = arith.constant 1 : i32
      %dma_start3A_899 = arith.constant 1 : i32
      %dma_start3A_900 = arith.constant 0 : i32
      %dma_start3A_901 = arith.constant 0 : i32
      %dma_start3A_902 = arith.constant 0 : i32
      %dma_start3A_903 = tpu.memref_slice %arg5[%dma_start3A_898, %dma_start3A_900, %dma_start3A_901, %dma_start3A_902] : memref<2x4x2x128xi32, #tpu.memory_space<vmem>> -> memref<1x4x2x128xi32, #tpu.memory_space<vmem>>
      %dma_start3A_904 = tpu.memref_squeeze %dma_start3A_903 : memref<1x4x2x128xi32, #tpu.memory_space<vmem>> -> memref<4x2x128xi32, #tpu.memory_space<vmem>>
      %dma_start3A_905 = arith.constant 0 : i32
      %dma_start3A_906 = arith.constant 0 : i32
      %dma_start3A_907 = tpu.memref_slice %arg3[%add3A, %mul3A_897, %dma_start3A_905, %dma_start3A_906] : memref<32x80x2x128xi32, #tpu.memory_space<hbm>> -> memref<1x4x2x128xi32, #tpu.memory_space<hbm>>
      %dma_start3A_908 = tpu.memref_squeeze %dma_start3A_907 : memref<1x4x2x128xi32, #tpu.memory_space<hbm>> -> memref<4x2x128xi32, #tpu.memory_space<hbm>>
      %dma_start3A_909 = tpu.memref_slice %arg9[%dma_start3A_899] : memref<2x!tpu.dma_semaphore, #tpu.memory_space<semaphore_mem>> -> memref<1x!tpu.dma_semaphore, #tpu.memory_space<semaphore_mem>>
      %dma_start3A_910 = tpu.memref_squeeze %dma_start3A_909 : memref<1x!tpu.dma_semaphore, #tpu.memory_space<semaphore_mem>> -> memref<!tpu.dma_semaphore, #tpu.memory_space<semaphore_mem>>
      %dma_start3A_911 = arith.constant 0 : i32
      %dma_start3A_912 = arith.constant 0 : i32
      %dma_start3A_913 = arith.constant 0 : i32
      %dma_start3A_914 = tpu.memref_slice %arg5[%dma_start3A_898, %dma_start3A_911, %dma_start3A_912, %dma_start3A_913] : memref<2x4x2x128xi32, #tpu.memory_space<vmem>> -> memref<1x4x2x128xi32, #tpu.memory_space<vmem>>
      %dma_start3A_915 = tpu.memref_squeeze %dma_start3A_914 : memref<1x4x2x128xi32, #tpu.memory_space<vmem>> -> memref<4x2x128xi32, #tpu.memory_space<vmem>>
      %dma_start3A_916 = arith.constant 0 : i32
      %dma_start3A_917 = arith.constant 0 : i32
      %dma_start3A_918 = tpu.memref_slice %arg3[%add3A, %mul3A_897, %dma_start3A_916, %dma_start3A_917] : memref<32x80x2x128xi32, #tpu.memory_space<hbm>> -> memref<1x4x2x128xi32, #tpu.memory_space<hbm>>
      %dma_start3A_919 = tpu.memref_squeeze %dma_start3A_918 : memref<1x4x2x128xi32, #tpu.memory_space<hbm>> -> memref<4x2x128xi32, #tpu.memory_space<hbm>>
      tpu.enqueue_dma source(%dma_start3A_919 : memref<4x2x128xi32, #tpu.memory_space<hbm>>) target(%dma_start3A_915 : memref<4x2x128xi32, #tpu.memory_space<vmem>>) target_semaphore(%dma_start3A_910 : memref<!tpu.dma_semaphore, #tpu.memory_space<semaphore_mem>>)
      %dma_start3A_920 = arith.constant 0 : i32
      %dma_start3A_921 = arith.constant 1 : i32
      %dma_start3A_922 = arith.constant 0 : i32
      %dma_start3A_923 = arith.constant 1 : i32
      %dma_start3A_924 = arith.constant 1 : i32
      %dma_start3A_925 = arith.constant 0 : i32
      %dma_start3A_926 = arith.constant 0 : i32
      %dma_start3A_927 = tpu.memref_slice %arg6[%dma_start3A_923, %dma_start3A_925, %dma_start3A_926] : memref<2x128x128xf32, #tpu.memory_space<vmem>> -> memref<1x128x128xf32, #tpu.memory_space<vmem>>
      %dma_start3A_928 = tpu.memref_squeeze %dma_start3A_927 : memref<1x128x128xf32, #tpu.memory_space<vmem>> -> memref<128x128xf32, #tpu.memory_space<vmem>>
      %dma_start3A_929 = arith.constant 0 : i32
      %dma_start3A_930 = tpu.memref_slice %arg5[%dma_start3A_920, %dma_start3A_921, %dma_start3A_922, %dma_start3A_929] : memref<2x4x2x128xi32, #tpu.memory_space<vmem>> -> memref<1x1x1x128xi32, #tpu.memory_space<vmem>>
      %dma_start3A_931 = tpu.memref_squeeze %dma_start3A_930 : memref<1x1x1x128xi32, #tpu.memory_space<vmem>> -> memref<128xi32, #tpu.memory_space<vmem>>
      %dma_start3A_932 = arith.constant 0 : i32
      %dma_start3A_933 = arith.constant 0 : i32
      %dma_start3A_934 = tpu.memref_slice %arg2[%dma_start3A_932, %dma_start3A_933] : memref<10000x128xf32, #tpu.memory_space<hbm>> -> memref<10000x128xf32, #tpu.memory_space<hbm>>
      %dma_start3A_935 = tpu.memref_slice %arg8[%dma_start3A_924] : memref<2x!tpu.dma_semaphore, #tpu.memory_space<semaphore_mem>> -> memref<1x!tpu.dma_semaphore, #tpu.memory_space<semaphore_mem>>
      %dma_start3A_936 = tpu.memref_squeeze %dma_start3A_935 : memref<1x!tpu.dma_semaphore, #tpu.memory_space<semaphore_mem>> -> memref<!tpu.dma_semaphore, #tpu.memory_space<semaphore_mem>>
      tpu.enqueue_indirect_dma source(%dma_start3A_934 : memref<10000x128xf32, #tpu.memory_space<hbm>>) target(%dma_start3A_928 : memref<128x128xf32, #tpu.memory_space<vmem>>) offsets(%dma_start3A_931 : memref<128xi32, #tpu.memory_space<vmem>>) semaphore(%dma_start3A_936 : memref<!tpu.dma_semaphore, #tpu.memory_space<semaphore_mem>>)
      %dma_wait3A_937 = arith.constant 0 : i32
      %dma_wait3A_938 = arith.constant 0 : i32
      %dma_wait3A_939 = arith.constant 0 : i32
      %dma_wait3A_940 = arith.constant 0 : i32
      %dma_wait3A_941 = arith.constant 0 : i32
      %dma_wait3A_942 = arith.constant 0 : i32
      %dma_wait3A_943 = arith.constant 0 : i32
      %dma_wait3A_944 = tpu.memref_slice %arg6[%dma_wait3A_940, %dma_wait3A_942, %dma_wait3A_943] : memref<2x128x128xf32, #tpu.memory_space<vmem>> -> memref<1x128x128xf32, #tpu.memory_space<vmem>>
      %dma_wait3A_945 = tpu.memref_squeeze %dma_wait3A_944 : memref<1x128x128xf32, #tpu.memory_space<vmem>> -> memref<128x128xf32, #tpu.memory_space<vmem>>
      %dma_wait3A_946 = arith.constant 0 : i32
      %dma_wait3A_947 = tpu.memref_slice %arg5[%dma_wait3A_937, %dma_wait3A_938, %dma_wait3A_939, %dma_wait3A_946] : memref<2x4x2x128xi32, #tpu.memory_space<vmem>> -> memref<1x1x1x128xi32, #tpu.memory_space<vmem>>
      %dma_wait3A_948 = tpu.memref_squeeze %dma_wait3A_947 : memref<1x1x1x128xi32, #tpu.memory_space<vmem>> -> memref<128xi32, #tpu.memory_space<vmem>>
      %dma_wait3A_949 = arith.constant 0 : i32
      %dma_wait3A_950 = arith.constant 0 : i32
      %dma_wait3A_951 = tpu.memref_slice %arg2[%dma_wait3A_949, %dma_wait3A_950] : memref<10000x128xf32, #tpu.memory_space<hbm>> -> memref<10000x128xf32, #tpu.memory_space<hbm>>
      %dma_wait3A_952 = tpu.memref_slice %arg8[%dma_wait3A_941] : memref<2x!tpu.dma_semaphore, #tpu.memory_space<semaphore_mem>> -> memref<1x!tpu.dma_semaphore, #tpu.memory_space<semaphore_mem>>
      %dma_wait3A_953 = tpu.memref_squeeze %dma_wait3A_952 : memref<1x!tpu.dma_semaphore, #tpu.memory_space<semaphore_mem>> -> memref<!tpu.dma_semaphore, #tpu.memory_space<semaphore_mem>>
      tpu.wait_indirect_dma semaphore(%dma_wait3A_953 : memref<!tpu.dma_semaphore, #tpu.memory_space<semaphore_mem>>) src(%dma_wait3A_951 : memref<10000x128xf32, #tpu.memory_space<hbm>>) dst(%dma_wait3A_945 : memref<128x128xf32, #tpu.memory_space<vmem>>)
      %dma_start3A_954 = arith.constant 0 : i32
      %dma_start3A_955 = arith.constant 0 : i32
      %dma_start3A_956 = arith.constant 0 : i32
      %dma_start3A_957 = arith.constant 1 : i32
      %dma_start3A_958 = arith.constant 0 : i32
      %dma_start3A_959 = arith.constant 0 : i32
      %dma_start3A_960 = arith.constant 0 : i32
      %dma_start3A_961 = tpu.memref_slice %arg6[%dma_start3A_954, %dma_start3A_959, %dma_start3A_960] : memref<2x128x128xf32, #tpu.memory_space<vmem>> -> memref<1x128x128xf32, #tpu.memory_space<vmem>>
      %dma_start3A_962 = tpu.memref_squeeze %dma_start3A_961 : memref<1x128x128xf32, #tpu.memory_space<vmem>> -> memref<128x128xf32, #tpu.memory_space<vmem>>
      %dma_start3A_963 = arith.constant 0 : i32
      %dma_start3A_964 = tpu.memref_slice %arg5[%dma_start3A_955, %dma_start3A_956, %dma_start3A_957, %dma_start3A_963] : memref<2x4x2x128xi32, #tpu.memory_space<vmem>> -> memref<1x1x1x128xi32, #tpu.memory_space<vmem>>
      %dma_start3A_965 = tpu.memref_squeeze %dma_start3A_964 : memref<1x1x1x128xi32, #tpu.memory_space<vmem>> -> memref<128xi32, #tpu.memory_space<vmem>>
      %dma_start3A_966 = arith.constant 0 : i32
      %dma_start3A_967 = arith.constant 0 : i32
      %dma_start3A_968 = tpu.memref_slice %arg7[%dma_start3A_966, %dma_start3A_967] : memref<10016x128xf32, #tpu.memory_space<vmem_shared>> -> memref<10016x128xf32, #tpu.memory_space<vmem_shared>>
      %dma_start3A_969 = tpu.memref_slice %arg10[%dma_start3A_958] : memref<2x!tpu.dma_semaphore, #tpu.memory_space<semaphore_mem>> -> memref<1x!tpu.dma_semaphore, #tpu.memory_space<semaphore_mem>>
      %dma_start3A_970 = tpu.memref_squeeze %dma_start3A_969 : memref<1x!tpu.dma_semaphore, #tpu.memory_space<semaphore_mem>> -> memref<!tpu.dma_semaphore, #tpu.memory_space<semaphore_mem>>
      tpu.enqueue_indirect_dma source(%dma_start3A_962 : memref<128x128xf32, #tpu.memory_space<vmem>>) target(%dma_start3A_968 : memref<10016x128xf32, #tpu.memory_space<vmem_shared>>) offsets(%dma_start3A_965 : memref<128xi32, #tpu.memory_space<vmem>>) semaphore(%dma_start3A_970 : memref<!tpu.dma_semaphore, #tpu.memory_space<semaphore_mem>>) {add = true}
      %dma_wait3A_971 = arith.constant 0 : i32
      %dma_wait3A_972 = arith.constant 0 : i32
      %dma_wait3A_973 = arith.constant 1 : i32
      %dma_wait3A_974 = arith.constant 1 : i32
      %dma_wait3A_975 = arith.constant 0 : i32
      %dma_wait3A_976 = arith.constant 0 : i32
      %dma_wait3A_977 = arith.constant 0 : i32
      %dma_wait3A_978 = tpu.memref_slice %arg6[%dma_wait3A_971, %dma_wait3A_976, %dma_wait3A_977] : memref<2x128x128xf32, #tpu.memory_space<vmem>> -> memref<1x128x128xf32, #tpu.memory_space<vmem>>
      %dma_wait3A_979 = tpu.memref_squeeze %dma_wait3A_978 : memref<1x128x128xf32, #tpu.memory_space<vmem>> -> memref<128x128xf32, #tpu.memory_space<vmem>>
      %dma_wait3A_980 = arith.constant 0 : i32
      %dma_wait3A_981 = tpu.memref_slice %arg5[%dma_wait3A_972, %dma_wait3A_973, %dma_wait3A_974, %dma_wait3A_980] : memref<2x4x2x128xi32, #tpu.memory_space<vmem>> -> memref<1x1x1x128xi32, #tpu.memory_space<vmem>>
      %dma_wait3A_982 = tpu.memref_squeeze %dma_wait3A_981 : memref<1x1x1x128xi32, #tpu.memory_space<vmem>> -> memref<128xi32, #tpu.memory_space<vmem>>
      %dma_wait3A_983 = arith.constant 0 : i32
      %dma_wait3A_984 = arith.constant 0 : i32
      %dma_wait3A_985 = tpu.memref_slice %arg7[%dma_wait3A_983, %dma_wait3A_984] : memref<10016x128xf32, #tpu.memory_space<vmem_shared>> -> memref<10016x128xf32, #tpu.memory_space<vmem_shared>>
      %dma_wait3A_986 = tpu.memref_slice %arg10[%dma_wait3A_975] : memref<2x!tpu.dma_semaphore, #tpu.memory_space<semaphore_mem>> -> memref<1x!tpu.dma_semaphore, #tpu.memory_space<semaphore_mem>>
      %dma_wait3A_987 = tpu.memref_squeeze %dma_wait3A_986 : memref<1x!tpu.dma_semaphore, #tpu.memory_space<semaphore_mem>> -> memref<!tpu.dma_semaphore, #tpu.memory_space<semaphore_mem>>
      tpu.wait_indirect_dma semaphore(%dma_wait3A_987 : memref<!tpu.dma_semaphore, #tpu.memory_space<semaphore_mem>>) src(%dma_wait3A_979 : memref<128x128xf32, #tpu.memory_space<vmem>>) dst(%dma_wait3A_985 : memref<10016x128xf32, #tpu.memory_space<vmem_shared>>)
      %dma_start3A_988 = arith.constant 0 : i32
      %dma_start3A_989 = arith.constant 2 : i32
      %dma_start3A_990 = arith.constant 0 : i32
      %dma_start3A_991 = arith.constant 0 : i32
      %dma_start3A_992 = arith.constant 0 : i32
      %dma_start3A_993 = arith.constant 0 : i32
      %dma_start3A_994 = arith.constant 0 : i32
      %dma_start3A_995 = tpu.memref_slice %arg6[%dma_start3A_991, %dma_start3A_993, %dma_start3A_994] : memref<2x128x128xf32, #tpu.memory_space<vmem>> -> memref<1x128x128xf32, #tpu.memory_space<vmem>>
      %dma_start3A_996 = tpu.memref_squeeze %dma_start3A_995 : memref<1x128x128xf32, #tpu.memory_space<vmem>> -> memref<128x128xf32, #tpu.memory_space<vmem>>
      %dma_start3A_997 = arith.constant 0 : i32
      %dma_start3A_998 = tpu.memref_slice %arg5[%dma_start3A_988, %dma_start3A_989, %dma_start3A_990, %dma_start3A_997] : memref<2x4x2x128xi32, #tpu.memory_space<vmem>> -> memref<1x1x1x128xi32, #tpu.memory_space<vmem>>
      %dma_start3A_999 = tpu.memref_squeeze %dma_start3A_998 : memref<1x1x1x128xi32, #tpu.memory_space<vmem>> -> memref<128xi32, #tpu.memory_space<vmem>>
      %dma_start3A_1000 = arith.constant 0 : i32
      %dma_start3A_1001 = arith.constant 0 : i32
      %dma_start3A_1002 = tpu.memref_slice %arg2[%dma_start3A_1000, %dma_start3A_1001] : memref<10000x128xf32, #tpu.memory_space<hbm>> -> memref<10000x128xf32, #tpu.memory_space<hbm>>
      %dma_start3A_1003 = tpu.memref_slice %arg8[%dma_start3A_992] : memref<2x!tpu.dma_semaphore, #tpu.memory_space<semaphore_mem>> -> memref<1x!tpu.dma_semaphore, #tpu.memory_space<semaphore_mem>>
      %dma_start3A_1004 = tpu.memref_squeeze %dma_start3A_1003 : memref<1x!tpu.dma_semaphore, #tpu.memory_space<semaphore_mem>> -> memref<!tpu.dma_semaphore, #tpu.memory_space<semaphore_mem>>
      tpu.enqueue_indirect_dma source(%dma_start3A_1002 : memref<10000x128xf32, #tpu.memory_space<hbm>>) target(%dma_start3A_996 : memref<128x128xf32, #tpu.memory_space<vmem>>) offsets(%dma_start3A_999 : memref<128xi32, #tpu.memory_space<vmem>>) semaphore(%dma_start3A_1004 : memref<!tpu.dma_semaphore, #tpu.memory_space<semaphore_mem>>)
      %dma_wait3A_1005 = arith.constant 0 : i32
      %dma_wait3A_1006 = arith.constant 1 : i32
      %dma_wait3A_1007 = arith.constant 0 : i32
      %dma_wait3A_1008 = arith.constant 1 : i32
      %dma_wait3A_1009 = arith.constant 1 : i32
      %dma_wait3A_1010 = arith.constant 0 : i32
      %dma_wait3A_1011 = arith.constant 0 : i32
      %dma_wait3A_1012 = tpu.memref_slice %arg6[%dma_wait3A_1008, %dma_wait3A_1010, %dma_wait3A_1011] : memref<2x128x128xf32, #tpu.memory_space<vmem>> -> memref<1x128x128xf32, #tpu.memory_space<vmem>>
      %dma_wait3A_1013 = tpu.memref_squeeze %dma_wait3A_1012 : memref<1x128x128xf32, #tpu.memory_space<vmem>> -> memref<128x128xf32, #tpu.memory_space<vmem>>
      %dma_wait3A_1014 = arith.constant 0 : i32
      %dma_wait3A_1015 = tpu.memref_slice %arg5[%dma_wait3A_1005, %dma_wait3A_1006, %dma_wait3A_1007, %dma_wait3A_1014] : memref<2x4x2x128xi32, #tpu.memory_space<vmem>> -> memref<1x1x1x128xi32, #tpu.memory_space<vmem>>
      %dma_wait3A_1016 = tpu.memref_squeeze %dma_wait3A_1015 : memref<1x1x1x128xi32, #tpu.memory_space<vmem>> -> memref<128xi32, #tpu.memory_space<vmem>>
      %dma_wait3A_1017 = arith.constant 0 : i32
      %dma_wait3A_1018 = arith.constant 0 : i32
      %dma_wait3A_1019 = tpu.memref_slice %arg2[%dma_wait3A_1017, %dma_wait3A_1018] : memref<10000x128xf32, #tpu.memory_space<hbm>> -> memref<10000x128xf32, #tpu.memory_space<hbm>>
      %dma_wait3A_1020 = tpu.memref_slice %arg8[%dma_wait3A_1009] : memref<2x!tpu.dma_semaphore, #tpu.memory_space<semaphore_mem>> -> memref<1x!tpu.dma_semaphore, #tpu.memory_space<semaphore_mem>>
      %dma_wait3A_1021 = tpu.memref_squeeze %dma_wait3A_1020 : memref<1x!tpu.dma_semaphore, #tpu.memory_space<semaphore_mem>> -> memref<!tpu.dma_semaphore, #tpu.memory_space<semaphore_mem>>
      tpu.wait_indirect_dma semaphore(%dma_wait3A_1021 : memref<!tpu.dma_semaphore, #tpu.memory_space<semaphore_mem>>) src(%dma_wait3A_1019 : memref<10000x128xf32, #tpu.memory_space<hbm>>) dst(%dma_wait3A_1013 : memref<128x128xf32, #tpu.memory_space<vmem>>)
      %dma_start3A_1022 = arith.constant 1 : i32
      %dma_start3A_1023 = arith.constant 0 : i32
      %dma_start3A_1024 = arith.constant 1 : i32
      %dma_start3A_1025 = arith.constant 1 : i32
      %dma_start3A_1026 = arith.constant 1 : i32
      %dma_start3A_1027 = arith.constant 0 : i32
      %dma_start3A_1028 = arith.constant 0 : i32
      %dma_start3A_1029 = tpu.memref_slice %arg6[%dma_start3A_1022, %dma_start3A_1027, %dma_start3A_1028] : memref<2x128x128xf32, #tpu.memory_space<vmem>> -> memref<1x128x128xf32, #tpu.memory_space<vmem>>
      %dma_start3A_1030 = tpu.memref_squeeze %dma_start3A_1029 : memref<1x128x128xf32, #tpu.memory_space<vmem>> -> memref<128x128xf32, #tpu.memory_space<vmem>>
      %dma_start3A_1031 = arith.constant 0 : i32
      %dma_start3A_1032 = tpu.memref_slice %arg5[%dma_start3A_1023, %dma_start3A_1024, %dma_start3A_1025, %dma_start3A_1031] : memref<2x4x2x128xi32, #tpu.memory_space<vmem>> -> memref<1x1x1x128xi32, #tpu.memory_space<vmem>>
      %dma_start3A_1033 = tpu.memref_squeeze %dma_start3A_1032 : memref<1x1x1x128xi32, #tpu.memory_space<vmem>> -> memref<128xi32, #tpu.memory_space<vmem>>
      %dma_start3A_1034 = arith.constant 0 : i32
      %dma_start3A_1035 = arith.constant 0 : i32
      %dma_start3A_1036 = tpu.memref_slice %arg7[%dma_start3A_1034, %dma_start3A_1035] : memref<10016x128xf32, #tpu.memory_space<vmem_shared>> -> memref<10016x128xf32, #tpu.memory_space<vmem_shared>>
      %dma_start3A_1037 = tpu.memref_slice %arg10[%dma_start3A_1026] : memref<2x!tpu.dma_semaphore, #tpu.memory_space<semaphore_mem>> -> memref<1x!tpu.dma_semaphore, #tpu.memory_space<semaphore_mem>>
      %dma_start3A_1038 = tpu.memref_squeeze %dma_start3A_1037 : memref<1x!tpu.dma_semaphore, #tpu.memory_space<semaphore_mem>> -> memref<!tpu.dma_semaphore, #tpu.memory_space<semaphore_mem>>
      tpu.enqueue_indirect_dma source(%dma_start3A_1030 : memref<128x128xf32, #tpu.memory_space<vmem>>) target(%dma_start3A_1036 : memref<10016x128xf32, #tpu.memory_space<vmem_shared>>) offsets(%dma_start3A_1033 : memref<128xi32, #tpu.memory_space<vmem>>) semaphore(%dma_start3A_1038 : memref<!tpu.dma_semaphore, #tpu.memory_space<semaphore_mem>>) {add = true}
      %dma_wait3A_1039 = arith.constant 1 : i32
      %dma_wait3A_1040 = arith.constant 0 : i32
      %dma_wait3A_1041 = arith.constant 2 : i32
      %dma_wait3A_1042 = arith.constant 1 : i32
      %dma_wait3A_1043 = arith.constant 1 : i32
      %dma_wait3A_1044 = arith.constant 0 : i32
      %dma_wait3A_1045 = arith.constant 0 : i32
      %dma_wait3A_1046 = tpu.memref_slice %arg6[%dma_wait3A_1039, %dma_wait3A_1044, %dma_wait3A_1045] : memref<2x128x128xf32, #tpu.memory_space<vmem>> -> memref<1x128x128xf32, #tpu.memory_space<vmem>>
      %dma_wait3A_1047 = tpu.memref_squeeze %dma_wait3A_1046 : memref<1x128x128xf32, #tpu.memory_space<vmem>> -> memref<128x128xf32, #tpu.memory_space<vmem>>
      %dma_wait3A_1048 = arith.constant 0 : i32
      %dma_wait3A_1049 = tpu.memref_slice %arg5[%dma_wait3A_1040, %dma_wait3A_1041, %dma_wait3A_1042, %dma_wait3A_1048] : memref<2x4x2x128xi32, #tpu.memory_space<vmem>> -> memref<1x1x1x128xi32, #tpu.memory_space<vmem>>
      %dma_wait3A_1050 = tpu.memref_squeeze %dma_wait3A_1049 : memref<1x1x1x128xi32, #tpu.memory_space<vmem>> -> memref<128xi32, #tpu.memory_space<vmem>>
      %dma_wait3A_1051 = arith.constant 0 : i32
      %dma_wait3A_1052 = arith.constant 0 : i32
      %dma_wait3A_1053 = tpu.memref_slice %arg7[%dma_wait3A_1051, %dma_wait3A_1052] : memref<10016x128xf32, #tpu.memory_space<vmem_shared>> -> memref<10016x128xf32, #tpu.memory_space<vmem_shared>>
      %dma_wait3A_1054 = tpu.memref_slice %arg10[%dma_wait3A_1043] : memref<2x!tpu.dma_semaphore, #tpu.memory_space<semaphore_mem>> -> memref<1x!tpu.dma_semaphore, #tpu.memory_space<semaphore_mem>>
      %dma_wait3A_1055 = tpu.memref_squeeze %dma_wait3A_1054 : memref<1x!tpu.dma_semaphore, #tpu.memory_space<semaphore_mem>> -> memref<!tpu.dma_semaphore, #tpu.memory_space<semaphore_mem>>
      tpu.wait_indirect_dma semaphore(%dma_wait3A_1055 : memref<!tpu.dma_semaphore, #tpu.memory_space<semaphore_mem>>) src(%dma_wait3A_1047 : memref<128x128xf32, #tpu.memory_space<vmem>>) dst(%dma_wait3A_1053 : memref<10016x128xf32, #tpu.memory_space<vmem_shared>>)
      %dma_start3A_1056 = arith.constant 0 : i32
      %dma_start3A_1057 = arith.constant 3 : i32
      %dma_start3A_1058 = arith.constant 0 : i32
      %dma_start3A_1059 = arith.constant 1 : i32
      %dma_start3A_1060 = arith.constant 1 : i32
      %dma_start3A_1061 = arith.constant 0 : i32
      %dma_start3A_1062 = arith.constant 0 : i32
      %dma_start3A_1063 = tpu.memref_slice %arg6[%dma_start3A_1059, %dma_start3A_1061, %dma_start3A_1062] : memref<2x128x128xf32, #tpu.memory_space<vmem>> -> memref<1x128x128xf32, #tpu.memory_space<vmem>>
      %dma_start3A_1064 = tpu.memref_squeeze %dma_start3A_1063 : memref<1x128x128xf32, #tpu.memory_space<vmem>> -> memref<128x128xf32, #tpu.memory_space<vmem>>
      %dma_start3A_1065 = arith.constant 0 : i32
      %dma_start3A_1066 = tpu.memref_slice %arg5[%dma_start3A_1056, %dma_start3A_1057, %dma_start3A_1058, %dma_start3A_1065] : memref<2x4x2x128xi32, #tpu.memory_space<vmem>> -> memref<1x1x1x128xi32, #tpu.memory_space<vmem>>
      %dma_start3A_1067 = tpu.memref_squeeze %dma_start3A_1066 : memref<1x1x1x128xi32, #tpu.memory_space<vmem>> -> memref<128xi32, #tpu.memory_space<vmem>>
      %dma_start3A_1068 = arith.constant 0 : i32
      %dma_start3A_1069 = arith.constant 0 : i32
      %dma_start3A_1070 = tpu.memref_slice %arg2[%dma_start3A_1068, %dma_start3A_1069] : memref<10000x128xf32, #tpu.memory_space<hbm>> -> memref<10000x128xf32, #tpu.memory_space<hbm>>
      %dma_start3A_1071 = tpu.memref_slice %arg8[%dma_start3A_1060] : memref<2x!tpu.dma_semaphore, #tpu.memory_space<semaphore_mem>> -> memref<1x!tpu.dma_semaphore, #tpu.memory_space<semaphore_mem>>
      %dma_start3A_1072 = tpu.memref_squeeze %dma_start3A_1071 : memref<1x!tpu.dma_semaphore, #tpu.memory_space<semaphore_mem>> -> memref<!tpu.dma_semaphore, #tpu.memory_space<semaphore_mem>>
      tpu.enqueue_indirect_dma source(%dma_start3A_1070 : memref<10000x128xf32, #tpu.memory_space<hbm>>) target(%dma_start3A_1064 : memref<128x128xf32, #tpu.memory_space<vmem>>) offsets(%dma_start3A_1067 : memref<128xi32, #tpu.memory_space<vmem>>) semaphore(%dma_start3A_1072 : memref<!tpu.dma_semaphore, #tpu.memory_space<semaphore_mem>>)
      %dma_wait3A_1073 = arith.constant 0 : i32
      %dma_wait3A_1074 = arith.constant 2 : i32
      %dma_wait3A_1075 = arith.constant 0 : i32
      %dma_wait3A_1076 = arith.constant 0 : i32
      %dma_wait3A_1077 = arith.constant 0 : i32
      %dma_wait3A_1078 = arith.constant 0 : i32
      %dma_wait3A_1079 = arith.constant 0 : i32
      %dma_wait3A_1080 = tpu.memref_slice %arg6[%dma_wait3A_1076, %dma_wait3A_1078, %dma_wait3A_1079] : memref<2x128x128xf32, #tpu.memory_space<vmem>> -> memref<1x128x128xf32, #tpu.memory_space<vmem>>
      %dma_wait3A_1081 = tpu.memref_squeeze %dma_wait3A_1080 : memref<1x128x128xf32, #tpu.memory_space<vmem>> -> memref<128x128xf32, #tpu.memory_space<vmem>>
      %dma_wait3A_1082 = arith.constant 0 : i32
      %dma_wait3A_1083 = tpu.memref_slice %arg5[%dma_wait3A_1073, %dma_wait3A_1074, %dma_wait3A_1075, %dma_wait3A_1082] : memref<2x4x2x128xi32, #tpu.memory_space<vmem>> -> memref<1x1x1x128xi32, #tpu.memory_space<vmem>>
      %dma_wait3A_1084 = tpu.memref_squeeze %dma_wait3A_1083 : memref<1x1x1x128xi32, #tpu.memory_space<vmem>> -> memref<128xi32, #tpu.memory_space<vmem>>
      %dma_wait3A_1085 = arith.constant 0 : i32
      %dma_wait3A_1086 = arith.constant 0 : i32
      %dma_wait3A_1087 = tpu.memref_slice %arg2[%dma_wait3A_1085, %dma_wait3A_1086] : memref<10000x128xf32, #tpu.memory_space<hbm>> -> memref<10000x128xf32, #tpu.memory_space<hbm>>
      %dma_wait3A_1088 = tpu.memref_slice %arg8[%dma_wait3A_1077] : memref<2x!tpu.dma_semaphore, #tpu.memory_space<semaphore_mem>> -> memref<1x!tpu.dma_semaphore, #tpu.memory_space<semaphore_mem>>
      %dma_wait3A_1089 = tpu.memref_squeeze %dma_wait3A_1088 : memref<1x!tpu.dma_semaphore, #tpu.memory_space<semaphore_mem>> -> memref<!tpu.dma_semaphore, #tpu.memory_space<semaphore_mem>>
      tpu.wait_indirect_dma semaphore(%dma_wait3A_1089 : memref<!tpu.dma_semaphore, #tpu.memory_space<semaphore_mem>>) src(%dma_wait3A_1087 : memref<10000x128xf32, #tpu.memory_space<hbm>>) dst(%dma_wait3A_1081 : memref<128x128xf32, #tpu.memory_space<vmem>>)
      %dma_start3A_1090 = arith.constant 0 : i32
      %dma_start3A_1091 = arith.constant 0 : i32
      %dma_start3A_1092 = arith.constant 2 : i32
      %dma_start3A_1093 = arith.constant 1 : i32
      %dma_start3A_1094 = arith.constant 0 : i32
      %dma_start3A_1095 = arith.constant 0 : i32
      %dma_start3A_1096 = arith.constant 0 : i32
      %dma_start3A_1097 = tpu.memref_slice %arg6[%dma_start3A_1090, %dma_start3A_1095, %dma_start3A_1096] : memref<2x128x128xf32, #tpu.memory_space<vmem>> -> memref<1x128x128xf32, #tpu.memory_space<vmem>>
      %dma_start3A_1098 = tpu.memref_squeeze %dma_start3A_1097 : memref<1x128x128xf32, #tpu.memory_space<vmem>> -> memref<128x128xf32, #tpu.memory_space<vmem>>
      %dma_start3A_1099 = arith.constant 0 : i32
      %dma_start3A_1100 = tpu.memref_slice %arg5[%dma_start3A_1091, %dma_start3A_1092, %dma_start3A_1093, %dma_start3A_1099] : memref<2x4x2x128xi32, #tpu.memory_space<vmem>> -> memref<1x1x1x128xi32, #tpu.memory_space<vmem>>
      %dma_start3A_1101 = tpu.memref_squeeze %dma_start3A_1100 : memref<1x1x1x128xi32, #tpu.memory_space<vmem>> -> memref<128xi32, #tpu.memory_space<vmem>>
      %dma_start3A_1102 = arith.constant 0 : i32
      %dma_start3A_1103 = arith.constant 0 : i32
      %dma_start3A_1104 = tpu.memref_slice %arg7[%dma_start3A_1102, %dma_start3A_1103] : memref<10016x128xf32, #tpu.memory_space<vmem_shared>> -> memref<10016x128xf32, #tpu.memory_space<vmem_shared>>
      %dma_start3A_1105 = tpu.memref_slice %arg10[%dma_start3A_1094] : memref<2x!tpu.dma_semaphore, #tpu.memory_space<semaphore_mem>> -> memref<1x!tpu.dma_semaphore, #tpu.memory_space<semaphore_mem>>
      %dma_start3A_1106 = tpu.memref_squeeze %dma_start3A_1105 : memref<1x!tpu.dma_semaphore, #tpu.memory_space<semaphore_mem>> -> memref<!tpu.dma_semaphore, #tpu.memory_space<semaphore_mem>>
      tpu.enqueue_indirect_dma source(%dma_start3A_1098 : memref<128x128xf32, #tpu.memory_space<vmem>>) target(%dma_start3A_1104 : memref<10016x128xf32, #tpu.memory_space<vmem_shared>>) offsets(%dma_start3A_1101 : memref<128xi32, #tpu.memory_space<vmem>>) semaphore(%dma_start3A_1106 : memref<!tpu.dma_semaphore, #tpu.memory_space<semaphore_mem>>) {add = true}
      %dma_wait3A_1107 = arith.constant 0 : i32
      %dma_wait3A_1108 = arith.constant 0 : i32
      %dma_wait3A_1109 = arith.constant 3 : i32
      %dma_wait3A_1110 = arith.constant 1 : i32
      %dma_wait3A_1111 = arith.constant 0 : i32
      %dma_wait3A_1112 = arith.constant 0 : i32
      %dma_wait3A_1113 = arith.constant 0 : i32
      %dma_wait3A_1114 = tpu.memref_slice %arg6[%dma_wait3A_1107, %dma_wait3A_1112, %dma_wait3A_1113] : memref<2x128x128xf32, #tpu.memory_space<vmem>> -> memref<1x128x128xf32, #tpu.memory_space<vmem>>
      %dma_wait3A_1115 = tpu.memref_squeeze %dma_wait3A_1114 : memref<1x128x128xf32, #tpu.memory_space<vmem>> -> memref<128x128xf32, #tpu.memory_space<vmem>>
      %dma_wait3A_1116 = arith.constant 0 : i32
      %dma_wait3A_1117 = tpu.memref_slice %arg5[%dma_wait3A_1108, %dma_wait3A_1109, %dma_wait3A_1110, %dma_wait3A_1116] : memref<2x4x2x128xi32, #tpu.memory_space<vmem>> -> memref<1x1x1x128xi32, #tpu.memory_space<vmem>>
      %dma_wait3A_1118 = tpu.memref_squeeze %dma_wait3A_1117 : memref<1x1x1x128xi32, #tpu.memory_space<vmem>> -> memref<128xi32, #tpu.memory_space<vmem>>
      %dma_wait3A_1119 = arith.constant 0 : i32
      %dma_wait3A_1120 = arith.constant 0 : i32
      %dma_wait3A_1121 = tpu.memref_slice %arg7[%dma_wait3A_1119, %dma_wait3A_1120] : memref<10016x128xf32, #tpu.memory_space<vmem_shared>> -> memref<10016x128xf32, #tpu.memory_space<vmem_shared>>
      %dma_wait3A_1122 = tpu.memref_slice %arg10[%dma_wait3A_1111] : memref<2x!tpu.dma_semaphore, #tpu.memory_space<semaphore_mem>> -> memref<1x!tpu.dma_semaphore, #tpu.memory_space<semaphore_mem>>
      %dma_wait3A_1123 = tpu.memref_squeeze %dma_wait3A_1122 : memref<1x!tpu.dma_semaphore, #tpu.memory_space<semaphore_mem>> -> memref<!tpu.dma_semaphore, #tpu.memory_space<semaphore_mem>>
      tpu.wait_indirect_dma semaphore(%dma_wait3A_1123 : memref<!tpu.dma_semaphore, #tpu.memory_space<semaphore_mem>>) src(%dma_wait3A_1115 : memref<128x128xf32, #tpu.memory_space<vmem>>) dst(%dma_wait3A_1121 : memref<10016x128xf32, #tpu.memory_space<vmem_shared>>)
      %dma_wait3A_1124 = arith.constant 1 : i32
      %dma_wait3A_1125 = arith.constant 1 : i32
      %dma_wait3A_1126 = arith.constant 0 : i32
      %dma_wait3A_1127 = arith.constant 0 : i32
      %dma_wait3A_1128 = arith.constant 0 : i32
      %dma_wait3A_1129 = tpu.memref_slice %arg5[%dma_wait3A_1124, %dma_wait3A_1126, %dma_wait3A_1127, %dma_wait3A_1128] : memref<2x4x2x128xi32, #tpu.memory_space<vmem>> -> memref<1x4x2x128xi32, #tpu.memory_space<vmem>>
      %dma_wait3A_1130 = tpu.memref_squeeze %dma_wait3A_1129 : memref<1x4x2x128xi32, #tpu.memory_space<vmem>> -> memref<4x2x128xi32, #tpu.memory_space<vmem>>
      %dma_wait3A_1131 = arith.constant 0 : i32
      %dma_wait3A_1132 = arith.constant 0 : i32
      %dma_wait3A_1133 = arith.constant 0 : i32
      %dma_wait3A_1134 = tpu.memref_slice %arg3[%add3A, %dma_wait3A_1131, %dma_wait3A_1132, %dma_wait3A_1133] : memref<32x80x2x128xi32, #tpu.memory_space<hbm>> -> memref<1x4x2x128xi32, #tpu.memory_space<hbm>>
      %dma_wait3A_1135 = tpu.memref_squeeze %dma_wait3A_1134 : memref<1x4x2x128xi32, #tpu.memory_space<hbm>> -> memref<4x2x128xi32, #tpu.memory_space<hbm>>
      %dma_wait3A_1136 = tpu.memref_slice %arg9[%dma_wait3A_1125] : memref<2x!tpu.dma_semaphore, #tpu.memory_space<semaphore_mem>> -> memref<1x!tpu.dma_semaphore, #tpu.memory_space<semaphore_mem>>
      %dma_wait3A_1137 = tpu.memref_squeeze %dma_wait3A_1136 : memref<1x!tpu.dma_semaphore, #tpu.memory_space<semaphore_mem>> -> memref<!tpu.dma_semaphore, #tpu.memory_space<semaphore_mem>>
      %dma_wait3A_1138 = arith.constant 0 : i32
      %dma_wait3A_1139 = arith.constant 0 : i32
      %dma_wait3A_1140 = arith.constant 0 : i32
      %dma_wait3A_1141 = tpu.memref_slice %arg5[%dma_wait3A_1124, %dma_wait3A_1138, %dma_wait3A_1139, %dma_wait3A_1140] : memref<2x4x2x128xi32, #tpu.memory_space<vmem>> -> memref<1x4x2x128xi32, #tpu.memory_space<vmem>>
      %dma_wait3A_1142 = tpu.memref_squeeze %dma_wait3A_1141 : memref<1x4x2x128xi32, #tpu.memory_space<vmem>> -> memref<4x2x128xi32, #tpu.memory_space<vmem>>
      %dma_wait3A_1143 = arith.constant 0 : i32
      %dma_wait3A_1144 = arith.constant 0 : i32
      %dma_wait3A_1145 = arith.constant 0 : i32
      %dma_wait3A_1146 = tpu.memref_slice %arg3[%add3A, %dma_wait3A_1143, %dma_wait3A_1144, %dma_wait3A_1145] : memref<32x80x2x128xi32, #tpu.memory_space<hbm>> -> memref<1x4x2x128xi32, #tpu.memory_space<hbm>>
      %dma_wait3A_1147 = tpu.memref_squeeze %dma_wait3A_1146 : memref<1x4x2x128xi32, #tpu.memory_space<hbm>> -> memref<4x2x128xi32, #tpu.memory_space<hbm>>
      tpu.wait_dma2 semaphore(%dma_wait3A_1137 : memref<!tpu.dma_semaphore, #tpu.memory_space<semaphore_mem>>) src(%dma_wait3A_1147 : memref<4x2x128xi32, #tpu.memory_space<hbm>>) dst(%dma_wait3A_1142 : memref<4x2x128xi32, #tpu.memory_space<vmem>>)
      %dma_start3A_1148 = arith.constant 1 : i32
      %dma_start3A_1149 = arith.constant 0 : i32
      %dma_start3A_1150 = arith.constant 0 : i32
      %dma_start3A_1151 = arith.constant 0 : i32
      %dma_start3A_1152 = arith.constant 0 : i32
      %dma_start3A_1153 = arith.constant 0 : i32
      %dma_start3A_1154 = arith.constant 0 : i32
      %dma_start3A_1155 = tpu.memref_slice %arg6[%dma_start3A_1151, %dma_start3A_1153, %dma_start3A_1154] : memref<2x128x128xf32, #tpu.memory_space<vmem>> -> memref<1x128x128xf32, #tpu.memory_space<vmem>>
      %dma_start3A_1156 = tpu.memref_squeeze %dma_start3A_1155 : memref<1x128x128xf32, #tpu.memory_space<vmem>> -> memref<128x128xf32, #tpu.memory_space<vmem>>
      %dma_start3A_1157 = arith.constant 0 : i32
      %dma_start3A_1158 = tpu.memref_slice %arg5[%dma_start3A_1148, %dma_start3A_1149, %dma_start3A_1150, %dma_start3A_1157] : memref<2x4x2x128xi32, #tpu.memory_space<vmem>> -> memref<1x1x1x128xi32, #tpu.memory_space<vmem>>
      %dma_start3A_1159 = tpu.memref_squeeze %dma_start3A_1158 : memref<1x1x1x128xi32, #tpu.memory_space<vmem>> -> memref<128xi32, #tpu.memory_space<vmem>>
      %dma_start3A_1160 = arith.constant 0 : i32
      %dma_start3A_1161 = arith.constant 0 : i32
      %dma_start3A_1162 = tpu.memref_slice %arg2[%dma_start3A_1160, %dma_start3A_1161] : memref<10000x128xf32, #tpu.memory_space<hbm>> -> memref<10000x128xf32, #tpu.memory_space<hbm>>
      %dma_start3A_1163 = tpu.memref_slice %arg8[%dma_start3A_1152] : memref<2x!tpu.dma_semaphore, #tpu.memory_space<semaphore_mem>> -> memref<1x!tpu.dma_semaphore, #tpu.memory_space<semaphore_mem>>
      %dma_start3A_1164 = tpu.memref_squeeze %dma_start3A_1163 : memref<1x!tpu.dma_semaphore, #tpu.memory_space<semaphore_mem>> -> memref<!tpu.dma_semaphore, #tpu.memory_space<semaphore_mem>>
      tpu.enqueue_indirect_dma source(%dma_start3A_1162 : memref<10000x128xf32, #tpu.memory_space<hbm>>) target(%dma_start3A_1156 : memref<128x128xf32, #tpu.memory_space<vmem>>) offsets(%dma_start3A_1159 : memref<128xi32, #tpu.memory_space<vmem>>) semaphore(%dma_start3A_1164 : memref<!tpu.dma_semaphore, #tpu.memory_space<semaphore_mem>>)
      %dma_wait3A_1165 = arith.constant 0 : i32
      %dma_wait3A_1166 = arith.constant 3 : i32
      %dma_wait3A_1167 = arith.constant 0 : i32
      %dma_wait3A_1168 = arith.constant 1 : i32
      %dma_wait3A_1169 = arith.constant 1 : i32
      %dma_wait3A_1170 = arith.constant 0 : i32
      %dma_wait3A_1171 = arith.constant 0 : i32
      %dma_wait3A_1172 = tpu.memref_slice %arg6[%dma_wait3A_1168, %dma_wait3A_1170, %dma_wait3A_1171] : memref<2x128x128xf32, #tpu.memory_space<vmem>> -> memref<1x128x128xf32, #tpu.memory_space<vmem>>
      %dma_wait3A_1173 = tpu.memref_squeeze %dma_wait3A_1172 : memref<1x128x128xf32, #tpu.memory_space<vmem>> -> memref<128x128xf32, #tpu.memory_space<vmem>>
      %dma_wait3A_1174 = arith.constant 0 : i32
      %dma_wait3A_1175 = tpu.memref_slice %arg5[%dma_wait3A_1165, %dma_wait3A_1166, %dma_wait3A_1167, %dma_wait3A_1174] : memref<2x4x2x128xi32, #tpu.memory_space<vmem>> -> memref<1x1x1x128xi32, #tpu.memory_space<vmem>>
      %dma_wait3A_1176 = tpu.memref_squeeze %dma_wait3A_1175 : memref<1x1x1x128xi32, #tpu.memory_space<vmem>> -> memref<128xi32, #tpu.memory_space<vmem>>
      %dma_wait3A_1177 = arith.constant 0 : i32
      %dma_wait3A_1178 = arith.constant 0 : i32
      %dma_wait3A_1179 = tpu.memref_slice %arg2[%dma_wait3A_1177, %dma_wait3A_1178] : memref<10000x128xf32, #tpu.memory_space<hbm>> -> memref<10000x128xf32, #tpu.memory_space<hbm>>
      %dma_wait3A_1180 = tpu.memref_slice %arg8[%dma_wait3A_1169] : memref<2x!tpu.dma_semaphore, #tpu.memory_space<semaphore_mem>> -> memref<1x!tpu.dma_semaphore, #tpu.memory_space<semaphore_mem>>
      %dma_wait3A_1181 = tpu.memref_squeeze %dma_wait3A_1180 : memref<1x!tpu.dma_semaphore, #tpu.memory_space<semaphore_mem>> -> memref<!tpu.dma_semaphore, #tpu.memory_space<semaphore_mem>>
      tpu.wait_indirect_dma semaphore(%dma_wait3A_1181 : memref<!tpu.dma_semaphore, #tpu.memory_space<semaphore_mem>>) src(%dma_wait3A_1179 : memref<10000x128xf32, #tpu.memory_space<hbm>>) dst(%dma_wait3A_1173 : memref<128x128xf32, #tpu.memory_space<vmem>>)
      %dma_start3A_1182 = arith.constant 1 : i32
      %dma_start3A_1183 = arith.constant 0 : i32
      %dma_start3A_1184 = arith.constant 3 : i32
      %dma_start3A_1185 = arith.constant 1 : i32
      %dma_start3A_1186 = arith.constant 1 : i32
      %dma_start3A_1187 = arith.constant 0 : i32
      %dma_start3A_1188 = arith.constant 0 : i32
      %dma_start3A_1189 = tpu.memref_slice %arg6[%dma_start3A_1182, %dma_start3A_1187, %dma_start3A_1188] : memref<2x128x128xf32, #tpu.memory_space<vmem>> -> memref<1x128x128xf32, #tpu.memory_space<vmem>>
      %dma_start3A_1190 = tpu.memref_squeeze %dma_start3A_1189 : memref<1x128x128xf32, #tpu.memory_space<vmem>> -> memref<128x128xf32, #tpu.memory_space<vmem>>
      %dma_start3A_1191 = arith.constant 0 : i32
      %dma_start3A_1192 = tpu.memref_slice %arg5[%dma_start3A_1183, %dma_start3A_1184, %dma_start3A_1185, %dma_start3A_1191] : memref<2x4x2x128xi32, #tpu.memory_space<vmem>> -> memref<1x1x1x128xi32, #tpu.memory_space<vmem>>
      %dma_start3A_1193 = tpu.memref_squeeze %dma_start3A_1192 : memref<1x1x1x128xi32, #tpu.memory_space<vmem>> -> memref<128xi32, #tpu.memory_space<vmem>>
      %dma_start3A_1194 = arith.constant 0 : i32
      %dma_start3A_1195 = arith.constant 0 : i32
      %dma_start3A_1196 = tpu.memref_slice %arg7[%dma_start3A_1194, %dma_start3A_1195] : memref<10016x128xf32, #tpu.memory_space<vmem_shared>> -> memref<10016x128xf32, #tpu.memory_space<vmem_shared>>
      %dma_start3A_1197 = tpu.memref_slice %arg10[%dma_start3A_1186] : memref<2x!tpu.dma_semaphore, #tpu.memory_space<semaphore_mem>> -> memref<1x!tpu.dma_semaphore, #tpu.memory_space<semaphore_mem>>
      %dma_start3A_1198 = tpu.memref_squeeze %dma_start3A_1197 : memref<1x!tpu.dma_semaphore, #tpu.memory_space<semaphore_mem>> -> memref<!tpu.dma_semaphore, #tpu.memory_space<semaphore_mem>>
      tpu.enqueue_indirect_dma source(%dma_start3A_1190 : memref<128x128xf32, #tpu.memory_space<vmem>>) target(%dma_start3A_1196 : memref<10016x128xf32, #tpu.memory_space<vmem_shared>>) offsets(%dma_start3A_1193 : memref<128xi32, #tpu.memory_space<vmem>>) semaphore(%dma_start3A_1198 : memref<!tpu.dma_semaphore, #tpu.memory_space<semaphore_mem>>) {add = true}
      %scan3A_1199 = arith.constant 0 : i32
      scf.yield %scan3A_1199 : i32
    }
    %scan3A_330 = arith.constant 9 : i32
    %dma_wait3A_331 = arith.constant 1 : i32
    %dma_wait3A_332 = arith.constant 1 : i32
    %dma_wait3A_333 = arith.constant 0 : i32
    %dma_wait3A_334 = arith.constant 1 : i32
    %dma_wait3A_335 = arith.constant 1 : i32
    %dma_wait3A_336 = arith.constant 0 : i32
    %dma_wait3A_337 = arith.constant 0 : i32
    %dma_wait3A_338 = tpu.memref_slice %arg6[%dma_wait3A_331, %dma_wait3A_336, %dma_wait3A_337] : memref<2x128x128xf32, #tpu.memory_space<vmem>> -> memref<1x128x128xf32, #tpu.memory_space<vmem>>
    %dma_wait3A_339 = tpu.memref_squeeze %dma_wait3A_338 : memref<1x128x128xf32, #tpu.memory_space<vmem>> -> memref<128x128xf32, #tpu.memory_space<vmem>>
    %dma_wait3A_340 = arith.constant 0 : i32
    %dma_wait3A_341 = tpu.memref_slice %arg5[%dma_wait3A_332, %dma_wait3A_333, %dma_wait3A_334, %dma_wait3A_340] : memref<2x4x2x128xi32, #tpu.memory_space<vmem>> -> memref<1x1x1x128xi32, #tpu.memory_space<vmem>>
    %dma_wait3A_342 = tpu.memref_squeeze %dma_wait3A_341 : memref<1x1x1x128xi32, #tpu.memory_space<vmem>> -> memref<128xi32, #tpu.memory_space<vmem>>
    %dma_wait3A_343 = arith.constant 0 : i32
    %dma_wait3A_344 = arith.constant 0 : i32
    %dma_wait3A_345 = tpu.memref_slice %arg7[%dma_wait3A_343, %dma_wait3A_344] : memref<10016x128xf32, #tpu.memory_space<vmem_shared>> -> memref<10016x128xf32, #tpu.memory_space<vmem_shared>>
    %dma_wait3A_346 = tpu.memref_slice %arg10[%dma_wait3A_335] : memref<2x!tpu.dma_semaphore, #tpu.memory_space<semaphore_mem>> -> memref<1x!tpu.dma_semaphore, #tpu.memory_space<semaphore_mem>>
    %dma_wait3A_347 = tpu.memref_squeeze %dma_wait3A_346 : memref<1x!tpu.dma_semaphore, #tpu.memory_space<semaphore_mem>> -> memref<!tpu.dma_semaphore, #tpu.memory_space<semaphore_mem>>
    tpu.wait_indirect_dma semaphore(%dma_wait3A_347 : memref<!tpu.dma_semaphore, #tpu.memory_space<semaphore_mem>>) src(%dma_wait3A_339 : memref<128x128xf32, #tpu.memory_space<vmem>>) dst(%dma_wait3A_345 : memref<10016x128xf32, #tpu.memory_space<vmem_shared>>)
    %dma_start3A_348 = arith.constant 1 : i32
    %dma_start3A_349 = arith.constant 1 : i32
    %dma_start3A_350 = arith.constant 0 : i32
    %dma_start3A_351 = arith.constant 1 : i32
    %dma_start3A_352 = arith.constant 1 : i32
    %dma_start3A_353 = arith.constant 0 : i32
    %dma_start3A_354 = arith.constant 0 : i32
    %dma_start3A_355 = tpu.memref_slice %arg6[%dma_start3A_351, %dma_start3A_353, %dma_start3A_354] : memref<2x128x128xf32, #tpu.memory_space<vmem>> -> memref<1x128x128xf32, #tpu.memory_space<vmem>>
    %dma_start3A_356 = tpu.memref_squeeze %dma_start3A_355 : memref<1x128x128xf32, #tpu.memory_space<vmem>> -> memref<128x128xf32, #tpu.memory_space<vmem>>
    %dma_start3A_357 = arith.constant 0 : i32
    %dma_start3A_358 = tpu.memref_slice %arg5[%dma_start3A_348, %dma_start3A_349, %dma_start3A_350, %dma_start3A_357] : memref<2x4x2x128xi32, #tpu.memory_space<vmem>> -> memref<1x1x1x128xi32, #tpu.memory_space<vmem>>
    %dma_start3A_359 = tpu.memref_squeeze %dma_start3A_358 : memref<1x1x1x128xi32, #tpu.memory_space<vmem>> -> memref<128xi32, #tpu.memory_space<vmem>>
    %dma_start3A_360 = arith.constant 0 : i32
    %dma_start3A_361 = arith.constant 0 : i32
    %dma_start3A_362 = tpu.memref_slice %arg2[%dma_start3A_360, %dma_start3A_361] : memref<10000x128xf32, #tpu.memory_space<hbm>> -> memref<10000x128xf32, #tpu.memory_space<hbm>>
    %dma_start3A_363 = tpu.memref_slice %arg8[%dma_start3A_352] : memref<2x!tpu.dma_semaphore, #tpu.memory_space<semaphore_mem>> -> memref<1x!tpu.dma_semaphore, #tpu.memory_space<semaphore_mem>>
    %dma_start3A_364 = tpu.memref_squeeze %dma_start3A_363 : memref<1x!tpu.dma_semaphore, #tpu.memory_space<semaphore_mem>> -> memref<!tpu.dma_semaphore, #tpu.memory_space<semaphore_mem>>
    tpu.enqueue_indirect_dma source(%dma_start3A_362 : memref<10000x128xf32, #tpu.memory_space<hbm>>) target(%dma_start3A_356 : memref<128x128xf32, #tpu.memory_space<vmem>>) offsets(%dma_start3A_359 : memref<128xi32, #tpu.memory_space<vmem>>) semaphore(%dma_start3A_364 : memref<!tpu.dma_semaphore, #tpu.memory_space<semaphore_mem>>)
    %dma_wait3A_365 = arith.constant 1 : i32
    %dma_wait3A_366 = arith.constant 0 : i32
    %dma_wait3A_367 = arith.constant 0 : i32
    %dma_wait3A_368 = arith.constant 0 : i32
    %dma_wait3A_369 = arith.constant 0 : i32
    %dma_wait3A_370 = arith.constant 0 : i32
    %dma_wait3A_371 = arith.constant 0 : i32
    %dma_wait3A_372 = tpu.memref_slice %arg6[%dma_wait3A_368, %dma_wait3A_370, %dma_wait3A_371] : memref<2x128x128xf32, #tpu.memory_space<vmem>> -> memref<1x128x128xf32, #tpu.memory_space<vmem>>
    %dma_wait3A_373 = tpu.memref_squeeze %dma_wait3A_372 : memref<1x128x128xf32, #tpu.memory_space<vmem>> -> memref<128x128xf32, #tpu.memory_space<vmem>>
    %dma_wait3A_374 = arith.constant 0 : i32
    %dma_wait3A_375 = tpu.memref_slice %arg5[%dma_wait3A_365, %dma_wait3A_366, %dma_wait3A_367, %dma_wait3A_374] : memref<2x4x2x128xi32, #tpu.memory_space<vmem>> -> memref<1x1x1x128xi32, #tpu.memory_space<vmem>>
    %dma_wait3A_376 = tpu.memref_squeeze %dma_wait3A_375 : memref<1x1x1x128xi32, #tpu.memory_space<vmem>> -> memref<128xi32, #tpu.memory_space<vmem>>
    %dma_wait3A_377 = arith.constant 0 : i32
    %dma_wait3A_378 = arith.constant 0 : i32
    %dma_wait3A_379 = tpu.memref_slice %arg2[%dma_wait3A_377, %dma_wait3A_378] : memref<10000x128xf32, #tpu.memory_space<hbm>> -> memref<10000x128xf32, #tpu.memory_space<hbm>>
    %dma_wait3A_380 = tpu.memref_slice %arg8[%dma_wait3A_369] : memref<2x!tpu.dma_semaphore, #tpu.memory_space<semaphore_mem>> -> memref<1x!tpu.dma_semaphore, #tpu.memory_space<semaphore_mem>>
    %dma_wait3A_381 = tpu.memref_squeeze %dma_wait3A_380 : memref<1x!tpu.dma_semaphore, #tpu.memory_space<semaphore_mem>> -> memref<!tpu.dma_semaphore, #tpu.memory_space<semaphore_mem>>
    tpu.wait_indirect_dma semaphore(%dma_wait3A_381 : memref<!tpu.dma_semaphore, #tpu.memory_space<semaphore_mem>>) src(%dma_wait3A_379 : memref<10000x128xf32, #tpu.memory_space<hbm>>) dst(%dma_wait3A_373 : memref<128x128xf32, #tpu.memory_space<vmem>>)
    %dma_start3A_382 = arith.constant 0 : i32
    %dma_start3A_383 = arith.constant 1 : i32
    %dma_start3A_384 = arith.constant 0 : i32
    %dma_start3A_385 = arith.constant 1 : i32
    %dma_start3A_386 = arith.constant 0 : i32
    %dma_start3A_387 = arith.constant 0 : i32
    %dma_start3A_388 = arith.constant 0 : i32
    %dma_start3A_389 = tpu.memref_slice %arg6[%dma_start3A_382, %dma_start3A_387, %dma_start3A_388] : memref<2x128x128xf32, #tpu.memory_space<vmem>> -> memref<1x128x128xf32, #tpu.memory_space<vmem>>
    %dma_start3A_390 = tpu.memref_squeeze %dma_start3A_389 : memref<1x128x128xf32, #tpu.memory_space<vmem>> -> memref<128x128xf32, #tpu.memory_space<vmem>>
    %dma_start3A_391 = arith.constant 0 : i32
    %dma_start3A_392 = tpu.memref_slice %arg5[%dma_start3A_383, %dma_start3A_384, %dma_start3A_385, %dma_start3A_391] : memref<2x4x2x128xi32, #tpu.memory_space<vmem>> -> memref<1x1x1x128xi32, #tpu.memory_space<vmem>>
    %dma_start3A_393 = tpu.memref_squeeze %dma_start3A_392 : memref<1x1x1x128xi32, #tpu.memory_space<vmem>> -> memref<128xi32, #tpu.memory_space<vmem>>
    %dma_start3A_394 = arith.constant 0 : i32
    %dma_start3A_395 = arith.constant 0 : i32
    %dma_start3A_396 = tpu.memref_slice %arg7[%dma_start3A_394, %dma_start3A_395] : memref<10016x128xf32, #tpu.memory_space<vmem_shared>> -> memref<10016x128xf32, #tpu.memory_space<vmem_shared>>
    %dma_start3A_397 = tpu.memref_slice %arg10[%dma_start3A_386] : memref<2x!tpu.dma_semaphore, #tpu.memory_space<semaphore_mem>> -> memref<1x!tpu.dma_semaphore, #tpu.memory_space<semaphore_mem>>
    %dma_start3A_398 = tpu.memref_squeeze %dma_start3A_397 : memref<1x!tpu.dma_semaphore, #tpu.memory_space<semaphore_mem>> -> memref<!tpu.dma_semaphore, #tpu.memory_space<semaphore_mem>>
    tpu.enqueue_indirect_dma source(%dma_start3A_390 : memref<128x128xf32, #tpu.memory_space<vmem>>) target(%dma_start3A_396 : memref<10016x128xf32, #tpu.memory_space<vmem_shared>>) offsets(%dma_start3A_393 : memref<128xi32, #tpu.memory_space<vmem>>) semaphore(%dma_start3A_398 : memref<!tpu.dma_semaphore, #tpu.memory_space<semaphore_mem>>) {add = true}
    %dma_wait3A_399 = arith.constant 0 : i32
    %dma_wait3A_400 = arith.constant 1 : i32
    %dma_wait3A_401 = arith.constant 1 : i32
    %dma_wait3A_402 = arith.constant 1 : i32
    %dma_wait3A_403 = arith.constant 0 : i32
    %dma_wait3A_404 = arith.constant 0 : i32
    %dma_wait3A_405 = arith.constant 0 : i32
    %dma_wait3A_406 = tpu.memref_slice %arg6[%dma_wait3A_399, %dma_wait3A_404, %dma_wait3A_405] : memref<2x128x128xf32, #tpu.memory_space<vmem>> -> memref<1x128x128xf32, #tpu.memory_space<vmem>>
    %dma_wait3A_407 = tpu.memref_squeeze %dma_wait3A_406 : memref<1x128x128xf32, #tpu.memory_space<vmem>> -> memref<128x128xf32, #tpu.memory_space<vmem>>
    %dma_wait3A_408 = arith.constant 0 : i32
    %dma_wait3A_409 = tpu.memref_slice %arg5[%dma_wait3A_400, %dma_wait3A_401, %dma_wait3A_402, %dma_wait3A_408] : memref<2x4x2x128xi32, #tpu.memory_space<vmem>> -> memref<1x1x1x128xi32, #tpu.memory_space<vmem>>
    %dma_wait3A_410 = tpu.memref_squeeze %dma_wait3A_409 : memref<1x1x1x128xi32, #tpu.memory_space<vmem>> -> memref<128xi32, #tpu.memory_space<vmem>>
    %dma_wait3A_411 = arith.constant 0 : i32
    %dma_wait3A_412 = arith.constant 0 : i32
    %dma_wait3A_413 = tpu.memref_slice %arg7[%dma_wait3A_411, %dma_wait3A_412] : memref<10016x128xf32, #tpu.memory_space<vmem_shared>> -> memref<10016x128xf32, #tpu.memory_space<vmem_shared>>
    %dma_wait3A_414 = tpu.memref_slice %arg10[%dma_wait3A_403] : memref<2x!tpu.dma_semaphore, #tpu.memory_space<semaphore_mem>> -> memref<1x!tpu.dma_semaphore, #tpu.memory_space<semaphore_mem>>
    %dma_wait3A_415 = tpu.memref_squeeze %dma_wait3A_414 : memref<1x!tpu.dma_semaphore, #tpu.memory_space<semaphore_mem>> -> memref<!tpu.dma_semaphore, #tpu.memory_space<semaphore_mem>>
    tpu.wait_indirect_dma semaphore(%dma_wait3A_415 : memref<!tpu.dma_semaphore, #tpu.memory_space<semaphore_mem>>) src(%dma_wait3A_407 : memref<128x128xf32, #tpu.memory_space<vmem>>) dst(%dma_wait3A_413 : memref<10016x128xf32, #tpu.memory_space<vmem_shared>>)
    %dma_start3A_416 = arith.constant 1 : i32
    %dma_start3A_417 = arith.constant 2 : i32
    %dma_start3A_418 = arith.constant 0 : i32
    %dma_start3A_419 = arith.constant 0 : i32
    %dma_start3A_420 = arith.constant 0 : i32
    %dma_start3A_421 = arith.constant 0 : i32
    %dma_start3A_422 = arith.constant 0 : i32
    %dma_start3A_423 = tpu.memref_slice %arg6[%dma_start3A_419, %dma_start3A_421, %dma_start3A_422] : memref<2x128x128xf32, #tpu.memory_space<vmem>> -> memref<1x128x128xf32, #tpu.memory_space<vmem>>
    %dma_start3A_424 = tpu.memref_squeeze %dma_start3A_423 : memref<1x128x128xf32, #tpu.memory_space<vmem>> -> memref<128x128xf32, #tpu.memory_space<vmem>>
    %dma_start3A_425 = arith.constant 0 : i32
    %dma_start3A_426 = tpu.memref_slice %arg5[%dma_start3A_416, %dma_start3A_417, %dma_start3A_418, %dma_start3A_425] : memref<2x4x2x128xi32, #tpu.memory_space<vmem>> -> memref<1x1x1x128xi32, #tpu.memory_space<vmem>>
    %dma_start3A_427 = tpu.memref_squeeze %dma_start3A_426 : memref<1x1x1x128xi32, #tpu.memory_space<vmem>> -> memref<128xi32, #tpu.memory_space<vmem>>
    %dma_start3A_428 = arith.constant 0 : i32
    %dma_start3A_429 = arith.constant 0 : i32
    %dma_start3A_430 = tpu.memref_slice %arg2[%dma_start3A_428, %dma_start3A_429] : memref<10000x128xf32, #tpu.memory_space<hbm>> -> memref<10000x128xf32, #tpu.memory_space<hbm>>
    %dma_start3A_431 = tpu.memref_slice %arg8[%dma_start3A_420] : memref<2x!tpu.dma_semaphore, #tpu.memory_space<semaphore_mem>> -> memref<1x!tpu.dma_semaphore, #tpu.memory_space<semaphore_mem>>
    %dma_start3A_432 = tpu.memref_squeeze %dma_start3A_431 : memref<1x!tpu.dma_semaphore, #tpu.memory_space<semaphore_mem>> -> memref<!tpu.dma_semaphore, #tpu.memory_space<semaphore_mem>>
    tpu.enqueue_indirect_dma source(%dma_start3A_430 : memref<10000x128xf32, #tpu.memory_space<hbm>>) target(%dma_start3A_424 : memref<128x128xf32, #tpu.memory_space<vmem>>) offsets(%dma_start3A_427 : memref<128xi32, #tpu.memory_space<vmem>>) semaphore(%dma_start3A_432 : memref<!tpu.dma_semaphore, #tpu.memory_space<semaphore_mem>>)
    %dma_wait3A_433 = arith.constant 1 : i32
    %dma_wait3A_434 = arith.constant 1 : i32
    %dma_wait3A_435 = arith.constant 0 : i32
    %dma_wait3A_436 = arith.constant 1 : i32
    %dma_wait3A_437 = arith.constant 1 : i32
    %dma_wait3A_438 = arith.constant 0 : i32
    %dma_wait3A_439 = arith.constant 0 : i32
    %dma_wait3A_440 = tpu.memref_slice %arg6[%dma_wait3A_436, %dma_wait3A_438, %dma_wait3A_439] : memref<2x128x128xf32, #tpu.memory_space<vmem>> -> memref<1x128x128xf32, #tpu.memory_space<vmem>>
    %dma_wait3A_441 = tpu.memref_squeeze %dma_wait3A_440 : memref<1x128x128xf32, #tpu.memory_space<vmem>> -> memref<128x128xf32, #tpu.memory_space<vmem>>
    %dma_wait3A_442 = arith.constant 0 : i32
    %dma_wait3A_443 = tpu.memref_slice %arg5[%dma_wait3A_433, %dma_wait3A_434, %dma_wait3A_435, %dma_wait3A_442] : memref<2x4x2x128xi32, #tpu.memory_space<vmem>> -> memref<1x1x1x128xi32, #tpu.memory_space<vmem>>
    %dma_wait3A_444 = tpu.memref_squeeze %dma_wait3A_443 : memref<1x1x1x128xi32, #tpu.memory_space<vmem>> -> memref<128xi32, #tpu.memory_space<vmem>>
    %dma_wait3A_445 = arith.constant 0 : i32
    %dma_wait3A_446 = arith.constant 0 : i32
    %dma_wait3A_447 = tpu.memref_slice %arg2[%dma_wait3A_445, %dma_wait3A_446] : memref<10000x128xf32, #tpu.memory_space<hbm>> -> memref<10000x128xf32, #tpu.memory_space<hbm>>
    %dma_wait3A_448 = tpu.memref_slice %arg8[%dma_wait3A_437] : memref<2x!tpu.dma_semaphore, #tpu.memory_space<semaphore_mem>> -> memref<1x!tpu.dma_semaphore, #tpu.memory_space<semaphore_mem>>
    %dma_wait3A_449 = tpu.memref_squeeze %dma_wait3A_448 : memref<1x!tpu.dma_semaphore, #tpu.memory_space<semaphore_mem>> -> memref<!tpu.dma_semaphore, #tpu.memory_space<semaphore_mem>>
    tpu.wait_indirect_dma semaphore(%dma_wait3A_449 : memref<!tpu.dma_semaphore, #tpu.memory_space<semaphore_mem>>) src(%dma_wait3A_447 : memref<10000x128xf32, #tpu.memory_space<hbm>>) dst(%dma_wait3A_441 : memref<128x128xf32, #tpu.memory_space<vmem>>)
    %dma_start3A_450 = arith.constant 1 : i32
    %dma_start3A_451 = arith.constant 1 : i32
    %dma_start3A_452 = arith.constant 1 : i32
    %dma_start3A_453 = arith.constant 1 : i32
    %dma_start3A_454 = arith.constant 1 : i32
    %dma_start3A_455 = arith.constant 0 : i32
    %dma_start3A_456 = arith.constant 0 : i32
    %dma_start3A_457 = tpu.memref_slice %arg6[%dma_start3A_450, %dma_start3A_455, %dma_start3A_456] : memref<2x128x128xf32, #tpu.memory_space<vmem>> -> memref<1x128x128xf32, #tpu.memory_space<vmem>>
    %dma_start3A_458 = tpu.memref_squeeze %dma_start3A_457 : memref<1x128x128xf32, #tpu.memory_space<vmem>> -> memref<128x128xf32, #tpu.memory_space<vmem>>
    %dma_start3A_459 = arith.constant 0 : i32
    %dma_start3A_460 = tpu.memref_slice %arg5[%dma_start3A_451, %dma_start3A_452, %dma_start3A_453, %dma_start3A_459] : memref<2x4x2x128xi32, #tpu.memory_space<vmem>> -> memref<1x1x1x128xi32, #tpu.memory_space<vmem>>
    %dma_start3A_461 = tpu.memref_squeeze %dma_start3A_460 : memref<1x1x1x128xi32, #tpu.memory_space<vmem>> -> memref<128xi32, #tpu.memory_space<vmem>>
    %dma_start3A_462 = arith.constant 0 : i32
    %dma_start3A_463 = arith.constant 0 : i32
    %dma_start3A_464 = tpu.memref_slice %arg7[%dma_start3A_462, %dma_start3A_463] : memref<10016x128xf32, #tpu.memory_space<vmem_shared>> -> memref<10016x128xf32, #tpu.memory_space<vmem_shared>>
    %dma_start3A_465 = tpu.memref_slice %arg10[%dma_start3A_454] : memref<2x!tpu.dma_semaphore, #tpu.memory_space<semaphore_mem>> -> memref<1x!tpu.dma_semaphore, #tpu.memory_space<semaphore_mem>>
    %dma_start3A_466 = tpu.memref_squeeze %dma_start3A_465 : memref<1x!tpu.dma_semaphore, #tpu.memory_space<semaphore_mem>> -> memref<!tpu.dma_semaphore, #tpu.memory_space<semaphore_mem>>
    tpu.enqueue_indirect_dma source(%dma_start3A_458 : memref<128x128xf32, #tpu.memory_space<vmem>>) target(%dma_start3A_464 : memref<10016x128xf32, #tpu.memory_space<vmem_shared>>) offsets(%dma_start3A_461 : memref<128xi32, #tpu.memory_space<vmem>>) semaphore(%dma_start3A_466 : memref<!tpu.dma_semaphore, #tpu.memory_space<semaphore_mem>>) {add = true}
    %dma_wait3A_467 = arith.constant 1 : i32
    %dma_wait3A_468 = arith.constant 1 : i32
    %dma_wait3A_469 = arith.constant 2 : i32
    %dma_wait3A_470 = arith.constant 1 : i32
    %dma_wait3A_471 = arith.constant 1 : i32
    %dma_wait3A_472 = arith.constant 0 : i32
    %dma_wait3A_473 = arith.constant 0 : i32
    %dma_wait3A_474 = tpu.memref_slice %arg6[%dma_wait3A_467, %dma_wait3A_472, %dma_wait3A_473] : memref<2x128x128xf32, #tpu.memory_space<vmem>> -> memref<1x128x128xf32, #tpu.memory_space<vmem>>
    %dma_wait3A_475 = tpu.memref_squeeze %dma_wait3A_474 : memref<1x128x128xf32, #tpu.memory_space<vmem>> -> memref<128x128xf32, #tpu.memory_space<vmem>>
    %dma_wait3A_476 = arith.constant 0 : i32
    %dma_wait3A_477 = tpu.memref_slice %arg5[%dma_wait3A_468, %dma_wait3A_469, %dma_wait3A_470, %dma_wait3A_476] : memref<2x4x2x128xi32, #tpu.memory_space<vmem>> -> memref<1x1x1x128xi32, #tpu.memory_space<vmem>>
    %dma_wait3A_478 = tpu.memref_squeeze %dma_wait3A_477 : memref<1x1x1x128xi32, #tpu.memory_space<vmem>> -> memref<128xi32, #tpu.memory_space<vmem>>
    %dma_wait3A_479 = arith.constant 0 : i32
    %dma_wait3A_480 = arith.constant 0 : i32
    %dma_wait3A_481 = tpu.memref_slice %arg7[%dma_wait3A_479, %dma_wait3A_480] : memref<10016x128xf32, #tpu.memory_space<vmem_shared>> -> memref<10016x128xf32, #tpu.memory_space<vmem_shared>>
    %dma_wait3A_482 = tpu.memref_slice %arg10[%dma_wait3A_471] : memref<2x!tpu.dma_semaphore, #tpu.memory_space<semaphore_mem>> -> memref<1x!tpu.dma_semaphore, #tpu.memory_space<semaphore_mem>>
    %dma_wait3A_483 = tpu.memref_squeeze %dma_wait3A_482 : memref<1x!tpu.dma_semaphore, #tpu.memory_space<semaphore_mem>> -> memref<!tpu.dma_semaphore, #tpu.memory_space<semaphore_mem>>
    tpu.wait_indirect_dma semaphore(%dma_wait3A_483 : memref<!tpu.dma_semaphore, #tpu.memory_space<semaphore_mem>>) src(%dma_wait3A_475 : memref<128x128xf32, #tpu.memory_space<vmem>>) dst(%dma_wait3A_481 : memref<10016x128xf32, #tpu.memory_space<vmem_shared>>)
    %dma_wait3A_484 = arith.constant 1 : i32
    %dma_wait3A_485 = arith.constant 2 : i32
    %dma_wait3A_486 = arith.constant 0 : i32
    %dma_wait3A_487 = arith.constant 0 : i32
    %dma_wait3A_488 = arith.constant 0 : i32
    %dma_wait3A_489 = arith.constant 0 : i32
    %dma_wait3A_490 = arith.constant 0 : i32
    %dma_wait3A_491 = tpu.memref_slice %arg6[%dma_wait3A_487, %dma_wait3A_489, %dma_wait3A_490] : memref<2x128x128xf32, #tpu.memory_space<vmem>> -> memref<1x128x128xf32, #tpu.memory_space<vmem>>
    %dma_wait3A_492 = tpu.memref_squeeze %dma_wait3A_491 : memref<1x128x128xf32, #tpu.memory_space<vmem>> -> memref<128x128xf32, #tpu.memory_space<vmem>>
    %dma_wait3A_493 = arith.constant 0 : i32
    %dma_wait3A_494 = tpu.memref_slice %arg5[%dma_wait3A_484, %dma_wait3A_485, %dma_wait3A_486, %dma_wait3A_493] : memref<2x4x2x128xi32, #tpu.memory_space<vmem>> -> memref<1x1x1x128xi32, #tpu.memory_space<vmem>>
    %dma_wait3A_495 = tpu.memref_squeeze %dma_wait3A_494 : memref<1x1x1x128xi32, #tpu.memory_space<vmem>> -> memref<128xi32, #tpu.memory_space<vmem>>
    %dma_wait3A_496 = arith.constant 0 : i32
    %dma_wait3A_497 = arith.constant 0 : i32
    %dma_wait3A_498 = tpu.memref_slice %arg2[%dma_wait3A_496, %dma_wait3A_497] : memref<10000x128xf32, #tpu.memory_space<hbm>> -> memref<10000x128xf32, #tpu.memory_space<hbm>>
    %dma_wait3A_499 = tpu.memref_slice %arg8[%dma_wait3A_488] : memref<2x!tpu.dma_semaphore, #tpu.memory_space<semaphore_mem>> -> memref<1x!tpu.dma_semaphore, #tpu.memory_space<semaphore_mem>>
    %dma_wait3A_500 = tpu.memref_squeeze %dma_wait3A_499 : memref<1x!tpu.dma_semaphore, #tpu.memory_space<semaphore_mem>> -> memref<!tpu.dma_semaphore, #tpu.memory_space<semaphore_mem>>
    tpu.wait_indirect_dma semaphore(%dma_wait3A_500 : memref<!tpu.dma_semaphore, #tpu.memory_space<semaphore_mem>>) src(%dma_wait3A_498 : memref<10000x128xf32, #tpu.memory_space<hbm>>) dst(%dma_wait3A_492 : memref<128x128xf32, #tpu.memory_space<vmem>>)
    %dma_start3A_501 = arith.constant 0 : i32
    %dma_start3A_502 = arith.constant 1 : i32
    %dma_start3A_503 = arith.constant 2 : i32
    %dma_start3A_504 = arith.constant 1 : i32
    %dma_start3A_505 = arith.constant 0 : i32
    %dma_start3A_506 = arith.constant 0 : i32
    %dma_start3A_507 = arith.constant 0 : i32
    %dma_start3A_508 = tpu.memref_slice %arg6[%dma_start3A_501, %dma_start3A_506, %dma_start3A_507] : memref<2x128x128xf32, #tpu.memory_space<vmem>> -> memref<1x128x128xf32, #tpu.memory_space<vmem>>
    %dma_start3A_509 = tpu.memref_squeeze %dma_start3A_508 : memref<1x128x128xf32, #tpu.memory_space<vmem>> -> memref<128x128xf32, #tpu.memory_space<vmem>>
    %dma_start3A_510 = arith.constant 0 : i32
    %dma_start3A_511 = tpu.memref_slice %arg5[%dma_start3A_502, %dma_start3A_503, %dma_start3A_504, %dma_start3A_510] : memref<2x4x2x128xi32, #tpu.memory_space<vmem>> -> memref<1x1x1x128xi32, #tpu.memory_space<vmem>>
    %dma_start3A_512 = tpu.memref_squeeze %dma_start3A_511 : memref<1x1x1x128xi32, #tpu.memory_space<vmem>> -> memref<128xi32, #tpu.memory_space<vmem>>
    %dma_start3A_513 = arith.constant 0 : i32
    %dma_start3A_514 = arith.constant 0 : i32
    %dma_start3A_515 = tpu.memref_slice %arg7[%dma_start3A_513, %dma_start3A_514] : memref<10016x128xf32, #tpu.memory_space<vmem_shared>> -> memref<10016x128xf32, #tpu.memory_space<vmem_shared>>
    %dma_start3A_516 = tpu.memref_slice %arg10[%dma_start3A_505] : memref<2x!tpu.dma_semaphore, #tpu.memory_space<semaphore_mem>> -> memref<1x!tpu.dma_semaphore, #tpu.memory_space<semaphore_mem>>
    %dma_start3A_517 = tpu.memref_squeeze %dma_start3A_516 : memref<1x!tpu.dma_semaphore, #tpu.memory_space<semaphore_mem>> -> memref<!tpu.dma_semaphore, #tpu.memory_space<semaphore_mem>>
    tpu.enqueue_indirect_dma source(%dma_start3A_509 : memref<128x128xf32, #tpu.memory_space<vmem>>) target(%dma_start3A_515 : memref<10016x128xf32, #tpu.memory_space<vmem_shared>>) offsets(%dma_start3A_512 : memref<128xi32, #tpu.memory_space<vmem>>) semaphore(%dma_start3A_517 : memref<!tpu.dma_semaphore, #tpu.memory_space<semaphore_mem>>) {add = true}
    %dma_wait3A_518 = arith.constant 0 : i32
    %dma_wait3A_519 = arith.constant 1 : i32
    %dma_wait3A_520 = arith.constant 2 : i32
    %dma_wait3A_521 = arith.constant 1 : i32
    %dma_wait3A_522 = arith.constant 0 : i32
    %dma_wait3A_523 = arith.constant 0 : i32
    %dma_wait3A_524 = arith.constant 0 : i32
    %dma_wait3A_525 = tpu.memref_slice %arg6[%dma_wait3A_518, %dma_wait3A_523, %dma_wait3A_524] : memref<2x128x128xf32, #tpu.memory_space<vmem>> -> memref<1x128x128xf32, #tpu.memory_space<vmem>>
    %dma_wait3A_526 = tpu.memref_squeeze %dma_wait3A_525 : memref<1x128x128xf32, #tpu.memory_space<vmem>> -> memref<128x128xf32, #tpu.memory_space<vmem>>
    %dma_wait3A_527 = arith.constant 0 : i32
    %dma_wait3A_528 = tpu.memref_slice %arg5[%dma_wait3A_519, %dma_wait3A_520, %dma_wait3A_521, %dma_wait3A_527] : memref<2x4x2x128xi32, #tpu.memory_space<vmem>> -> memref<1x1x1x128xi32, #tpu.memory_space<vmem>>
    %dma_wait3A_529 = tpu.memref_squeeze %dma_wait3A_528 : memref<1x1x1x128xi32, #tpu.memory_space<vmem>> -> memref<128xi32, #tpu.memory_space<vmem>>
    %dma_wait3A_530 = arith.constant 0 : i32
    %dma_wait3A_531 = arith.constant 0 : i32
    %dma_wait3A_532 = tpu.memref_slice %arg7[%dma_wait3A_530, %dma_wait3A_531] : memref<10016x128xf32, #tpu.memory_space<vmem_shared>> -> memref<10016x128xf32, #tpu.memory_space<vmem_shared>>
    %dma_wait3A_533 = tpu.memref_slice %arg10[%dma_wait3A_522] : memref<2x!tpu.dma_semaphore, #tpu.memory_space<semaphore_mem>> -> memref<1x!tpu.dma_semaphore, #tpu.memory_space<semaphore_mem>>
    %dma_wait3A_534 = tpu.memref_squeeze %dma_wait3A_533 : memref<1x!tpu.dma_semaphore, #tpu.memory_space<semaphore_mem>> -> memref<!tpu.dma_semaphore, #tpu.memory_space<semaphore_mem>>
    tpu.wait_indirect_dma semaphore(%dma_wait3A_534 : memref<!tpu.dma_semaphore, #tpu.memory_space<semaphore_mem>>) src(%dma_wait3A_526 : memref<128x128xf32, #tpu.memory_space<vmem>>) dst(%dma_wait3A_532 : memref<10016x128xf32, #tpu.memory_space<vmem_shared>>)
    %barrier3A_535 = arith.constant 0 : index
    tpu.barrier barrier_id(%barrier3A_535)
    %mul3A_536 = arith.constant 624 : i32
    %mul3A_537 = arith.muli %arg1, %mul3A_536 : i32
    %mul3A_538 = arith.constant 624 : i32
    %mul3A_539 = arith.muli %arg1, %mul3A_538 : i32
    "tpu.region"() ({
      %run_scoped3A_545 = tpu.sem_alloc : memref<!tpu.dma_semaphore, #tpu.memory_space<semaphore_mem>>
      %dma_start3A_546 = arith.constant 0 : i32
      %dma_start3A_547 = tpu.memref_slice %arg4[%arg0, %mul3A_539, %dma_start3A_546] : memref<2x10000x128xf32, #tpu.memory_space<hbm>> -> memref<1x624x128xf32, #tpu.memory_space<hbm>>
      %dma_start3A_548 = tpu.memref_squeeze %dma_start3A_547 : memref<1x624x128xf32, #tpu.memory_space<hbm>> -> memref<624x128xf32, #tpu.memory_space<hbm>>
      %dma_start3A_549 = arith.constant 0 : i32
      %dma_start3A_550 = tpu.memref_slice %arg7[%mul3A_537, %dma_start3A_549] : memref<10016x128xf32, #tpu.memory_space<vmem_shared>> -> memref<624x128xf32, #tpu.memory_space<vmem_shared>>
      tpu.enqueue_dma source(%dma_start3A_550 : memref<624x128xf32, #tpu.memory_space<vmem_shared>>) target(%dma_start3A_548 : memref<624x128xf32, #tpu.memory_space<hbm>>) target_semaphore(%run_scoped3A_545 : memref<!tpu.dma_semaphore, #tpu.memory_space<semaphore_mem>>)
      %dma_wait3A_551 = arith.constant 0 : i32
      %dma_wait3A_552 = tpu.memref_slice %arg4[%arg0, %mul3A_539, %dma_wait3A_551] : memref<2x10000x128xf32, #tpu.memory_space<hbm>> -> memref<1x624x128xf32, #tpu.memory_space<hbm>>
      %dma_wait3A_553 = tpu.memref_squeeze %dma_wait3A_552 : memref<1x624x128xf32, #tpu.memory_space<hbm>> -> memref<624x128xf32, #tpu.memory_space<hbm>>
      %dma_wait3A_554 = arith.constant 0 : i32
      %dma_wait3A_555 = tpu.memref_slice %arg7[%mul3A_537, %dma_wait3A_554] : memref<10016x128xf32, #tpu.memory_space<vmem_shared>> -> memref<624x128xf32, #tpu.memory_space<vmem_shared>>
      tpu.wait_dma2 semaphore(%run_scoped3A_545 : memref<!tpu.dma_semaphore, #tpu.memory_space<semaphore_mem>>) src(%dma_wait3A_555 : memref<624x128xf32, #tpu.memory_space<vmem_shared>>) dst(%dma_wait3A_553 : memref<624x128xf32, #tpu.memory_space<hbm>>)
      tpu.yield
    }) : () -> ()
    %eq3A_540 = arith.constant 0 : i32
    %eq3A_541 = arith.cmpi eq, %arg1, %eq3A_540 : i32
    %convert_element_type3A_542 = arith.extui %eq3A_541 : i1 to i32
    %cond3A_543 = arith.constant 0 : i32
    %cond3A_544 = arith.cmpi ne, %convert_element_type3A_542, %cond3A_543 : i32
    scf.if %cond3A_544 {
      "tpu.region"() ({
        %run_scoped3A_545 = tpu.sem_alloc : memref<!tpu.dma_semaphore, #tpu.memory_space<semaphore_mem>>
        %dma_start3A_546 = arith.constant 9984 : i32
        %dma_start3A_547 = arith.constant 0 : i32
        %dma_start3A_548 = tpu.memref_slice %arg4[%arg0, %dma_start3A_546, %dma_start3A_547] : memref<2x10000x128xf32, #tpu.memory_space<hbm>> -> memref<1x16x128xf32, #tpu.memory_space<hbm>>
        %dma_start3A_549 = tpu.memref_squeeze %dma_start3A_548 : memref<1x16x128xf32, #tpu.memory_space<hbm>> -> memref<16x128xf32, #tpu.memory_space<hbm>>
        %dma_start3A_550 = arith.constant 9984 : i32
        %dma_start3A_551 = arith.constant 0 : i32
        %dma_start3A_552 = tpu.memref_slice %arg7[%dma_start3A_550, %dma_start3A_551] : memref<10016x128xf32, #tpu.memory_space<vmem_shared>> -> memref<16x128xf32, #tpu.memory_space<vmem_shared>>
        tpu.enqueue_dma source(%dma_start3A_552 : memref<16x128xf32, #tpu.memory_space<vmem_shared>>) target(%dma_start3A_549 : memref<16x128xf32, #tpu.memory_space<hbm>>) target_semaphore(%run_scoped3A_545 : memref<!tpu.dma_semaphore, #tpu.memory_space<semaphore_mem>>)
        %dma_wait3A_553 = arith.constant 9984 : i32
        %dma_wait3A_554 = arith.constant 0 : i32
        %dma_wait3A_555 = tpu.memref_slice %arg4[%arg0, %dma_wait3A_553, %dma_wait3A_554] : memref<2x10000x128xf32, #tpu.memory_space<hbm>> -> memref<1x16x128xf32, #tpu.memory_space<hbm>>
        %dma_wait3A_556 = tpu.memref_squeeze %dma_wait3A_555 : memref<1x16x128xf32, #tpu.memory_space<hbm>> -> memref<16x128xf32, #tpu.memory_space<hbm>>
        %dma_wait3A_557 = arith.constant 9984 : i32
        %dma_wait3A_558 = arith.constant 0 : i32
        %dma_wait3A_559 = tpu.memref_slice %arg7[%dma_wait3A_557, %dma_wait3A_558] : memref<10016x128xf32, #tpu.memory_space<vmem_shared>> -> memref<16x128xf32, #tpu.memory_space<vmem_shared>>
        tpu.wait_dma2 semaphore(%run_scoped3A_545 : memref<!tpu.dma_semaphore, #tpu.memory_space<semaphore_mem>>) src(%dma_wait3A_559 : memref<16x128xf32, #tpu.memory_space<vmem_shared>>) dst(%dma_wait3A_556 : memref<16x128xf32, #tpu.memory_space<hbm>>)
        tpu.yield
      }) : () -> ()
    } else {
    }
    return
  }
}

#map = affine_map<(d0, d1) -> (0, 0)>
#map1 = affine_map<(d0, d1) -> (0, 0, 0, 0)>
#map2 = affine_map<(d0, d1) -> (0, 0, 0)>
module attributes {stable_mosaic.version = 14 : i64} {
  func.func @k(%arg0: i32, %arg1: i32, %arg2: memref<10000x128xf32, #tpu.memory_space<hbm>>, %arg3: memref<32x80x2x128xi32, #tpu.memory_space<hbm>>, %arg4: memref<2x10000x128xf32, #tpu.memory_space<hbm>>, %arg5: memref<2x4x2x128xi32, #tpu.memory_space<vmem>>, %arg6: memref<2x128x128xf32, #tpu.memory_space<vmem>>, %arg7: memref<10016x128xf32, #tpu.memory_space<vmem_shared>>, %arg8: memref<2x!tpu.dma_semaphore, #tpu.memory_space<semaphore_mem>>, %arg9: memref<2x!tpu.dma_semaphore, #tpu.memory_space<semaphore_mem>>, %arg10: memref<2x!tpu.dma_semaphore, #tpu.memory_space<semaphore_mem>>) attributes {dimension_semantics = [#tpu.dimension_semantics<core_parallel>, #tpu.dimension_semantics<subcore_parallel>], iteration_bounds = array<i64: 2, 16>, scalar_prefetch = 0 : i64, scratch_operands = 6 : i64, tpu.core_type = #tpu.core_type<sc_vector_subcore>, window_params = [{transform_indices = #map}, {transform_indices = #map1}, {transform_indices = #map2}]} {
    %mul3A = arith.constant 16 : i32
    %mul3A_0 = arith.muli %arg0, %mul3A : i32
    %add3A = arith.addi %mul3A_0, %arg1 : i32
    %run_scoped3A = arith.constant 0 : i32
    "tpu.region"() ({
      %run_scoped3A_545 = tpu.sem_alloc : memref<!tpu.dma_semaphore, #tpu.memory_space<semaphore_mem>>
      %dma_start3A_546 = arith.constant 0 : i32
      %dma_start3A_547 = arith.constant 0 : i32
      %dma_start3A_548 = arith.constant 0 : i32
      %dma_start3A_549 = tpu.memref_slice %arg5[%run_scoped3A, %dma_start3A_546, %dma_start3A_547, %dma_start3A_548] : memref<2x4x2x128xi32, #tpu.memory_space<vmem>> -> memref<1x4x2x128xi32, #tpu.memory_space<vmem>>
      %dma_start3A_550 = tpu.memref_squeeze %dma_start3A_549 : memref<1x4x2x128xi32, #tpu.memory_space<vmem>> -> memref<4x2x128xi32, #tpu.memory_space<vmem>>
      %dma_start3A_551 = arith.constant 0 : i32
      %dma_start3A_552 = arith.constant 0 : i32
      %dma_start3A_553 = arith.constant 0 : i32
      %dma_start3A_554 = tpu.memref_slice %arg3[%add3A, %dma_start3A_551, %dma_start3A_552, %dma_start3A_553] : memref<32x80x2x128xi32, #tpu.memory_space<hbm>> -> memref<1x4x2x128xi32, #tpu.memory_space<hbm>>
      %dma_start3A_555 = tpu.memref_squeeze %dma_start3A_554 : memref<1x4x2x128xi32, #tpu.memory_space<hbm>> -> memref<4x2x128xi32, #tpu.memory_space<hbm>>
      %dma_start3A_556 = arith.constant 0 : i32
      %dma_start3A_557 = arith.constant 0 : i32
      %dma_start3A_558 = arith.constant 0 : i32
      %dma_start3A_559 = tpu.memref_slice %arg5[%run_scoped3A, %dma_start3A_556, %dma_start3A_557, %dma_start3A_558] : memref<2x4x2x128xi32, #tpu.memory_space<vmem>> -> memref<1x4x2x128xi32, #tpu.memory_space<vmem>>
      %dma_start3A_560 = tpu.memref_squeeze %dma_start3A_559 : memref<1x4x2x128xi32, #tpu.memory_space<vmem>> -> memref<4x2x128xi32, #tpu.memory_space<vmem>>
      %dma_start3A_561 = arith.constant 0 : i32
      %dma_start3A_562 = arith.constant 0 : i32
      %dma_start3A_563 = arith.constant 0 : i32
      %dma_start3A_564 = tpu.memref_slice %arg3[%add3A, %dma_start3A_561, %dma_start3A_562, %dma_start3A_563] : memref<32x80x2x128xi32, #tpu.memory_space<hbm>> -> memref<1x4x2x128xi32, #tpu.memory_space<hbm>>
      %dma_start3A_565 = tpu.memref_squeeze %dma_start3A_564 : memref<1x4x2x128xi32, #tpu.memory_space<hbm>> -> memref<4x2x128xi32, #tpu.memory_space<hbm>>
      tpu.enqueue_dma source(%dma_start3A_565 : memref<4x2x128xi32, #tpu.memory_space<hbm>>) target(%dma_start3A_560 : memref<4x2x128xi32, #tpu.memory_space<vmem>>) target_semaphore(%run_scoped3A_545 : memref<!tpu.dma_semaphore, #tpu.memory_space<semaphore_mem>>)
      %dma_wait3A_566 = arith.constant 0 : i32
      %dma_wait3A_567 = arith.constant 0 : i32
      %dma_wait3A_568 = arith.constant 0 : i32
      %dma_wait3A_569 = tpu.memref_slice %arg5[%run_scoped3A, %dma_wait3A_566, %dma_wait3A_567, %dma_wait3A_568] : memref<2x4x2x128xi32, #tpu.memory_space<vmem>> -> memref<1x4x2x128xi32, #tpu.memory_space<vmem>>
      %dma_wait3A_570 = tpu.memref_squeeze %dma_wait3A_569 : memref<1x4x2x128xi32, #tpu.memory_space<vmem>> -> memref<4x2x128xi32, #tpu.memory_space<vmem>>
      %dma_wait3A_571 = arith.constant 0 : i32
      %dma_wait3A_572 = arith.constant 0 : i32
      %dma_wait3A_573 = arith.constant 0 : i32
      %dma_wait3A_574 = tpu.memref_slice %arg3[%add3A, %dma_wait3A_571, %dma_wait3A_572, %dma_wait3A_573] : memref<32x80x2x128xi32, #tpu.memory_space<hbm>> -> memref<1x4x2x128xi32, #tpu.memory_space<hbm>>
      %dma_wait3A_575 = tpu.memref_squeeze %dma_wait3A_574 : memref<1x4x2x128xi32, #tpu.memory_space<hbm>> -> memref<4x2x128xi32, #tpu.memory_space<hbm>>
      %dma_wait3A_576 = arith.constant 0 : i32
      %dma_wait3A_577 = arith.constant 0 : i32
      %dma_wait3A_578 = arith.constant 0 : i32
      %dma_wait3A_579 = tpu.memref_slice %arg5[%run_scoped3A, %dma_wait3A_576, %dma_wait3A_577, %dma_wait3A_578] : memref<2x4x2x128xi32, #tpu.memory_space<vmem>> -> memref<1x4x2x128xi32, #tpu.memory_space<vmem>>
      %dma_wait3A_580 = tpu.memref_squeeze %dma_wait3A_579 : memref<1x4x2x128xi32, #tpu.memory_space<vmem>> -> memref<4x2x128xi32, #tpu.memory_space<vmem>>
      %dma_wait3A_581 = arith.constant 0 : i32
      %dma_wait3A_582 = arith.constant 0 : i32
      %dma_wait3A_583 = arith.constant 0 : i32
      %dma_wait3A_584 = tpu.memref_slice %arg3[%add3A, %dma_wait3A_581, %dma_wait3A_582, %dma_wait3A_583] : memref<32x80x2x128xi32, #tpu.memory_space<hbm>> -> memref<1x4x2x128xi32, #tpu.memory_space<hbm>>
      %dma_wait3A_585 = tpu.memref_squeeze %dma_wait3A_584 : memref<1x4x2x128xi32, #tpu.memory_space<hbm>> -> memref<4x2x128xi32, #tpu.memory_space<hbm>>
      tpu.wait_dma2 semaphore(%run_scoped3A_545 : memref<!tpu.dma_semaphore, #tpu.memory_space<semaphore_mem>>) src(%dma_wait3A_585 : memref<4x2x128xi32, #tpu.memory_space<hbm>>) dst(%dma_wait3A_580 : memref<4x2x128xi32, #tpu.memory_space<vmem>>)
      tpu.yield
    }) : () -> ()
    %dma_start3A = arith.constant 1 : i32
    %dma_start3A_1 = arith.constant 1 : i32
    %dma_start3A_2 = arith.constant 0 : i32
    %dma_start3A_3 = arith.constant 0 : i32
    %dma_start3A_4 = arith.constant 0 : i32
    %dma_start3A_5 = tpu.memref_slice %arg5[%dma_start3A, %dma_start3A_2, %dma_start3A_3, %dma_start3A_4] : memref<2x4x2x128xi32, #tpu.memory_space<vmem>> -> memref<1x4x2x128xi32, #tpu.memory_space<vmem>>
    %dma_start3A_6 = tpu.memref_squeeze %dma_start3A_5 : memref<1x4x2x128xi32, #tpu.memory_space<vmem>> -> memref<4x2x128xi32, #tpu.memory_space<vmem>>
    %dma_start3A_7 = arith.constant 4 : i32
    %dma_start3A_8 = arith.constant 0 : i32
    %dma_start3A_9 = arith.constant 0 : i32
    %dma_start3A_10 = tpu.memref_slice %arg3[%add3A, %dma_start3A_7, %dma_start3A_8, %dma_start3A_9] : memref<32x80x2x128xi32, #tpu.memory_space<hbm>> -> memref<1x4x2x128xi32, #tpu.memory_space<hbm>>
    %dma_start3A_11 = tpu.memref_squeeze %dma_start3A_10 : memref<1x4x2x128xi32, #tpu.memory_space<hbm>> -> memref<4x2x128xi32, #tpu.memory_space<hbm>>
    %dma_start3A_12 = tpu.memref_slice %arg9[%dma_start3A_1] : memref<2x!tpu.dma_semaphore, #tpu.memory_space<semaphore_mem>> -> memref<1x!tpu.dma_semaphore, #tpu.memory_space<semaphore_mem>>
    %dma_start3A_13 = tpu.memref_squeeze %dma_start3A_12 : memref<1x!tpu.dma_semaphore, #tpu.memory_space<semaphore_mem>> -> memref<!tpu.dma_semaphore, #tpu.memory_space<semaphore_mem>>
    %dma_start3A_14 = arith.constant 0 : i32
    %dma_start3A_15 = arith.constant 0 : i32
    %dma_start3A_16 = arith.constant 0 : i32
    %dma_start3A_17 = tpu.memref_slice %arg5[%dma_start3A, %dma_start3A_14, %dma_start3A_15, %dma_start3A_16] : memref<2x4x2x128xi32, #tpu.memory_space<vmem>> -> memref<1x4x2x128xi32, #tpu.memory_space<vmem>>
    %dma_start3A_18 = tpu.memref_squeeze %dma_start3A_17 : memref<1x4x2x128xi32, #tpu.memory_space<vmem>> -> memref<4x2x128xi32, #tpu.memory_space<vmem>>
    %dma_start3A_19 = arith.constant 4 : i32
    %dma_start3A_20 = arith.constant 0 : i32
    %dma_start3A_21 = arith.constant 0 : i32
    %dma_start3A_22 = tpu.memref_slice %arg3[%add3A, %dma_start3A_19, %dma_start3A_20, %dma_start3A_21] : memref<32x80x2x128xi32, #tpu.memory_space<hbm>> -> memref<1x4x2x128xi32, #tpu.memory_space<hbm>>
    %dma_start3A_23 = tpu.memref_squeeze %dma_start3A_22 : memref<1x4x2x128xi32, #tpu.memory_space<hbm>> -> memref<4x2x128xi32, #tpu.memory_space<hbm>>
    tpu.enqueue_dma source(%dma_start3A_23 : memref<4x2x128xi32, #tpu.memory_space<hbm>>) target(%dma_start3A_18 : memref<4x2x128xi32, #tpu.memory_space<vmem>>) target_semaphore(%dma_start3A_13 : memref<!tpu.dma_semaphore, #tpu.memory_space<semaphore_mem>>)
    %dma_start3A_24 = arith.constant 0 : i32
    %dma_start3A_25 = arith.constant 0 : i32
    %dma_start3A_26 = arith.constant 0 : i32
    %dma_start3A_27 = arith.constant 0 : i32
    %dma_start3A_28 = arith.constant 0 : i32
    %dma_start3A_29 = arith.constant 0 : i32
    %dma_start3A_30 = arith.constant 0 : i32
    %dma_start3A_31 = tpu.memref_slice %arg6[%dma_start3A_27, %dma_start3A_29, %dma_start3A_30] : memref<2x128x128xf32, #tpu.memory_space<vmem>> -> memref<1x128x128xf32, #tpu.memory_space<vmem>>
    %dma_start3A_32 = tpu.memref_squeeze %dma_start3A_31 : memref<1x128x128xf32, #tpu.memory_space<vmem>> -> memref<128x128xf32, #tpu.memory_space<vmem>>
    %dma_start3A_33 = arith.constant 0 : i32
    %dma_start3A_34 = tpu.memref_slice %arg5[%dma_start3A_24, %dma_start3A_25, %dma_start3A_26, %dma_start3A_33] : memref<2x4x2x128xi32, #tpu.memory_space<vmem>> -> memref<1x1x1x128xi32, #tpu.memory_space<vmem>>
    %dma_start3A_35 = tpu.memref_squeeze %dma_start3A_34 : memref<1x1x1x128xi32, #tpu.memory_space<vmem>> -> memref<128xi32, #tpu.memory_space<vmem>>
    %dma_start3A_36 = arith.constant 0 : i32
    %dma_start3A_37 = arith.constant 0 : i32
    %dma_start3A_38 = tpu.memref_slice %arg2[%dma_start3A_36, %dma_start3A_37] : memref<10000x128xf32, #tpu.memory_space<hbm>> -> memref<10000x128xf32, #tpu.memory_space<hbm>>
    %dma_start3A_39 = tpu.memref_slice %arg8[%dma_start3A_28] : memref<2x!tpu.dma_semaphore, #tpu.memory_space<semaphore_mem>> -> memref<1x!tpu.dma_semaphore, #tpu.memory_space<semaphore_mem>>
    %dma_start3A_40 = tpu.memref_squeeze %dma_start3A_39 : memref<1x!tpu.dma_semaphore, #tpu.memory_space<semaphore_mem>> -> memref<!tpu.dma_semaphore, #tpu.memory_space<semaphore_mem>>
    tpu.enqueue_indirect_dma source(%dma_start3A_38 : memref<10000x128xf32, #tpu.memory_space<hbm>>) target(%dma_start3A_32 : memref<128x128xf32, #tpu.memory_space<vmem>>) offsets(%dma_start3A_35 : memref<128xi32, #tpu.memory_space<vmem>>) semaphore(%dma_start3A_40 : memref<!tpu.dma_semaphore, #tpu.memory_space<semaphore_mem>>)
    %mul3A_41 = arith.constant 624 : i32
    %mul3A_42 = arith.muli %arg1, %mul3A_41 : i32
    %mul3A_43 = arith.constant 624 : i32
    %mul3A_44 = arith.muli %arg1, %mul3A_43 : i32
    "tpu.region"() ({
      %run_scoped3A_545 = tpu.sem_alloc : memref<!tpu.dma_semaphore, #tpu.memory_space<semaphore_mem>>
      %dma_start3A_546 = arith.constant 0 : i32
      %dma_start3A_547 = tpu.memref_slice %arg7[%mul3A_44, %dma_start3A_546] : memref<10016x128xf32, #tpu.memory_space<vmem_shared>> -> memref<624x128xf32, #tpu.memory_space<vmem_shared>>
      %dma_start3A_548 = arith.constant 0 : i32
      %dma_start3A_549 = tpu.memref_slice %arg2[%mul3A_42, %dma_start3A_548] : memref<10000x128xf32, #tpu.memory_space<hbm>> -> memref<624x128xf32, #tpu.memory_space<hbm>>
      tpu.enqueue_dma source(%dma_start3A_549 : memref<624x128xf32, #tpu.memory_space<hbm>>) target(%dma_start3A_547 : memref<624x128xf32, #tpu.memory_space<vmem_shared>>) target_semaphore(%run_scoped3A_545 : memref<!tpu.dma_semaphore, #tpu.memory_space<semaphore_mem>>)
      %dma_wait3A_550 = arith.constant 0 : i32
      %dma_wait3A_551 = tpu.memref_slice %arg7[%mul3A_44, %dma_wait3A_550] : memref<10016x128xf32, #tpu.memory_space<vmem_shared>> -> memref<624x128xf32, #tpu.memory_space<vmem_shared>>
      %dma_wait3A_552 = arith.constant 0 : i32
      %dma_wait3A_553 = tpu.memref_slice %arg2[%mul3A_42, %dma_wait3A_552] : memref<10000x128xf32, #tpu.memory_space<hbm>> -> memref<624x128xf32, #tpu.memory_space<hbm>>
      tpu.wait_dma2 semaphore(%run_scoped3A_545 : memref<!tpu.dma_semaphore, #tpu.memory_space<semaphore_mem>>) src(%dma_wait3A_553 : memref<624x128xf32, #tpu.memory_space<hbm>>) dst(%dma_wait3A_551 : memref<624x128xf32, #tpu.memory_space<vmem_shared>>)
      tpu.yield
    }) : () -> ()
    %eq3A = arith.constant 0 : i32
    %eq3A_45 = arith.cmpi eq, %arg1, %eq3A : i32
    %convert_element_type3A = arith.extui %eq3A_45 : i1 to i32
    %cond3A = arith.constant 0 : i32
    %cond3A_46 = arith.cmpi ne, %convert_element_type3A, %cond3A : i32
    scf.if %cond3A_46 {
      "tpu.region"() ({
        %run_scoped3A_545 = tpu.sem_alloc : memref<!tpu.dma_semaphore, #tpu.memory_space<semaphore_mem>>
        %dma_start3A_546 = arith.constant 9984 : i32
        %dma_start3A_547 = arith.constant 0 : i32
        %dma_start3A_548 = tpu.memref_slice %arg7[%dma_start3A_546, %dma_start3A_547] : memref<10016x128xf32, #tpu.memory_space<vmem_shared>> -> memref<16x128xf32, #tpu.memory_space<vmem_shared>>
        %dma_start3A_549 = arith.constant 9984 : i32
        %dma_start3A_550 = arith.constant 0 : i32
        %dma_start3A_551 = tpu.memref_slice %arg2[%dma_start3A_549, %dma_start3A_550] : memref<10000x128xf32, #tpu.memory_space<hbm>> -> memref<16x128xf32, #tpu.memory_space<hbm>>
        tpu.enqueue_dma source(%dma_start3A_551 : memref<16x128xf32, #tpu.memory_space<hbm>>) target(%dma_start3A_548 : memref<16x128xf32, #tpu.memory_space<vmem_shared>>) target_semaphore(%run_scoped3A_545 : memref<!tpu.dma_semaphore, #tpu.memory_space<semaphore_mem>>)
        %dma_wait3A_552 = arith.constant 9984 : i32
        %dma_wait3A_553 = arith.constant 0 : i32
        %dma_wait3A_554 = tpu.memref_slice %arg7[%dma_wait3A_552, %dma_wait3A_553] : memref<10016x128xf32, #tpu.memory_space<vmem_shared>> -> memref<16x128xf32, #tpu.memory_space<vmem_shared>>
        %dma_wait3A_555 = arith.constant 9984 : i32
        %dma_wait3A_556 = arith.constant 0 : i32
        %dma_wait3A_557 = tpu.memref_slice %arg2[%dma_wait3A_555, %dma_wait3A_556] : memref<10000x128xf32, #tpu.memory_space<hbm>> -> memref<16x128xf32, #tpu.memory_space<hbm>>
        tpu.wait_dma2 semaphore(%run_scoped3A_545 : memref<!tpu.dma_semaphore, #tpu.memory_space<semaphore_mem>>) src(%dma_wait3A_557 : memref<16x128xf32, #tpu.memory_space<hbm>>) dst(%dma_wait3A_554 : memref<16x128xf32, #tpu.memory_space<vmem_shared>>)
        tpu.yield
      }) : () -> ()
    } else {
    }
    %barrier3A = arith.constant 0 : index
    tpu.barrier barrier_id(%barrier3A)
    %dma_start3A_47 = arith.constant 0 : i32
    %dma_start3A_48 = arith.constant 1 : i32
    %dma_start3A_49 = arith.constant 0 : i32
    %dma_start3A_50 = arith.constant 1 : i32
    %dma_start3A_51 = arith.constant 1 : i32
    %dma_start3A_52 = arith.constant 0 : i32
    %dma_start3A_53 = arith.constant 0 : i32
    %dma_start3A_54 = tpu.memref_slice %arg6[%dma_start3A_50, %dma_start3A_52, %dma_start3A_53] : memref<2x128x128xf32, #tpu.memory_space<vmem>> -> memref<1x128x128xf32, #tpu.memory_space<vmem>>
    %dma_start3A_55 = tpu.memref_squeeze %dma_start3A_54 : memref<1x128x128xf32, #tpu.memory_space<vmem>> -> memref<128x128xf32, #tpu.memory_space<vmem>>
    %dma_start3A_56 = arith.constant 0 : i32
    %dma_start3A_57 = tpu.memref_slice %arg5[%dma_start3A_47, %dma_start3A_48, %dma_start3A_49, %dma_start3A_56] : memref<2x4x2x128xi32, #tpu.memory_space<vmem>> -> memref<1x1x1x128xi32, #tpu.memory_space<vmem>>
    %dma_start3A_58 = tpu.memref_squeeze %dma_start3A_57 : memref<1x1x1x128xi32, #tpu.memory_space<vmem>> -> memref<128xi32, #tpu.memory_space<vmem>>
    %dma_start3A_59 = arith.constant 0 : i32
    %dma_start3A_60 = arith.constant 0 : i32
    %dma_start3A_61 = tpu.memref_slice %arg2[%dma_start3A_59, %dma_start3A_60] : memref<10000x128xf32, #tpu.memory_space<hbm>> -> memref<10000x128xf32, #tpu.memory_space<hbm>>
    %dma_start3A_62 = tpu.memref_slice %arg8[%dma_start3A_51] : memref<2x!tpu.dma_semaphore, #tpu.memory_space<semaphore_mem>> -> memref<1x!tpu.dma_semaphore, #tpu.memory_space<semaphore_mem>>
    %dma_start3A_63 = tpu.memref_squeeze %dma_start3A_62 : memref<1x!tpu.dma_semaphore, #tpu.memory_space<semaphore_mem>> -> memref<!tpu.dma_semaphore, #tpu.memory_space<semaphore_mem>>
    tpu.enqueue_indirect_dma source(%dma_start3A_61 : memref<10000x128xf32, #tpu.memory_space<hbm>>) target(%dma_start3A_55 : memref<128x128xf32, #tpu.memory_space<vmem>>) offsets(%dma_start3A_58 : memref<128xi32, #tpu.memory_space<vmem>>) semaphore(%dma_start3A_63 : memref<!tpu.dma_semaphore, #tpu.memory_space<semaphore_mem>>)
    %dma_wait3A = arith.constant 0 : i32
    %dma_wait3A_64 = arith.constant 0 : i32
    %dma_wait3A_65 = arith.constant 0 : i32
    %dma_wait3A_66 = arith.constant 0 : i32
    %dma_wait3A_67 = arith.constant 0 : i32
    %dma_wait3A_68 = arith.constant 0 : i32
    %dma_wait3A_69 = arith.constant 0 : i32
    %dma_wait3A_70 = tpu.memref_slice %arg6[%dma_wait3A_66, %dma_wait3A_68, %dma_wait3A_69] : memref<2x128x128xf32, #tpu.memory_space<vmem>> -> memref<1x128x128xf32, #tpu.memory_space<vmem>>
    %dma_wait3A_71 = tpu.memref_squeeze %dma_wait3A_70 : memref<1x128x128xf32, #tpu.memory_space<vmem>> -> memref<128x128xf32, #tpu.memory_space<vmem>>
    %dma_wait3A_72 = arith.constant 0 : i32
    %dma_wait3A_73 = tpu.memref_slice %arg5[%dma_wait3A, %dma_wait3A_64, %dma_wait3A_65, %dma_wait3A_72] : memref<2x4x2x128xi32, #tpu.memory_space<vmem>> -> memref<1x1x1x128xi32, #tpu.memory_space<vmem>>
    %dma_wait3A_74 = tpu.memref_squeeze %dma_wait3A_73 : memref<1x1x1x128xi32, #tpu.memory_space<vmem>> -> memref<128xi32, #tpu.memory_space<vmem>>
    %dma_wait3A_75 = arith.constant 0 : i32
    %dma_wait3A_76 = arith.constant 0 : i32
    %dma_wait3A_77 = tpu.memref_slice %arg2[%dma_wait3A_75, %dma_wait3A_76] : memref<10000x128xf32, #tpu.memory_space<hbm>> -> memref<10000x128xf32, #tpu.memory_space<hbm>>
    %dma_wait3A_78 = tpu.memref_slice %arg8[%dma_wait3A_67] : memref<2x!tpu.dma_semaphore, #tpu.memory_space<semaphore_mem>> -> memref<1x!tpu.dma_semaphore, #tpu.memory_space<semaphore_mem>>
    %dma_wait3A_79 = tpu.memref_squeeze %dma_wait3A_78 : memref<1x!tpu.dma_semaphore, #tpu.memory_space<semaphore_mem>> -> memref<!tpu.dma_semaphore, #tpu.memory_space<semaphore_mem>>
    tpu.wait_indirect_dma semaphore(%dma_wait3A_79 : memref<!tpu.dma_semaphore, #tpu.memory_space<semaphore_mem>>) src(%dma_wait3A_77 : memref<10000x128xf32, #tpu.memory_space<hbm>>) dst(%dma_wait3A_71 : memref<128x128xf32, #tpu.memory_space<vmem>>)
    %dma_start3A_80 = arith.constant 0 : i32
    %dma_start3A_81 = arith.constant 0 : i32
    %dma_start3A_82 = arith.constant 0 : i32
    %dma_start3A_83 = arith.constant 1 : i32
    %dma_start3A_84 = arith.constant 0 : i32
    %dma_start3A_85 = arith.constant 0 : i32
    %dma_start3A_86 = arith.constant 0 : i32
    %dma_start3A_87 = tpu.memref_slice %arg6[%dma_start3A_80, %dma_start3A_85, %dma_start3A_86] : memref<2x128x128xf32, #tpu.memory_space<vmem>> -> memref<1x128x128xf32, #tpu.memory_space<vmem>>
    %dma_start3A_88 = tpu.memref_squeeze %dma_start3A_87 : memref<1x128x128xf32, #tpu.memory_space<vmem>> -> memref<128x128xf32, #tpu.memory_space<vmem>>
    %dma_start3A_89 = arith.constant 0 : i32
    %dma_start3A_90 = tpu.memref_slice %arg5[%dma_start3A_81, %dma_start3A_82, %dma_start3A_83, %dma_start3A_89] : memref<2x4x2x128xi32, #tpu.memory_space<vmem>> -> memref<1x1x1x128xi32, #tpu.memory_space<vmem>>
    %dma_start3A_91 = tpu.memref_squeeze %dma_start3A_90 : memref<1x1x1x128xi32, #tpu.memory_space<vmem>> -> memref<128xi32, #tpu.memory_space<vmem>>
    %dma_start3A_92 = arith.constant 0 : i32
    %dma_start3A_93 = arith.constant 0 : i32
    %dma_start3A_94 = tpu.memref_slice %arg7[%dma_start3A_92, %dma_start3A_93] : memref<10016x128xf32, #tpu.memory_space<vmem_shared>> -> memref<10016x128xf32, #tpu.memory_space<vmem_shared>>
    %dma_start3A_95 = tpu.memref_slice %arg10[%dma_start3A_84] : memref<2x!tpu.dma_semaphore, #tpu.memory_space<semaphore_mem>> -> memref<1x!tpu.dma_semaphore, #tpu.memory_space<semaphore_mem>>
    %dma_start3A_96 = tpu.memref_squeeze %dma_start3A_95 : memref<1x!tpu.dma_semaphore, #tpu.memory_space<semaphore_mem>> -> memref<!tpu.dma_semaphore, #tpu.memory_space<semaphore_mem>>
    tpu.enqueue_indirect_dma source(%dma_start3A_88 : memref<128x128xf32, #tpu.memory_space<vmem>>) target(%dma_start3A_94 : memref<10016x128xf32, #tpu.memory_space<vmem_shared>>) offsets(%dma_start3A_91 : memref<128xi32, #tpu.memory_space<vmem>>) semaphore(%dma_start3A_96 : memref<!tpu.dma_semaphore, #tpu.memory_space<semaphore_mem>>) {add = true}
    %dma_wait3A_97 = arith.constant 0 : i32
    %dma_wait3A_98 = arith.constant 0 : i32
    %dma_wait3A_99 = arith.constant 1 : i32
    %dma_wait3A_100 = arith.constant 1 : i32
    %dma_wait3A_101 = arith.constant 0 : i32
    %dma_wait3A_102 = arith.constant 0 : i32
    %dma_wait3A_103 = arith.constant 0 : i32
    %dma_wait3A_104 = tpu.memref_slice %arg6[%dma_wait3A_97, %dma_wait3A_102, %dma_wait3A_103] : memref<2x128x128xf32, #tpu.memory_space<vmem>> -> memref<1x128x128xf32, #tpu.memory_space<vmem>>
    %dma_wait3A_105 = tpu.memref_squeeze %dma_wait3A_104 : memref<1x128x128xf32, #tpu.memory_space<vmem>> -> memref<128x128xf32, #tpu.memory_space<vmem>>
    %dma_wait3A_106 = arith.constant 0 : i32
    %dma_wait3A_107 = tpu.memref_slice %arg5[%dma_wait3A_98, %dma_wait3A_99, %dma_wait3A_100, %dma_wait3A_106] : memref<2x4x2x128xi32, #tpu.memory_space<vmem>> -> memref<1x1x1x128xi32, #tpu.memory_space<vmem>>
    %dma_wait3A_108 = tpu.memref_squeeze %dma_wait3A_107 : memref<1x1x1x128xi32, #tpu.memory_space<vmem>> -> memref<128xi32, #tpu.memory_space<vmem>>
    %dma_wait3A_109 = arith.constant 0 : i32
    %dma_wait3A_110 = arith.constant 0 : i32
    %dma_wait3A_111 = tpu.memref_slice %arg7[%dma_wait3A_109, %dma_wait3A_110] : memref<10016x128xf32, #tpu.memory_space<vmem_shared>> -> memref<10016x128xf32, #tpu.memory_space<vmem_shared>>
    %dma_wait3A_112 = tpu.memref_slice %arg10[%dma_wait3A_101] : memref<2x!tpu.dma_semaphore, #tpu.memory_space<semaphore_mem>> -> memref<1x!tpu.dma_semaphore, #tpu.memory_space<semaphore_mem>>
    %dma_wait3A_113 = tpu.memref_squeeze %dma_wait3A_112 : memref<1x!tpu.dma_semaphore, #tpu.memory_space<semaphore_mem>> -> memref<!tpu.dma_semaphore, #tpu.memory_space<semaphore_mem>>
    tpu.wait_indirect_dma semaphore(%dma_wait3A_113 : memref<!tpu.dma_semaphore, #tpu.memory_space<semaphore_mem>>) src(%dma_wait3A_105 : memref<128x128xf32, #tpu.memory_space<vmem>>) dst(%dma_wait3A_111 : memref<10016x128xf32, #tpu.memory_space<vmem_shared>>)
    %dma_start3A_114 = arith.constant 0 : i32
    %dma_start3A_115 = arith.constant 2 : i32
    %dma_start3A_116 = arith.constant 0 : i32
    %dma_start3A_117 = arith.constant 0 : i32
    %dma_start3A_118 = arith.constant 0 : i32
    %dma_start3A_119 = arith.constant 0 : i32
    %dma_start3A_120 = arith.constant 0 : i32
    %dma_start3A_121 = tpu.memref_slice %arg6[%dma_start3A_117, %dma_start3A_119, %dma_start3A_120] : memref<2x128x128xf32, #tpu.memory_space<vmem>> -> memref<1x128x128xf32, #tpu.memory_space<vmem>>
    %dma_start3A_122 = tpu.memref_squeeze %dma_start3A_121 : memref<1x128x128xf32, #tpu.memory_space<vmem>> -> memref<128x128xf32, #tpu.memory_space<vmem>>
    %dma_start3A_123 = arith.constant 0 : i32
    %dma_start3A_124 = tpu.memref_slice %arg5[%dma_start3A_114, %dma_start3A_115, %dma_start3A_116, %dma_start3A_123] : memref<2x4x2x128xi32, #tpu.memory_space<vmem>> -> memref<1x1x1x128xi32, #tpu.memory_space<vmem>>
    %dma_start3A_125 = tpu.memref_squeeze %dma_start3A_124 : memref<1x1x1x128xi32, #tpu.memory_space<vmem>> -> memref<128xi32, #tpu.memory_space<vmem>>
    %dma_start3A_126 = arith.constant 0 : i32
    %dma_start3A_127 = arith.constant 0 : i32
    %dma_start3A_128 = tpu.memref_slice %arg2[%dma_start3A_126, %dma_start3A_127] : memref<10000x128xf32, #tpu.memory_space<hbm>> -> memref<10000x128xf32, #tpu.memory_space<hbm>>
    %dma_start3A_129 = tpu.memref_slice %arg8[%dma_start3A_118] : memref<2x!tpu.dma_semaphore, #tpu.memory_space<semaphore_mem>> -> memref<1x!tpu.dma_semaphore, #tpu.memory_space<semaphore_mem>>
    %dma_start3A_130 = tpu.memref_squeeze %dma_start3A_129 : memref<1x!tpu.dma_semaphore, #tpu.memory_space<semaphore_mem>> -> memref<!tpu.dma_semaphore, #tpu.memory_space<semaphore_mem>>
    tpu.enqueue_indirect_dma source(%dma_start3A_128 : memref<10000x128xf32, #tpu.memory_space<hbm>>) target(%dma_start3A_122 : memref<128x128xf32, #tpu.memory_space<vmem>>) offsets(%dma_start3A_125 : memref<128xi32, #tpu.memory_space<vmem>>) semaphore(%dma_start3A_130 : memref<!tpu.dma_semaphore, #tpu.memory_space<semaphore_mem>>)
    %dma_wait3A_131 = arith.constant 0 : i32
    %dma_wait3A_132 = arith.constant 1 : i32
    %dma_wait3A_133 = arith.constant 0 : i32
    %dma_wait3A_134 = arith.constant 1 : i32
    %dma_wait3A_135 = arith.constant 1 : i32
    %dma_wait3A_136 = arith.constant 0 : i32
    %dma_wait3A_137 = arith.constant 0 : i32
    %dma_wait3A_138 = tpu.memref_slice %arg6[%dma_wait3A_134, %dma_wait3A_136, %dma_wait3A_137] : memref<2x128x128xf32, #tpu.memory_space<vmem>> -> memref<1x128x128xf32, #tpu.memory_space<vmem>>
    %dma_wait3A_139 = tpu.memref_squeeze %dma_wait3A_138 : memref<1x128x128xf32, #tpu.memory_space<vmem>> -> memref<128x128xf32, #tpu.memory_space<vmem>>
    %dma_wait3A_140 = arith.constant 0 : i32
    %dma_wait3A_141 = tpu.memref_slice %arg5[%dma_wait3A_131, %dma_wait3A_132, %dma_wait3A_133, %dma_wait3A_140] : memref<2x4x2x128xi32, #tpu.memory_space<vmem>> -> memref<1x1x1x128xi32, #tpu.memory_space<vmem>>
    %dma_wait3A_142 = tpu.memref_squeeze %dma_wait3A_141 : memref<1x1x1x128xi32, #tpu.memory_space<vmem>> -> memref<128xi32, #tpu.memory_space<vmem>>
    %dma_wait3A_143 = arith.constant 0 : i32
    %dma_wait3A_144 = arith.constant 0 : i32
    %dma_wait3A_145 = tpu.memref_slice %arg2[%dma_wait3A_143, %dma_wait3A_144] : memref<10000x128xf32, #tpu.memory_space<hbm>> -> memref<10000x128xf32, #tpu.memory_space<hbm>>
    %dma_wait3A_146 = tpu.memref_slice %arg8[%dma_wait3A_135] : memref<2x!tpu.dma_semaphore, #tpu.memory_space<semaphore_mem>> -> memref<1x!tpu.dma_semaphore, #tpu.memory_space<semaphore_mem>>
    %dma_wait3A_147 = tpu.memref_squeeze %dma_wait3A_146 : memref<1x!tpu.dma_semaphore, #tpu.memory_space<semaphore_mem>> -> memref<!tpu.dma_semaphore, #tpu.memory_space<semaphore_mem>>
    tpu.wait_indirect_dma semaphore(%dma_wait3A_147 : memref<!tpu.dma_semaphore, #tpu.memory_space<semaphore_mem>>) src(%dma_wait3A_145 : memref<10000x128xf32, #tpu.memory_space<hbm>>) dst(%dma_wait3A_139 : memref<128x128xf32, #tpu.memory_space<vmem>>)
    %dma_start3A_148 = arith.constant 1 : i32
    %dma_start3A_149 = arith.constant 0 : i32
    %dma_start3A_150 = arith.constant 1 : i32
    %dma_start3A_151 = arith.constant 1 : i32
    %dma_start3A_152 = arith.constant 1 : i32
    %dma_start3A_153 = arith.constant 0 : i32
    %dma_start3A_154 = arith.constant 0 : i32
    %dma_start3A_155 = tpu.memref_slice %arg6[%dma_start3A_148, %dma_start3A_153, %dma_start3A_154] : memref<2x128x128xf32, #tpu.memory_space<vmem>> -> memref<1x128x128xf32, #tpu.memory_space<vmem>>
    %dma_start3A_156 = tpu.memref_squeeze %dma_start3A_155 : memref<1x128x128xf32, #tpu.memory_space<vmem>> -> memref<128x128xf32, #tpu.memory_space<vmem>>
    %dma_start3A_157 = arith.constant 0 : i32
    %dma_start3A_158 = tpu.memref_slice %arg5[%dma_start3A_149, %dma_start3A_150, %dma_start3A_151, %dma_start3A_157] : memref<2x4x2x128xi32, #tpu.memory_space<vmem>> -> memref<1x1x1x128xi32, #tpu.memory_space<vmem>>
    %dma_start3A_159 = tpu.memref_squeeze %dma_start3A_158 : memref<1x1x1x128xi32, #tpu.memory_space<vmem>> -> memref<128xi32, #tpu.memory_space<vmem>>
    %dma_start3A_160 = arith.constant 0 : i32
    %dma_start3A_161 = arith.constant 0 : i32
    %dma_start3A_162 = tpu.memref_slice %arg7[%dma_start3A_160, %dma_start3A_161] : memref<10016x128xf32, #tpu.memory_space<vmem_shared>> -> memref<10016x128xf32, #tpu.memory_space<vmem_shared>>
    %dma_start3A_163 = tpu.memref_slice %arg10[%dma_start3A_152] : memref<2x!tpu.dma_semaphore, #tpu.memory_space<semaphore_mem>> -> memref<1x!tpu.dma_semaphore, #tpu.memory_space<semaphore_mem>>
    %dma_start3A_164 = tpu.memref_squeeze %dma_start3A_163 : memref<1x!tpu.dma_semaphore, #tpu.memory_space<semaphore_mem>> -> memref<!tpu.dma_semaphore, #tpu.memory_space<semaphore_mem>>
    tpu.enqueue_indirect_dma source(%dma_start3A_156 : memref<128x128xf32, #tpu.memory_space<vmem>>) target(%dma_start3A_162 : memref<10016x128xf32, #tpu.memory_space<vmem_shared>>) offsets(%dma_start3A_159 : memref<128xi32, #tpu.memory_space<vmem>>) semaphore(%dma_start3A_164 : memref<!tpu.dma_semaphore, #tpu.memory_space<semaphore_mem>>) {add = true}
    %dma_wait3A_165 = arith.constant 1 : i32
    %dma_wait3A_166 = arith.constant 0 : i32
    %dma_wait3A_167 = arith.constant 2 : i32
    %dma_wait3A_168 = arith.constant 1 : i32
    %dma_wait3A_169 = arith.constant 1 : i32
    %dma_wait3A_170 = arith.constant 0 : i32
    %dma_wait3A_171 = arith.constant 0 : i32
    %dma_wait3A_172 = tpu.memref_slice %arg6[%dma_wait3A_165, %dma_wait3A_170, %dma_wait3A_171] : memref<2x128x128xf32, #tpu.memory_space<vmem>> -> memref<1x128x128xf32, #tpu.memory_space<vmem>>
    %dma_wait3A_173 = tpu.memref_squeeze %dma_wait3A_172 : memref<1x128x128xf32, #tpu.memory_space<vmem>> -> memref<128x128xf32, #tpu.memory_space<vmem>>
    %dma_wait3A_174 = arith.constant 0 : i32
    %dma_wait3A_175 = tpu.memref_slice %arg5[%dma_wait3A_166, %dma_wait3A_167, %dma_wait3A_168, %dma_wait3A_174] : memref<2x4x2x128xi32, #tpu.memory_space<vmem>> -> memref<1x1x1x128xi32, #tpu.memory_space<vmem>>
    %dma_wait3A_176 = tpu.memref_squeeze %dma_wait3A_175 : memref<1x1x1x128xi32, #tpu.memory_space<vmem>> -> memref<128xi32, #tpu.memory_space<vmem>>
    %dma_wait3A_177 = arith.constant 0 : i32
    %dma_wait3A_178 = arith.constant 0 : i32
    %dma_wait3A_179 = tpu.memref_slice %arg7[%dma_wait3A_177, %dma_wait3A_178] : memref<10016x128xf32, #tpu.memory_space<vmem_shared>> -> memref<10016x128xf32, #tpu.memory_space<vmem_shared>>
    %dma_wait3A_180 = tpu.memref_slice %arg10[%dma_wait3A_169] : memref<2x!tpu.dma_semaphore, #tpu.memory_space<semaphore_mem>> -> memref<1x!tpu.dma_semaphore, #tpu.memory_space<semaphore_mem>>
    %dma_wait3A_181 = tpu.memref_squeeze %dma_wait3A_180 : memref<1x!tpu.dma_semaphore, #tpu.memory_space<semaphore_mem>> -> memref<!tpu.dma_semaphore, #tpu.memory_space<semaphore_mem>>
    tpu.wait_indirect_dma semaphore(%dma_wait3A_181 : memref<!tpu.dma_semaphore, #tpu.memory_space<semaphore_mem>>) src(%dma_wait3A_173 : memref<128x128xf32, #tpu.memory_space<vmem>>) dst(%dma_wait3A_179 : memref<10016x128xf32, #tpu.memory_space<vmem_shared>>)
    %dma_start3A_182 = arith.constant 0 : i32
    %dma_start3A_183 = arith.constant 3 : i32
    %dma_start3A_184 = arith.constant 0 : i32
    %dma_start3A_185 = arith.constant 1 : i32
    %dma_start3A_186 = arith.constant 1 : i32
    %dma_start3A_187 = arith.constant 0 : i32
    %dma_start3A_188 = arith.constant 0 : i32
    %dma_start3A_189 = tpu.memref_slice %arg6[%dma_start3A_185, %dma_start3A_187, %dma_start3A_188] : memref<2x128x128xf32, #tpu.memory_space<vmem>> -> memref<1x128x128xf32, #tpu.memory_space<vmem>>
    %dma_start3A_190 = tpu.memref_squeeze %dma_start3A_189 : memref<1x128x128xf32, #tpu.memory_space<vmem>> -> memref<128x128xf32, #tpu.memory_space<vmem>>
    %dma_start3A_191 = arith.constant 0 : i32
    %dma_start3A_192 = tpu.memref_slice %arg5[%dma_start3A_182, %dma_start3A_183, %dma_start3A_184, %dma_start3A_191] : memref<2x4x2x128xi32, #tpu.memory_space<vmem>> -> memref<1x1x1x128xi32, #tpu.memory_space<vmem>>
    %dma_start3A_193 = tpu.memref_squeeze %dma_start3A_192 : memref<1x1x1x128xi32, #tpu.memory_space<vmem>> -> memref<128xi32, #tpu.memory_space<vmem>>
    %dma_start3A_194 = arith.constant 0 : i32
    %dma_start3A_195 = arith.constant 0 : i32
    %dma_start3A_196 = tpu.memref_slice %arg2[%dma_start3A_194, %dma_start3A_195] : memref<10000x128xf32, #tpu.memory_space<hbm>> -> memref<10000x128xf32, #tpu.memory_space<hbm>>
    %dma_start3A_197 = tpu.memref_slice %arg8[%dma_start3A_186] : memref<2x!tpu.dma_semaphore, #tpu.memory_space<semaphore_mem>> -> memref<1x!tpu.dma_semaphore, #tpu.memory_space<semaphore_mem>>
    %dma_start3A_198 = tpu.memref_squeeze %dma_start3A_197 : memref<1x!tpu.dma_semaphore, #tpu.memory_space<semaphore_mem>> -> memref<!tpu.dma_semaphore, #tpu.memory_space<semaphore_mem>>
    tpu.enqueue_indirect_dma source(%dma_start3A_196 : memref<10000x128xf32, #tpu.memory_space<hbm>>) target(%dma_start3A_190 : memref<128x128xf32, #tpu.memory_space<vmem>>) offsets(%dma_start3A_193 : memref<128xi32, #tpu.memory_space<vmem>>) semaphore(%dma_start3A_198 : memref<!tpu.dma_semaphore, #tpu.memory_space<semaphore_mem>>)
    %dma_wait3A_199 = arith.constant 0 : i32
    %dma_wait3A_200 = arith.constant 2 : i32
    %dma_wait3A_201 = arith.constant 0 : i32
    %dma_wait3A_202 = arith.constant 0 : i32
    %dma_wait3A_203 = arith.constant 0 : i32
    %dma_wait3A_204 = arith.constant 0 : i32
    %dma_wait3A_205 = arith.constant 0 : i32
    %dma_wait3A_206 = tpu.memref_slice %arg6[%dma_wait3A_202, %dma_wait3A_204, %dma_wait3A_205] : memref<2x128x128xf32, #tpu.memory_space<vmem>> -> memref<1x128x128xf32, #tpu.memory_space<vmem>>
    %dma_wait3A_207 = tpu.memref_squeeze %dma_wait3A_206 : memref<1x128x128xf32, #tpu.memory_space<vmem>> -> memref<128x128xf32, #tpu.memory_space<vmem>>
    %dma_wait3A_208 = arith.constant 0 : i32
    %dma_wait3A_209 = tpu.memref_slice %arg5[%dma_wait3A_199, %dma_wait3A_200, %dma_wait3A_201, %dma_wait3A_208] : memref<2x4x2x128xi32, #tpu.memory_space<vmem>> -> memref<1x1x1x128xi32, #tpu.memory_space<vmem>>
    %dma_wait3A_210 = tpu.memref_squeeze %dma_wait3A_209 : memref<1x1x1x128xi32, #tpu.memory_space<vmem>> -> memref<128xi32, #tpu.memory_space<vmem>>
    %dma_wait3A_211 = arith.constant 0 : i32
    %dma_wait3A_212 = arith.constant 0 : i32
    %dma_wait3A_213 = tpu.memref_slice %arg2[%dma_wait3A_211, %dma_wait3A_212] : memref<10000x128xf32, #tpu.memory_space<hbm>> -> memref<10000x128xf32, #tpu.memory_space<hbm>>
    %dma_wait3A_214 = tpu.memref_slice %arg8[%dma_wait3A_203] : memref<2x!tpu.dma_semaphore, #tpu.memory_space<semaphore_mem>> -> memref<1x!tpu.dma_semaphore, #tpu.memory_space<semaphore_mem>>
    %dma_wait3A_215 = tpu.memref_squeeze %dma_wait3A_214 : memref<1x!tpu.dma_semaphore, #tpu.memory_space<semaphore_mem>> -> memref<!tpu.dma_semaphore, #tpu.memory_space<semaphore_mem>>
    tpu.wait_indirect_dma semaphore(%dma_wait3A_215 : memref<!tpu.dma_semaphore, #tpu.memory_space<semaphore_mem>>) src(%dma_wait3A_213 : memref<10000x128xf32, #tpu.memory_space<hbm>>) dst(%dma_wait3A_207 : memref<128x128xf32, #tpu.memory_space<vmem>>)
    %dma_start3A_216 = arith.constant 0 : i32
    %dma_start3A_217 = arith.constant 0 : i32
    %dma_start3A_218 = arith.constant 2 : i32
    %dma_start3A_219 = arith.constant 1 : i32
    %dma_start3A_220 = arith.constant 0 : i32
    %dma_start3A_221 = arith.constant 0 : i32
    %dma_start3A_222 = arith.constant 0 : i32
    %dma_start3A_223 = tpu.memref_slice %arg6[%dma_start3A_216, %dma_start3A_221, %dma_start3A_222] : memref<2x128x128xf32, #tpu.memory_space<vmem>> -> memref<1x128x128xf32, #tpu.memory_space<vmem>>
    %dma_start3A_224 = tpu.memref_squeeze %dma_start3A_223 : memref<1x128x128xf32, #tpu.memory_space<vmem>> -> memref<128x128xf32, #tpu.memory_space<vmem>>
    %dma_start3A_225 = arith.constant 0 : i32
    %dma_start3A_226 = tpu.memref_slice %arg5[%dma_start3A_217, %dma_start3A_218, %dma_start3A_219, %dma_start3A_225] : memref<2x4x2x128xi32, #tpu.memory_space<vmem>> -> memref<1x1x1x128xi32, #tpu.memory_space<vmem>>
    %dma_start3A_227 = tpu.memref_squeeze %dma_start3A_226 : memref<1x1x1x128xi32, #tpu.memory_space<vmem>> -> memref<128xi32, #tpu.memory_space<vmem>>
    %dma_start3A_228 = arith.constant 0 : i32
    %dma_start3A_229 = arith.constant 0 : i32
    %dma_start3A_230 = tpu.memref_slice %arg7[%dma_start3A_228, %dma_start3A_229] : memref<10016x128xf32, #tpu.memory_space<vmem_shared>> -> memref<10016x128xf32, #tpu.memory_space<vmem_shared>>
    %dma_start3A_231 = tpu.memref_slice %arg10[%dma_start3A_220] : memref<2x!tpu.dma_semaphore, #tpu.memory_space<semaphore_mem>> -> memref<1x!tpu.dma_semaphore, #tpu.memory_space<semaphore_mem>>
    %dma_start3A_232 = tpu.memref_squeeze %dma_start3A_231 : memref<1x!tpu.dma_semaphore, #tpu.memory_space<semaphore_mem>> -> memref<!tpu.dma_semaphore, #tpu.memory_space<semaphore_mem>>
    tpu.enqueue_indirect_dma source(%dma_start3A_224 : memref<128x128xf32, #tpu.memory_space<vmem>>) target(%dma_start3A_230 : memref<10016x128xf32, #tpu.memory_space<vmem_shared>>) offsets(%dma_start3A_227 : memref<128xi32, #tpu.memory_space<vmem>>) semaphore(%dma_start3A_232 : memref<!tpu.dma_semaphore, #tpu.memory_space<semaphore_mem>>) {add = true}
    %dma_wait3A_233 = arith.constant 0 : i32
    %dma_wait3A_234 = arith.constant 0 : i32
    %dma_wait3A_235 = arith.constant 3 : i32
    %dma_wait3A_236 = arith.constant 1 : i32
    %dma_wait3A_237 = arith.constant 0 : i32
    %dma_wait3A_238 = arith.constant 0 : i32
    %dma_wait3A_239 = arith.constant 0 : i32
    %dma_wait3A_240 = tpu.memref_slice %arg6[%dma_wait3A_233, %dma_wait3A_238, %dma_wait3A_239] : memref<2x128x128xf32, #tpu.memory_space<vmem>> -> memref<1x128x128xf32, #tpu.memory_space<vmem>>
    %dma_wait3A_241 = tpu.memref_squeeze %dma_wait3A_240 : memref<1x128x128xf32, #tpu.memory_space<vmem>> -> memref<128x128xf32, #tpu.memory_space<vmem>>
    %dma_wait3A_242 = arith.constant 0 : i32
    %dma_wait3A_243 = tpu.memref_slice %arg5[%dma_wait3A_234, %dma_wait3A_235, %dma_wait3A_236, %dma_wait3A_242] : memref<2x4x2x128xi32, #tpu.memory_space<vmem>> -> memref<1x1x1x128xi32, #tpu.memory_space<vmem>>
    %dma_wait3A_244 = tpu.memref_squeeze %dma_wait3A_243 : memref<1x1x1x128xi32, #tpu.memory_space<vmem>> -> memref<128xi32, #tpu.memory_space<vmem>>
    %dma_wait3A_245 = arith.constant 0 : i32
    %dma_wait3A_246 = arith.constant 0 : i32
    %dma_wait3A_247 = tpu.memref_slice %arg7[%dma_wait3A_245, %dma_wait3A_246] : memref<10016x128xf32, #tpu.memory_space<vmem_shared>> -> memref<10016x128xf32, #tpu.memory_space<vmem_shared>>
    %dma_wait3A_248 = tpu.memref_slice %arg10[%dma_wait3A_237] : memref<2x!tpu.dma_semaphore, #tpu.memory_space<semaphore_mem>> -> memref<1x!tpu.dma_semaphore, #tpu.memory_space<semaphore_mem>>
    %dma_wait3A_249 = tpu.memref_squeeze %dma_wait3A_248 : memref<1x!tpu.dma_semaphore, #tpu.memory_space<semaphore_mem>> -> memref<!tpu.dma_semaphore, #tpu.memory_space<semaphore_mem>>
    tpu.wait_indirect_dma semaphore(%dma_wait3A_249 : memref<!tpu.dma_semaphore, #tpu.memory_space<semaphore_mem>>) src(%dma_wait3A_241 : memref<128x128xf32, #tpu.memory_space<vmem>>) dst(%dma_wait3A_247 : memref<10016x128xf32, #tpu.memory_space<vmem_shared>>)
    %dma_wait3A_250 = arith.constant 1 : i32
    %dma_wait3A_251 = arith.constant 1 : i32
    %dma_wait3A_252 = arith.constant 0 : i32
    %dma_wait3A_253 = arith.constant 0 : i32
    %dma_wait3A_254 = arith.constant 0 : i32
    %dma_wait3A_255 = tpu.memref_slice %arg5[%dma_wait3A_250, %dma_wait3A_252, %dma_wait3A_253, %dma_wait3A_254] : memref<2x4x2x128xi32, #tpu.memory_space<vmem>> -> memref<1x4x2x128xi32, #tpu.memory_space<vmem>>
    %dma_wait3A_256 = tpu.memref_squeeze %dma_wait3A_255 : memref<1x4x2x128xi32, #tpu.memory_space<vmem>> -> memref<4x2x128xi32, #tpu.memory_space<vmem>>
    %dma_wait3A_257 = arith.constant 0 : i32
    %dma_wait3A_258 = arith.constant 0 : i32
    %dma_wait3A_259 = arith.constant 0 : i32
    %dma_wait3A_260 = tpu.memref_slice %arg3[%add3A, %dma_wait3A_257, %dma_wait3A_258, %dma_wait3A_259] : memref<32x80x2x128xi32, #tpu.memory_space<hbm>> -> memref<1x4x2x128xi32, #tpu.memory_space<hbm>>
    %dma_wait3A_261 = tpu.memref_squeeze %dma_wait3A_260 : memref<1x4x2x128xi32, #tpu.memory_space<hbm>> -> memref<4x2x128xi32, #tpu.memory_space<hbm>>
    %dma_wait3A_262 = tpu.memref_slice %arg9[%dma_wait3A_251] : memref<2x!tpu.dma_semaphore, #tpu.memory_space<semaphore_mem>> -> memref<1x!tpu.dma_semaphore, #tpu.memory_space<semaphore_mem>>
    %dma_wait3A_263 = tpu.memref_squeeze %dma_wait3A_262 : memref<1x!tpu.dma_semaphore, #tpu.memory_space<semaphore_mem>> -> memref<!tpu.dma_semaphore, #tpu.memory_space<semaphore_mem>>
    %dma_wait3A_264 = arith.constant 0 : i32
    %dma_wait3A_265 = arith.constant 0 : i32
    %dma_wait3A_266 = arith.constant 0 : i32
    %dma_wait3A_267 = tpu.memref_slice %arg5[%dma_wait3A_250, %dma_wait3A_264, %dma_wait3A_265, %dma_wait3A_266] : memref<2x4x2x128xi32, #tpu.memory_space<vmem>> -> memref<1x4x2x128xi32, #tpu.memory_space<vmem>>
    %dma_wait3A_268 = tpu.memref_squeeze %dma_wait3A_267 : memref<1x4x2x128xi32, #tpu.memory_space<vmem>> -> memref<4x2x128xi32, #tpu.memory_space<vmem>>
    %dma_wait3A_269 = arith.constant 0 : i32
    %dma_wait3A_270 = arith.constant 0 : i32
    %dma_wait3A_271 = arith.constant 0 : i32
    %dma_wait3A_272 = tpu.memref_slice %arg3[%add3A, %dma_wait3A_269, %dma_wait3A_270, %dma_wait3A_271] : memref<32x80x2x128xi32, #tpu.memory_space<hbm>> -> memref<1x4x2x128xi32, #tpu.memory_space<hbm>>
    %dma_wait3A_273 = tpu.memref_squeeze %dma_wait3A_272 : memref<1x4x2x128xi32, #tpu.memory_space<hbm>> -> memref<4x2x128xi32, #tpu.memory_space<hbm>>
    tpu.wait_dma2 semaphore(%dma_wait3A_263 : memref<!tpu.dma_semaphore, #tpu.memory_space<semaphore_mem>>) src(%dma_wait3A_273 : memref<4x2x128xi32, #tpu.memory_space<hbm>>) dst(%dma_wait3A_268 : memref<4x2x128xi32, #tpu.memory_space<vmem>>)
    %dma_start3A_274 = arith.constant 1 : i32
    %dma_start3A_275 = arith.constant 0 : i32
    %dma_start3A_276 = arith.constant 0 : i32
    %dma_start3A_277 = arith.constant 0 : i32
    %dma_start3A_278 = arith.constant 0 : i32
    %dma_start3A_279 = arith.constant 0 : i32
    %dma_start3A_280 = arith.constant 0 : i32
    %dma_start3A_281 = tpu.memref_slice %arg6[%dma_start3A_277, %dma_start3A_279, %dma_start3A_280] : memref<2x128x128xf32, #tpu.memory_space<vmem>> -> memref<1x128x128xf32, #tpu.memory_space<vmem>>
    %dma_start3A_282 = tpu.memref_squeeze %dma_start3A_281 : memref<1x128x128xf32, #tpu.memory_space<vmem>> -> memref<128x128xf32, #tpu.memory_space<vmem>>
    %dma_start3A_283 = arith.constant 0 : i32
    %dma_start3A_284 = tpu.memref_slice %arg5[%dma_start3A_274, %dma_start3A_275, %dma_start3A_276, %dma_start3A_283] : memref<2x4x2x128xi32, #tpu.memory_space<vmem>> -> memref<1x1x1x128xi32, #tpu.memory_space<vmem>>
    %dma_start3A_285 = tpu.memref_squeeze %dma_start3A_284 : memref<1x1x1x128xi32, #tpu.memory_space<vmem>> -> memref<128xi32, #tpu.memory_space<vmem>>
    %dma_start3A_286 = arith.constant 0 : i32
    %dma_start3A_287 = arith.constant 0 : i32
    %dma_start3A_288 = tpu.memref_slice %arg2[%dma_start3A_286, %dma_start3A_287] : memref<10000x128xf32, #tpu.memory_space<hbm>> -> memref<10000x128xf32, #tpu.memory_space<hbm>>
    %dma_start3A_289 = tpu.memref_slice %arg8[%dma_start3A_278] : memref<2x!tpu.dma_semaphore, #tpu.memory_space<semaphore_mem>> -> memref<1x!tpu.dma_semaphore, #tpu.memory_space<semaphore_mem>>
    %dma_start3A_290 = tpu.memref_squeeze %dma_start3A_289 : memref<1x!tpu.dma_semaphore, #tpu.memory_space<semaphore_mem>> -> memref<!tpu.dma_semaphore, #tpu.memory_space<semaphore_mem>>
    tpu.enqueue_indirect_dma source(%dma_start3A_288 : memref<10000x128xf32, #tpu.memory_space<hbm>>) target(%dma_start3A_282 : memref<128x128xf32, #tpu.memory_space<vmem>>) offsets(%dma_start3A_285 : memref<128xi32, #tpu.memory_space<vmem>>) semaphore(%dma_start3A_290 : memref<!tpu.dma_semaphore, #tpu.memory_space<semaphore_mem>>)
    %dma_wait3A_291 = arith.constant 0 : i32
    %dma_wait3A_292 = arith.constant 3 : i32
    %dma_wait3A_293 = arith.constant 0 : i32
    %dma_wait3A_294 = arith.constant 1 : i32
    %dma_wait3A_295 = arith.constant 1 : i32
    %dma_wait3A_296 = arith.constant 0 : i32
    %dma_wait3A_297 = arith.constant 0 : i32
    %dma_wait3A_298 = tpu.memref_slice %arg6[%dma_wait3A_294, %dma_wait3A_296, %dma_wait3A_297] : memref<2x128x128xf32, #tpu.memory_space<vmem>> -> memref<1x128x128xf32, #tpu.memory_space<vmem>>
    %dma_wait3A_299 = tpu.memref_squeeze %dma_wait3A_298 : memref<1x128x128xf32, #tpu.memory_space<vmem>> -> memref<128x128xf32, #tpu.memory_space<vmem>>
    %dma_wait3A_300 = arith.constant 0 : i32
    %dma_wait3A_301 = tpu.memref_slice %arg5[%dma_wait3A_291, %dma_wait3A_292, %dma_wait3A_293, %dma_wait3A_300] : memref<2x4x2x128xi32, #tpu.memory_space<vmem>> -> memref<1x1x1x128xi32, #tpu.memory_space<vmem>>
    %dma_wait3A_302 = tpu.memref_squeeze %dma_wait3A_301 : memref<1x1x1x128xi32, #tpu.memory_space<vmem>> -> memref<128xi32, #tpu.memory_space<vmem>>
    %dma_wait3A_303 = arith.constant 0 : i32
    %dma_wait3A_304 = arith.constant 0 : i32
    %dma_wait3A_305 = tpu.memref_slice %arg2[%dma_wait3A_303, %dma_wait3A_304] : memref<10000x128xf32, #tpu.memory_space<hbm>> -> memref<10000x128xf32, #tpu.memory_space<hbm>>
    %dma_wait3A_306 = tpu.memref_slice %arg8[%dma_wait3A_295] : memref<2x!tpu.dma_semaphore, #tpu.memory_space<semaphore_mem>> -> memref<1x!tpu.dma_semaphore, #tpu.memory_space<semaphore_mem>>
    %dma_wait3A_307 = tpu.memref_squeeze %dma_wait3A_306 : memref<1x!tpu.dma_semaphore, #tpu.memory_space<semaphore_mem>> -> memref<!tpu.dma_semaphore, #tpu.memory_space<semaphore_mem>>
    tpu.wait_indirect_dma semaphore(%dma_wait3A_307 : memref<!tpu.dma_semaphore, #tpu.memory_space<semaphore_mem>>) src(%dma_wait3A_305 : memref<10000x128xf32, #tpu.memory_space<hbm>>) dst(%dma_wait3A_299 : memref<128x128xf32, #tpu.memory_space<vmem>>)
    %dma_start3A_308 = arith.constant 1 : i32
    %dma_start3A_309 = arith.constant 0 : i32
    %dma_start3A_310 = arith.constant 3 : i32
    %dma_start3A_311 = arith.constant 1 : i32
    %dma_start3A_312 = arith.constant 1 : i32
    %dma_start3A_313 = arith.constant 0 : i32
    %dma_start3A_314 = arith.constant 0 : i32
    %dma_start3A_315 = tpu.memref_slice %arg6[%dma_start3A_308, %dma_start3A_313, %dma_start3A_314] : memref<2x128x128xf32, #tpu.memory_space<vmem>> -> memref<1x128x128xf32, #tpu.memory_space<vmem>>
    %dma_start3A_316 = tpu.memref_squeeze %dma_start3A_315 : memref<1x128x128xf32, #tpu.memory_space<vmem>> -> memref<128x128xf32, #tpu.memory_space<vmem>>
    %dma_start3A_317 = arith.constant 0 : i32
    %dma_start3A_318 = tpu.memref_slice %arg5[%dma_start3A_309, %dma_start3A_310, %dma_start3A_311, %dma_start3A_317] : memref<2x4x2x128xi32, #tpu.memory_space<vmem>> -> memref<1x1x1x128xi32, #tpu.memory_space<vmem>>
    %dma_start3A_319 = tpu.memref_squeeze %dma_start3A_318 : memref<1x1x1x128xi32, #tpu.memory_space<vmem>> -> memref<128xi32, #tpu.memory_space<vmem>>
    %dma_start3A_320 = arith.constant 0 : i32
    %dma_start3A_321 = arith.constant 0 : i32
    %dma_start3A_322 = tpu.memref_slice %arg7[%dma_start3A_320, %dma_start3A_321] : memref<10016x128xf32, #tpu.memory_space<vmem_shared>> -> memref<10016x128xf32, #tpu.memory_space<vmem_shared>>
    %dma_start3A_323 = tpu.memref_slice %arg10[%dma_start3A_312] : memref<2x!tpu.dma_semaphore, #tpu.memory_space<semaphore_mem>> -> memref<1x!tpu.dma_semaphore, #tpu.memory_space<semaphore_mem>>
    %dma_start3A_324 = tpu.memref_squeeze %dma_start3A_323 : memref<1x!tpu.dma_semaphore, #tpu.memory_space<semaphore_mem>> -> memref<!tpu.dma_semaphore, #tpu.memory_space<semaphore_mem>>
    tpu.enqueue_indirect_dma source(%dma_start3A_316 : memref<128x128xf32, #tpu.memory_space<vmem>>) target(%dma_start3A_322 : memref<10016x128xf32, #tpu.memory_space<vmem_shared>>) offsets(%dma_start3A_319 : memref<128xi32, #tpu.memory_space<vmem>>) semaphore(%dma_start3A_324 : memref<!tpu.dma_semaphore, #tpu.memory_space<semaphore_mem>>) {add = true}
    %scan3A = arith.constant 0 : i32
    %scan3A_325 = arith.constant 0 : i32
    %scan3A_326 = arith.constant 9 : i32
    %scan3A_327 = arith.addi %scan3A_325, %scan3A_326 : i32
    %scan3A_328 = arith.constant 1 : i32
    %scan3A_329 = scf.for %scan3A_545 = %scan3A_325 to %scan3A_327 step %scan3A_328 iter_args(%scan3A_546 = %scan3A) -> (i32)  : i32 {
      %mul3A_547 = arith.constant 2 : i32
      %mul3A_548 = arith.muli %mul3A_547, %scan3A_545 : i32
      %add3A_549 = arith.constant 1 : i32
      %add3A_550 = arith.addi %mul3A_548, %add3A_549 : i32
      %add3A_551 = arith.constant 1 : i32
      %add3A_552 = arith.addi %add3A_550, %add3A_551 : i32
      %dma_wait3A_553 = arith.constant 1 : i32
      %dma_wait3A_554 = arith.constant 1 : i32
      %dma_wait3A_555 = arith.constant 0 : i32
      %dma_wait3A_556 = arith.constant 1 : i32
      %dma_wait3A_557 = arith.constant 1 : i32
      %dma_wait3A_558 = arith.constant 0 : i32
      %dma_wait3A_559 = arith.constant 0 : i32
      %dma_wait3A_560 = tpu.memref_slice %arg6[%dma_wait3A_553, %dma_wait3A_558, %dma_wait3A_559] : memref<2x128x128xf32, #tpu.memory_space<vmem>> -> memref<1x128x128xf32, #tpu.memory_space<vmem>>
      %dma_wait3A_561 = tpu.memref_squeeze %dma_wait3A_560 : memref<1x128x128xf32, #tpu.memory_space<vmem>> -> memref<128x128xf32, #tpu.memory_space<vmem>>
      %dma_wait3A_562 = arith.constant 0 : i32
      %dma_wait3A_563 = tpu.memref_slice %arg5[%dma_wait3A_554, %dma_wait3A_555, %dma_wait3A_556, %dma_wait3A_562] : memref<2x4x2x128xi32, #tpu.memory_space<vmem>> -> memref<1x1x1x128xi32, #tpu.memory_space<vmem>>
      %dma_wait3A_564 = tpu.memref_squeeze %dma_wait3A_563 : memref<1x1x1x128xi32, #tpu.memory_space<vmem>> -> memref<128xi32, #tpu.memory_space<vmem>>
      %dma_wait3A_565 = arith.constant 0 : i32
      %dma_wait3A_566 = arith.constant 0 : i32
      %dma_wait3A_567 = tpu.memref_slice %arg7[%dma_wait3A_565, %dma_wait3A_566] : memref<10016x128xf32, #tpu.memory_space<vmem_shared>> -> memref<10016x128xf32, #tpu.memory_space<vmem_shared>>
      %dma_wait3A_568 = tpu.memref_slice %arg10[%dma_wait3A_557] : memref<2x!tpu.dma_semaphore, #tpu.memory_space<semaphore_mem>> -> memref<1x!tpu.dma_semaphore, #tpu.memory_space<semaphore_mem>>
      %dma_wait3A_569 = tpu.memref_squeeze %dma_wait3A_568 : memref<1x!tpu.dma_semaphore, #tpu.memory_space<semaphore_mem>> -> memref<!tpu.dma_semaphore, #tpu.memory_space<semaphore_mem>>
      tpu.wait_indirect_dma semaphore(%dma_wait3A_569 : memref<!tpu.dma_semaphore, #tpu.memory_space<semaphore_mem>>) src(%dma_wait3A_561 : memref<128x128xf32, #tpu.memory_space<vmem>>) dst(%dma_wait3A_567 : memref<10016x128xf32, #tpu.memory_space<vmem_shared>>)
      %mul3A_570 = arith.constant 4 : i32
      %mul3A_571 = arith.muli %mul3A_570, %add3A_552 : i32
      %dma_start3A_572 = arith.constant 0 : i32
      %dma_start3A_573 = arith.constant 0 : i32
      %dma_start3A_574 = arith.constant 0 : i32
      %dma_start3A_575 = arith.constant 0 : i32
      %dma_start3A_576 = arith.constant 0 : i32
      %dma_start3A_577 = tpu.memref_slice %arg5[%dma_start3A_572, %dma_start3A_574, %dma_start3A_575, %dma_start3A_576] : memref<2x4x2x128xi32, #tpu.memory_space<vmem>> -> memref<1x4x2x128xi32, #tpu.memory_space<vmem>>
      %dma_start3A_578 = tpu.memref_squeeze %dma_start3A_577 : memref<1x4x2x128xi32, #tpu.memory_space<vmem>> -> memref<4x2x128xi32, #tpu.memory_space<vmem>>
      %dma_start3A_579 = arith.constant 0 : i32
      %dma_start3A_580 = arith.constant 0 : i32
      %dma_start3A_581 = tpu.memref_slice %arg3[%add3A, %mul3A_571, %dma_start3A_579, %dma_start3A_580] : memref<32x80x2x128xi32, #tpu.memory_space<hbm>> -> memref<1x4x2x128xi32, #tpu.memory_space<hbm>>
      %dma_start3A_582 = tpu.memref_squeeze %dma_start3A_581 : memref<1x4x2x128xi32, #tpu.memory_space<hbm>> -> memref<4x2x128xi32, #tpu.memory_space<hbm>>
      %dma_start3A_583 = tpu.memref_slice %arg9[%dma_start3A_573] : memref<2x!tpu.dma_semaphore, #tpu.memory_space<semaphore_mem>> -> memref<1x!tpu.dma_semaphore, #tpu.memory_space<semaphore_mem>>
      %dma_start3A_584 = tpu.memref_squeeze %dma_start3A_583 : memref<1x!tpu.dma_semaphore, #tpu.memory_space<semaphore_mem>> -> memref<!tpu.dma_semaphore, #tpu.memory_space<semaphore_mem>>
      %dma_start3A_585 = arith.constant 0 : i32
      %dma_start3A_586 = arith.constant 0 : i32
      %dma_start3A_587 = arith.constant 0 : i32
      %dma_start3A_588 = tpu.memref_slice %arg5[%dma_start3A_572, %dma_start3A_585, %dma_start3A_586, %dma_start3A_587] : memref<2x4x2x128xi32, #tpu.memory_space<vmem>> -> memref<1x4x2x128xi32, #tpu.memory_space<vmem>>
      %dma_start3A_589 = tpu.memref_squeeze %dma_start3A_588 : memref<1x4x2x128xi32, #tpu.memory_space<vmem>> -> memref<4x2x128xi32, #tpu.memory_space<vmem>>
      %dma_start3A_590 = arith.constant 0 : i32
      %dma_start3A_591 = arith.constant 0 : i32
      %dma_start3A_592 = tpu.memref_slice %arg3[%add3A, %mul3A_571, %dma_start3A_590, %dma_start3A_591] : memref<32x80x2x128xi32, #tpu.memory_space<hbm>> -> memref<1x4x2x128xi32, #tpu.memory_space<hbm>>
      %dma_start3A_593 = tpu.memref_squeeze %dma_start3A_592 : memref<1x4x2x128xi32, #tpu.memory_space<hbm>> -> memref<4x2x128xi32, #tpu.memory_space<hbm>>
      tpu.enqueue_dma source(%dma_start3A_593 : memref<4x2x128xi32, #tpu.memory_space<hbm>>) target(%dma_start3A_589 : memref<4x2x128xi32, #tpu.memory_space<vmem>>) target_semaphore(%dma_start3A_584 : memref<!tpu.dma_semaphore, #tpu.memory_space<semaphore_mem>>)
      %dma_start3A_594 = arith.constant 1 : i32
      %dma_start3A_595 = arith.constant 1 : i32
      %dma_start3A_596 = arith.constant 0 : i32
      %dma_start3A_597 = arith.constant 1 : i32
      %dma_start3A_598 = arith.constant 1 : i32
      %dma_start3A_599 = arith.constant 0 : i32
      %dma_start3A_600 = arith.constant 0 : i32
      %dma_start3A_601 = tpu.memref_slice %arg6[%dma_start3A_597, %dma_start3A_599, %dma_start3A_600] : memref<2x128x128xf32, #tpu.memory_space<vmem>> -> memref<1x128x128xf32, #tpu.memory_space<vmem>>
      %dma_start3A_602 = tpu.memref_squeeze %dma_start3A_601 : memref<1x128x128xf32, #tpu.memory_space<vmem>> -> memref<128x128xf32, #tpu.memory_space<vmem>>
      %dma_start3A_603 = arith.constant 0 : i32
      %dma_start3A_604 = tpu.memref_slice %arg5[%dma_start3A_594, %dma_start3A_595, %dma_start3A_596, %dma_start3A_603] : memref<2x4x2x128xi32, #tpu.memory_space<vmem>> -> memref<1x1x1x128xi32, #tpu.memory_space<vmem>>
      %dma_start3A_605 = tpu.memref_squeeze %dma_start3A_604 : memref<1x1x1x128xi32, #tpu.memory_space<vmem>> -> memref<128xi32, #tpu.memory_space<vmem>>
      %dma_start3A_606 = arith.constant 0 : i32
      %dma_start3A_607 = arith.constant 0 : i32
      %dma_start3A_608 = tpu.memref_slice %arg2[%dma_start3A_606, %dma_start3A_607] : memref<10000x128xf32, #tpu.memory_space<hbm>> -> memref<10000x128xf32, #tpu.memory_space<hbm>>
      %dma_start3A_609 = tpu.memref_slice %arg8[%dma_start3A_598] : memref<2x!tpu.dma_semaphore, #tpu.memory_space<semaphore_mem>> -> memref<1x!tpu.dma_semaphore, #tpu.memory_space<semaphore_mem>>
      %dma_start3A_610 = tpu.memref_squeeze %dma_start3A_609 : memref<1x!tpu.dma_semaphore, #tpu.memory_space<semaphore_mem>> -> memref<!tpu.dma_semaphore, #tpu.memory_space<semaphore_mem>>
      tpu.enqueue_indirect_dma source(%dma_start3A_608 : memref<10000x128xf32, #tpu.memory_space<hbm>>) target(%dma_start3A_602 : memref<128x128xf32, #tpu.memory_space<vmem>>) offsets(%dma_start3A_605 : memref<128xi32, #tpu.memory_space<vmem>>) semaphore(%dma_start3A_610 : memref<!tpu.dma_semaphore, #tpu.memory_space<semaphore_mem>>)
      %dma_wait3A_611 = arith.constant 1 : i32
      %dma_wait3A_612 = arith.constant 0 : i32
      %dma_wait3A_613 = arith.constant 0 : i32
      %dma_wait3A_614 = arith.constant 0 : i32
      %dma_wait3A_615 = arith.constant 0 : i32
      %dma_wait3A_616 = arith.constant 0 : i32
      %dma_wait3A_617 = arith.constant 0 : i32
      %dma_wait3A_618 = tpu.memref_slice %arg6[%dma_wait3A_614, %dma_wait3A_616, %dma_wait3A_617] : memref<2x128x128xf32, #tpu.memory_space<vmem>> -> memref<1x128x128xf32, #tpu.memory_space<vmem>>
      %dma_wait3A_619 = tpu.memref_squeeze %dma_wait3A_618 : memref<1x128x128xf32, #tpu.memory_space<vmem>> -> memref<128x128xf32, #tpu.memory_space<vmem>>
      %dma_wait3A_620 = arith.constant 0 : i32
      %dma_wait3A_621 = tpu.memref_slice %arg5[%dma_wait3A_611, %dma_wait3A_612, %dma_wait3A_613, %dma_wait3A_620] : memref<2x4x2x128xi32, #tpu.memory_space<vmem>> -> memref<1x1x1x128xi32, #tpu.memory_space<vmem>>
      %dma_wait3A_622 = tpu.memref_squeeze %dma_wait3A_621 : memref<1x1x1x128xi32, #tpu.memory_space<vmem>> -> memref<128xi32, #tpu.memory_space<vmem>>
      %dma_wait3A_623 = arith.constant 0 : i32
      %dma_wait3A_624 = arith.constant 0 : i32
      %dma_wait3A_625 = tpu.memref_slice %arg2[%dma_wait3A_623, %dma_wait3A_624] : memref<10000x128xf32, #tpu.memory_space<hbm>> -> memref<10000x128xf32, #tpu.memory_space<hbm>>
      %dma_wait3A_626 = tpu.memref_slice %arg8[%dma_wait3A_615] : memref<2x!tpu.dma_semaphore, #tpu.memory_space<semaphore_mem>> -> memref<1x!tpu.dma_semaphore, #tpu.memory_space<semaphore_mem>>
      %dma_wait3A_627 = tpu.memref_squeeze %dma_wait3A_626 : memref<1x!tpu.dma_semaphore, #tpu.memory_space<semaphore_mem>> -> memref<!tpu.dma_semaphore, #tpu.memory_space<semaphore_mem>>
      tpu.wait_indirect_dma semaphore(%dma_wait3A_627 : memref<!tpu.dma_semaphore, #tpu.memory_space<semaphore_mem>>) src(%dma_wait3A_625 : memref<10000x128xf32, #tpu.memory_space<hbm>>) dst(%dma_wait3A_619 : memref<128x128xf32, #tpu.memory_space<vmem>>)
      %dma_start3A_628 = arith.constant 0 : i32
      %dma_start3A_629 = arith.constant 1 : i32
      %dma_start3A_630 = arith.constant 0 : i32
      %dma_start3A_631 = arith.constant 1 : i32
      %dma_start3A_632 = arith.constant 0 : i32
      %dma_start3A_633 = arith.constant 0 : i32
      %dma_start3A_634 = arith.constant 0 : i32
      %dma_start3A_635 = tpu.memref_slice %arg6[%dma_start3A_628, %dma_start3A_633, %dma_start3A_634] : memref<2x128x128xf32, #tpu.memory_space<vmem>> -> memref<1x128x128xf32, #tpu.memory_space<vmem>>
      %dma_start3A_636 = tpu.memref_squeeze %dma_start3A_635 : memref<1x128x128xf32, #tpu.memory_space<vmem>> -> memref<128x128xf32, #tpu.memory_space<vmem>>
      %dma_start3A_637 = arith.constant 0 : i32
      %dma_start3A_638 = tpu.memref_slice %arg5[%dma_start3A_629, %dma_start3A_630, %dma_start3A_631, %dma_start3A_637] : memref<2x4x2x128xi32, #tpu.memory_space<vmem>> -> memref<1x1x1x128xi32, #tpu.memory_space<vmem>>
      %dma_start3A_639 = tpu.memref_squeeze %dma_start3A_638 : memref<1x1x1x128xi32, #tpu.memory_space<vmem>> -> memref<128xi32, #tpu.memory_space<vmem>>
      %dma_start3A_640 = arith.constant 0 : i32
      %dma_start3A_641 = arith.constant 0 : i32
      %dma_start3A_642 = tpu.memref_slice %arg7[%dma_start3A_640, %dma_start3A_641] : memref<10016x128xf32, #tpu.memory_space<vmem_shared>> -> memref<10016x128xf32, #tpu.memory_space<vmem_shared>>
      %dma_start3A_643 = tpu.memref_slice %arg10[%dma_start3A_632] : memref<2x!tpu.dma_semaphore, #tpu.memory_space<semaphore_mem>> -> memref<1x!tpu.dma_semaphore, #tpu.memory_space<semaphore_mem>>
      %dma_start3A_644 = tpu.memref_squeeze %dma_start3A_643 : memref<1x!tpu.dma_semaphore, #tpu.memory_space<semaphore_mem>> -> memref<!tpu.dma_semaphore, #tpu.memory_space<semaphore_mem>>
      tpu.enqueue_indirect_dma source(%dma_start3A_636 : memref<128x128xf32, #tpu.memory_space<vmem>>) target(%dma_start3A_642 : memref<10016x128xf32, #tpu.memory_space<vmem_shared>>) offsets(%dma_start3A_639 : memref<128xi32, #tpu.memory_space<vmem>>) semaphore(%dma_start3A_644 : memref<!tpu.dma_semaphore, #tpu.memory_space<semaphore_mem>>) {add = true}
      %dma_wait3A_645 = arith.constant 0 : i32
      %dma_wait3A_646 = arith.constant 1 : i32
      %dma_wait3A_647 = arith.constant 1 : i32
      %dma_wait3A_648 = arith.constant 1 : i32
      %dma_wait3A_649 = arith.constant 0 : i32
      %dma_wait3A_650 = arith.constant 0 : i32
      %dma_wait3A_651 = arith.constant 0 : i32
      %dma_wait3A_652 = tpu.memref_slice %arg6[%dma_wait3A_645, %dma_wait3A_650, %dma_wait3A_651] : memref<2x128x128xf32, #tpu.memory_space<vmem>> -> memref<1x128x128xf32, #tpu.memory_space<vmem>>
      %dma_wait3A_653 = tpu.memref_squeeze %dma_wait3A_652 : memref<1x128x128xf32, #tpu.memory_space<vmem>> -> memref<128x128xf32, #tpu.memory_space<vmem>>
      %dma_wait3A_654 = arith.constant 0 : i32
      %dma_wait3A_655 = tpu.memref_slice %arg5[%dma_wait3A_646, %dma_wait3A_647, %dma_wait3A_648, %dma_wait3A_654] : memref<2x4x2x128xi32, #tpu.memory_space<vmem>> -> memref<1x1x1x128xi32, #tpu.memory_space<vmem>>
      %dma_wait3A_656 = tpu.memref_squeeze %dma_wait3A_655 : memref<1x1x1x128xi32, #tpu.memory_space<vmem>> -> memref<128xi32, #tpu.memory_space<vmem>>
      %dma_wait3A_657 = arith.constant 0 : i32
      %dma_wait3A_658 = arith.constant 0 : i32
      %dma_wait3A_659 = tpu.memref_slice %arg7[%dma_wait3A_657, %dma_wait3A_658] : memref<10016x128xf32, #tpu.memory_space<vmem_shared>> -> memref<10016x128xf32, #tpu.memory_space<vmem_shared>>
      %dma_wait3A_660 = tpu.memref_slice %arg10[%dma_wait3A_649] : memref<2x!tpu.dma_semaphore, #tpu.memory_space<semaphore_mem>> -> memref<1x!tpu.dma_semaphore, #tpu.memory_space<semaphore_mem>>
      %dma_wait3A_661 = tpu.memref_squeeze %dma_wait3A_660 : memref<1x!tpu.dma_semaphore, #tpu.memory_space<semaphore_mem>> -> memref<!tpu.dma_semaphore, #tpu.memory_space<semaphore_mem>>
      tpu.wait_indirect_dma semaphore(%dma_wait3A_661 : memref<!tpu.dma_semaphore, #tpu.memory_space<semaphore_mem>>) src(%dma_wait3A_653 : memref<128x128xf32, #tpu.memory_space<vmem>>) dst(%dma_wait3A_659 : memref<10016x128xf32, #tpu.memory_space<vmem_shared>>)
      %dma_start3A_662 = arith.constant 1 : i32
      %dma_start3A_663 = arith.constant 2 : i32
      %dma_start3A_664 = arith.constant 0 : i32
      %dma_start3A_665 = arith.constant 0 : i32
      %dma_start3A_666 = arith.constant 0 : i32
      %dma_start3A_667 = arith.constant 0 : i32
      %dma_start3A_668 = arith.constant 0 : i32
      %dma_start3A_669 = tpu.memref_slice %arg6[%dma_start3A_665, %dma_start3A_667, %dma_start3A_668] : memref<2x128x128xf32, #tpu.memory_space<vmem>> -> memref<1x128x128xf32, #tpu.memory_space<vmem>>
      %dma_start3A_670 = tpu.memref_squeeze %dma_start3A_669 : memref<1x128x128xf32, #tpu.memory_space<vmem>> -> memref<128x128xf32, #tpu.memory_space<vmem>>
      %dma_start3A_671 = arith.constant 0 : i32
      %dma_start3A_672 = tpu.memref_slice %arg5[%dma_start3A_662, %dma_start3A_663, %dma_start3A_664, %dma_start3A_671] : memref<2x4x2x128xi32, #tpu.memory_space<vmem>> -> memref<1x1x1x128xi32, #tpu.memory_space<vmem>>
      %dma_start3A_673 = tpu.memref_squeeze %dma_start3A_672 : memref<1x1x1x128xi32, #tpu.memory_space<vmem>> -> memref<128xi32, #tpu.memory_space<vmem>>
      %dma_start3A_674 = arith.constant 0 : i32
      %dma_start3A_675 = arith.constant 0 : i32
      %dma_start3A_676 = tpu.memref_slice %arg2[%dma_start3A_674, %dma_start3A_675] : memref<10000x128xf32, #tpu.memory_space<hbm>> -> memref<10000x128xf32, #tpu.memory_space<hbm>>
      %dma_start3A_677 = tpu.memref_slice %arg8[%dma_start3A_666] : memref<2x!tpu.dma_semaphore, #tpu.memory_space<semaphore_mem>> -> memref<1x!tpu.dma_semaphore, #tpu.memory_space<semaphore_mem>>
      %dma_start3A_678 = tpu.memref_squeeze %dma_start3A_677 : memref<1x!tpu.dma_semaphore, #tpu.memory_space<semaphore_mem>> -> memref<!tpu.dma_semaphore, #tpu.memory_space<semaphore_mem>>
      tpu.enqueue_indirect_dma source(%dma_start3A_676 : memref<10000x128xf32, #tpu.memory_space<hbm>>) target(%dma_start3A_670 : memref<128x128xf32, #tpu.memory_space<vmem>>) offsets(%dma_start3A_673 : memref<128xi32, #tpu.memory_space<vmem>>) semaphore(%dma_start3A_678 : memref<!tpu.dma_semaphore, #tpu.memory_space<semaphore_mem>>)
      %dma_wait3A_679 = arith.constant 1 : i32
      %dma_wait3A_680 = arith.constant 1 : i32
      %dma_wait3A_681 = arith.constant 0 : i32
      %dma_wait3A_682 = arith.constant 1 : i32
      %dma_wait3A_683 = arith.constant 1 : i32
      %dma_wait3A_684 = arith.constant 0 : i32
      %dma_wait3A_685 = arith.constant 0 : i32
      %dma_wait3A_686 = tpu.memref_slice %arg6[%dma_wait3A_682, %dma_wait3A_684, %dma_wait3A_685] : memref<2x128x128xf32, #tpu.memory_space<vmem>> -> memref<1x128x128xf32, #tpu.memory_space<vmem>>
      %dma_wait3A_687 = tpu.memref_squeeze %dma_wait3A_686 : memref<1x128x128xf32, #tpu.memory_space<vmem>> -> memref<128x128xf32, #tpu.memory_space<vmem>>
      %dma_wait3A_688 = arith.constant 0 : i32
      %dma_wait3A_689 = tpu.memref_slice %arg5[%dma_wait3A_679, %dma_wait3A_680, %dma_wait3A_681, %dma_wait3A_688] : memref<2x4x2x128xi32, #tpu.memory_space<vmem>> -> memref<1x1x1x128xi32, #tpu.memory_space<vmem>>
      %dma_wait3A_690 = tpu.memref_squeeze %dma_wait3A_689 : memref<1x1x1x128xi32, #tpu.memory_space<vmem>> -> memref<128xi32, #tpu.memory_space<vmem>>
      %dma_wait3A_691 = arith.constant 0 : i32
      %dma_wait3A_692 = arith.constant 0 : i32
      %dma_wait3A_693 = tpu.memref_slice %arg2[%dma_wait3A_691, %dma_wait3A_692] : memref<10000x128xf32, #tpu.memory_space<hbm>> -> memref<10000x128xf32, #tpu.memory_space<hbm>>
      %dma_wait3A_694 = tpu.memref_slice %arg8[%dma_wait3A_683] : memref<2x!tpu.dma_semaphore, #tpu.memory_space<semaphore_mem>> -> memref<1x!tpu.dma_semaphore, #tpu.memory_space<semaphore_mem>>
      %dma_wait3A_695 = tpu.memref_squeeze %dma_wait3A_694 : memref<1x!tpu.dma_semaphore, #tpu.memory_space<semaphore_mem>> -> memref<!tpu.dma_semaphore, #tpu.memory_space<semaphore_mem>>
      tpu.wait_indirect_dma semaphore(%dma_wait3A_695 : memref<!tpu.dma_semaphore, #tpu.memory_space<semaphore_mem>>) src(%dma_wait3A_693 : memref<10000x128xf32, #tpu.memory_space<hbm>>) dst(%dma_wait3A_687 : memref<128x128xf32, #tpu.memory_space<vmem>>)
      %dma_start3A_696 = arith.constant 1 : i32
      %dma_start3A_697 = arith.constant 1 : i32
      %dma_start3A_698 = arith.constant 1 : i32
      %dma_start3A_699 = arith.constant 1 : i32
      %dma_start3A_700 = arith.constant 1 : i32
      %dma_start3A_701 = arith.constant 0 : i32
      %dma_start3A_702 = arith.constant 0 : i32
      %dma_start3A_703 = tpu.memref_slice %arg6[%dma_start3A_696, %dma_start3A_701, %dma_start3A_702] : memref<2x128x128xf32, #tpu.memory_space<vmem>> -> memref<1x128x128xf32, #tpu.memory_space<vmem>>
      %dma_start3A_704 = tpu.memref_squeeze %dma_start3A_703 : memref<1x128x128xf32, #tpu.memory_space<vmem>> -> memref<128x128xf32, #tpu.memory_space<vmem>>
      %dma_start3A_705 = arith.constant 0 : i32
      %dma_start3A_706 = tpu.memref_slice %arg5[%dma_start3A_697, %dma_start3A_698, %dma_start3A_699, %dma_start3A_705] : memref<2x4x2x128xi32, #tpu.memory_space<vmem>> -> memref<1x1x1x128xi32, #tpu.memory_space<vmem>>
      %dma_start3A_707 = tpu.memref_squeeze %dma_start3A_706 : memref<1x1x1x128xi32, #tpu.memory_space<vmem>> -> memref<128xi32, #tpu.memory_space<vmem>>
      %dma_start3A_708 = arith.constant 0 : i32
      %dma_start3A_709 = arith.constant 0 : i32
      %dma_start3A_710 = tpu.memref_slice %arg7[%dma_start3A_708, %dma_start3A_709] : memref<10016x128xf32, #tpu.memory_space<vmem_shared>> -> memref<10016x128xf32, #tpu.memory_space<vmem_shared>>
      %dma_start3A_711 = tpu.memref_slice %arg10[%dma_start3A_700] : memref<2x!tpu.dma_semaphore, #tpu.memory_space<semaphore_mem>> -> memref<1x!tpu.dma_semaphore, #tpu.memory_space<semaphore_mem>>
      %dma_start3A_712 = tpu.memref_squeeze %dma_start3A_711 : memref<1x!tpu.dma_semaphore, #tpu.memory_space<semaphore_mem>> -> memref<!tpu.dma_semaphore, #tpu.memory_space<semaphore_mem>>
      tpu.enqueue_indirect_dma source(%dma_start3A_704 : memref<128x128xf32, #tpu.memory_space<vmem>>) target(%dma_start3A_710 : memref<10016x128xf32, #tpu.memory_space<vmem_shared>>) offsets(%dma_start3A_707 : memref<128xi32, #tpu.memory_space<vmem>>) semaphore(%dma_start3A_712 : memref<!tpu.dma_semaphore, #tpu.memory_space<semaphore_mem>>) {add = true}
      %dma_wait3A_713 = arith.constant 1 : i32
      %dma_wait3A_714 = arith.constant 1 : i32
      %dma_wait3A_715 = arith.constant 2 : i32
      %dma_wait3A_716 = arith.constant 1 : i32
      %dma_wait3A_717 = arith.constant 1 : i32
      %dma_wait3A_718 = arith.constant 0 : i32
      %dma_wait3A_719 = arith.constant 0 : i32
      %dma_wait3A_720 = tpu.memref_slice %arg6[%dma_wait3A_713, %dma_wait3A_718, %dma_wait3A_719] : memref<2x128x128xf32, #tpu.memory_space<vmem>> -> memref<1x128x128xf32, #tpu.memory_space<vmem>>
      %dma_wait3A_721 = tpu.memref_squeeze %dma_wait3A_720 : memref<1x128x128xf32, #tpu.memory_space<vmem>> -> memref<128x128xf32, #tpu.memory_space<vmem>>
      %dma_wait3A_722 = arith.constant 0 : i32
      %dma_wait3A_723 = tpu.memref_slice %arg5[%dma_wait3A_714, %dma_wait3A_715, %dma_wait3A_716, %dma_wait3A_722] : memref<2x4x2x128xi32, #tpu.memory_space<vmem>> -> memref<1x1x1x128xi32, #tpu.memory_space<vmem>>
      %dma_wait3A_724 = tpu.memref_squeeze %dma_wait3A_723 : memref<1x1x1x128xi32, #tpu.memory_space<vmem>> -> memref<128xi32, #tpu.memory_space<vmem>>
      %dma_wait3A_725 = arith.constant 0 : i32
      %dma_wait3A_726 = arith.constant 0 : i32
      %dma_wait3A_727 = tpu.memref_slice %arg7[%dma_wait3A_725, %dma_wait3A_726] : memref<10016x128xf32, #tpu.memory_space<vmem_shared>> -> memref<10016x128xf32, #tpu.memory_space<vmem_shared>>
      %dma_wait3A_728 = tpu.memref_slice %arg10[%dma_wait3A_717] : memref<2x!tpu.dma_semaphore, #tpu.memory_space<semaphore_mem>> -> memref<1x!tpu.dma_semaphore, #tpu.memory_space<semaphore_mem>>
      %dma_wait3A_729 = tpu.memref_squeeze %dma_wait3A_728 : memref<1x!tpu.dma_semaphore, #tpu.memory_space<semaphore_mem>> -> memref<!tpu.dma_semaphore, #tpu.memory_space<semaphore_mem>>
      tpu.wait_indirect_dma semaphore(%dma_wait3A_729 : memref<!tpu.dma_semaphore, #tpu.memory_space<semaphore_mem>>) src(%dma_wait3A_721 : memref<128x128xf32, #tpu.memory_space<vmem>>) dst(%dma_wait3A_727 : memref<10016x128xf32, #tpu.memory_space<vmem_shared>>)
      %dma_start3A_730 = arith.constant 1 : i32
      %dma_start3A_731 = arith.constant 3 : i32
      %dma_start3A_732 = arith.constant 0 : i32
      %dma_start3A_733 = arith.constant 1 : i32
      %dma_start3A_734 = arith.constant 1 : i32
      %dma_start3A_735 = arith.constant 0 : i32
      %dma_start3A_736 = arith.constant 0 : i32
      %dma_start3A_737 = tpu.memref_slice %arg6[%dma_start3A_733, %dma_start3A_735, %dma_start3A_736] : memref<2x128x128xf32, #tpu.memory_space<vmem>> -> memref<1x128x128xf32, #tpu.memory_space<vmem>>
      %dma_start3A_738 = tpu.memref_squeeze %dma_start3A_737 : memref<1x128x128xf32, #tpu.memory_space<vmem>> -> memref<128x128xf32, #tpu.memory_space<vmem>>
      %dma_start3A_739 = arith.constant 0 : i32
      %dma_start3A_740 = tpu.memref_slice %arg5[%dma_start3A_730, %dma_start3A_731, %dma_start3A_732, %dma_start3A_739] : memref<2x4x2x128xi32, #tpu.memory_space<vmem>> -> memref<1x1x1x128xi32, #tpu.memory_space<vmem>>
      %dma_start3A_741 = tpu.memref_squeeze %dma_start3A_740 : memref<1x1x1x128xi32, #tpu.memory_space<vmem>> -> memref<128xi32, #tpu.memory_space<vmem>>
      %dma_start3A_742 = arith.constant 0 : i32
      %dma_start3A_743 = arith.constant 0 : i32
      %dma_start3A_744 = tpu.memref_slice %arg2[%dma_start3A_742, %dma_start3A_743] : memref<10000x128xf32, #tpu.memory_space<hbm>> -> memref<10000x128xf32, #tpu.memory_space<hbm>>
      %dma_start3A_745 = tpu.memref_slice %arg8[%dma_start3A_734] : memref<2x!tpu.dma_semaphore, #tpu.memory_space<semaphore_mem>> -> memref<1x!tpu.dma_semaphore, #tpu.memory_space<semaphore_mem>>
      %dma_start3A_746 = tpu.memref_squeeze %dma_start3A_745 : memref<1x!tpu.dma_semaphore, #tpu.memory_space<semaphore_mem>> -> memref<!tpu.dma_semaphore, #tpu.memory_space<semaphore_mem>>
      tpu.enqueue_indirect_dma source(%dma_start3A_744 : memref<10000x128xf32, #tpu.memory_space<hbm>>) target(%dma_start3A_738 : memref<128x128xf32, #tpu.memory_space<vmem>>) offsets(%dma_start3A_741 : memref<128xi32, #tpu.memory_space<vmem>>) semaphore(%dma_start3A_746 : memref<!tpu.dma_semaphore, #tpu.memory_space<semaphore_mem>>)
      %dma_wait3A_747 = arith.constant 1 : i32
      %dma_wait3A_748 = arith.constant 2 : i32
      %dma_wait3A_749 = arith.constant 0 : i32
      %dma_wait3A_750 = arith.constant 0 : i32
      %dma_wait3A_751 = arith.constant 0 : i32
      %dma_wait3A_752 = arith.constant 0 : i32
      %dma_wait3A_753 = arith.constant 0 : i32
      %dma_wait3A_754 = tpu.memref_slice %arg6[%dma_wait3A_750, %dma_wait3A_752, %dma_wait3A_753] : memref<2x128x128xf32, #tpu.memory_space<vmem>> -> memref<1x128x128xf32, #tpu.memory_space<vmem>>
      %dma_wait3A_755 = tpu.memref_squeeze %dma_wait3A_754 : memref<1x128x128xf32, #tpu.memory_space<vmem>> -> memref<128x128xf32, #tpu.memory_space<vmem>>
      %dma_wait3A_756 = arith.constant 0 : i32
      %dma_wait3A_757 = tpu.memref_slice %arg5[%dma_wait3A_747, %dma_wait3A_748, %dma_wait3A_749, %dma_wait3A_756] : memref<2x4x2x128xi32, #tpu.memory_space<vmem>> -> memref<1x1x1x128xi32, #tpu.memory_space<vmem>>
      %dma_wait3A_758 = tpu.memref_squeeze %dma_wait3A_757 : memref<1x1x1x128xi32, #tpu.memory_space<vmem>> -> memref<128xi32, #tpu.memory_space<vmem>>
      %dma_wait3A_759 = arith.constant 0 : i32
      %dma_wait3A_760 = arith.constant 0 : i32
      %dma_wait3A_761 = tpu.memref_slice %arg2[%dma_wait3A_759, %dma_wait3A_760] : memref<10000x128xf32, #tpu.memory_space<hbm>> -> memref<10000x128xf32, #tpu.memory_space<hbm>>
      %dma_wait3A_762 = tpu.memref_slice %arg8[%dma_wait3A_751] : memref<2x!tpu.dma_semaphore, #tpu.memory_space<semaphore_mem>> -> memref<1x!tpu.dma_semaphore, #tpu.memory_space<semaphore_mem>>
      %dma_wait3A_763 = tpu.memref_squeeze %dma_wait3A_762 : memref<1x!tpu.dma_semaphore, #tpu.memory_space<semaphore_mem>> -> memref<!tpu.dma_semaphore, #tpu.memory_space<semaphore_mem>>
      tpu.wait_indirect_dma semaphore(%dma_wait3A_763 : memref<!tpu.dma_semaphore, #tpu.memory_space<semaphore_mem>>) src(%dma_wait3A_761 : memref<10000x128xf32, #tpu.memory_space<hbm>>) dst(%dma_wait3A_755 : memref<128x128xf32, #tpu.memory_space<vmem>>)
      %dma_start3A_764 = arith.constant 0 : i32
      %dma_start3A_765 = arith.constant 1 : i32
      %dma_start3A_766 = arith.constant 2 : i32
      %dma_start3A_767 = arith.constant 1 : i32
      %dma_start3A_768 = arith.constant 0 : i32
      %dma_start3A_769 = arith.constant 0 : i32
      %dma_start3A_770 = arith.constant 0 : i32
      %dma_start3A_771 = tpu.memref_slice %arg6[%dma_start3A_764, %dma_start3A_769, %dma_start3A_770] : memref<2x128x128xf32, #tpu.memory_space<vmem>> -> memref<1x128x128xf32, #tpu.memory_space<vmem>>
      %dma_start3A_772 = tpu.memref_squeeze %dma_start3A_771 : memref<1x128x128xf32, #tpu.memory_space<vmem>> -> memref<128x128xf32, #tpu.memory_space<vmem>>
      %dma_start3A_773 = arith.constant 0 : i32
      %dma_start3A_774 = tpu.memref_slice %arg5[%dma_start3A_765, %dma_start3A_766, %dma_start3A_767, %dma_start3A_773] : memref<2x4x2x128xi32, #tpu.memory_space<vmem>> -> memref<1x1x1x128xi32, #tpu.memory_space<vmem>>
      %dma_start3A_775 = tpu.memref_squeeze %dma_start3A_774 : memref<1x1x1x128xi32, #tpu.memory_space<vmem>> -> memref<128xi32, #tpu.memory_space<vmem>>
      %dma_start3A_776 = arith.constant 0 : i32
      %dma_start3A_777 = arith.constant 0 : i32
      %dma_start3A_778 = tpu.memref_slice %arg7[%dma_start3A_776, %dma_start3A_777] : memref<10016x128xf32, #tpu.memory_space<vmem_shared>> -> memref<10016x128xf32, #tpu.memory_space<vmem_shared>>
      %dma_start3A_779 = tpu.memref_slice %arg10[%dma_start3A_768] : memref<2x!tpu.dma_semaphore, #tpu.memory_space<semaphore_mem>> -> memref<1x!tpu.dma_semaphore, #tpu.memory_space<semaphore_mem>>
      %dma_start3A_780 = tpu.memref_squeeze %dma_start3A_779 : memref<1x!tpu.dma_semaphore, #tpu.memory_space<semaphore_mem>> -> memref<!tpu.dma_semaphore, #tpu.memory_space<semaphore_mem>>
      tpu.enqueue_indirect_dma source(%dma_start3A_772 : memref<128x128xf32, #tpu.memory_space<vmem>>) target(%dma_start3A_778 : memref<10016x128xf32, #tpu.memory_space<vmem_shared>>) offsets(%dma_start3A_775 : memref<128xi32, #tpu.memory_space<vmem>>) semaphore(%dma_start3A_780 : memref<!tpu.dma_semaphore, #tpu.memory_space<semaphore_mem>>) {add = true}
      %dma_wait3A_781 = arith.constant 0 : i32
      %dma_wait3A_782 = arith.constant 1 : i32
      %dma_wait3A_783 = arith.constant 3 : i32
      %dma_wait3A_784 = arith.constant 1 : i32
      %dma_wait3A_785 = arith.constant 0 : i32
      %dma_wait3A_786 = arith.constant 0 : i32
      %dma_wait3A_787 = arith.constant 0 : i32
      %dma_wait3A_788 = tpu.memref_slice %arg6[%dma_wait3A_781, %dma_wait3A_786, %dma_wait3A_787] : memref<2x128x128xf32, #tpu.memory_space<vmem>> -> memref<1x128x128xf32, #tpu.memory_space<vmem>>
      %dma_wait3A_789 = tpu.memref_squeeze %dma_wait3A_788 : memref<1x128x128xf32, #tpu.memory_space<vmem>> -> memref<128x128xf32, #tpu.memory_space<vmem>>
      %dma_wait3A_790 = arith.constant 0 : i32
      %dma_wait3A_791 = tpu.memref_slice %arg5[%dma_wait3A_782, %dma_wait3A_783, %dma_wait3A_784, %dma_wait3A_790] : memref<2x4x2x128xi32, #tpu.memory_space<vmem>> -> memref<1x1x1x128xi32, #tpu.memory_space<vmem>>
      %dma_wait3A_792 = tpu.memref_squeeze %dma_wait3A_791 : memref<1x1x1x128xi32, #tpu.memory_space<vmem>> -> memref<128xi32, #tpu.memory_space<vmem>>
      %dma_wait3A_793 = arith.constant 0 : i32
      %dma_wait3A_794 = arith.constant 0 : i32
      %dma_wait3A_795 = tpu.memref_slice %arg7[%dma_wait3A_793, %dma_wait3A_794] : memref<10016x128xf32, #tpu.memory_space<vmem_shared>> -> memref<10016x128xf32, #tpu.memory_space<vmem_shared>>
      %dma_wait3A_796 = tpu.memref_slice %arg10[%dma_wait3A_785] : memref<2x!tpu.dma_semaphore, #tpu.memory_space<semaphore_mem>> -> memref<1x!tpu.dma_semaphore, #tpu.memory_space<semaphore_mem>>
      %dma_wait3A_797 = tpu.memref_squeeze %dma_wait3A_796 : memref<1x!tpu.dma_semaphore, #tpu.memory_space<semaphore_mem>> -> memref<!tpu.dma_semaphore, #tpu.memory_space<semaphore_mem>>
      tpu.wait_indirect_dma semaphore(%dma_wait3A_797 : memref<!tpu.dma_semaphore, #tpu.memory_space<semaphore_mem>>) src(%dma_wait3A_789 : memref<128x128xf32, #tpu.memory_space<vmem>>) dst(%dma_wait3A_795 : memref<10016x128xf32, #tpu.memory_space<vmem_shared>>)
      %dma_wait3A_798 = arith.constant 0 : i32
      %dma_wait3A_799 = arith.constant 0 : i32
      %dma_wait3A_800 = arith.constant 0 : i32
      %dma_wait3A_801 = arith.constant 0 : i32
      %dma_wait3A_802 = arith.constant 0 : i32
      %dma_wait3A_803 = tpu.memref_slice %arg5[%dma_wait3A_798, %dma_wait3A_800, %dma_wait3A_801, %dma_wait3A_802] : memref<2x4x2x128xi32, #tpu.memory_space<vmem>> -> memref<1x4x2x128xi32, #tpu.memory_space<vmem>>
      %dma_wait3A_804 = tpu.memref_squeeze %dma_wait3A_803 : memref<1x4x2x128xi32, #tpu.memory_space<vmem>> -> memref<4x2x128xi32, #tpu.memory_space<vmem>>
      %dma_wait3A_805 = arith.constant 0 : i32
      %dma_wait3A_806 = arith.constant 0 : i32
      %dma_wait3A_807 = arith.constant 0 : i32
      %dma_wait3A_808 = tpu.memref_slice %arg3[%add3A, %dma_wait3A_805, %dma_wait3A_806, %dma_wait3A_807] : memref<32x80x2x128xi32, #tpu.memory_space<hbm>> -> memref<1x4x2x128xi32, #tpu.memory_space<hbm>>
      %dma_wait3A_809 = tpu.memref_squeeze %dma_wait3A_808 : memref<1x4x2x128xi32, #tpu.memory_space<hbm>> -> memref<4x2x128xi32, #tpu.memory_space<hbm>>
      %dma_wait3A_810 = tpu.memref_slice %arg9[%dma_wait3A_799] : memref<2x!tpu.dma_semaphore, #tpu.memory_space<semaphore_mem>> -> memref<1x!tpu.dma_semaphore, #tpu.memory_space<semaphore_mem>>
      %dma_wait3A_811 = tpu.memref_squeeze %dma_wait3A_810 : memref<1x!tpu.dma_semaphore, #tpu.memory_space<semaphore_mem>> -> memref<!tpu.dma_semaphore, #tpu.memory_space<semaphore_mem>>
      %dma_wait3A_812 = arith.constant 0 : i32
      %dma_wait3A_813 = arith.constant 0 : i32
      %dma_wait3A_814 = arith.constant 0 : i32
      %dma_wait3A_815 = tpu.memref_slice %arg5[%dma_wait3A_798, %dma_wait3A_812, %dma_wait3A_813, %dma_wait3A_814] : memref<2x4x2x128xi32, #tpu.memory_space<vmem>> -> memref<1x4x2x128xi32, #tpu.memory_space<vmem>>
      %dma_wait3A_816 = tpu.memref_squeeze %dma_wait3A_815 : memref<1x4x2x128xi32, #tpu.memory_space<vmem>> -> memref<4x2x128xi32, #tpu.memory_space<vmem>>
      %dma_wait3A_817 = arith.constant 0 : i32
      %dma_wait3A_818 = arith.constant 0 : i32
      %dma_wait3A_819 = arith.constant 0 : i32
      %dma_wait3A_820 = tpu.memref_slice %arg3[%add3A, %dma_wait3A_817, %dma_wait3A_818, %dma_wait3A_819] : memref<32x80x2x128xi32, #tpu.memory_space<hbm>> -> memref<1x4x2x128xi32, #tpu.memory_space<hbm>>
      %dma_wait3A_821 = tpu.memref_squeeze %dma_wait3A_820 : memref<1x4x2x128xi32, #tpu.memory_space<hbm>> -> memref<4x2x128xi32, #tpu.memory_space<hbm>>
      tpu.wait_dma2 semaphore(%dma_wait3A_811 : memref<!tpu.dma_semaphore, #tpu.memory_space<semaphore_mem>>) src(%dma_wait3A_821 : memref<4x2x128xi32, #tpu.memory_space<hbm>>) dst(%dma_wait3A_816 : memref<4x2x128xi32, #tpu.memory_space<vmem>>)
      %dma_start3A_822 = arith.constant 0 : i32
      %dma_start3A_823 = arith.constant 0 : i32
      %dma_start3A_824 = arith.constant 0 : i32
      %dma_start3A_825 = arith.constant 0 : i32
      %dma_start3A_826 = arith.constant 0 : i32
      %dma_start3A_827 = arith.constant 0 : i32
      %dma_start3A_828 = arith.constant 0 : i32
      %dma_start3A_829 = tpu.memref_slice %arg6[%dma_start3A_825, %dma_start3A_827, %dma_start3A_828] : memref<2x128x128xf32, #tpu.memory_space<vmem>> -> memref<1x128x128xf32, #tpu.memory_space<vmem>>
      %dma_start3A_830 = tpu.memref_squeeze %dma_start3A_829 : memref<1x128x128xf32, #tpu.memory_space<vmem>> -> memref<128x128xf32, #tpu.memory_space<vmem>>
      %dma_start3A_831 = arith.constant 0 : i32
      %dma_start3A_832 = tpu.memref_slice %arg5[%dma_start3A_822, %dma_start3A_823, %dma_start3A_824, %dma_start3A_831] : memref<2x4x2x128xi32, #tpu.memory_space<vmem>> -> memref<1x1x1x128xi32, #tpu.memory_space<vmem>>
      %dma_start3A_833 = tpu.memref_squeeze %dma_start3A_832 : memref<1x1x1x128xi32, #tpu.memory_space<vmem>> -> memref<128xi32, #tpu.memory_space<vmem>>
      %dma_start3A_834 = arith.constant 0 : i32
      %dma_start3A_835 = arith.constant 0 : i32
      %dma_start3A_836 = tpu.memref_slice %arg2[%dma_start3A_834, %dma_start3A_835] : memref<10000x128xf32, #tpu.memory_space<hbm>> -> memref<10000x128xf32, #tpu.memory_space<hbm>>
      %dma_start3A_837 = tpu.memref_slice %arg8[%dma_start3A_826] : memref<2x!tpu.dma_semaphore, #tpu.memory_space<semaphore_mem>> -> memref<1x!tpu.dma_semaphore, #tpu.memory_space<semaphore_mem>>
      %dma_start3A_838 = tpu.memref_squeeze %dma_start3A_837 : memref<1x!tpu.dma_semaphore, #tpu.memory_space<semaphore_mem>> -> memref<!tpu.dma_semaphore, #tpu.memory_space<semaphore_mem>>
      tpu.enqueue_indirect_dma source(%dma_start3A_836 : memref<10000x128xf32, #tpu.memory_space<hbm>>) target(%dma_start3A_830 : memref<128x128xf32, #tpu.memory_space<vmem>>) offsets(%dma_start3A_833 : memref<128xi32, #tpu.memory_space<vmem>>) semaphore(%dma_start3A_838 : memref<!tpu.dma_semaphore, #tpu.memory_space<semaphore_mem>>)
      %dma_wait3A_839 = arith.constant 1 : i32
      %dma_wait3A_840 = arith.constant 3 : i32
      %dma_wait3A_841 = arith.constant 0 : i32
      %dma_wait3A_842 = arith.constant 1 : i32
      %dma_wait3A_843 = arith.constant 1 : i32
      %dma_wait3A_844 = arith.constant 0 : i32
      %dma_wait3A_845 = arith.constant 0 : i32
      %dma_wait3A_846 = tpu.memref_slice %arg6[%dma_wait3A_842, %dma_wait3A_844, %dma_wait3A_845] : memref<2x128x128xf32, #tpu.memory_space<vmem>> -> memref<1x128x128xf32, #tpu.memory_space<vmem>>
      %dma_wait3A_847 = tpu.memref_squeeze %dma_wait3A_846 : memref<1x128x128xf32, #tpu.memory_space<vmem>> -> memref<128x128xf32, #tpu.memory_space<vmem>>
      %dma_wait3A_848 = arith.constant 0 : i32
      %dma_wait3A_849 = tpu.memref_slice %arg5[%dma_wait3A_839, %dma_wait3A_840, %dma_wait3A_841, %dma_wait3A_848] : memref<2x4x2x128xi32, #tpu.memory_space<vmem>> -> memref<1x1x1x128xi32, #tpu.memory_space<vmem>>
      %dma_wait3A_850 = tpu.memref_squeeze %dma_wait3A_849 : memref<1x1x1x128xi32, #tpu.memory_space<vmem>> -> memref<128xi32, #tpu.memory_space<vmem>>
      %dma_wait3A_851 = arith.constant 0 : i32
      %dma_wait3A_852 = arith.constant 0 : i32
      %dma_wait3A_853 = tpu.memref_slice %arg2[%dma_wait3A_851, %dma_wait3A_852] : memref<10000x128xf32, #tpu.memory_space<hbm>> -> memref<10000x128xf32, #tpu.memory_space<hbm>>
      %dma_wait3A_854 = tpu.memref_slice %arg8[%dma_wait3A_843] : memref<2x!tpu.dma_semaphore, #tpu.memory_space<semaphore_mem>> -> memref<1x!tpu.dma_semaphore, #tpu.memory_space<semaphore_mem>>
      %dma_wait3A_855 = tpu.memref_squeeze %dma_wait3A_854 : memref<1x!tpu.dma_semaphore, #tpu.memory_space<semaphore_mem>> -> memref<!tpu.dma_semaphore, #tpu.memory_space<semaphore_mem>>
      tpu.wait_indirect_dma semaphore(%dma_wait3A_855 : memref<!tpu.dma_semaphore, #tpu.memory_space<semaphore_mem>>) src(%dma_wait3A_853 : memref<10000x128xf32, #tpu.memory_space<hbm>>) dst(%dma_wait3A_847 : memref<128x128xf32, #tpu.memory_space<vmem>>)
      %dma_start3A_856 = arith.constant 1 : i32
      %dma_start3A_857 = arith.constant 1 : i32
      %dma_start3A_858 = arith.constant 3 : i32
      %dma_start3A_859 = arith.constant 1 : i32
      %dma_start3A_860 = arith.constant 1 : i32
      %dma_start3A_861 = arith.constant 0 : i32
      %dma_start3A_862 = arith.constant 0 : i32
      %dma_start3A_863 = tpu.memref_slice %arg6[%dma_start3A_856, %dma_start3A_861, %dma_start3A_862] : memref<2x128x128xf32, #tpu.memory_space<vmem>> -> memref<1x128x128xf32, #tpu.memory_space<vmem>>
      %dma_start3A_864 = tpu.memref_squeeze %dma_start3A_863 : memref<1x128x128xf32, #tpu.memory_space<vmem>> -> memref<128x128xf32, #tpu.memory_space<vmem>>
      %dma_start3A_865 = arith.constant 0 : i32
      %dma_start3A_866 = tpu.memref_slice %arg5[%dma_start3A_857, %dma_start3A_858, %dma_start3A_859, %dma_start3A_865] : memref<2x4x2x128xi32, #tpu.memory_space<vmem>> -> memref<1x1x1x128xi32, #tpu.memory_space<vmem>>
      %dma_start3A_867 = tpu.memref_squeeze %dma_start3A_866 : memref<1x1x1x128xi32, #tpu.memory_space<vmem>> -> memref<128xi32, #tpu.memory_space<vmem>>
      %dma_start3A_868 = arith.constant 0 : i32
      %dma_start3A_869 = arith.constant 0 : i32
      %dma_start3A_870 = tpu.memref_slice %arg7[%dma_start3A_868, %dma_start3A_869] : memref<10016x128xf32, #tpu.memory_space<vmem_shared>> -> memref<10016x128xf32, #tpu.memory_space<vmem_shared>>
      %dma_start3A_871 = tpu.memref_slice %arg10[%dma_start3A_860] : memref<2x!tpu.dma_semaphore, #tpu.memory_space<semaphore_mem>> -> memref<1x!tpu.dma_semaphore, #tpu.memory_space<semaphore_mem>>
      %dma_start3A_872 = tpu.memref_squeeze %dma_start3A_871 : memref<1x!tpu.dma_semaphore, #tpu.memory_space<semaphore_mem>> -> memref<!tpu.dma_semaphore, #tpu.memory_space<semaphore_mem>>
      tpu.enqueue_indirect_dma source(%dma_start3A_864 : memref<128x128xf32, #tpu.memory_space<vmem>>) target(%dma_start3A_870 : memref<10016x128xf32, #tpu.memory_space<vmem_shared>>) offsets(%dma_start3A_867 : memref<128xi32, #tpu.memory_space<vmem>>) semaphore(%dma_start3A_872 : memref<!tpu.dma_semaphore, #tpu.memory_space<semaphore_mem>>) {add = true}
      %mul3A_873 = arith.constant 2 : i32
      %mul3A_874 = arith.muli %mul3A_873, %scan3A_545 : i32
      %add3A_875 = arith.constant 2 : i32
      %add3A_876 = arith.addi %mul3A_874, %add3A_875 : i32
      %add3A_877 = arith.constant 1 : i32
      %add3A_878 = arith.addi %add3A_876, %add3A_877 : i32
      %dma_wait3A_879 = arith.constant 1 : i32
      %dma_wait3A_880 = arith.constant 0 : i32
      %dma_wait3A_881 = arith.constant 0 : i32
      %dma_wait3A_882 = arith.constant 1 : i32
      %dma_wait3A_883 = arith.constant 1 : i32
      %dma_wait3A_884 = arith.constant 0 : i32
      %dma_wait3A_885 = arith.constant 0 : i32
      %dma_wait3A_886 = tpu.memref_slice %arg6[%dma_wait3A_879, %dma_wait3A_884, %dma_wait3A_885] : memref<2x128x128xf32, #tpu.memory_space<vmem>> -> memref<1x128x128xf32, #tpu.memory_space<vmem>>
      %dma_wait3A_887 = tpu.memref_squeeze %dma_wait3A_886 : memref<1x128x128xf32, #tpu.memory_space<vmem>> -> memref<128x128xf32, #tpu.memory_space<vmem>>
      %dma_wait3A_888 = arith.constant 0 : i32
      %dma_wait3A_889 = tpu.memref_slice %arg5[%dma_wait3A_880, %dma_wait3A_881, %dma_wait3A_882, %dma_wait3A_888] : memref<2x4x2x128xi32, #tpu.memory_space<vmem>> -> memref<1x1x1x128xi32, #tpu.memory_space<vmem>>
      %dma_wait3A_890 = tpu.memref_squeeze %dma_wait3A_889 : memref<1x1x1x128xi32, #tpu.memory_space<vmem>> -> memref<128xi32, #tpu.memory_space<vmem>>
      %dma_wait3A_891 = arith.constant 0 : i32
      %dma_wait3A_892 = arith.constant 0 : i32
      %dma_wait3A_893 = tpu.memref_slice %arg7[%dma_wait3A_891, %dma_wait3A_892] : memref<10016x128xf32, #tpu.memory_space<vmem_shared>> -> memref<10016x128xf32, #tpu.memory_space<vmem_shared>>
      %dma_wait3A_894 = tpu.memref_slice %arg10[%dma_wait3A_883] : memref<2x!tpu.dma_semaphore, #tpu.memory_space<semaphore_mem>> -> memref<1x!tpu.dma_semaphore, #tpu.memory_space<semaphore_mem>>
      %dma_wait3A_895 = tpu.memref_squeeze %dma_wait3A_894 : memref<1x!tpu.dma_semaphore, #tpu.memory_space<semaphore_mem>> -> memref<!tpu.dma_semaphore, #tpu.memory_space<semaphore_mem>>
      tpu.wait_indirect_dma semaphore(%dma_wait3A_895 : memref<!tpu.dma_semaphore, #tpu.memory_space<semaphore_mem>>) src(%dma_wait3A_887 : memref<128x128xf32, #tpu.memory_space<vmem>>) dst(%dma_wait3A_893 : memref<10016x128xf32, #tpu.memory_space<vmem_shared>>)
      %mul3A_896 = arith.constant 4 : i32
      %mul3A_897 = arith.muli %mul3A_896, %add3A_878 : i32
      %dma_start3A_898 = arith.constant 1 : i32
      %dma_start3A_899 = arith.constant 1 : i32
      %dma_start3A_900 = arith.constant 0 : i32
      %dma_start3A_901 = arith.constant 0 : i32
      %dma_start3A_902 = arith.constant 0 : i32
      %dma_start3A_903 = tpu.memref_slice %arg5[%dma_start3A_898, %dma_start3A_900, %dma_start3A_901, %dma_start3A_902] : memref<2x4x2x128xi32, #tpu.memory_space<vmem>> -> memref<1x4x2x128xi32, #tpu.memory_space<vmem>>
      %dma_start3A_904 = tpu.memref_squeeze %dma_start3A_903 : memref<1x4x2x128xi32, #tpu.memory_space<vmem>> -> memref<4x2x128xi32, #tpu.memory_space<vmem>>
      %dma_start3A_905 = arith.constant 0 : i32
      %dma_start3A_906 = arith.constant 0 : i32
      %dma_start3A_907 = tpu.memref_slice %arg3[%add3A, %mul3A_897, %dma_start3A_905, %dma_start3A_906] : memref<32x80x2x128xi32, #tpu.memory_space<hbm>> -> memref<1x4x2x128xi32, #tpu.memory_space<hbm>>
      %dma_start3A_908 = tpu.memref_squeeze %dma_start3A_907 : memref<1x4x2x128xi32, #tpu.memory_space<hbm>> -> memref<4x2x128xi32, #tpu.memory_space<hbm>>
      %dma_start3A_909 = tpu.memref_slice %arg9[%dma_start3A_899] : memref<2x!tpu.dma_semaphore, #tpu.memory_space<semaphore_mem>> -> memref<1x!tpu.dma_semaphore, #tpu.memory_space<semaphore_mem>>
      %dma_start3A_910 = tpu.memref_squeeze %dma_start3A_909 : memref<1x!tpu.dma_semaphore, #tpu.memory_space<semaphore_mem>> -> memref<!tpu.dma_semaphore, #tpu.memory_space<semaphore_mem>>
      %dma_start3A_911 = arith.constant 0 : i32
      %dma_start3A_912 = arith.constant 0 : i32
      %dma_start3A_913 = arith.constant 0 : i32
      %dma_start3A_914 = tpu.memref_slice %arg5[%dma_start3A_898, %dma_start3A_911, %dma_start3A_912, %dma_start3A_913] : memref<2x4x2x128xi32, #tpu.memory_space<vmem>> -> memref<1x4x2x128xi32, #tpu.memory_space<vmem>>
      %dma_start3A_915 = tpu.memref_squeeze %dma_start3A_914 : memref<1x4x2x128xi32, #tpu.memory_space<vmem>> -> memref<4x2x128xi32, #tpu.memory_space<vmem>>
      %dma_start3A_916 = arith.constant 0 : i32
      %dma_start3A_917 = arith.constant 0 : i32
      %dma_start3A_918 = tpu.memref_slice %arg3[%add3A, %mul3A_897, %dma_start3A_916, %dma_start3A_917] : memref<32x80x2x128xi32, #tpu.memory_space<hbm>> -> memref<1x4x2x128xi32, #tpu.memory_space<hbm>>
      %dma_start3A_919 = tpu.memref_squeeze %dma_start3A_918 : memref<1x4x2x128xi32, #tpu.memory_space<hbm>> -> memref<4x2x128xi32, #tpu.memory_space<hbm>>
      tpu.enqueue_dma source(%dma_start3A_919 : memref<4x2x128xi32, #tpu.memory_space<hbm>>) target(%dma_start3A_915 : memref<4x2x128xi32, #tpu.memory_space<vmem>>) target_semaphore(%dma_start3A_910 : memref<!tpu.dma_semaphore, #tpu.memory_space<semaphore_mem>>)
      %dma_start3A_920 = arith.constant 0 : i32
      %dma_start3A_921 = arith.constant 1 : i32
      %dma_start3A_922 = arith.constant 0 : i32
      %dma_start3A_923 = arith.constant 1 : i32
      %dma_start3A_924 = arith.constant 1 : i32
      %dma_start3A_925 = arith.constant 0 : i32
      %dma_start3A_926 = arith.constant 0 : i32
      %dma_start3A_927 = tpu.memref_slice %arg6[%dma_start3A_923, %dma_start3A_925, %dma_start3A_926] : memref<2x128x128xf32, #tpu.memory_space<vmem>> -> memref<1x128x128xf32, #tpu.memory_space<vmem>>
      %dma_start3A_928 = tpu.memref_squeeze %dma_start3A_927 : memref<1x128x128xf32, #tpu.memory_space<vmem>> -> memref<128x128xf32, #tpu.memory_space<vmem>>
      %dma_start3A_929 = arith.constant 0 : i32
      %dma_start3A_930 = tpu.memref_slice %arg5[%dma_start3A_920, %dma_start3A_921, %dma_start3A_922, %dma_start3A_929] : memref<2x4x2x128xi32, #tpu.memory_space<vmem>> -> memref<1x1x1x128xi32, #tpu.memory_space<vmem>>
      %dma_start3A_931 = tpu.memref_squeeze %dma_start3A_930 : memref<1x1x1x128xi32, #tpu.memory_space<vmem>> -> memref<128xi32, #tpu.memory_space<vmem>>
      %dma_start3A_932 = arith.constant 0 : i32
      %dma_start3A_933 = arith.constant 0 : i32
      %dma_start3A_934 = tpu.memref_slice %arg2[%dma_start3A_932, %dma_start3A_933] : memref<10000x128xf32, #tpu.memory_space<hbm>> -> memref<10000x128xf32, #tpu.memory_space<hbm>>
      %dma_start3A_935 = tpu.memref_slice %arg8[%dma_start3A_924] : memref<2x!tpu.dma_semaphore, #tpu.memory_space<semaphore_mem>> -> memref<1x!tpu.dma_semaphore, #tpu.memory_space<semaphore_mem>>
      %dma_start3A_936 = tpu.memref_squeeze %dma_start3A_935 : memref<1x!tpu.dma_semaphore, #tpu.memory_space<semaphore_mem>> -> memref<!tpu.dma_semaphore, #tpu.memory_space<semaphore_mem>>
      tpu.enqueue_indirect_dma source(%dma_start3A_934 : memref<10000x128xf32, #tpu.memory_space<hbm>>) target(%dma_start3A_928 : memref<128x128xf32, #tpu.memory_space<vmem>>) offsets(%dma_start3A_931 : memref<128xi32, #tpu.memory_space<vmem>>) semaphore(%dma_start3A_936 : memref<!tpu.dma_semaphore, #tpu.memory_space<semaphore_mem>>)
      %dma_wait3A_937 = arith.constant 0 : i32
      %dma_wait3A_938 = arith.constant 0 : i32
      %dma_wait3A_939 = arith.constant 0 : i32
      %dma_wait3A_940 = arith.constant 0 : i32
      %dma_wait3A_941 = arith.constant 0 : i32
      %dma_wait3A_942 = arith.constant 0 : i32
      %dma_wait3A_943 = arith.constant 0 : i32
      %dma_wait3A_944 = tpu.memref_slice %arg6[%dma_wait3A_940, %dma_wait3A_942, %dma_wait3A_943] : memref<2x128x128xf32, #tpu.memory_space<vmem>> -> memref<1x128x128xf32, #tpu.memory_space<vmem>>
      %dma_wait3A_945 = tpu.memref_squeeze %dma_wait3A_944 : memref<1x128x128xf32, #tpu.memory_space<vmem>> -> memref<128x128xf32, #tpu.memory_space<vmem>>
      %dma_wait3A_946 = arith.constant 0 : i32
      %dma_wait3A_947 = tpu.memref_slice %arg5[%dma_wait3A_937, %dma_wait3A_938, %dma_wait3A_939, %dma_wait3A_946] : memref<2x4x2x128xi32, #tpu.memory_space<vmem>> -> memref<1x1x1x128xi32, #tpu.memory_space<vmem>>
      %dma_wait3A_948 = tpu.memref_squeeze %dma_wait3A_947 : memref<1x1x1x128xi32, #tpu.memory_space<vmem>> -> memref<128xi32, #tpu.memory_space<vmem>>
      %dma_wait3A_949 = arith.constant 0 : i32
      %dma_wait3A_950 = arith.constant 0 : i32
      %dma_wait3A_951 = tpu.memref_slice %arg2[%dma_wait3A_949, %dma_wait3A_950] : memref<10000x128xf32, #tpu.memory_space<hbm>> -> memref<10000x128xf32, #tpu.memory_space<hbm>>
      %dma_wait3A_952 = tpu.memref_slice %arg8[%dma_wait3A_941] : memref<2x!tpu.dma_semaphore, #tpu.memory_space<semaphore_mem>> -> memref<1x!tpu.dma_semaphore, #tpu.memory_space<semaphore_mem>>
      %dma_wait3A_953 = tpu.memref_squeeze %dma_wait3A_952 : memref<1x!tpu.dma_semaphore, #tpu.memory_space<semaphore_mem>> -> memref<!tpu.dma_semaphore, #tpu.memory_space<semaphore_mem>>
      tpu.wait_indirect_dma semaphore(%dma_wait3A_953 : memref<!tpu.dma_semaphore, #tpu.memory_space<semaphore_mem>>) src(%dma_wait3A_951 : memref<10000x128xf32, #tpu.memory_space<hbm>>) dst(%dma_wait3A_945 : memref<128x128xf32, #tpu.memory_space<vmem>>)
      %dma_start3A_954 = arith.constant 0 : i32
      %dma_start3A_955 = arith.constant 0 : i32
      %dma_start3A_956 = arith.constant 0 : i32
      %dma_start3A_957 = arith.constant 1 : i32
      %dma_start3A_958 = arith.constant 0 : i32
      %dma_start3A_959 = arith.constant 0 : i32
      %dma_start3A_960 = arith.constant 0 : i32
      %dma_start3A_961 = tpu.memref_slice %arg6[%dma_start3A_954, %dma_start3A_959, %dma_start3A_960] : memref<2x128x128xf32, #tpu.memory_space<vmem>> -> memref<1x128x128xf32, #tpu.memory_space<vmem>>
      %dma_start3A_962 = tpu.memref_squeeze %dma_start3A_961 : memref<1x128x128xf32, #tpu.memory_space<vmem>> -> memref<128x128xf32, #tpu.memory_space<vmem>>
      %dma_start3A_963 = arith.constant 0 : i32
      %dma_start3A_964 = tpu.memref_slice %arg5[%dma_start3A_955, %dma_start3A_956, %dma_start3A_957, %dma_start3A_963] : memref<2x4x2x128xi32, #tpu.memory_space<vmem>> -> memref<1x1x1x128xi32, #tpu.memory_space<vmem>>
      %dma_start3A_965 = tpu.memref_squeeze %dma_start3A_964 : memref<1x1x1x128xi32, #tpu.memory_space<vmem>> -> memref<128xi32, #tpu.memory_space<vmem>>
      %dma_start3A_966 = arith.constant 0 : i32
      %dma_start3A_967 = arith.constant 0 : i32
      %dma_start3A_968 = tpu.memref_slice %arg7[%dma_start3A_966, %dma_start3A_967] : memref<10016x128xf32, #tpu.memory_space<vmem_shared>> -> memref<10016x128xf32, #tpu.memory_space<vmem_shared>>
      %dma_start3A_969 = tpu.memref_slice %arg10[%dma_start3A_958] : memref<2x!tpu.dma_semaphore, #tpu.memory_space<semaphore_mem>> -> memref<1x!tpu.dma_semaphore, #tpu.memory_space<semaphore_mem>>
      %dma_start3A_970 = tpu.memref_squeeze %dma_start3A_969 : memref<1x!tpu.dma_semaphore, #tpu.memory_space<semaphore_mem>> -> memref<!tpu.dma_semaphore, #tpu.memory_space<semaphore_mem>>
      tpu.enqueue_indirect_dma source(%dma_start3A_962 : memref<128x128xf32, #tpu.memory_space<vmem>>) target(%dma_start3A_968 : memref<10016x128xf32, #tpu.memory_space<vmem_shared>>) offsets(%dma_start3A_965 : memref<128xi32, #tpu.memory_space<vmem>>) semaphore(%dma_start3A_970 : memref<!tpu.dma_semaphore, #tpu.memory_space<semaphore_mem>>) {add = true}
      %dma_wait3A_971 = arith.constant 0 : i32
      %dma_wait3A_972 = arith.constant 0 : i32
      %dma_wait3A_973 = arith.constant 1 : i32
      %dma_wait3A_974 = arith.constant 1 : i32
      %dma_wait3A_975 = arith.constant 0 : i32
      %dma_wait3A_976 = arith.constant 0 : i32
      %dma_wait3A_977 = arith.constant 0 : i32
      %dma_wait3A_978 = tpu.memref_slice %arg6[%dma_wait3A_971, %dma_wait3A_976, %dma_wait3A_977] : memref<2x128x128xf32, #tpu.memory_space<vmem>> -> memref<1x128x128xf32, #tpu.memory_space<vmem>>
      %dma_wait3A_979 = tpu.memref_squeeze %dma_wait3A_978 : memref<1x128x128xf32, #tpu.memory_space<vmem>> -> memref<128x128xf32, #tpu.memory_space<vmem>>
      %dma_wait3A_980 = arith.constant 0 : i32
      %dma_wait3A_981 = tpu.memref_slice %arg5[%dma_wait3A_972, %dma_wait3A_973, %dma_wait3A_974, %dma_wait3A_980] : memref<2x4x2x128xi32, #tpu.memory_space<vmem>> -> memref<1x1x1x128xi32, #tpu.memory_space<vmem>>
      %dma_wait3A_982 = tpu.memref_squeeze %dma_wait3A_981 : memref<1x1x1x128xi32, #tpu.memory_space<vmem>> -> memref<128xi32, #tpu.memory_space<vmem>>
      %dma_wait3A_983 = arith.constant 0 : i32
      %dma_wait3A_984 = arith.constant 0 : i32
      %dma_wait3A_985 = tpu.memref_slice %arg7[%dma_wait3A_983, %dma_wait3A_984] : memref<10016x128xf32, #tpu.memory_space<vmem_shared>> -> memref<10016x128xf32, #tpu.memory_space<vmem_shared>>
      %dma_wait3A_986 = tpu.memref_slice %arg10[%dma_wait3A_975] : memref<2x!tpu.dma_semaphore, #tpu.memory_space<semaphore_mem>> -> memref<1x!tpu.dma_semaphore, #tpu.memory_space<semaphore_mem>>
      %dma_wait3A_987 = tpu.memref_squeeze %dma_wait3A_986 : memref<1x!tpu.dma_semaphore, #tpu.memory_space<semaphore_mem>> -> memref<!tpu.dma_semaphore, #tpu.memory_space<semaphore_mem>>
      tpu.wait_indirect_dma semaphore(%dma_wait3A_987 : memref<!tpu.dma_semaphore, #tpu.memory_space<semaphore_mem>>) src(%dma_wait3A_979 : memref<128x128xf32, #tpu.memory_space<vmem>>) dst(%dma_wait3A_985 : memref<10016x128xf32, #tpu.memory_space<vmem_shared>>)
      %dma_start3A_988 = arith.constant 0 : i32
      %dma_start3A_989 = arith.constant 2 : i32
      %dma_start3A_990 = arith.constant 0 : i32
      %dma_start3A_991 = arith.constant 0 : i32
      %dma_start3A_992 = arith.constant 0 : i32
      %dma_start3A_993 = arith.constant 0 : i32
      %dma_start3A_994 = arith.constant 0 : i32
      %dma_start3A_995 = tpu.memref_slice %arg6[%dma_start3A_991, %dma_start3A_993, %dma_start3A_994] : memref<2x128x128xf32, #tpu.memory_space<vmem>> -> memref<1x128x128xf32, #tpu.memory_space<vmem>>
      %dma_start3A_996 = tpu.memref_squeeze %dma_start3A_995 : memref<1x128x128xf32, #tpu.memory_space<vmem>> -> memref<128x128xf32, #tpu.memory_space<vmem>>
      %dma_start3A_997 = arith.constant 0 : i32
      %dma_start3A_998 = tpu.memref_slice %arg5[%dma_start3A_988, %dma_start3A_989, %dma_start3A_990, %dma_start3A_997] : memref<2x4x2x128xi32, #tpu.memory_space<vmem>> -> memref<1x1x1x128xi32, #tpu.memory_space<vmem>>
      %dma_start3A_999 = tpu.memref_squeeze %dma_start3A_998 : memref<1x1x1x128xi32, #tpu.memory_space<vmem>> -> memref<128xi32, #tpu.memory_space<vmem>>
      %dma_start3A_1000 = arith.constant 0 : i32
      %dma_start3A_1001 = arith.constant 0 : i32
      %dma_start3A_1002 = tpu.memref_slice %arg2[%dma_start3A_1000, %dma_start3A_1001] : memref<10000x128xf32, #tpu.memory_space<hbm>> -> memref<10000x128xf32, #tpu.memory_space<hbm>>
      %dma_start3A_1003 = tpu.memref_slice %arg8[%dma_start3A_992] : memref<2x!tpu.dma_semaphore, #tpu.memory_space<semaphore_mem>> -> memref<1x!tpu.dma_semaphore, #tpu.memory_space<semaphore_mem>>
      %dma_start3A_1004 = tpu.memref_squeeze %dma_start3A_1003 : memref<1x!tpu.dma_semaphore, #tpu.memory_space<semaphore_mem>> -> memref<!tpu.dma_semaphore, #tpu.memory_space<semaphore_mem>>
      tpu.enqueue_indirect_dma source(%dma_start3A_1002 : memref<10000x128xf32, #tpu.memory_space<hbm>>) target(%dma_start3A_996 : memref<128x128xf32, #tpu.memory_space<vmem>>) offsets(%dma_start3A_999 : memref<128xi32, #tpu.memory_space<vmem>>) semaphore(%dma_start3A_1004 : memref<!tpu.dma_semaphore, #tpu.memory_space<semaphore_mem>>)
      %dma_wait3A_1005 = arith.constant 0 : i32
      %dma_wait3A_1006 = arith.constant 1 : i32
      %dma_wait3A_1007 = arith.constant 0 : i32
      %dma_wait3A_1008 = arith.constant 1 : i32
      %dma_wait3A_1009 = arith.constant 1 : i32
      %dma_wait3A_1010 = arith.constant 0 : i32
      %dma_wait3A_1011 = arith.constant 0 : i32
      %dma_wait3A_1012 = tpu.memref_slice %arg6[%dma_wait3A_1008, %dma_wait3A_1010, %dma_wait3A_1011] : memref<2x128x128xf32, #tpu.memory_space<vmem>> -> memref<1x128x128xf32, #tpu.memory_space<vmem>>
      %dma_wait3A_1013 = tpu.memref_squeeze %dma_wait3A_1012 : memref<1x128x128xf32, #tpu.memory_space<vmem>> -> memref<128x128xf32, #tpu.memory_space<vmem>>
      %dma_wait3A_1014 = arith.constant 0 : i32
      %dma_wait3A_1015 = tpu.memref_slice %arg5[%dma_wait3A_1005, %dma_wait3A_1006, %dma_wait3A_1007, %dma_wait3A_1014] : memref<2x4x2x128xi32, #tpu.memory_space<vmem>> -> memref<1x1x1x128xi32, #tpu.memory_space<vmem>>
      %dma_wait3A_1016 = tpu.memref_squeeze %dma_wait3A_1015 : memref<1x1x1x128xi32, #tpu.memory_space<vmem>> -> memref<128xi32, #tpu.memory_space<vmem>>
      %dma_wait3A_1017 = arith.constant 0 : i32
      %dma_wait3A_1018 = arith.constant 0 : i32
      %dma_wait3A_1019 = tpu.memref_slice %arg2[%dma_wait3A_1017, %dma_wait3A_1018] : memref<10000x128xf32, #tpu.memory_space<hbm>> -> memref<10000x128xf32, #tpu.memory_space<hbm>>
      %dma_wait3A_1020 = tpu.memref_slice %arg8[%dma_wait3A_1009] : memref<2x!tpu.dma_semaphore, #tpu.memory_space<semaphore_mem>> -> memref<1x!tpu.dma_semaphore, #tpu.memory_space<semaphore_mem>>
      %dma_wait3A_1021 = tpu.memref_squeeze %dma_wait3A_1020 : memref<1x!tpu.dma_semaphore, #tpu.memory_space<semaphore_mem>> -> memref<!tpu.dma_semaphore, #tpu.memory_space<semaphore_mem>>
      tpu.wait_indirect_dma semaphore(%dma_wait3A_1021 : memref<!tpu.dma_semaphore, #tpu.memory_space<semaphore_mem>>) src(%dma_wait3A_1019 : memref<10000x128xf32, #tpu.memory_space<hbm>>) dst(%dma_wait3A_1013 : memref<128x128xf32, #tpu.memory_space<vmem>>)
      %dma_start3A_1022 = arith.constant 1 : i32
      %dma_start3A_1023 = arith.constant 0 : i32
      %dma_start3A_1024 = arith.constant 1 : i32
      %dma_start3A_1025 = arith.constant 1 : i32
      %dma_start3A_1026 = arith.constant 1 : i32
      %dma_start3A_1027 = arith.constant 0 : i32
      %dma_start3A_1028 = arith.constant 0 : i32
      %dma_start3A_1029 = tpu.memref_slice %arg6[%dma_start3A_1022, %dma_start3A_1027, %dma_start3A_1028] : memref<2x128x128xf32, #tpu.memory_space<vmem>> -> memref<1x128x128xf32, #tpu.memory_space<vmem>>
      %dma_start3A_1030 = tpu.memref_squeeze %dma_start3A_1029 : memref<1x128x128xf32, #tpu.memory_space<vmem>> -> memref<128x128xf32, #tpu.memory_space<vmem>>
      %dma_start3A_1031 = arith.constant 0 : i32
      %dma_start3A_1032 = tpu.memref_slice %arg5[%dma_start3A_1023, %dma_start3A_1024, %dma_start3A_1025, %dma_start3A_1031] : memref<2x4x2x128xi32, #tpu.memory_space<vmem>> -> memref<1x1x1x128xi32, #tpu.memory_space<vmem>>
      %dma_start3A_1033 = tpu.memref_squeeze %dma_start3A_1032 : memref<1x1x1x128xi32, #tpu.memory_space<vmem>> -> memref<128xi32, #tpu.memory_space<vmem>>
      %dma_start3A_1034 = arith.constant 0 : i32
      %dma_start3A_1035 = arith.constant 0 : i32
      %dma_start3A_1036 = tpu.memref_slice %arg7[%dma_start3A_1034, %dma_start3A_1035] : memref<10016x128xf32, #tpu.memory_space<vmem_shared>> -> memref<10016x128xf32, #tpu.memory_space<vmem_shared>>
      %dma_start3A_1037 = tpu.memref_slice %arg10[%dma_start3A_1026] : memref<2x!tpu.dma_semaphore, #tpu.memory_space<semaphore_mem>> -> memref<1x!tpu.dma_semaphore, #tpu.memory_space<semaphore_mem>>
      %dma_start3A_1038 = tpu.memref_squeeze %dma_start3A_1037 : memref<1x!tpu.dma_semaphore, #tpu.memory_space<semaphore_mem>> -> memref<!tpu.dma_semaphore, #tpu.memory_space<semaphore_mem>>
      tpu.enqueue_indirect_dma source(%dma_start3A_1030 : memref<128x128xf32, #tpu.memory_space<vmem>>) target(%dma_start3A_1036 : memref<10016x128xf32, #tpu.memory_space<vmem_shared>>) offsets(%dma_start3A_1033 : memref<128xi32, #tpu.memory_space<vmem>>) semaphore(%dma_start3A_1038 : memref<!tpu.dma_semaphore, #tpu.memory_space<semaphore_mem>>) {add = true}
      %dma_wait3A_1039 = arith.constant 1 : i32
      %dma_wait3A_1040 = arith.constant 0 : i32
      %dma_wait3A_1041 = arith.constant 2 : i32
      %dma_wait3A_1042 = arith.constant 1 : i32
      %dma_wait3A_1043 = arith.constant 1 : i32
      %dma_wait3A_1044 = arith.constant 0 : i32
      %dma_wait3A_1045 = arith.constant 0 : i32
      %dma_wait3A_1046 = tpu.memref_slice %arg6[%dma_wait3A_1039, %dma_wait3A_1044, %dma_wait3A_1045] : memref<2x128x128xf32, #tpu.memory_space<vmem>> -> memref<1x128x128xf32, #tpu.memory_space<vmem>>
      %dma_wait3A_1047 = tpu.memref_squeeze %dma_wait3A_1046 : memref<1x128x128xf32, #tpu.memory_space<vmem>> -> memref<128x128xf32, #tpu.memory_space<vmem>>
      %dma_wait3A_1048 = arith.constant 0 : i32
      %dma_wait3A_1049 = tpu.memref_slice %arg5[%dma_wait3A_1040, %dma_wait3A_1041, %dma_wait3A_1042, %dma_wait3A_1048] : memref<2x4x2x128xi32, #tpu.memory_space<vmem>> -> memref<1x1x1x128xi32, #tpu.memory_space<vmem>>
      %dma_wait3A_1050 = tpu.memref_squeeze %dma_wait3A_1049 : memref<1x1x1x128xi32, #tpu.memory_space<vmem>> -> memref<128xi32, #tpu.memory_space<vmem>>
      %dma_wait3A_1051 = arith.constant 0 : i32
      %dma_wait3A_1052 = arith.constant 0 : i32
      %dma_wait3A_1053 = tpu.memref_slice %arg7[%dma_wait3A_1051, %dma_wait3A_1052] : memref<10016x128xf32, #tpu.memory_space<vmem_shared>> -> memref<10016x128xf32, #tpu.memory_space<vmem_shared>>
      %dma_wait3A_1054 = tpu.memref_slice %arg10[%dma_wait3A_1043] : memref<2x!tpu.dma_semaphore, #tpu.memory_space<semaphore_mem>> -> memref<1x!tpu.dma_semaphore, #tpu.memory_space<semaphore_mem>>
      %dma_wait3A_1055 = tpu.memref_squeeze %dma_wait3A_1054 : memref<1x!tpu.dma_semaphore, #tpu.memory_space<semaphore_mem>> -> memref<!tpu.dma_semaphore, #tpu.memory_space<semaphore_mem>>
      tpu.wait_indirect_dma semaphore(%dma_wait3A_1055 : memref<!tpu.dma_semaphore, #tpu.memory_space<semaphore_mem>>) src(%dma_wait3A_1047 : memref<128x128xf32, #tpu.memory_space<vmem>>) dst(%dma_wait3A_1053 : memref<10016x128xf32, #tpu.memory_space<vmem_shared>>)
      %dma_start3A_1056 = arith.constant 0 : i32
      %dma_start3A_1057 = arith.constant 3 : i32
      %dma_start3A_1058 = arith.constant 0 : i32
      %dma_start3A_1059 = arith.constant 1 : i32
      %dma_start3A_1060 = arith.constant 1 : i32
      %dma_start3A_1061 = arith.constant 0 : i32
      %dma_start3A_1062 = arith.constant 0 : i32
      %dma_start3A_1063 = tpu.memref_slice %arg6[%dma_start3A_1059, %dma_start3A_1061, %dma_start3A_1062] : memref<2x128x128xf32, #tpu.memory_space<vmem>> -> memref<1x128x128xf32, #tpu.memory_space<vmem>>
      %dma_start3A_1064 = tpu.memref_squeeze %dma_start3A_1063 : memref<1x128x128xf32, #tpu.memory_space<vmem>> -> memref<128x128xf32, #tpu.memory_space<vmem>>
      %dma_start3A_1065 = arith.constant 0 : i32
      %dma_start3A_1066 = tpu.memref_slice %arg5[%dma_start3A_1056, %dma_start3A_1057, %dma_start3A_1058, %dma_start3A_1065] : memref<2x4x2x128xi32, #tpu.memory_space<vmem>> -> memref<1x1x1x128xi32, #tpu.memory_space<vmem>>
      %dma_start3A_1067 = tpu.memref_squeeze %dma_start3A_1066 : memref<1x1x1x128xi32, #tpu.memory_space<vmem>> -> memref<128xi32, #tpu.memory_space<vmem>>
      %dma_start3A_1068 = arith.constant 0 : i32
      %dma_start3A_1069 = arith.constant 0 : i32
      %dma_start3A_1070 = tpu.memref_slice %arg2[%dma_start3A_1068, %dma_start3A_1069] : memref<10000x128xf32, #tpu.memory_space<hbm>> -> memref<10000x128xf32, #tpu.memory_space<hbm>>
      %dma_start3A_1071 = tpu.memref_slice %arg8[%dma_start3A_1060] : memref<2x!tpu.dma_semaphore, #tpu.memory_space<semaphore_mem>> -> memref<1x!tpu.dma_semaphore, #tpu.memory_space<semaphore_mem>>
      %dma_start3A_1072 = tpu.memref_squeeze %dma_start3A_1071 : memref<1x!tpu.dma_semaphore, #tpu.memory_space<semaphore_mem>> -> memref<!tpu.dma_semaphore, #tpu.memory_space<semaphore_mem>>
      tpu.enqueue_indirect_dma source(%dma_start3A_1070 : memref<10000x128xf32, #tpu.memory_space<hbm>>) target(%dma_start3A_1064 : memref<128x128xf32, #tpu.memory_space<vmem>>) offsets(%dma_start3A_1067 : memref<128xi32, #tpu.memory_space<vmem>>) semaphore(%dma_start3A_1072 : memref<!tpu.dma_semaphore, #tpu.memory_space<semaphore_mem>>)
      %dma_wait3A_1073 = arith.constant 0 : i32
      %dma_wait3A_1074 = arith.constant 2 : i32
      %dma_wait3A_1075 = arith.constant 0 : i32
      %dma_wait3A_1076 = arith.constant 0 : i32
      %dma_wait3A_1077 = arith.constant 0 : i32
      %dma_wait3A_1078 = arith.constant 0 : i32
      %dma_wait3A_1079 = arith.constant 0 : i32
      %dma_wait3A_1080 = tpu.memref_slice %arg6[%dma_wait3A_1076, %dma_wait3A_1078, %dma_wait3A_1079] : memref<2x128x128xf32, #tpu.memory_space<vmem>> -> memref<1x128x128xf32, #tpu.memory_space<vmem>>
      %dma_wait3A_1081 = tpu.memref_squeeze %dma_wait3A_1080 : memref<1x128x128xf32, #tpu.memory_space<vmem>> -> memref<128x128xf32, #tpu.memory_space<vmem>>
      %dma_wait3A_1082 = arith.constant 0 : i32
      %dma_wait3A_1083 = tpu.memref_slice %arg5[%dma_wait3A_1073, %dma_wait3A_1074, %dma_wait3A_1075, %dma_wait3A_1082] : memref<2x4x2x128xi32, #tpu.memory_space<vmem>> -> memref<1x1x1x128xi32, #tpu.memory_space<vmem>>
      %dma_wait3A_1084 = tpu.memref_squeeze %dma_wait3A_1083 : memref<1x1x1x128xi32, #tpu.memory_space<vmem>> -> memref<128xi32, #tpu.memory_space<vmem>>
      %dma_wait3A_1085 = arith.constant 0 : i32
      %dma_wait3A_1086 = arith.constant 0 : i32
      %dma_wait3A_1087 = tpu.memref_slice %arg2[%dma_wait3A_1085, %dma_wait3A_1086] : memref<10000x128xf32, #tpu.memory_space<hbm>> -> memref<10000x128xf32, #tpu.memory_space<hbm>>
      %dma_wait3A_1088 = tpu.memref_slice %arg8[%dma_wait3A_1077] : memref<2x!tpu.dma_semaphore, #tpu.memory_space<semaphore_mem>> -> memref<1x!tpu.dma_semaphore, #tpu.memory_space<semaphore_mem>>
      %dma_wait3A_1089 = tpu.memref_squeeze %dma_wait3A_1088 : memref<1x!tpu.dma_semaphore, #tpu.memory_space<semaphore_mem>> -> memref<!tpu.dma_semaphore, #tpu.memory_space<semaphore_mem>>
      tpu.wait_indirect_dma semaphore(%dma_wait3A_1089 : memref<!tpu.dma_semaphore, #tpu.memory_space<semaphore_mem>>) src(%dma_wait3A_1087 : memref<10000x128xf32, #tpu.memory_space<hbm>>) dst(%dma_wait3A_1081 : memref<128x128xf32, #tpu.memory_space<vmem>>)
      %dma_start3A_1090 = arith.constant 0 : i32
      %dma_start3A_1091 = arith.constant 0 : i32
      %dma_start3A_1092 = arith.constant 2 : i32
      %dma_start3A_1093 = arith.constant 1 : i32
      %dma_start3A_1094 = arith.constant 0 : i32
      %dma_start3A_1095 = arith.constant 0 : i32
      %dma_start3A_1096 = arith.constant 0 : i32
      %dma_start3A_1097 = tpu.memref_slice %arg6[%dma_start3A_1090, %dma_start3A_1095, %dma_start3A_1096] : memref<2x128x128xf32, #tpu.memory_space<vmem>> -> memref<1x128x128xf32, #tpu.memory_space<vmem>>
      %dma_start3A_1098 = tpu.memref_squeeze %dma_start3A_1097 : memref<1x128x128xf32, #tpu.memory_space<vmem>> -> memref<128x128xf32, #tpu.memory_space<vmem>>
      %dma_start3A_1099 = arith.constant 0 : i32
      %dma_start3A_1100 = tpu.memref_slice %arg5[%dma_start3A_1091, %dma_start3A_1092, %dma_start3A_1093, %dma_start3A_1099] : memref<2x4x2x128xi32, #tpu.memory_space<vmem>> -> memref<1x1x1x128xi32, #tpu.memory_space<vmem>>
      %dma_start3A_1101 = tpu.memref_squeeze %dma_start3A_1100 : memref<1x1x1x128xi32, #tpu.memory_space<vmem>> -> memref<128xi32, #tpu.memory_space<vmem>>
      %dma_start3A_1102 = arith.constant 0 : i32
      %dma_start3A_1103 = arith.constant 0 : i32
      %dma_start3A_1104 = tpu.memref_slice %arg7[%dma_start3A_1102, %dma_start3A_1103] : memref<10016x128xf32, #tpu.memory_space<vmem_shared>> -> memref<10016x128xf32, #tpu.memory_space<vmem_shared>>
      %dma_start3A_1105 = tpu.memref_slice %arg10[%dma_start3A_1094] : memref<2x!tpu.dma_semaphore, #tpu.memory_space<semaphore_mem>> -> memref<1x!tpu.dma_semaphore, #tpu.memory_space<semaphore_mem>>
      %dma_start3A_1106 = tpu.memref_squeeze %dma_start3A_1105 : memref<1x!tpu.dma_semaphore, #tpu.memory_space<semaphore_mem>> -> memref<!tpu.dma_semaphore, #tpu.memory_space<semaphore_mem>>
      tpu.enqueue_indirect_dma source(%dma_start3A_1098 : memref<128x128xf32, #tpu.memory_space<vmem>>) target(%dma_start3A_1104 : memref<10016x128xf32, #tpu.memory_space<vmem_shared>>) offsets(%dma_start3A_1101 : memref<128xi32, #tpu.memory_space<vmem>>) semaphore(%dma_start3A_1106 : memref<!tpu.dma_semaphore, #tpu.memory_space<semaphore_mem>>) {add = true}
      %dma_wait3A_1107 = arith.constant 0 : i32
      %dma_wait3A_1108 = arith.constant 0 : i32
      %dma_wait3A_1109 = arith.constant 3 : i32
      %dma_wait3A_1110 = arith.constant 1 : i32
      %dma_wait3A_1111 = arith.constant 0 : i32
      %dma_wait3A_1112 = arith.constant 0 : i32
      %dma_wait3A_1113 = arith.constant 0 : i32
      %dma_wait3A_1114 = tpu.memref_slice %arg6[%dma_wait3A_1107, %dma_wait3A_1112, %dma_wait3A_1113] : memref<2x128x128xf32, #tpu.memory_space<vmem>> -> memref<1x128x128xf32, #tpu.memory_space<vmem>>
      %dma_wait3A_1115 = tpu.memref_squeeze %dma_wait3A_1114 : memref<1x128x128xf32, #tpu.memory_space<vmem>> -> memref<128x128xf32, #tpu.memory_space<vmem>>
      %dma_wait3A_1116 = arith.constant 0 : i32
      %dma_wait3A_1117 = tpu.memref_slice %arg5[%dma_wait3A_1108, %dma_wait3A_1109, %dma_wait3A_1110, %dma_wait3A_1116] : memref<2x4x2x128xi32, #tpu.memory_space<vmem>> -> memref<1x1x1x128xi32, #tpu.memory_space<vmem>>
      %dma_wait3A_1118 = tpu.memref_squeeze %dma_wait3A_1117 : memref<1x1x1x128xi32, #tpu.memory_space<vmem>> -> memref<128xi32, #tpu.memory_space<vmem>>
      %dma_wait3A_1119 = arith.constant 0 : i32
      %dma_wait3A_1120 = arith.constant 0 : i32
      %dma_wait3A_1121 = tpu.memref_slice %arg7[%dma_wait3A_1119, %dma_wait3A_1120] : memref<10016x128xf32, #tpu.memory_space<vmem_shared>> -> memref<10016x128xf32, #tpu.memory_space<vmem_shared>>
      %dma_wait3A_1122 = tpu.memref_slice %arg10[%dma_wait3A_1111] : memref<2x!tpu.dma_semaphore, #tpu.memory_space<semaphore_mem>> -> memref<1x!tpu.dma_semaphore, #tpu.memory_space<semaphore_mem>>
      %dma_wait3A_1123 = tpu.memref_squeeze %dma_wait3A_1122 : memref<1x!tpu.dma_semaphore, #tpu.memory_space<semaphore_mem>> -> memref<!tpu.dma_semaphore, #tpu.memory_space<semaphore_mem>>
      tpu.wait_indirect_dma semaphore(%dma_wait3A_1123 : memref<!tpu.dma_semaphore, #tpu.memory_space<semaphore_mem>>) src(%dma_wait3A_1115 : memref<128x128xf32, #tpu.memory_space<vmem>>) dst(%dma_wait3A_1121 : memref<10016x128xf32, #tpu.memory_space<vmem_shared>>)
      %dma_wait3A_1124 = arith.constant 1 : i32
      %dma_wait3A_1125 = arith.constant 1 : i32
      %dma_wait3A_1126 = arith.constant 0 : i32
      %dma_wait3A_1127 = arith.constant 0 : i32
      %dma_wait3A_1128 = arith.constant 0 : i32
      %dma_wait3A_1129 = tpu.memref_slice %arg5[%dma_wait3A_1124, %dma_wait3A_1126, %dma_wait3A_1127, %dma_wait3A_1128] : memref<2x4x2x128xi32, #tpu.memory_space<vmem>> -> memref<1x4x2x128xi32, #tpu.memory_space<vmem>>
      %dma_wait3A_1130 = tpu.memref_squeeze %dma_wait3A_1129 : memref<1x4x2x128xi32, #tpu.memory_space<vmem>> -> memref<4x2x128xi32, #tpu.memory_space<vmem>>
      %dma_wait3A_1131 = arith.constant 0 : i32
      %dma_wait3A_1132 = arith.constant 0 : i32
      %dma_wait3A_1133 = arith.constant 0 : i32
      %dma_wait3A_1134 = tpu.memref_slice %arg3[%add3A, %dma_wait3A_1131, %dma_wait3A_1132, %dma_wait3A_1133] : memref<32x80x2x128xi32, #tpu.memory_space<hbm>> -> memref<1x4x2x128xi32, #tpu.memory_space<hbm>>
      %dma_wait3A_1135 = tpu.memref_squeeze %dma_wait3A_1134 : memref<1x4x2x128xi32, #tpu.memory_space<hbm>> -> memref<4x2x128xi32, #tpu.memory_space<hbm>>
      %dma_wait3A_1136 = tpu.memref_slice %arg9[%dma_wait3A_1125] : memref<2x!tpu.dma_semaphore, #tpu.memory_space<semaphore_mem>> -> memref<1x!tpu.dma_semaphore, #tpu.memory_space<semaphore_mem>>
      %dma_wait3A_1137 = tpu.memref_squeeze %dma_wait3A_1136 : memref<1x!tpu.dma_semaphore, #tpu.memory_space<semaphore_mem>> -> memref<!tpu.dma_semaphore, #tpu.memory_space<semaphore_mem>>
      %dma_wait3A_1138 = arith.constant 0 : i32
      %dma_wait3A_1139 = arith.constant 0 : i32
      %dma_wait3A_1140 = arith.constant 0 : i32
      %dma_wait3A_1141 = tpu.memref_slice %arg5[%dma_wait3A_1124, %dma_wait3A_1138, %dma_wait3A_1139, %dma_wait3A_1140] : memref<2x4x2x128xi32, #tpu.memory_space<vmem>> -> memref<1x4x2x128xi32, #tpu.memory_space<vmem>>
      %dma_wait3A_1142 = tpu.memref_squeeze %dma_wait3A_1141 : memref<1x4x2x128xi32, #tpu.memory_space<vmem>> -> memref<4x2x128xi32, #tpu.memory_space<vmem>>
      %dma_wait3A_1143 = arith.constant 0 : i32
      %dma_wait3A_1144 = arith.constant 0 : i32
      %dma_wait3A_1145 = arith.constant 0 : i32
      %dma_wait3A_1146 = tpu.memref_slice %arg3[%add3A, %dma_wait3A_1143, %dma_wait3A_1144, %dma_wait3A_1145] : memref<32x80x2x128xi32, #tpu.memory_space<hbm>> -> memref<1x4x2x128xi32, #tpu.memory_space<hbm>>
      %dma_wait3A_1147 = tpu.memref_squeeze %dma_wait3A_1146 : memref<1x4x2x128xi32, #tpu.memory_space<hbm>> -> memref<4x2x128xi32, #tpu.memory_space<hbm>>
      tpu.wait_dma2 semaphore(%dma_wait3A_1137 : memref<!tpu.dma_semaphore, #tpu.memory_space<semaphore_mem>>) src(%dma_wait3A_1147 : memref<4x2x128xi32, #tpu.memory_space<hbm>>) dst(%dma_wait3A_1142 : memref<4x2x128xi32, #tpu.memory_space<vmem>>)
      %dma_start3A_1148 = arith.constant 1 : i32
      %dma_start3A_1149 = arith.constant 0 : i32
      %dma_start3A_1150 = arith.constant 0 : i32
      %dma_start3A_1151 = arith.constant 0 : i32
      %dma_start3A_1152 = arith.constant 0 : i32
      %dma_start3A_1153 = arith.constant 0 : i32
      %dma_start3A_1154 = arith.constant 0 : i32
      %dma_start3A_1155 = tpu.memref_slice %arg6[%dma_start3A_1151, %dma_start3A_1153, %dma_start3A_1154] : memref<2x128x128xf32, #tpu.memory_space<vmem>> -> memref<1x128x128xf32, #tpu.memory_space<vmem>>
      %dma_start3A_1156 = tpu.memref_squeeze %dma_start3A_1155 : memref<1x128x128xf32, #tpu.memory_space<vmem>> -> memref<128x128xf32, #tpu.memory_space<vmem>>
      %dma_start3A_1157 = arith.constant 0 : i32
      %dma_start3A_1158 = tpu.memref_slice %arg5[%dma_start3A_1148, %dma_start3A_1149, %dma_start3A_1150, %dma_start3A_1157] : memref<2x4x2x128xi32, #tpu.memory_space<vmem>> -> memref<1x1x1x128xi32, #tpu.memory_space<vmem>>
      %dma_start3A_1159 = tpu.memref_squeeze %dma_start3A_1158 : memref<1x1x1x128xi32, #tpu.memory_space<vmem>> -> memref<128xi32, #tpu.memory_space<vmem>>
      %dma_start3A_1160 = arith.constant 0 : i32
      %dma_start3A_1161 = arith.constant 0 : i32
      %dma_start3A_1162 = tpu.memref_slice %arg2[%dma_start3A_1160, %dma_start3A_1161] : memref<10000x128xf32, #tpu.memory_space<hbm>> -> memref<10000x128xf32, #tpu.memory_space<hbm>>
      %dma_start3A_1163 = tpu.memref_slice %arg8[%dma_start3A_1152] : memref<2x!tpu.dma_semaphore, #tpu.memory_space<semaphore_mem>> -> memref<1x!tpu.dma_semaphore, #tpu.memory_space<semaphore_mem>>
      %dma_start3A_1164 = tpu.memref_squeeze %dma_start3A_1163 : memref<1x!tpu.dma_semaphore, #tpu.memory_space<semaphore_mem>> -> memref<!tpu.dma_semaphore, #tpu.memory_space<semaphore_mem>>
      tpu.enqueue_indirect_dma source(%dma_start3A_1162 : memref<10000x128xf32, #tpu.memory_space<hbm>>) target(%dma_start3A_1156 : memref<128x128xf32, #tpu.memory_space<vmem>>) offsets(%dma_start3A_1159 : memref<128xi32, #tpu.memory_space<vmem>>) semaphore(%dma_start3A_1164 : memref<!tpu.dma_semaphore, #tpu.memory_space<semaphore_mem>>)
      %dma_wait3A_1165 = arith.constant 0 : i32
      %dma_wait3A_1166 = arith.constant 3 : i32
      %dma_wait3A_1167 = arith.constant 0 : i32
      %dma_wait3A_1168 = arith.constant 1 : i32
      %dma_wait3A_1169 = arith.constant 1 : i32
      %dma_wait3A_1170 = arith.constant 0 : i32
      %dma_wait3A_1171 = arith.constant 0 : i32
      %dma_wait3A_1172 = tpu.memref_slice %arg6[%dma_wait3A_1168, %dma_wait3A_1170, %dma_wait3A_1171] : memref<2x128x128xf32, #tpu.memory_space<vmem>> -> memref<1x128x128xf32, #tpu.memory_space<vmem>>
      %dma_wait3A_1173 = tpu.memref_squeeze %dma_wait3A_1172 : memref<1x128x128xf32, #tpu.memory_space<vmem>> -> memref<128x128xf32, #tpu.memory_space<vmem>>
      %dma_wait3A_1174 = arith.constant 0 : i32
      %dma_wait3A_1175 = tpu.memref_slice %arg5[%dma_wait3A_1165, %dma_wait3A_1166, %dma_wait3A_1167, %dma_wait3A_1174] : memref<2x4x2x128xi32, #tpu.memory_space<vmem>> -> memref<1x1x1x128xi32, #tpu.memory_space<vmem>>
      %dma_wait3A_1176 = tpu.memref_squeeze %dma_wait3A_1175 : memref<1x1x1x128xi32, #tpu.memory_space<vmem>> -> memref<128xi32, #tpu.memory_space<vmem>>
      %dma_wait3A_1177 = arith.constant 0 : i32
      %dma_wait3A_1178 = arith.constant 0 : i32
      %dma_wait3A_1179 = tpu.memref_slice %arg2[%dma_wait3A_1177, %dma_wait3A_1178] : memref<10000x128xf32, #tpu.memory_space<hbm>> -> memref<10000x128xf32, #tpu.memory_space<hbm>>
      %dma_wait3A_1180 = tpu.memref_slice %arg8[%dma_wait3A_1169] : memref<2x!tpu.dma_semaphore, #tpu.memory_space<semaphore_mem>> -> memref<1x!tpu.dma_semaphore, #tpu.memory_space<semaphore_mem>>
      %dma_wait3A_1181 = tpu.memref_squeeze %dma_wait3A_1180 : memref<1x!tpu.dma_semaphore, #tpu.memory_space<semaphore_mem>> -> memref<!tpu.dma_semaphore, #tpu.memory_space<semaphore_mem>>
      tpu.wait_indirect_dma semaphore(%dma_wait3A_1181 : memref<!tpu.dma_semaphore, #tpu.memory_space<semaphore_mem>>) src(%dma_wait3A_1179 : memref<10000x128xf32, #tpu.memory_space<hbm>>) dst(%dma_wait3A_1173 : memref<128x128xf32, #tpu.memory_space<vmem>>)
      %dma_start3A_1182 = arith.constant 1 : i32
      %dma_start3A_1183 = arith.constant 0 : i32
      %dma_start3A_1184 = arith.constant 3 : i32
      %dma_start3A_1185 = arith.constant 1 : i32
      %dma_start3A_1186 = arith.constant 1 : i32
      %dma_start3A_1187 = arith.constant 0 : i32
      %dma_start3A_1188 = arith.constant 0 : i32
      %dma_start3A_1189 = tpu.memref_slice %arg6[%dma_start3A_1182, %dma_start3A_1187, %dma_start3A_1188] : memref<2x128x128xf32, #tpu.memory_space<vmem>> -> memref<1x128x128xf32, #tpu.memory_space<vmem>>
      %dma_start3A_1190 = tpu.memref_squeeze %dma_start3A_1189 : memref<1x128x128xf32, #tpu.memory_space<vmem>> -> memref<128x128xf32, #tpu.memory_space<vmem>>
      %dma_start3A_1191 = arith.constant 0 : i32
      %dma_start3A_1192 = tpu.memref_slice %arg5[%dma_start3A_1183, %dma_start3A_1184, %dma_start3A_1185, %dma_start3A_1191] : memref<2x4x2x128xi32, #tpu.memory_space<vmem>> -> memref<1x1x1x128xi32, #tpu.memory_space<vmem>>
      %dma_start3A_1193 = tpu.memref_squeeze %dma_start3A_1192 : memref<1x1x1x128xi32, #tpu.memory_space<vmem>> -> memref<128xi32, #tpu.memory_space<vmem>>
      %dma_start3A_1194 = arith.constant 0 : i32
      %dma_start3A_1195 = arith.constant 0 : i32
      %dma_start3A_1196 = tpu.memref_slice %arg7[%dma_start3A_1194, %dma_start3A_1195] : memref<10016x128xf32, #tpu.memory_space<vmem_shared>> -> memref<10016x128xf32, #tpu.memory_space<vmem_shared>>
      %dma_start3A_1197 = tpu.memref_slice %arg10[%dma_start3A_1186] : memref<2x!tpu.dma_semaphore, #tpu.memory_space<semaphore_mem>> -> memref<1x!tpu.dma_semaphore, #tpu.memory_space<semaphore_mem>>
      %dma_start3A_1198 = tpu.memref_squeeze %dma_start3A_1197 : memref<1x!tpu.dma_semaphore, #tpu.memory_space<semaphore_mem>> -> memref<!tpu.dma_semaphore, #tpu.memory_space<semaphore_mem>>
      tpu.enqueue_indirect_dma source(%dma_start3A_1190 : memref<128x128xf32, #tpu.memory_space<vmem>>) target(%dma_start3A_1196 : memref<10016x128xf32, #tpu.memory_space<vmem_shared>>) offsets(%dma_start3A_1193 : memref<128xi32, #tpu.memory_space<vmem>>) semaphore(%dma_start3A_1198 : memref<!tpu.dma_semaphore, #tpu.memory_space<semaphore_mem>>) {add = true}
      %scan3A_1199 = arith.constant 0 : i32
      scf.yield %scan3A_1199 : i32
    }
    %scan3A_330 = arith.constant 9 : i32
    %dma_wait3A_331 = arith.constant 1 : i32
    %dma_wait3A_332 = arith.constant 1 : i32
    %dma_wait3A_333 = arith.constant 0 : i32
    %dma_wait3A_334 = arith.constant 1 : i32
    %dma_wait3A_335 = arith.constant 1 : i32
    %dma_wait3A_336 = arith.constant 0 : i32
    %dma_wait3A_337 = arith.constant 0 : i32
    %dma_wait3A_338 = tpu.memref_slice %arg6[%dma_wait3A_331, %dma_wait3A_336, %dma_wait3A_337] : memref<2x128x128xf32, #tpu.memory_space<vmem>> -> memref<1x128x128xf32, #tpu.memory_space<vmem>>
    %dma_wait3A_339 = tpu.memref_squeeze %dma_wait3A_338 : memref<1x128x128xf32, #tpu.memory_space<vmem>> -> memref<128x128xf32, #tpu.memory_space<vmem>>
    %dma_wait3A_340 = arith.constant 0 : i32
    %dma_wait3A_341 = tpu.memref_slice %arg5[%dma_wait3A_332, %dma_wait3A_333, %dma_wait3A_334, %dma_wait3A_340] : memref<2x4x2x128xi32, #tpu.memory_space<vmem>> -> memref<1x1x1x128xi32, #tpu.memory_space<vmem>>
    %dma_wait3A_342 = tpu.memref_squeeze %dma_wait3A_341 : memref<1x1x1x128xi32, #tpu.memory_space<vmem>> -> memref<128xi32, #tpu.memory_space<vmem>>
    %dma_wait3A_343 = arith.constant 0 : i32
    %dma_wait3A_344 = arith.constant 0 : i32
    %dma_wait3A_345 = tpu.memref_slice %arg7[%dma_wait3A_343, %dma_wait3A_344] : memref<10016x128xf32, #tpu.memory_space<vmem_shared>> -> memref<10016x128xf32, #tpu.memory_space<vmem_shared>>
    %dma_wait3A_346 = tpu.memref_slice %arg10[%dma_wait3A_335] : memref<2x!tpu.dma_semaphore, #tpu.memory_space<semaphore_mem>> -> memref<1x!tpu.dma_semaphore, #tpu.memory_space<semaphore_mem>>
    %dma_wait3A_347 = tpu.memref_squeeze %dma_wait3A_346 : memref<1x!tpu.dma_semaphore, #tpu.memory_space<semaphore_mem>> -> memref<!tpu.dma_semaphore, #tpu.memory_space<semaphore_mem>>
    tpu.wait_indirect_dma semaphore(%dma_wait3A_347 : memref<!tpu.dma_semaphore, #tpu.memory_space<semaphore_mem>>) src(%dma_wait3A_339 : memref<128x128xf32, #tpu.memory_space<vmem>>) dst(%dma_wait3A_345 : memref<10016x128xf32, #tpu.memory_space<vmem_shared>>)
    %dma_start3A_348 = arith.constant 1 : i32
    %dma_start3A_349 = arith.constant 1 : i32
    %dma_start3A_350 = arith.constant 0 : i32
    %dma_start3A_351 = arith.constant 1 : i32
    %dma_start3A_352 = arith.constant 1 : i32
    %dma_start3A_353 = arith.constant 0 : i32
    %dma_start3A_354 = arith.constant 0 : i32
    %dma_start3A_355 = tpu.memref_slice %arg6[%dma_start3A_351, %dma_start3A_353, %dma_start3A_354] : memref<2x128x128xf32, #tpu.memory_space<vmem>> -> memref<1x128x128xf32, #tpu.memory_space<vmem>>
    %dma_start3A_356 = tpu.memref_squeeze %dma_start3A_355 : memref<1x128x128xf32, #tpu.memory_space<vmem>> -> memref<128x128xf32, #tpu.memory_space<vmem>>
    %dma_start3A_357 = arith.constant 0 : i32
    %dma_start3A_358 = tpu.memref_slice %arg5[%dma_start3A_348, %dma_start3A_349, %dma_start3A_350, %dma_start3A_357] : memref<2x4x2x128xi32, #tpu.memory_space<vmem>> -> memref<1x1x1x128xi32, #tpu.memory_space<vmem>>
    %dma_start3A_359 = tpu.memref_squeeze %dma_start3A_358 : memref<1x1x1x128xi32, #tpu.memory_space<vmem>> -> memref<128xi32, #tpu.memory_space<vmem>>
    %dma_start3A_360 = arith.constant 0 : i32
    %dma_start3A_361 = arith.constant 0 : i32
    %dma_start3A_362 = tpu.memref_slice %arg2[%dma_start3A_360, %dma_start3A_361] : memref<10000x128xf32, #tpu.memory_space<hbm>> -> memref<10000x128xf32, #tpu.memory_space<hbm>>
    %dma_start3A_363 = tpu.memref_slice %arg8[%dma_start3A_352] : memref<2x!tpu.dma_semaphore, #tpu.memory_space<semaphore_mem>> -> memref<1x!tpu.dma_semaphore, #tpu.memory_space<semaphore_mem>>
    %dma_start3A_364 = tpu.memref_squeeze %dma_start3A_363 : memref<1x!tpu.dma_semaphore, #tpu.memory_space<semaphore_mem>> -> memref<!tpu.dma_semaphore, #tpu.memory_space<semaphore_mem>>
    tpu.enqueue_indirect_dma source(%dma_start3A_362 : memref<10000x128xf32, #tpu.memory_space<hbm>>) target(%dma_start3A_356 : memref<128x128xf32, #tpu.memory_space<vmem>>) offsets(%dma_start3A_359 : memref<128xi32, #tpu.memory_space<vmem>>) semaphore(%dma_start3A_364 : memref<!tpu.dma_semaphore, #tpu.memory_space<semaphore_mem>>)
    %dma_wait3A_365 = arith.constant 1 : i32
    %dma_wait3A_366 = arith.constant 0 : i32
    %dma_wait3A_367 = arith.constant 0 : i32
    %dma_wait3A_368 = arith.constant 0 : i32
    %dma_wait3A_369 = arith.constant 0 : i32
    %dma_wait3A_370 = arith.constant 0 : i32
    %dma_wait3A_371 = arith.constant 0 : i32
    %dma_wait3A_372 = tpu.memref_slice %arg6[%dma_wait3A_368, %dma_wait3A_370, %dma_wait3A_371] : memref<2x128x128xf32, #tpu.memory_space<vmem>> -> memref<1x128x128xf32, #tpu.memory_space<vmem>>
    %dma_wait3A_373 = tpu.memref_squeeze %dma_wait3A_372 : memref<1x128x128xf32, #tpu.memory_space<vmem>> -> memref<128x128xf32, #tpu.memory_space<vmem>>
    %dma_wait3A_374 = arith.constant 0 : i32
    %dma_wait3A_375 = tpu.memref_slice %arg5[%dma_wait3A_365, %dma_wait3A_366, %dma_wait3A_367, %dma_wait3A_374] : memref<2x4x2x128xi32, #tpu.memory_space<vmem>> -> memref<1x1x1x128xi32, #tpu.memory_space<vmem>>
    %dma_wait3A_376 = tpu.memref_squeeze %dma_wait3A_375 : memref<1x1x1x128xi32, #tpu.memory_space<vmem>> -> memref<128xi32, #tpu.memory_space<vmem>>
    %dma_wait3A_377 = arith.constant 0 : i32
    %dma_wait3A_378 = arith.constant 0 : i32
    %dma_wait3A_379 = tpu.memref_slice %arg2[%dma_wait3A_377, %dma_wait3A_378] : memref<10000x128xf32, #tpu.memory_space<hbm>> -> memref<10000x128xf32, #tpu.memory_space<hbm>>
    %dma_wait3A_380 = tpu.memref_slice %arg8[%dma_wait3A_369] : memref<2x!tpu.dma_semaphore, #tpu.memory_space<semaphore_mem>> -> memref<1x!tpu.dma_semaphore, #tpu.memory_space<semaphore_mem>>
    %dma_wait3A_381 = tpu.memref_squeeze %dma_wait3A_380 : memref<1x!tpu.dma_semaphore, #tpu.memory_space<semaphore_mem>> -> memref<!tpu.dma_semaphore, #tpu.memory_space<semaphore_mem>>
    tpu.wait_indirect_dma semaphore(%dma_wait3A_381 : memref<!tpu.dma_semaphore, #tpu.memory_space<semaphore_mem>>) src(%dma_wait3A_379 : memref<10000x128xf32, #tpu.memory_space<hbm>>) dst(%dma_wait3A_373 : memref<128x128xf32, #tpu.memory_space<vmem>>)
    %dma_start3A_382 = arith.constant 0 : i32
    %dma_start3A_383 = arith.constant 1 : i32
    %dma_start3A_384 = arith.constant 0 : i32
    %dma_start3A_385 = arith.constant 1 : i32
    %dma_start3A_386 = arith.constant 0 : i32
    %dma_start3A_387 = arith.constant 0 : i32
    %dma_start3A_388 = arith.constant 0 : i32
    %dma_start3A_389 = tpu.memref_slice %arg6[%dma_start3A_382, %dma_start3A_387, %dma_start3A_388] : memref<2x128x128xf32, #tpu.memory_space<vmem>> -> memref<1x128x128xf32, #tpu.memory_space<vmem>>
    %dma_start3A_390 = tpu.memref_squeeze %dma_start3A_389 : memref<1x128x128xf32, #tpu.memory_space<vmem>> -> memref<128x128xf32, #tpu.memory_space<vmem>>
    %dma_start3A_391 = arith.constant 0 : i32
    %dma_start3A_392 = tpu.memref_slice %arg5[%dma_start3A_383, %dma_start3A_384, %dma_start3A_385, %dma_start3A_391] : memref<2x4x2x128xi32, #tpu.memory_space<vmem>> -> memref<1x1x1x128xi32, #tpu.memory_space<vmem>>
    %dma_start3A_393 = tpu.memref_squeeze %dma_start3A_392 : memref<1x1x1x128xi32, #tpu.memory_space<vmem>> -> memref<128xi32, #tpu.memory_space<vmem>>
    %dma_start3A_394 = arith.constant 0 : i32
    %dma_start3A_395 = arith.constant 0 : i32
    %dma_start3A_396 = tpu.memref_slice %arg7[%dma_start3A_394, %dma_start3A_395] : memref<10016x128xf32, #tpu.memory_space<vmem_shared>> -> memref<10016x128xf32, #tpu.memory_space<vmem_shared>>
    %dma_start3A_397 = tpu.memref_slice %arg10[%dma_start3A_386] : memref<2x!tpu.dma_semaphore, #tpu.memory_space<semaphore_mem>> -> memref<1x!tpu.dma_semaphore, #tpu.memory_space<semaphore_mem>>
    %dma_start3A_398 = tpu.memref_squeeze %dma_start3A_397 : memref<1x!tpu.dma_semaphore, #tpu.memory_space<semaphore_mem>> -> memref<!tpu.dma_semaphore, #tpu.memory_space<semaphore_mem>>
    tpu.enqueue_indirect_dma source(%dma_start3A_390 : memref<128x128xf32, #tpu.memory_space<vmem>>) target(%dma_start3A_396 : memref<10016x128xf32, #tpu.memory_space<vmem_shared>>) offsets(%dma_start3A_393 : memref<128xi32, #tpu.memory_space<vmem>>) semaphore(%dma_start3A_398 : memref<!tpu.dma_semaphore, #tpu.memory_space<semaphore_mem>>) {add = true}
    %dma_wait3A_399 = arith.constant 0 : i32
    %dma_wait3A_400 = arith.constant 1 : i32
    %dma_wait3A_401 = arith.constant 1 : i32
    %dma_wait3A_402 = arith.constant 1 : i32
    %dma_wait3A_403 = arith.constant 0 : i32
    %dma_wait3A_404 = arith.constant 0 : i32
    %dma_wait3A_405 = arith.constant 0 : i32
    %dma_wait3A_406 = tpu.memref_slice %arg6[%dma_wait3A_399, %dma_wait3A_404, %dma_wait3A_405] : memref<2x128x128xf32, #tpu.memory_space<vmem>> -> memref<1x128x128xf32, #tpu.memory_space<vmem>>
    %dma_wait3A_407 = tpu.memref_squeeze %dma_wait3A_406 : memref<1x128x128xf32, #tpu.memory_space<vmem>> -> memref<128x128xf32, #tpu.memory_space<vmem>>
    %dma_wait3A_408 = arith.constant 0 : i32
    %dma_wait3A_409 = tpu.memref_slice %arg5[%dma_wait3A_400, %dma_wait3A_401, %dma_wait3A_402, %dma_wait3A_408] : memref<2x4x2x128xi32, #tpu.memory_space<vmem>> -> memref<1x1x1x128xi32, #tpu.memory_space<vmem>>
    %dma_wait3A_410 = tpu.memref_squeeze %dma_wait3A_409 : memref<1x1x1x128xi32, #tpu.memory_space<vmem>> -> memref<128xi32, #tpu.memory_space<vmem>>
    %dma_wait3A_411 = arith.constant 0 : i32
    %dma_wait3A_412 = arith.constant 0 : i32
    %dma_wait3A_413 = tpu.memref_slice %arg7[%dma_wait3A_411, %dma_wait3A_412] : memref<10016x128xf32, #tpu.memory_space<vmem_shared>> -> memref<10016x128xf32, #tpu.memory_space<vmem_shared>>
    %dma_wait3A_414 = tpu.memref_slice %arg10[%dma_wait3A_403] : memref<2x!tpu.dma_semaphore, #tpu.memory_space<semaphore_mem>> -> memref<1x!tpu.dma_semaphore, #tpu.memory_space<semaphore_mem>>
    %dma_wait3A_415 = tpu.memref_squeeze %dma_wait3A_414 : memref<1x!tpu.dma_semaphore, #tpu.memory_space<semaphore_mem>> -> memref<!tpu.dma_semaphore, #tpu.memory_space<semaphore_mem>>
    tpu.wait_indirect_dma semaphore(%dma_wait3A_415 : memref<!tpu.dma_semaphore, #tpu.memory_space<semaphore_mem>>) src(%dma_wait3A_407 : memref<128x128xf32, #tpu.memory_space<vmem>>) dst(%dma_wait3A_413 : memref<10016x128xf32, #tpu.memory_space<vmem_shared>>)
    %dma_start3A_416 = arith.constant 1 : i32
    %dma_start3A_417 = arith.constant 2 : i32
    %dma_start3A_418 = arith.constant 0 : i32
    %dma_start3A_419 = arith.constant 0 : i32
    %dma_start3A_420 = arith.constant 0 : i32
    %dma_start3A_421 = arith.constant 0 : i32
    %dma_start3A_422 = arith.constant 0 : i32
    %dma_start3A_423 = tpu.memref_slice %arg6[%dma_start3A_419, %dma_start3A_421, %dma_start3A_422] : memref<2x128x128xf32, #tpu.memory_space<vmem>> -> memref<1x128x128xf32, #tpu.memory_space<vmem>>
    %dma_start3A_424 = tpu.memref_squeeze %dma_start3A_423 : memref<1x128x128xf32, #tpu.memory_space<vmem>> -> memref<128x128xf32, #tpu.memory_space<vmem>>
    %dma_start3A_425 = arith.constant 0 : i32
    %dma_start3A_426 = tpu.memref_slice %arg5[%dma_start3A_416, %dma_start3A_417, %dma_start3A_418, %dma_start3A_425] : memref<2x4x2x128xi32, #tpu.memory_space<vmem>> -> memref<1x1x1x128xi32, #tpu.memory_space<vmem>>
    %dma_start3A_427 = tpu.memref_squeeze %dma_start3A_426 : memref<1x1x1x128xi32, #tpu.memory_space<vmem>> -> memref<128xi32, #tpu.memory_space<vmem>>
    %dma_start3A_428 = arith.constant 0 : i32
    %dma_start3A_429 = arith.constant 0 : i32
    %dma_start3A_430 = tpu.memref_slice %arg2[%dma_start3A_428, %dma_start3A_429] : memref<10000x128xf32, #tpu.memory_space<hbm>> -> memref<10000x128xf32, #tpu.memory_space<hbm>>
    %dma_start3A_431 = tpu.memref_slice %arg8[%dma_start3A_420] : memref<2x!tpu.dma_semaphore, #tpu.memory_space<semaphore_mem>> -> memref<1x!tpu.dma_semaphore, #tpu.memory_space<semaphore_mem>>
    %dma_start3A_432 = tpu.memref_squeeze %dma_start3A_431 : memref<1x!tpu.dma_semaphore, #tpu.memory_space<semaphore_mem>> -> memref<!tpu.dma_semaphore, #tpu.memory_space<semaphore_mem>>
    tpu.enqueue_indirect_dma source(%dma_start3A_430 : memref<10000x128xf32, #tpu.memory_space<hbm>>) target(%dma_start3A_424 : memref<128x128xf32, #tpu.memory_space<vmem>>) offsets(%dma_start3A_427 : memref<128xi32, #tpu.memory_space<vmem>>) semaphore(%dma_start3A_432 : memref<!tpu.dma_semaphore, #tpu.memory_space<semaphore_mem>>)
    %dma_wait3A_433 = arith.constant 1 : i32
    %dma_wait3A_434 = arith.constant 1 : i32
    %dma_wait3A_435 = arith.constant 0 : i32
    %dma_wait3A_436 = arith.constant 1 : i32
    %dma_wait3A_437 = arith.constant 1 : i32
    %dma_wait3A_438 = arith.constant 0 : i32
    %dma_wait3A_439 = arith.constant 0 : i32
    %dma_wait3A_440 = tpu.memref_slice %arg6[%dma_wait3A_436, %dma_wait3A_438, %dma_wait3A_439] : memref<2x128x128xf32, #tpu.memory_space<vmem>> -> memref<1x128x128xf32, #tpu.memory_space<vmem>>
    %dma_wait3A_441 = tpu.memref_squeeze %dma_wait3A_440 : memref<1x128x128xf32, #tpu.memory_space<vmem>> -> memref<128x128xf32, #tpu.memory_space<vmem>>
    %dma_wait3A_442 = arith.constant 0 : i32
    %dma_wait3A_443 = tpu.memref_slice %arg5[%dma_wait3A_433, %dma_wait3A_434, %dma_wait3A_435, %dma_wait3A_442] : memref<2x4x2x128xi32, #tpu.memory_space<vmem>> -> memref<1x1x1x128xi32, #tpu.memory_space<vmem>>
    %dma_wait3A_444 = tpu.memref_squeeze %dma_wait3A_443 : memref<1x1x1x128xi32, #tpu.memory_space<vmem>> -> memref<128xi32, #tpu.memory_space<vmem>>
    %dma_wait3A_445 = arith.constant 0 : i32
    %dma_wait3A_446 = arith.constant 0 : i32
    %dma_wait3A_447 = tpu.memref_slice %arg2[%dma_wait3A_445, %dma_wait3A_446] : memref<10000x128xf32, #tpu.memory_space<hbm>> -> memref<10000x128xf32, #tpu.memory_space<hbm>>
    %dma_wait3A_448 = tpu.memref_slice %arg8[%dma_wait3A_437] : memref<2x!tpu.dma_semaphore, #tpu.memory_space<semaphore_mem>> -> memref<1x!tpu.dma_semaphore, #tpu.memory_space<semaphore_mem>>
    %dma_wait3A_449 = tpu.memref_squeeze %dma_wait3A_448 : memref<1x!tpu.dma_semaphore, #tpu.memory_space<semaphore_mem>> -> memref<!tpu.dma_semaphore, #tpu.memory_space<semaphore_mem>>
    tpu.wait_indirect_dma semaphore(%dma_wait3A_449 : memref<!tpu.dma_semaphore, #tpu.memory_space<semaphore_mem>>) src(%dma_wait3A_447 : memref<10000x128xf32, #tpu.memory_space<hbm>>) dst(%dma_wait3A_441 : memref<128x128xf32, #tpu.memory_space<vmem>>)
    %dma_start3A_450 = arith.constant 1 : i32
    %dma_start3A_451 = arith.constant 1 : i32
    %dma_start3A_452 = arith.constant 1 : i32
    %dma_start3A_453 = arith.constant 1 : i32
    %dma_start3A_454 = arith.constant 1 : i32
    %dma_start3A_455 = arith.constant 0 : i32
    %dma_start3A_456 = arith.constant 0 : i32
    %dma_start3A_457 = tpu.memref_slice %arg6[%dma_start3A_450, %dma_start3A_455, %dma_start3A_456] : memref<2x128x128xf32, #tpu.memory_space<vmem>> -> memref<1x128x128xf32, #tpu.memory_space<vmem>>
    %dma_start3A_458 = tpu.memref_squeeze %dma_start3A_457 : memref<1x128x128xf32, #tpu.memory_space<vmem>> -> memref<128x128xf32, #tpu.memory_space<vmem>>
    %dma_start3A_459 = arith.constant 0 : i32
    %dma_start3A_460 = tpu.memref_slice %arg5[%dma_start3A_451, %dma_start3A_452, %dma_start3A_453, %dma_start3A_459] : memref<2x4x2x128xi32, #tpu.memory_space<vmem>> -> memref<1x1x1x128xi32, #tpu.memory_space<vmem>>
    %dma_start3A_461 = tpu.memref_squeeze %dma_start3A_460 : memref<1x1x1x128xi32, #tpu.memory_space<vmem>> -> memref<128xi32, #tpu.memory_space<vmem>>
    %dma_start3A_462 = arith.constant 0 : i32
    %dma_start3A_463 = arith.constant 0 : i32
    %dma_start3A_464 = tpu.memref_slice %arg7[%dma_start3A_462, %dma_start3A_463] : memref<10016x128xf32, #tpu.memory_space<vmem_shared>> -> memref<10016x128xf32, #tpu.memory_space<vmem_shared>>
    %dma_start3A_465 = tpu.memref_slice %arg10[%dma_start3A_454] : memref<2x!tpu.dma_semaphore, #tpu.memory_space<semaphore_mem>> -> memref<1x!tpu.dma_semaphore, #tpu.memory_space<semaphore_mem>>
    %dma_start3A_466 = tpu.memref_squeeze %dma_start3A_465 : memref<1x!tpu.dma_semaphore, #tpu.memory_space<semaphore_mem>> -> memref<!tpu.dma_semaphore, #tpu.memory_space<semaphore_mem>>
    tpu.enqueue_indirect_dma source(%dma_start3A_458 : memref<128x128xf32, #tpu.memory_space<vmem>>) target(%dma_start3A_464 : memref<10016x128xf32, #tpu.memory_space<vmem_shared>>) offsets(%dma_start3A_461 : memref<128xi32, #tpu.memory_space<vmem>>) semaphore(%dma_start3A_466 : memref<!tpu.dma_semaphore, #tpu.memory_space<semaphore_mem>>) {add = true}
    %dma_wait3A_467 = arith.constant 1 : i32
    %dma_wait3A_468 = arith.constant 1 : i32
    %dma_wait3A_469 = arith.constant 2 : i32
    %dma_wait3A_470 = arith.constant 1 : i32
    %dma_wait3A_471 = arith.constant 1 : i32
    %dma_wait3A_472 = arith.constant 0 : i32
    %dma_wait3A_473 = arith.constant 0 : i32
    %dma_wait3A_474 = tpu.memref_slice %arg6[%dma_wait3A_467, %dma_wait3A_472, %dma_wait3A_473] : memref<2x128x128xf32, #tpu.memory_space<vmem>> -> memref<1x128x128xf32, #tpu.memory_space<vmem>>
    %dma_wait3A_475 = tpu.memref_squeeze %dma_wait3A_474 : memref<1x128x128xf32, #tpu.memory_space<vmem>> -> memref<128x128xf32, #tpu.memory_space<vmem>>
    %dma_wait3A_476 = arith.constant 0 : i32
    %dma_wait3A_477 = tpu.memref_slice %arg5[%dma_wait3A_468, %dma_wait3A_469, %dma_wait3A_470, %dma_wait3A_476] : memref<2x4x2x128xi32, #tpu.memory_space<vmem>> -> memref<1x1x1x128xi32, #tpu.memory_space<vmem>>
    %dma_wait3A_478 = tpu.memref_squeeze %dma_wait3A_477 : memref<1x1x1x128xi32, #tpu.memory_space<vmem>> -> memref<128xi32, #tpu.memory_space<vmem>>
    %dma_wait3A_479 = arith.constant 0 : i32
    %dma_wait3A_480 = arith.constant 0 : i32
    %dma_wait3A_481 = tpu.memref_slice %arg7[%dma_wait3A_479, %dma_wait3A_480] : memref<10016x128xf32, #tpu.memory_space<vmem_shared>> -> memref<10016x128xf32, #tpu.memory_space<vmem_shared>>
    %dma_wait3A_482 = tpu.memref_slice %arg10[%dma_wait3A_471] : memref<2x!tpu.dma_semaphore, #tpu.memory_space<semaphore_mem>> -> memref<1x!tpu.dma_semaphore, #tpu.memory_space<semaphore_mem>>
    %dma_wait3A_483 = tpu.memref_squeeze %dma_wait3A_482 : memref<1x!tpu.dma_semaphore, #tpu.memory_space<semaphore_mem>> -> memref<!tpu.dma_semaphore, #tpu.memory_space<semaphore_mem>>
    tpu.wait_indirect_dma semaphore(%dma_wait3A_483 : memref<!tpu.dma_semaphore, #tpu.memory_space<semaphore_mem>>) src(%dma_wait3A_475 : memref<128x128xf32, #tpu.memory_space<vmem>>) dst(%dma_wait3A_481 : memref<10016x128xf32, #tpu.memory_space<vmem_shared>>)
    %dma_wait3A_484 = arith.constant 1 : i32
    %dma_wait3A_485 = arith.constant 2 : i32
    %dma_wait3A_486 = arith.constant 0 : i32
    %dma_wait3A_487 = arith.constant 0 : i32
    %dma_wait3A_488 = arith.constant 0 : i32
    %dma_wait3A_489 = arith.constant 0 : i32
    %dma_wait3A_490 = arith.constant 0 : i32
    %dma_wait3A_491 = tpu.memref_slice %arg6[%dma_wait3A_487, %dma_wait3A_489, %dma_wait3A_490] : memref<2x128x128xf32, #tpu.memory_space<vmem>> -> memref<1x128x128xf32, #tpu.memory_space<vmem>>
    %dma_wait3A_492 = tpu.memref_squeeze %dma_wait3A_491 : memref<1x128x128xf32, #tpu.memory_space<vmem>> -> memref<128x128xf32, #tpu.memory_space<vmem>>
    %dma_wait3A_493 = arith.constant 0 : i32
    %dma_wait3A_494 = tpu.memref_slice %arg5[%dma_wait3A_484, %dma_wait3A_485, %dma_wait3A_486, %dma_wait3A_493] : memref<2x4x2x128xi32, #tpu.memory_space<vmem>> -> memref<1x1x1x128xi32, #tpu.memory_space<vmem>>
    %dma_wait3A_495 = tpu.memref_squeeze %dma_wait3A_494 : memref<1x1x1x128xi32, #tpu.memory_space<vmem>> -> memref<128xi32, #tpu.memory_space<vmem>>
    %dma_wait3A_496 = arith.constant 0 : i32
    %dma_wait3A_497 = arith.constant 0 : i32
    %dma_wait3A_498 = tpu.memref_slice %arg2[%dma_wait3A_496, %dma_wait3A_497] : memref<10000x128xf32, #tpu.memory_space<hbm>> -> memref<10000x128xf32, #tpu.memory_space<hbm>>
    %dma_wait3A_499 = tpu.memref_slice %arg8[%dma_wait3A_488] : memref<2x!tpu.dma_semaphore, #tpu.memory_space<semaphore_mem>> -> memref<1x!tpu.dma_semaphore, #tpu.memory_space<semaphore_mem>>
    %dma_wait3A_500 = tpu.memref_squeeze %dma_wait3A_499 : memref<1x!tpu.dma_semaphore, #tpu.memory_space<semaphore_mem>> -> memref<!tpu.dma_semaphore, #tpu.memory_space<semaphore_mem>>
    tpu.wait_indirect_dma semaphore(%dma_wait3A_500 : memref<!tpu.dma_semaphore, #tpu.memory_space<semaphore_mem>>) src(%dma_wait3A_498 : memref<10000x128xf32, #tpu.memory_space<hbm>>) dst(%dma_wait3A_492 : memref<128x128xf32, #tpu.memory_space<vmem>>)
    %dma_start3A_501 = arith.constant 0 : i32
    %dma_start3A_502 = arith.constant 1 : i32
    %dma_start3A_503 = arith.constant 2 : i32
    %dma_start3A_504 = arith.constant 1 : i32
    %dma_start3A_505 = arith.constant 0 : i32
    %dma_start3A_506 = arith.constant 0 : i32
    %dma_start3A_507 = arith.constant 0 : i32
    %dma_start3A_508 = tpu.memref_slice %arg6[%dma_start3A_501, %dma_start3A_506, %dma_start3A_507] : memref<2x128x128xf32, #tpu.memory_space<vmem>> -> memref<1x128x128xf32, #tpu.memory_space<vmem>>
    %dma_start3A_509 = tpu.memref_squeeze %dma_start3A_508 : memref<1x128x128xf32, #tpu.memory_space<vmem>> -> memref<128x128xf32, #tpu.memory_space<vmem>>
    %dma_start3A_510 = arith.constant 0 : i32
    %dma_start3A_511 = tpu.memref_slice %arg5[%dma_start3A_502, %dma_start3A_503, %dma_start3A_504, %dma_start3A_510] : memref<2x4x2x128xi32, #tpu.memory_space<vmem>> -> memref<1x1x1x128xi32, #tpu.memory_space<vmem>>
    %dma_start3A_512 = tpu.memref_squeeze %dma_start3A_511 : memref<1x1x1x128xi32, #tpu.memory_space<vmem>> -> memref<128xi32, #tpu.memory_space<vmem>>
    %dma_start3A_513 = arith.constant 0 : i32
    %dma_start3A_514 = arith.constant 0 : i32
    %dma_start3A_515 = tpu.memref_slice %arg7[%dma_start3A_513, %dma_start3A_514] : memref<10016x128xf32, #tpu.memory_space<vmem_shared>> -> memref<10016x128xf32, #tpu.memory_space<vmem_shared>>
    %dma_start3A_516 = tpu.memref_slice %arg10[%dma_start3A_505] : memref<2x!tpu.dma_semaphore, #tpu.memory_space<semaphore_mem>> -> memref<1x!tpu.dma_semaphore, #tpu.memory_space<semaphore_mem>>
    %dma_start3A_517 = tpu.memref_squeeze %dma_start3A_516 : memref<1x!tpu.dma_semaphore, #tpu.memory_space<semaphore_mem>> -> memref<!tpu.dma_semaphore, #tpu.memory_space<semaphore_mem>>
    tpu.enqueue_indirect_dma source(%dma_start3A_509 : memref<128x128xf32, #tpu.memory_space<vmem>>) target(%dma_start3A_515 : memref<10016x128xf32, #tpu.memory_space<vmem_shared>>) offsets(%dma_start3A_512 : memref<128xi32, #tpu.memory_space<vmem>>) semaphore(%dma_start3A_517 : memref<!tpu.dma_semaphore, #tpu.memory_space<semaphore_mem>>) {add = true}
    %dma_wait3A_518 = arith.constant 0 : i32
    %dma_wait3A_519 = arith.constant 1 : i32
    %dma_wait3A_520 = arith.constant 2 : i32
    %dma_wait3A_521 = arith.constant 1 : i32
    %dma_wait3A_522 = arith.constant 0 : i32
    %dma_wait3A_523 = arith.constant 0 : i32
    %dma_wait3A_524 = arith.constant 0 : i32
    %dma_wait3A_525 = tpu.memref_slice %arg6[%dma_wait3A_518, %dma_wait3A_523, %dma_wait3A_524] : memref<2x128x128xf32, #tpu.memory_space<vmem>> -> memref<1x128x128xf32, #tpu.memory_space<vmem>>
    %dma_wait3A_526 = tpu.memref_squeeze %dma_wait3A_525 : memref<1x128x128xf32, #tpu.memory_space<vmem>> -> memref<128x128xf32, #tpu.memory_space<vmem>>
    %dma_wait3A_527 = arith.constant 0 : i32
    %dma_wait3A_528 = tpu.memref_slice %arg5[%dma_wait3A_519, %dma_wait3A_520, %dma_wait3A_521, %dma_wait3A_527] : memref<2x4x2x128xi32, #tpu.memory_space<vmem>> -> memref<1x1x1x128xi32, #tpu.memory_space<vmem>>
    %dma_wait3A_529 = tpu.memref_squeeze %dma_wait3A_528 : memref<1x1x1x128xi32, #tpu.memory_space<vmem>> -> memref<128xi32, #tpu.memory_space<vmem>>
    %dma_wait3A_530 = arith.constant 0 : i32
    %dma_wait3A_531 = arith.constant 0 : i32
    %dma_wait3A_532 = tpu.memref_slice %arg7[%dma_wait3A_530, %dma_wait3A_531] : memref<10016x128xf32, #tpu.memory_space<vmem_shared>> -> memref<10016x128xf32, #tpu.memory_space<vmem_shared>>
    %dma_wait3A_533 = tpu.memref_slice %arg10[%dma_wait3A_522] : memref<2x!tpu.dma_semaphore, #tpu.memory_space<semaphore_mem>> -> memref<1x!tpu.dma_semaphore, #tpu.memory_space<semaphore_mem>>
    %dma_wait3A_534 = tpu.memref_squeeze %dma_wait3A_533 : memref<1x!tpu.dma_semaphore, #tpu.memory_space<semaphore_mem>> -> memref<!tpu.dma_semaphore, #tpu.memory_space<semaphore_mem>>
    tpu.wait_indirect_dma semaphore(%dma_wait3A_534 : memref<!tpu.dma_semaphore, #tpu.memory_space<semaphore_mem>>) src(%dma_wait3A_526 : memref<128x128xf32, #tpu.memory_space<vmem>>) dst(%dma_wait3A_532 : memref<10016x128xf32, #tpu.memory_space<vmem_shared>>)
    %barrier3A_535 = arith.constant 0 : index
    tpu.barrier barrier_id(%barrier3A_535)
    %mul3A_536 = arith.constant 624 : i32
    %mul3A_537 = arith.muli %arg1, %mul3A_536 : i32
    %mul3A_538 = arith.constant 624 : i32
    %mul3A_539 = arith.muli %arg1, %mul3A_538 : i32
    "tpu.region"() ({
      %run_scoped3A_545 = tpu.sem_alloc : memref<!tpu.dma_semaphore, #tpu.memory_space<semaphore_mem>>
      %dma_start3A_546 = arith.constant 0 : i32
      %dma_start3A_547 = tpu.memref_slice %arg4[%arg0, %mul3A_539, %dma_start3A_546] : memref<2x10000x128xf32, #tpu.memory_space<hbm>> -> memref<1x624x128xf32, #tpu.memory_space<hbm>>
      %dma_start3A_548 = tpu.memref_squeeze %dma_start3A_547 : memref<1x624x128xf32, #tpu.memory_space<hbm>> -> memref<624x128xf32, #tpu.memory_space<hbm>>
      %dma_start3A_549 = arith.constant 0 : i32
      %dma_start3A_550 = tpu.memref_slice %arg7[%mul3A_537, %dma_start3A_549] : memref<10016x128xf32, #tpu.memory_space<vmem_shared>> -> memref<624x128xf32, #tpu.memory_space<vmem_shared>>
      tpu.enqueue_dma source(%dma_start3A_550 : memref<624x128xf32, #tpu.memory_space<vmem_shared>>) target(%dma_start3A_548 : memref<624x128xf32, #tpu.memory_space<hbm>>) target_semaphore(%run_scoped3A_545 : memref<!tpu.dma_semaphore, #tpu.memory_space<semaphore_mem>>)
      %dma_wait3A_551 = arith.constant 0 : i32
      %dma_wait3A_552 = tpu.memref_slice %arg4[%arg0, %mul3A_539, %dma_wait3A_551] : memref<2x10000x128xf32, #tpu.memory_space<hbm>> -> memref<1x624x128xf32, #tpu.memory_space<hbm>>
      %dma_wait3A_553 = tpu.memref_squeeze %dma_wait3A_552 : memref<1x624x128xf32, #tpu.memory_space<hbm>> -> memref<624x128xf32, #tpu.memory_space<hbm>>
      %dma_wait3A_554 = arith.constant 0 : i32
      %dma_wait3A_555 = tpu.memref_slice %arg7[%mul3A_537, %dma_wait3A_554] : memref<10016x128xf32, #tpu.memory_space<vmem_shared>> -> memref<624x128xf32, #tpu.memory_space<vmem_shared>>
      tpu.wait_dma2 semaphore(%run_scoped3A_545 : memref<!tpu.dma_semaphore, #tpu.memory_space<semaphore_mem>>) src(%dma_wait3A_555 : memref<624x128xf32, #tpu.memory_space<vmem_shared>>) dst(%dma_wait3A_553 : memref<624x128xf32, #tpu.memory_space<hbm>>)
      tpu.yield
    }) : () -> ()
    %eq3A_540 = arith.constant 0 : i32
    %eq3A_541 = arith.cmpi eq, %arg1, %eq3A_540 : i32
    %convert_element_type3A_542 = arith.extui %eq3A_541 : i1 to i32
    %cond3A_543 = arith.constant 0 : i32
    %cond3A_544 = arith.cmpi ne, %convert_element_type3A_542, %cond3A_543 : i32
    scf.if %cond3A_544 {
      "tpu.region"() ({
        %run_scoped3A_545 = tpu.sem_alloc : memref<!tpu.dma_semaphore, #tpu.memory_space<semaphore_mem>>
        %dma_start3A_546 = arith.constant 9984 : i32
        %dma_start3A_547 = arith.constant 0 : i32
        %dma_start3A_548 = tpu.memref_slice %arg4[%arg0, %dma_start3A_546, %dma_start3A_547] : memref<2x10000x128xf32, #tpu.memory_space<hbm>> -> memref<1x16x128xf32, #tpu.memory_space<hbm>>
        %dma_start3A_549 = tpu.memref_squeeze %dma_start3A_548 : memref<1x16x128xf32, #tpu.memory_space<hbm>> -> memref<16x128xf32, #tpu.memory_space<hbm>>
        %dma_start3A_550 = arith.constant 9984 : i32
        %dma_start3A_551 = arith.constant 0 : i32
        %dma_start3A_552 = tpu.memref_slice %arg7[%dma_start3A_550, %dma_start3A_551] : memref<10016x128xf32, #tpu.memory_space<vmem_shared>> -> memref<16x128xf32, #tpu.memory_space<vmem_shared>>
        tpu.enqueue_dma source(%dma_start3A_552 : memref<16x128xf32, #tpu.memory_space<vmem_shared>>) target(%dma_start3A_549 : memref<16x128xf32, #tpu.memory_space<hbm>>) target_semaphore(%run_scoped3A_545 : memref<!tpu.dma_semaphore, #tpu.memory_space<semaphore_mem>>)
        %dma_wait3A_553 = arith.constant 9984 : i32
        %dma_wait3A_554 = arith.constant 0 : i32
        %dma_wait3A_555 = tpu.memref_slice %arg4[%arg0, %dma_wait3A_553, %dma_wait3A_554] : memref<2x10000x128xf32, #tpu.memory_space<hbm>> -> memref<1x16x128xf32, #tpu.memory_space<hbm>>
        %dma_wait3A_556 = tpu.memref_squeeze %dma_wait3A_555 : memref<1x16x128xf32, #tpu.memory_space<hbm>> -> memref<16x128xf32, #tpu.memory_space<hbm>>
        %dma_wait3A_557 = arith.constant 9984 : i32
        %dma_wait3A_558 = arith.constant 0 : i32
        %dma_wait3A_559 = tpu.memref_slice %arg7[%dma_wait3A_557, %dma_wait3A_558] : memref<10016x128xf32, #tpu.memory_space<vmem_shared>> -> memref<16x128xf32, #tpu.memory_space<vmem_shared>>
        tpu.wait_dma2 semaphore(%run_scoped3A_545 : memref<!tpu.dma_semaphore, #tpu.memory_space<semaphore_mem>>) src(%dma_wait3A_559 : memref<16x128xf32, #tpu.memory_space<vmem_shared>>) dst(%dma_wait3A_556 : memref<16x128xf32, #tpu.memory_space<hbm>>)
        tpu.yield
      }) : () -> ()
    } else {
    }
    return
  }
}

module attributes {stable_mosaic.version = 14 : i64} {
  func.func @body(%arg0: i32, %arg1: memref<2000x128xf32, #tpu.memory_space<vmem>>, %arg2: memref<128x128xf32, #tpu.memory_space<vmem>>, %arg3: memref<1x128xf32, #tpu.memory_space<vmem>>, %arg4: memref<128x128xf32, #tpu.memory_space<vmem>>, %arg5: memref<2000x2xf32, #tpu.memory_space<vmem>>, %arg6: memref<2000x128xf32, #tpu.memory_space<vmem>>, %arg7: memref<2000x1xf32, #tpu.memory_space<vmem>>) attributes {dimension_semantics = [#tpu.dimension_semantics<arbitrary>], iteration_bounds = array<i64: 5>, scalar_prefetch = 0 : i64, scratch_operands = 0 : i64, tpu.core_type = #tpu.core_type<tc>, window_params = [{transform_indices = @transform_0, window_bounds = array<i64: 2000, 128>}, {pipeline_mode = #tpu.pipeline_mode<synchronous>, transform_indices = @transform_1, window_bounds = array<i64: 128, 128>}, {pipeline_mode = #tpu.pipeline_mode<synchronous>, transform_indices = @transform_2, window_bounds = array<i64: 1, 128>}, {pipeline_mode = #tpu.pipeline_mode<synchronous>, transform_indices = @transform_3, window_bounds = array<i64: 128, 128>}, {transform_indices = @transform_4, window_bounds = array<i64: 2000, 2>}, {transform_indices = @transform_5, window_bounds = array<i64: 2000, 128>}, {transform_indices = @transform_6, window_bounds = array<i64: 2000, 1>}]} {
    %get3A = arith.constant 0 : index
    %get3A_0 = arith.constant 0 : index
    %get3A_1 = vector.load %arg5[%get3A, %get3A_0] : memref<2000x2xf32, #tpu.memory_space<vmem>>, vector<2000x1xf32>
    %get3A_2 = arith.constant 0 : index
    %get3A_3 = arith.constant 1 : index
    %get3A_4 = vector.load %arg5[%get3A_2, %get3A_3] : memref<2000x2xf32, #tpu.memory_space<vmem>>, vector<2000x1xf32>
    %add3A = arith.addf %get3A_1, %get3A_4 : vector<2000x1xf32>
    %add3A_5 = arith.constant 1.000000e+00 : f32
    %add3A_6 = vector.broadcast %add3A_5 : f32 to vector<2000x1xf32>
    %add3A_7 = arith.addf %add3A, %add3A_6 : vector<2000x1xf32>
    %rsqrt3A = math.rsqrt %add3A_7 : vector<2000x1xf32>
    %get3A_8 = arith.constant 0 : index
    %get3A_9 = arith.constant 0 : index
    %get3A_10 = vector.load %arg1[%get3A_8, %get3A_9] : memref<2000x128xf32, #tpu.memory_space<vmem>>, vector<2000x128xf32>
    %get3A_11 = arith.constant 0 : index
    %get3A_12 = arith.constant 0 : index
    %get3A_13 = vector.load %arg2[%get3A_11, %get3A_12] : memref<128x128xf32, #tpu.memory_space<vmem>>, vector<128x128xf32>
    %dot_general3A = arith.constant dense<0.000000e+00> : vector<2000x128xf32>
    %dot_general3A_14 = tpu.matmul %get3A_10, %get3A_13, %dot_general3A {dimension_numbers = #tpu.dot_dimension_numbers<[1], [0], [0], [1], [0, 0, 1, 1], [], []>, transpose_lhs_hint = false} : vector<2000x128xf32>, vector<128x128xf32>, vector<2000x128xf32> -> vector<2000x128xf32>
    %get3A_15 = arith.constant 0 : index
    %get3A_16 = arith.constant 0 : index
    %get3A_17 = vector.load %arg3[%get3A_15, %get3A_16] : memref<1x128xf32, #tpu.memory_space<vmem>>, vector<1x128xf32>
    %add3A_18 = vector.broadcast %get3A_17 : vector<1x128xf32> to vector<2000x128xf32>
    %add3A_19 = arith.addf %dot_general3A_14, %add3A_18 : vector<2000x128xf32>
    %max3A = arith.constant 0.000000e+00 : f32
    %max3A_20 = vector.broadcast %max3A : f32 to vector<2000x128xf32>
    %max3A_21 = arith.maximumf %add3A_19, %max3A_20 : vector<2000x128xf32>
    %get3A_22 = arith.constant 0 : index
    %get3A_23 = arith.constant 0 : index
    %get3A_24 = vector.load %arg4[%get3A_22, %get3A_23] : memref<128x128xf32, #tpu.memory_space<vmem>>, vector<128x128xf32>
    %dot_general3A_25 = arith.constant dense<0.000000e+00> : vector<2000x128xf32>
    %dot_general3A_26 = tpu.matmul %max3A_21, %get3A_24, %dot_general3A_25 {dimension_numbers = #tpu.dot_dimension_numbers<[1], [0], [0], [1], [0, 0, 1, 1], [], []>, transpose_lhs_hint = false} : vector<2000x128xf32>, vector<128x128xf32>, vector<2000x128xf32> -> vector<2000x128xf32>
    %mul3A = vector.broadcast %rsqrt3A : vector<2000x1xf32> to vector<2000x128xf32>
    %mul3A_27 = arith.mulf %dot_general3A_26, %mul3A : vector<2000x128xf32>
    %swap3A = arith.constant 0 : index
    %swap3A_28 = arith.constant 0 : index
    %swap3A_29 = vector.load %arg6[%swap3A, %swap3A_28] : memref<2000x128xf32, #tpu.memory_space<vmem>>, vector<2000x128xf32>
    tpu.vector_store %arg6[%swap3A, %swap3A_28], %mul3A_27 {strides = array<i32>} : memref<2000x128xf32, #tpu.memory_space<vmem>>, vector<2000x128xf32>,
    %swap3A_30 = arith.constant 0 : index
    %swap3A_31 = arith.constant 0 : index
    %swap3A_32 = vector.load %arg7[%swap3A_30, %swap3A_31] : memref<2000x1xf32, #tpu.memory_space<vmem>>, vector<2000x1xf32>
    tpu.vector_store %arg7[%swap3A_30, %swap3A_31], %rsqrt3A {strides = array<i32>} : memref<2000x1xf32, #tpu.memory_space<vmem>>, vector<2000x1xf32>,
    return
  }
  func.func @transform_0(%arg0: i32) -> (i32, i32) {
    %c0_i32 = arith.constant 0 : i32
    %c0_i32_0 = arith.constant 0 : i32
    return %arg0, %c0_i32 : i32, i32
  }
  func.func @transform_1(%arg0: i32) -> (i32, i32) {
    %c0_i32 = arith.constant 0 : i32
    %c0_i32_0 = arith.constant 0 : i32
    %c0_i32_1 = arith.constant 0 : i32
    return %c0_i32, %c0_i32_0 : i32, i32
  }
  func.func @transform_2(%arg0: i32) -> (i32, i32) {
    %c0_i32 = arith.constant 0 : i32
    %c0_i32_0 = arith.constant 0 : i32
    %c0_i32_1 = arith.constant 0 : i32
    return %c0_i32, %c0_i32_0 : i32, i32
  }
  func.func @transform_3(%arg0: i32) -> (i32, i32) {
    %c0_i32 = arith.constant 0 : i32
    %c0_i32_0 = arith.constant 0 : i32
    %c0_i32_1 = arith.constant 0 : i32
    return %c0_i32, %c0_i32_0 : i32, i32
  }
  func.func @transform_4(%arg0: i32) -> (i32, i32) {
    %c0_i32 = arith.constant 0 : i32
    %c0_i32_0 = arith.constant 0 : i32
    return %arg0, %c0_i32 : i32, i32
  }
  func.func @transform_5(%arg0: i32) -> (i32, i32) {
    %c0_i32 = arith.constant 0 : i32
    %c0_i32_0 = arith.constant 0 : i32
    return %arg0, %c0_i32 : i32, i32
  }
  func.func @transform_6(%arg0: i32) -> (i32, i32) {
    %c0_i32 = arith.constant 0 : i32
    %c0_i32_0 = arith.constant 0 : i32
    return %arg0, %c0_i32 : i32, i32
  }
}

module attributes {stable_mosaic.version = 14 : i64} {
  func.func @body(%arg0: i32, %arg1: memref<2x2000x128xf32, #tpu.memory_space<vmem>>, %arg2: memref<2000x128xf32, #tpu.memory_space<vmem>>, %arg3: memref<2000x1xf32, #tpu.memory_space<vmem>>, %arg4: memref<1x128xf32, #tpu.memory_space<vmem>>, %arg5: memref<128x128xf32, #tpu.memory_space<vmem>>, %arg6: memref<2000x128xf32, #tpu.memory_space<vmem>>) attributes {dimension_semantics = [#tpu.dimension_semantics<arbitrary>], iteration_bounds = array<i64: 5>, scalar_prefetch = 0 : i64, scratch_operands = 0 : i64, tpu.core_type = #tpu.core_type<tc>, window_params = [{transform_indices = @transform_0, window_bounds = array<i64: 2, 2000, 128>}, {transform_indices = @transform_1, window_bounds = array<i64: 2000, 128>}, {transform_indices = @transform_2, window_bounds = array<i64: 2000, 1>}, {pipeline_mode = #tpu.pipeline_mode<synchronous>, transform_indices = @transform_3, window_bounds = array<i64: 1, 128>}, {pipeline_mode = #tpu.pipeline_mode<synchronous>, transform_indices = @transform_4, window_bounds = array<i64: 128, 128>}, {transform_indices = @transform_5, window_bounds = array<i64: 2000, 128>}]} {
    %get3A = arith.constant 0 : index
    %get3A_0 = arith.constant 0 : index
    %get3A_1 = vector.load %arg3[%get3A, %get3A_0] : memref<2000x1xf32, #tpu.memory_space<vmem>>, vector<2000x1xf32>
    %get3A_2 = arith.constant 0 : index
    %get3A_3 = arith.constant 0 : index
    %get3A_4 = arith.constant 0 : index
    %get3A_5 = vector.load %arg1[%get3A_2, %get3A_3, %get3A_4] : memref<2x2000x128xf32, #tpu.memory_space<vmem>>, vector<1x2000x128xf32>
    %get3A_6 = vector.shape_cast %get3A_5 : vector<1x2000x128xf32> to vector<2000x128xf32>
    %get3A_7 = arith.constant 1 : index
    %get3A_8 = arith.constant 0 : index
    %get3A_9 = arith.constant 0 : index
    %get3A_10 = vector.load %arg1[%get3A_7, %get3A_8, %get3A_9] : memref<2x2000x128xf32, #tpu.memory_space<vmem>>, vector<1x2000x128xf32>
    %get3A_11 = vector.shape_cast %get3A_10 : vector<1x2000x128xf32> to vector<2000x128xf32>
    %add3A = arith.addf %get3A_6, %get3A_11 : vector<2000x128xf32>
    %get3A_12 = arith.constant 0 : index
    %get3A_13 = arith.constant 0 : index
    %get3A_14 = vector.load %arg2[%get3A_12, %get3A_13] : memref<2000x128xf32, #tpu.memory_space<vmem>>, vector<2000x128xf32>
    %sub3A = arith.subf %add3A, %get3A_14 : vector<2000x128xf32>
    %mul3A = vector.broadcast %get3A_1 : vector<2000x1xf32> to vector<2000x128xf32>
    %mul3A_15 = arith.mulf %mul3A, %sub3A : vector<2000x128xf32>
    %get3A_16 = arith.constant 0 : index
    %get3A_17 = arith.constant 0 : index
    %get3A_18 = vector.load %arg4[%get3A_16, %get3A_17] : memref<1x128xf32, #tpu.memory_space<vmem>>, vector<1x128xf32>
    %add3A_19 = vector.broadcast %get3A_18 : vector<1x128xf32> to vector<2000x128xf32>
    %add3A_20 = arith.addf %mul3A_15, %add3A_19 : vector<2000x128xf32>
    %max3A = arith.constant 0.000000e+00 : f32
    %max3A_21 = vector.broadcast %max3A : f32 to vector<2000x128xf32>
    %max3A_22 = arith.maximumf %add3A_20, %max3A_21 : vector<2000x128xf32>
    %get3A_23 = arith.constant 0 : index
    %get3A_24 = arith.constant 0 : index
    %get3A_25 = vector.load %arg5[%get3A_23, %get3A_24] : memref<128x128xf32, #tpu.memory_space<vmem>>, vector<128x128xf32>
    %dot_general3A = arith.constant dense<0.000000e+00> : vector<2000x128xf32>
    %dot_general3A_26 = tpu.matmul %max3A_22, %get3A_25, %dot_general3A {dimension_numbers = #tpu.dot_dimension_numbers<[1], [0], [0], [1], [0, 0, 1, 1], [], []>, transpose_lhs_hint = false} : vector<2000x128xf32>, vector<128x128xf32>, vector<2000x128xf32> -> vector<2000x128xf32>
    %get3A_27 = arith.constant 0 : index
    %get3A_28 = arith.constant 0 : index
    %get3A_29 = vector.load %arg3[%get3A_27, %get3A_28] : memref<2000x1xf32, #tpu.memory_space<vmem>>, vector<2000x1xf32>
    %mul3A_30 = vector.broadcast %get3A_29 : vector<2000x1xf32> to vector<2000x128xf32>
    %mul3A_31 = arith.mulf %dot_general3A_26, %mul3A_30 : vector<2000x128xf32>
    %swap3A = arith.constant 0 : index
    %swap3A_32 = arith.constant 0 : index
    %swap3A_33 = vector.load %arg6[%swap3A, %swap3A_32] : memref<2000x128xf32, #tpu.memory_space<vmem>>, vector<2000x128xf32>
    tpu.vector_store %arg6[%swap3A, %swap3A_32], %mul3A_31 {strides = array<i32>} : memref<2000x128xf32, #tpu.memory_space<vmem>>, vector<2000x128xf32>,
    return
  }
  func.func @transform_0(%arg0: i32) -> (i32, i32, i32) {
    %c0_i32 = arith.constant 0 : i32
    %c0_i32_0 = arith.constant 0 : i32
    %c0_i32_1 = arith.constant 0 : i32
    return %c0_i32, %arg0, %c0_i32_0 : i32, i32, i32
  }
  func.func @transform_1(%arg0: i32) -> (i32, i32) {
    %c0_i32 = arith.constant 0 : i32
    %c0_i32_0 = arith.constant 0 : i32
    return %arg0, %c0_i32 : i32, i32
  }
  func.func @transform_2(%arg0: i32) -> (i32, i32) {
    %c0_i32 = arith.constant 0 : i32
    %c0_i32_0 = arith.constant 0 : i32
    return %arg0, %c0_i32 : i32, i32
  }
  func.func @transform_3(%arg0: i32) -> (i32, i32) {
    %c0_i32 = arith.constant 0 : i32
    %c0_i32_0 = arith.constant 0 : i32
    %c0_i32_1 = arith.constant 0 : i32
    return %c0_i32, %c0_i32_0 : i32, i32
  }
  func.func @transform_4(%arg0: i32) -> (i32, i32) {
    %c0_i32 = arith.constant 0 : i32
    %c0_i32_0 = arith.constant 0 : i32
    %c0_i32_1 = arith.constant 0 : i32
    return %c0_i32, %c0_i32_0 : i32, i32
  }
  func.func @transform_5(%arg0: i32) -> (i32, i32) {
    %c0_i32 = arith.constant 0 : i32
    %c0_i32_0 = arith.constant 0 : i32
    return %arg0, %c0_i32 : i32, i32
  }
}

module attributes {stable_mosaic.version = 14 : i64} {
  func.func @body(%arg0: i32, %arg1: memref<2x2000x128xf32, #tpu.memory_space<vmem>>, %arg2: memref<2000x128xf32, #tpu.memory_space<vmem>>, %arg3: memref<2000x1xf32, #tpu.memory_space<vmem>>, %arg4: memref<1x128xf32, #tpu.memory_space<vmem>>, %arg5: memref<2000x128xf32, #tpu.memory_space<vmem>>) attributes {dimension_semantics = [#tpu.dimension_semantics<arbitrary>], iteration_bounds = array<i64: 5>, scalar_prefetch = 0 : i64, scratch_operands = 0 : i64, tpu.core_type = #tpu.core_type<tc>, window_params = [{transform_indices = @transform_0, window_bounds = array<i64: 2, 2000, 128>}, {transform_indices = @transform_1, window_bounds = array<i64: 2000, 128>}, {transform_indices = @transform_2, window_bounds = array<i64: 2000, 1>}, {pipeline_mode = #tpu.pipeline_mode<synchronous>, transform_indices = @transform_3, window_bounds = array<i64: 1, 128>}, {transform_indices = @transform_4, window_bounds = array<i64: 2000, 128>}]} {
    %get3A = arith.constant 0 : index
    %get3A_0 = arith.constant 0 : index
    %get3A_1 = vector.load %arg3[%get3A, %get3A_0] : memref<2000x1xf32, #tpu.memory_space<vmem>>, vector<2000x1xf32>
    %get3A_2 = arith.constant 0 : index
    %get3A_3 = arith.constant 0 : index
    %get3A_4 = arith.constant 0 : index
    %get3A_5 = vector.load %arg1[%get3A_2, %get3A_3, %get3A_4] : memref<2x2000x128xf32, #tpu.memory_space<vmem>>, vector<1x2000x128xf32>
    %get3A_6 = vector.shape_cast %get3A_5 : vector<1x2000x128xf32> to vector<2000x128xf32>
    %get3A_7 = arith.constant 1 : index
    %get3A_8 = arith.constant 0 : index
    %get3A_9 = arith.constant 0 : index
    %get3A_10 = vector.load %arg1[%get3A_7, %get3A_8, %get3A_9] : memref<2x2000x128xf32, #tpu.memory_space<vmem>>, vector<1x2000x128xf32>
    %get3A_11 = vector.shape_cast %get3A_10 : vector<1x2000x128xf32> to vector<2000x128xf32>
    %add3A = arith.addf %get3A_6, %get3A_11 : vector<2000x128xf32>
    %get3A_12 = arith.constant 0 : index
    %get3A_13 = arith.constant 0 : index
    %get3A_14 = vector.load %arg2[%get3A_12, %get3A_13] : memref<2000x128xf32, #tpu.memory_space<vmem>>, vector<2000x128xf32>
    %sub3A = arith.subf %add3A, %get3A_14 : vector<2000x128xf32>
    %mul3A = vector.broadcast %get3A_1 : vector<2000x1xf32> to vector<2000x128xf32>
    %mul3A_15 = arith.mulf %mul3A, %sub3A : vector<2000x128xf32>
    %get3A_16 = arith.constant 0 : index
    %get3A_17 = arith.constant 0 : index
    %get3A_18 = vector.load %arg4[%get3A_16, %get3A_17] : memref<1x128xf32, #tpu.memory_space<vmem>>, vector<1x128xf32>
    %add3A_19 = vector.broadcast %get3A_18 : vector<1x128xf32> to vector<2000x128xf32>
    %add3A_20 = arith.addf %mul3A_15, %add3A_19 : vector<2000x128xf32>
    %swap3A = arith.constant 0 : index
    %swap3A_21 = arith.constant 0 : index
    %swap3A_22 = vector.load %arg5[%swap3A, %swap3A_21] : memref<2000x128xf32, #tpu.memory_space<vmem>>, vector<2000x128xf32>
    tpu.vector_store %arg5[%swap3A, %swap3A_21], %add3A_20 {strides = array<i32>} : memref<2000x128xf32, #tpu.memory_space<vmem>>, vector<2000x128xf32>,
    return
  }
  func.func @transform_0(%arg0: i32) -> (i32, i32, i32) {
    %c0_i32 = arith.constant 0 : i32
    %c0_i32_0 = arith.constant 0 : i32
    %c0_i32_1 = arith.constant 0 : i32
    return %c0_i32, %arg0, %c0_i32_0 : i32, i32, i32
  }
  func.func @transform_1(%arg0: i32) -> (i32, i32) {
    %c0_i32 = arith.constant 0 : i32
    %c0_i32_0 = arith.constant 0 : i32
    return %arg0, %c0_i32 : i32, i32
  }
  func.func @transform_2(%arg0: i32) -> (i32, i32) {
    %c0_i32 = arith.constant 0 : i32
    %c0_i32_0 = arith.constant 0 : i32
    return %arg0, %c0_i32 : i32, i32
  }
  func.func @transform_3(%arg0: i32) -> (i32, i32) {
    %c0_i32 = arith.constant 0 : i32
    %c0_i32_0 = arith.constant 0 : i32
    %c0_i32_1 = arith.constant 0 : i32
    return %c0_i32, %c0_i32_0 : i32, i32
  }
  func.func @transform_4(%arg0: i32) -> (i32, i32) {
    %c0_i32 = arith.constant 0 : i32
    %c0_i32_0 = arith.constant 0 : i32
    return %arg0, %c0_i32 : i32, i32
  }
}

</mosaic_0001>

<sc_bundles>
// kernel: kernel.11.cloned.1.call-start
scs
__scs_entry_jumppad:
0x0: {  	(pc) =	sbr.rel $0x88, $3  }
0x1: {  	(tag) =	ssettag $0x0;
	lr =	simm.s32 $0x1  }
0x2: {  	[smem:$0x3F99] =	sst lr;
	_ =	strace $0xD0000000  }
0x3: {  	_ = 	snop  }
0x4: {  	_ = 	snop  }
0x5: {  	_ = 	snop  }
0x6: {  	_ = 	snop  }
0x7: {  	_ = 	snop  }
__scs_overlays_trampoline_lowered:
0x8: {  	[smem:$0x3FA8] =	sst s0  }
0x9: {  	[smem:$0x3FA9] =	sst s1  }
0xa: {  	[smem:$0x3FAA] =	sst s2  }
0xb: {  	[smem:$0x3FAB] =	sst s3  }
0xc: {  	[smem:$0x3FAC] =	sst s4  }
0xd: {  	[smem:$0x3FAD] =	sst s5  }
0xe: {  	[smem:$0x3FAE] =	sst s6  }
0xf: {  	[smem:$0x3FAF] =	sst s7  }
0x10: {  	[smem:$0x3FB0] =	sst s8  }
0x11: {  	[smem:$0x3FB1] =	sst s9;
	s0 =	simm.s32 @!p0 $0x0  }
0x12: {  	s1 =	sld [smem:$0x3F97];
	s0 =	simm.s32 @p0 $0x1  }
0x13: {  	[smem:$0x3FB2] =	sst s0;
	s0 =	simm.s32 @!p1 $0x0  }
0x14: {  	s2 =	sld [smem:$0x3F96];
	s0 =	simm.s32 @p1 $0x1  }
0x15: {  	[smem:$0x3FB3] =	sst s0;
	s0 =	simm.s32 @!p2 $0x0  }
0x16: {  	s3 =	sld [smem:$0x3FDB];
	s0 =	simm.s32 @p2 $0x1  }
0x17: {  	s4 =	simm.s32 $0x1BF5;
	[smem:$0x3FB5] =	sst s0  }
0x18: {  	s0 =	sld [smem:$0x3F98];
	_ =	swait.ge [sflag:s4], $0x0  }
0x19: {  	s7 =	sld [smem:$0x3F99]  }
0x1a: {  	s8 =	sadd.s32 $0xFFFFE003, lr  }
0x1b: {  	s9 =	sadd.s32 $0xFFFFFEF7, lr;
	s5 =	simm.s32 $0xFFFFFFFF;
	p2 =	slt.u32 s8, $0xFFFFF086  }
0x1c: {  	p1 =	slt.u32 s9, $0xF7A;
	s5 =	simm.s32 @!p2 $0x0  }
0x1d: {  	s5 =	simm.s32 @p1 $0x1;
	p0 =	seq.s32 s7, s2  }
0x1e: {  	s7 =	smul.u32 @!p0 $0xF7A, s2;
	p2 =	seq.s32 @!p0 s5, $0x0  }
0x1f: {  	s9 =	smul.u32 $0xF7A, s1;
	s8 =	simm.s32 @!p0 $0x1BF5;
	p2 =	por !p2, p0  }
0x20: {  	[sflag:s8] =	ssyncset.s32 @!p0 $0xFFFFF086;
	s6 =	sadd.s32 @!p0 s3, s7;
	s7 =	simm.s32 @!p0 $0x108  }
0x21: {  	s3 =	sadd.s32 s3, s9;
	s6 =	sadd.s32 @!p0 $0x88, s6;
	s7 =	simm.s32 @p2 $0x1082  }
0x22: {  	[simem:s7], [sflag:s8] =	dma.local @!p0 [hbm:s6], $0xF7A  }
0x23: {  	s9 =	sor.u32 $0xD0000000, s2;
	s6 =	simm.s32 $0x108;
	_ =	swait.ge @!p0 [sflag:s8], $0x0  }
0x24: {  	s3 =	sadd.s32 $0x88, s3;
	s6 =	simm.s32 @!p1 $0x1082;
	[sflag:s4] =	ssyncset.s32 $0xFFFFF086  }
0x25: {  	[simem:s6], [sflag:s4] =	dma.local [hbm:s3], $0xF7A  }
0x26: {  	[smem:$0x3F99] =	sst s1;
	(tag) =	ssettag s2;
	_ =	strace s9  }
0x27: {  	s1 =	sld [smem:$0x3FA9]  }
0x28: {  	s2 =	sld [smem:$0x3FAA]  }
0x29: {  	s4 =	sld [smem:$0x3FAC]  }
0x2a: {  	p0 =	seq.s32 s5, $0x0;
	s5 =	sld [smem:$0x3FAD]  }
0x2b: {  	s6 =	sld [smem:$0x3FAE]  }
0x2c: {  	s7 =	sld [smem:$0x3FAF]  }
0x2d: {  	s3 =	simm.s32 $0x108;
	s8 =	sld [smem:$0x3FB0]  }
0x2e: {  	s3 =	simm.s32 @!p0 $0x1082;
	s9 =	sld [smem:$0x3FB1]  }
0x2f: {  	lr =	sadd.s32 s0, s3;
	s0 =	sld [smem:$0x3FA8]  }
0x30: {  	s3 =	sld [smem:$0x3FAB]  }
0x31: {  	[smem:$0x3FB4] =	sst s10  }
0x32: {  	s10 =	sld [smem:$0x3FB2];
	_ =	sdelay $0x3  }
0x33: {  	p0 =	seq.s32 s10, $0x1;
	s10 =	sld [smem:$0x3FB4];
	_ =	sdelay $0x3  }
0x34: {  	[smem:$0x3FB4] =	sst s10  }
0x35: {  	s10 =	sld [smem:$0x3FB3];
	_ =	sdelay $0x3  }
0x36: {  	p1 =	seq.s32 s10, $0x1;
	s10 =	sld [smem:$0x3FB4];
	_ =	sdelay $0x3  }
0x37: {  	[smem:$0x3FB4] =	sst s10  }
0x38: {  	s10 =	sld [smem:$0x3FB5]  }
0x39: {  	_ = 	snop;
	(pc) =	sbr.ind lr, $3  }
0x3a: {  	_ = 	snop  }
0x3b: {  	_ = 	snop  }
0x3c: {  	p2 =	seq.s32 s10, $0x1;
	s10 =	sld [smem:$0x3FB4]  }
0x3d: {  	_ =	shalt  }
0x3e: {  	_ =	shalt  }
0x3f: {  	_ =	shalt  }
0x40: {  	_ =	shalt  }
0x41: {  	_ =	shalt  }
0x42: {  	_ =	shalt  }
0x43: {  	_ =	shalt  }
0x44: {  	_ =	shalt  }
0x45: {  	_ =	shalt  }
0x46: {  	_ =	shalt  }
0x47: {  	_ =	shalt  }
0x48: {  	_ =	shalt  }
0x49: {  	_ =	shalt  }
0x4a: {  	_ =	shalt  }
0x4b: {  	_ =	shalt  }
0x4c: {  	_ =	shalt  }
0x4d: {  	_ =	shalt  }
0x4e: {  	_ =	shalt  }
0x4f: {  	_ =	shalt  }
0x50: {  	_ =	shalt  }
0x51: {  	_ =	shalt  }
0x52: {  	_ =	shalt  }
0x53: {  	_ =	shalt  }
0x54: {  	_ =	shalt  }
0x55: {  	_ =	shalt  }
0x56: {  	_ =	shalt  }
0x57: {  	_ =	shalt  }
0x58: {  	_ =	shalt  }
0x59: {  	_ =	shalt  }
0x5a: {  	_ =	shalt  }
0x5b: {  	_ =	shalt  }
0x5c: {  	_ =	shalt  }
0x5d: {  	_ =	shalt  }
0x5e: {  	_ =	shalt  }
0x5f: {  	_ =	shalt  }
0x60: {  	_ =	shalt  }
0x61: {  	_ =	shalt  }
0x62: {  	_ =	shalt  }
0x63: {  	_ =	shalt  }
0x64: {  	_ =	shalt  }
0x65: {  	_ =	shalt  }
0x66: {  	_ =	shalt  }
0x67: {  	_ =	shalt  }
0x68: {  	_ =	shalt  }
0x69: {  	_ =	shalt  }
0x6a: {  	_ =	shalt  }
0x6b: {  	_ =	shalt  }
0x6c: {  	_ =	shalt  }
0x6d: {  	_ =	shalt  }
0x6e: {  	_ =	shalt  }
0x6f: {  	_ =	shalt  }
0x70: {  	_ =	shalt  }
0x71: {  	_ =	shalt  }
0x72: {  	_ =	shalt  }
0x73: {  	_ =	shalt  }
0x74: {  	_ =	shalt  }
0x75: {  	_ =	shalt  }
0x76: {  	_ =	shalt  }
0x77: {  	_ =	shalt  }
0x78: {  	_ =	shalt  }
0x79: {  	_ =	shalt  }
0x7a: {  	_ =	shalt  }
0x7b: {  	_ =	shalt  }
0x7c: {  	_ =	shalt  }
0x7d: {  	_ =	shalt  }
0x7e: {  	_ =	shalt  }
0x7f: {  	_ =	shalt  }
0x80: {  	_ =	shalt  }
0x81: {  	_ =	shalt  }
0x82: {  	_ =	shalt  }
0x83: {  	_ =	shalt  }
0x84: {  	_ =	shalt  }
0x85: {  	_ =	shalt  }
0x86: {  	_ =	shalt  }
0x87: {  	_ =	shalt  }
.Lfunc_end0:
.L_simem_size_0:
called_computation.1_lowered:
.L_overlay_start_0:
0x88: {  	s2 =	sld [smem:$0x3FD9]  }
0x89: {  	s3 =	sld [smem:$0x3FFE];
	_ =	sdelay $0x1  }
0x8a: {  	s1 =	srdreg.scid  }
0x8b: {  	s0 =	sand.u32 $0x1, s1  }
0x8c: {  	s17 =	sshll.u32 s0, $0xA;
	s2 =	sadd.s32 s3, s2  }
0x8d: {  	s2 =	sadd.s32 s2, s17  }
0x8e: {  	[smem:$0x3FC0] =	sst s2  }
0x8f: {  	_ = 	snop  }
0x90: {  	s2 =	sld [smem:$0x3FD0];
	(tm) =	ssettm $0x1  }
0x91: {  	s18 =	sld [smem:$0x3FFB];
	_ =	sdelay $0x3  }
0x92: {  	_ =	strace s18  }
0x93: {  	s3 =	sld [smem:$0x3FFC];
	_ =	sdelay $0x3  }
0x94: {  	_ =	strace s3  }
0x95: {  	s3 =	sld [smem:$0x3FFD];
	_ =	sdelay $0x3  }
0x96: {  	_ =	strace s3  }
0x97: {  	_ =	strace $0x8FFFFFFF  }
0x98: {  	s19 =	sld [smem:$0x3FDB];
	_ =	sdelay $0x1  }
0x99: {  	s4 =	simm.s32 $_scs_section_size  }
0x9a: {  	s5 =	simm.s32 $_size__tile_overlayer_lowered;
	s6 =	simm.s32 $_tile_overlayer_lowered  }
0x9b: {  	s22 =	simm.s32 $0x1BFF;
	s21 =	sshll.u32 s6, $0x1;
	s3 =	sadd.s32 s4, s19  }
0x9c: {  	s7 =	simm.s32 $0x0;
	s20 =	sshll.u32 s5, $0x1;
	s5 =	sadd.s32 s21, s3  }
0x9d: {  	[timem:s7], [sflag:s22] =	dma.local [hbm:s5], s20  }
0x9e: {  	_ =	swait.ge [sflag:s22], s20  }
0x9f: {  	s4 =	ssub.s32 $0x0, s20;
	[sflag:s22] =	ssyncset.done $0x0  }
0xa0: {  	[sflag:s22] =	ssyncadd.s32 s4;
	_ =	sdelay $0x1  }
0xa1: {  	s23 =	simm.s32 $0x1B8B  }
0xa2: {  	_ =	swait.ge [sflag:s23], $0x1  }
0xa3: {  	[sflag:s23] =	ssyncset.done $0x0  }
0xa4: {  	s25 =	simm.s32 $0x1B8E;
	s24 =	sld [smem:$0x3FFE];
	[sflag:s23] =	ssyncadd.s32 $0xFFFFFFFF  }
0xa5: {  	s26 =	simm.s32 $execute0_lowered;
	[smem:$0x3FD2] =	sst s25  }
0xa6: {  	s5 =	sshll.u32 s26, $0x1;
	_ =	strace $0x80000049;
	[dreg:$0x1] =	wrdreg $0xFFFFFFFF  }
0xa7: {  	s28 =	simm.s32 $_size_execute0_lowered;
	s3 =	sadd.s32 s3, s5;
	[dreg:$0x0] =	wrdreg $0x0  }
0xa8: {  	s5 =	sshll.u32 s28, $0x1;
	[dreg:$0x2] =	wrdreg s3  }
0xa9: {  	[dreg:$0x3] =	wrdreg s5  }
0xaa: {  	[dreg:$0x4] =	wrdreg $0xC0  }
0xab: {  	_ =	task [dreg:s7], $0x5FFFF  }
0xac: {  	[dreg:$0x1] =	wrdreg $0xFFFFFFFF  }
0xad: {  	[dreg:$0x0] =	wrdreg $0x60  }
0xae: {  	[dreg:$0x2] =	wrdreg s2  }
0xaf: {  	[dreg:$0x3] =	wrdreg s24  }
0xb0: {  	[dreg:$0x4] =	wrdreg $0x88000  }
0xb1: {  	[dreg:$0x5] =	wrdreg $0x9  }
0xb2: {  	_ =	task.clear_ibuf [dreg:s7], $0x6FFFF;
	_ =	strace $0x90000049  }
0xb3: {  	s29 =	simm.s32 $0x9;
	_ =	strace $0x8000004B  }
0xb4: {  	_ =	swait.ge [sflag:s29], $0x1  }
0xb5: {  	[sflag:s29] =	ssyncadd.s32 $0xFFFFFFFF  }
0xb6: {  	_ =	strace $0x9000004B  }
0xb7: {  	_ =	sfence  }
0xb8: {  	s30 =	sld [smem:$0x0];
	_ =	sdelay $0x2  }
0xb9: {  	s31 =	sshll.u32 s1, $0xD;
	s1 =	sshrl.u32 s1, $0x2  }
0xba: {  	s3 =	sand.u32 $0x4000, s31;
	s1 =	sadd.s32 s1, s30  }
0xbb: {  	s0 =	sor.u32 s3, s0;
	s1 =	sshll.u32 s1, $0x11  }
0xbc: {  	s0 =	sor.u32 s1, s0  }
0xbd: {  	s0 =	sadd.s32 $0x8F2B, s0  }
0xbe: {  	[sflag:s0] =	ssyncadd.remote.s32 $0x1  }
0xbf: {  	_ =	sfence.sel $0xFFFF  }
0xc0: {  	[dreg:$0x0] =	wrdreg $0xFFFFFFFF;
	(pc) =	sbr.abs _section_cstart, $3  }
0xc1: {  	[dreg:$0x1] =	wrdreg $0xFFFFFFFF  }
0xc2: {  	_ =	task.clear_ibuf [dreg:s7], $0x2FFFF;
	_ =	strace $0x9FFFFFFF  }
0xc3: {  	(tm) =	ssettm $0x7FFFFFFF  }
tec
execute0_lowered:
.L_overlay_start_1:
0x0: {  	(tag) =	ssettag $0x1  }
0x1: {  	s1 =	rddreg [dreg:$0x0]  }
0x2: {  	s0 =	rddreg [dreg:$0x1]  }
0x3: {  	s2 =	rddreg [dreg:$0x2]  }
0x4: {  	s3 =	srdreg.scid;
	s5 =	stileid.u32;
	s18 =	simm.s32 $0x7  }
0x5: {  	s14 =	simm.s32 $0x80;
	s15 =	simm.s32 $0x800;
	s28 =	simm.s32 $0x300  }
0x6: {  	s29 =	simm.s32 $0x280;
	s30 =	simm.s32 $0x4;
	s31 =	simm.s32 $0x380  }
0x7: {  	s4 =	sand.u32 $0x1, s3;
	s3 =	simm.s32 $0x0;
	s9 =	smul.u32 $0x4E000, s5  }
0x8: {  	s7 =	sadd.s32 $0x3400, s0;
	s0 =	sadd.s32 $0x17400, s0;
	s11 =	smul.u32 $0x13800, s5  }
0x9: {  	s12 =	smul.u32 $0x5000, s5;
	s13 =	sadd.s32 $0x27000, s1;
	p0 =	sne.s32 s5, $0x0  }
0xa: {  	s26 =	sshll.u32 s5, $0x6;
	s6 =	sshll.u32 s4, $0x4;
	s20 =	smul.u32 $0x138800, s4  }
0xb: {  	[smem:$0x7FF] =	sst s3;
	s8 =	ssub.s32 $0x2, s4;
	s4 =	smul.u32 $0x50000, s4  }
0xc: {  	s16 =	sor.u32 $0x1C07, s26;
	s26 =	simm.s32 $0x6;
	s6 =	sor.u32 s5, s6  }
0xd: {  	_ =	strace $0x8000004A;
	s10 =	sshrl.u32 s8, $0x1;
	s9 =	sshrl.u32 s9, $0x2  }
0xe: {  	s21 =	sshrl.u32 s11, $0x3;
	[dreg:$0x8] =	wrdreg s13;
	s13 =	simm.s32 $0x400  }
0xf: {  	s5 =	simm.s32 $0x480;
	[dreg:$0xc] =	wrdreg s16;
	s6 =	smul.u32 $0x5000, s6  }
0x10: {  	s8 =	ssub.s32 s8, s10;
	s9 =	sadd.s32 s9, s2;
	s11 =	sadd.s32 s11, s20  }
0x11: {  	s4 =	sadd.s32 s12, s4;
	s12 =	simm.s32 $0x0;
	s11 =	sshrl.u32 s11, $0x3  }
0x12: {  	s22 =	sor.u32 $0xC00, s4;
	s4 =	sor.u32 $0x800, s4;
	s25 =	smax.u32 s8, $0x1  }
0x13: {  	s17 =	sshrl.u32 s9, $0x3;
	s8 =	simm.s32 $0x680;
	s9 =	simm.s32 $0x3  }
0x14: {  	[dreg:$0xf] =	wrdreg s12;
	s6 =	sshrl.u32 s6, $0x3;
	s11 =	sadd.s32 s0, s11  }
0x15: {  	s23 =	sshrl.u32 s22, $0x3;
	s4 =	sshrl.u32 s4, $0x3;
	[dreg:$0xb] =	wrdreg s25  }
0x16: {  	s22 =	simm.s32 $0x5;
	s25 =	simm.s32 $0x180;
	[dreg:$0xd] =	wrdreg s17  }
0x17: {  	s19 =	sadd.s32 s7, s6;
	[dreg:$0x9] =	wrdreg s11;
	s6 =	sshrl.u32 s20, $0x3  }
0x18: {  	s24 =	sadd.s32 s23, s7;
	s11 =	sadd.s32 s4, s7;
	s20 =	simm.s32 $0x4800  }
0x19: {  	s23 =	simm.s32 $0x200;
	s7 =	simm.s32 $0x580;
	s4 =	simm.s32 $0x700  }
0x1a: {  	[dreg:$0x5] =	wrdreg s19;
	s10 =	sadd.s32 $0x80, s19;
	s0 =	sadd.s32 s0, s6  }
0x1b: {  	[dreg:$0x4] =	wrdreg s24;
	s19 =	simm.s32 $0x100;
	s24 =	simm.s32 $0x2  }
0x1c: {  	s6 =	simm.s32 $0x600;
	[dreg:$0x6] =	wrdreg s10;
	s10 =	sadd.s32 s1, s21  }
0x1d: {  	s0 =	sadd.s32 $0x27000, s0;
	[dreg:$0x7] =	wrdreg s10;
	s10 =	sadd.s32 $0x138000, s2  }
0x1e: {  	s21 =	simm.s32 $0x1;
	[dreg:$0xa] =	wrdreg s0;
	s0 =	sshrl.u32 @!p0 s10, $0x3  }
0x1f: {  	s10 =	simm.s32 $0x780;
	[dreg:$0xe] =	wrdreg s0;
	s0 =	simm.s32 $0x500  }
.LBB2_1:
0x20: {  	s12 =	rddreg [dreg:$0x5]  }
0x21: {  	[tilespmem:s3], [sflag:$0x7] =	stream.linear.gather [hbm4b:s12+s3], $0x400, $0x38;
	[tilespmem:$0x1C100] =	vst v63  }
0x22: {  	_ =	swait.ge [sflag:s18], $0x400  }
0x23: {  	[sflag:s18] =	ssyncset.done $0x0  }
0x24: {  	s12 =	rddreg [dreg:$0x6];
	[sflag:s18] =	ssyncadd.s32 $0xFFFFFC00  }
0x25: {  	[tilespmem:s13], [sflag:$0x4] =	stream.linear.gather [hbm4b:s12+s3], $0x400, $0x38;
	[tilespmem:$0x1C100] =	vst v63  }
0x26: {  	s12 =	rddreg [dreg:$0x7]  }
0x27: {  	[tilespmem:s15], [sflag:$0x1] =	stream.indirect.gather [hbm4b:s1+s14], $0x80, s3, s14, $0xb8;
	[tilespmem:$0x1C100] =	vst v63  }
0x28: {  	[spmem:s17], [sflag:s16] =	dma.local [hbm:s12], $0x2700  }
0x29: {  	_ =	swait.ge [sflag:s18], $0x2700  }
0x2a: {  	[sflag:s18] =	ssyncset.done $0x0;
	s12 =	rddreg [dreg:$0x8]  }
0x2b: {  	s17 =	rddreg [dreg:$0xe];
	[sflag:s18] =	ssyncadd.s32 $0xFFFFD900  }
0x2c: {  	[spmem:s17], [sflag:s16] =	dma.local @!p0 [hbm:s12], $0x100  }
0x2d: {  	s16 =	simm.s32 @!p0 $0x7  }
0x2e: {  	_ =	swait.ge @!p0 [sflag:s16], $0x100  }
0x2f: {  	[sflag:s16] =	ssyncset.done @!p0 $0x0  }
0x30: {  	[sflag:s16] =	ssyncadd.s32 @!p0 $0xFFFFFF00  }
0x31: {  	[bflag:$0x0] =	sbarrier.arrive $0xFFFF  }
0x32: {  	[tilespmem:s20], [sflag:$0x2] =	stream.indirect.gather [hbm4b:s1+s14], $0x80, s19, s14, $0xb8;
	[tilespmem:$0x1C100] =	vst v63  }
0x33: {  	_ =	swait.ge [sflag:s21], $0x4000  }
0x34: {  	[sflag:s21] =	ssyncset.done $0x0  }
0x35: {  	[sflag:s21] =	ssyncadd.s32 $0xFFFFC000  }
0x36: {  	[spmem:s2] =	stream.indirect.scatter.add.f32 [tilespmem:s15], [sflag:$0x5], $0x80, s14, s14, $0xb8;
	[tilespmem:$0x1C100] =	vst v63  }
0x37: {  	_ =	swait.ge [sflag:s22], $0x4000  }
0x38: {  	[sflag:s22] =	ssyncset.done $0x0  }
0x39: {  	[sflag:s22] =	ssyncadd.s32 $0xFFFFC000  }
0x3a: {  	[tilespmem:s15], [sflag:$0x1] =	stream.indirect.gather [hbm4b:s1+s14], $0x80, s23, s14, $0xb8;
	[tilespmem:$0x1C100] =	vst v63  }
0x3b: {  	_ =	swait.ge [sflag:s24], $0x4000  }
0x3c: {  	[sflag:s24] =	ssyncset.done $0x0  }
0x3d: {  	[sflag:s24] =	ssyncadd.s32 $0xFFFFC000  }
0x3e: {  	[spmem:s2] =	stream.indirect.scatter.add.f32 [tilespmem:s20], [sflag:$0x6], $0x80, s25, s14, $0xb8;
	[tilespmem:$0x1C100] =	vst v63  }
0x3f: {  	_ =	swait.ge [sflag:s26], $0x4000  }
0x40: {  	[sflag:s26] =	ssyncset.done $0x0  }
0x41: {  	[sflag:s26] =	ssyncadd.s32 $0xFFFFC000  }
0x42: {  	[tilespmem:s20], [sflag:$0x2] =	stream.indirect.gather [hbm4b:s1+s14], $0x80, s28, s14, $0xb8;
	[tilespmem:$0x1C100] =	vst v63  }
0x43: {  	_ =	swait.ge [sflag:s21], $0x4000  }
0x44: {  	[sflag:s21] =	ssyncset.done $0x0  }
0x45: {  	[sflag:s21] =	ssyncadd.s32 $0xFFFFC000  }
0x46: {  	[spmem:s2] =	stream.indirect.scatter.add.f32 [tilespmem:s15], [sflag:$0x5], $0x80, s29, s14, $0xb8;
	[tilespmem:$0x1C100] =	vst v63  }
0x47: {  	_ =	swait.ge [sflag:s22], $0x4000  }
0x48: {  	[sflag:s22] =	ssyncset.done $0x0  }
0x49: {  	[sflag:s22] =	ssyncadd.s32 $0xFFFFC000  }
0x4a: {  	_ =	swait.ge [sflag:s30], $0x400  }
0x4b: {  	[sflag:s30] =	ssyncset.done $0x0  }
0x4c: {  	[sflag:s30] =	ssyncadd.s32 $0xFFFFFC00  }
0x4d: {  	[tilespmem:s15], [sflag:$0x1] =	stream.indirect.gather [hbm4b:s1+s14], $0x80, s13, s14, $0xb8;
	[tilespmem:$0x1C100] =	vst v63  }
0x4e: {  	_ =	swait.ge [sflag:s24], $0x4000  }
0x4f: {  	[sflag:s24] =	ssyncset.done $0x0  }
0x50: {  	[sflag:s24] =	ssyncadd.s32 $0xFFFFC000  }
0x51: {  	[spmem:s2] =	stream.indirect.scatter.add.f32 [tilespmem:s20], [sflag:$0x6], $0x80, s31, s14, $0xb8;
	[tilespmem:$0x1C100] =	vst v63  }
0x52: {  	_ =	swait.ge [sflag:s26], $0x4000  }
0x53: {  	[sflag:s26] =	ssyncset.done $0x0  }
0x54: {  	s17 =	sadd.s32 $0x0, s11;
	[sflag:s26] =	ssyncadd.s32 $0xFFFFC000  }
0x55: {  	[tilespmem:s3], [sflag:$0x3] =	stream.linear.gather [hbm4b:s17+s3], $0x400, $0x38;
	[tilespmem:$0x1C100] =	vst v63  }
0x56: {  	_ = 	snop  }
0x57: {  	[tilespmem:s20], [sflag:$0x2] =	stream.indirect.gather [hbm4b:s1+s14], $0x80, s0, s14, $0xb8;
	[tilespmem:$0x1C100] =	vst v63  }
0x58: {  	_ =	swait.ge [sflag:s21], $0x4000  }
0x59: {  	[sflag:s21] =	ssyncset.done $0x0  }
0x5a: {  	[sflag:s21] =	ssyncadd.s32 $0xFFFFC000  }
0x5b: {  	[spmem:s2] =	stream.indirect.scatter.add.f32 [tilespmem:s15], [sflag:$0x5], $0x80, s5, s14, $0xb8;
	[tilespmem:$0x1C100] =	vst v63  }
0x5c: {  	_ =	swait.ge [sflag:s22], $0x4000  }
0x5d: {  	[sflag:s22] =	ssyncset.done $0x0  }
0x5e: {  	[sflag:s22] =	ssyncadd.s32 $0xFFFFC000  }
0x5f: {  	[tilespmem:s15], [sflag:$0x1] =	stream.indirect.gather [hbm4b:s1+s14], $0x80, s6, s14, $0xb8;
	[tilespmem:$0x1C100] =	vst v63  }
0x60: {  	_ =	swait.ge [sflag:s24], $0x4000  }
0x61: {  	[sflag:s24] =	ssyncset.done $0x0  }
0x62: {  	[sflag:s24] =	ssyncadd.s32 $0xFFFFC000  }
0x63: {  	[spmem:s2] =	stream.indirect.scatter.add.f32 [tilespmem:s20], [sflag:$0x6], $0x80, s7, s14, $0xb8;
	[tilespmem:$0x1C100] =	vst v63  }
0x64: {  	_ =	swait.ge [sflag:s26], $0x4000  }
0x65: {  	[sflag:s26] =	ssyncset.done $0x0  }
0x66: {  	[sflag:s26] =	ssyncadd.s32 $0xFFFFC000  }
0x67: {  	[tilespmem:s20], [sflag:$0x2] =	stream.indirect.gather [hbm4b:s1+s14], $0x80, s4, s14, $0xb8;
	[tilespmem:$0x1C100] =	vst v63  }
0x68: {  	_ =	swait.ge [sflag:s21], $0x4000  }
0x69: {  	[sflag:s21] =	ssyncset.done $0x0  }
0x6a: {  	[sflag:s21] =	ssyncadd.s32 $0xFFFFC000  }
0x6b: {  	[spmem:s2] =	stream.indirect.scatter.add.f32 [tilespmem:s15], [sflag:$0x5], $0x80, s8, s14, $0xb8;
	[tilespmem:$0x1C100] =	vst v63  }
0x6c: {  	_ =	swait.ge [sflag:s22], $0x4000  }
0x6d: {  	[sflag:s22] =	ssyncset.done $0x0  }
0x6e: {  	[sflag:s22] =	ssyncadd.s32 $0xFFFFC000  }
0x6f: {  	_ =	swait.ge [sflag:s9], $0x400  }
0x70: {  	[sflag:s9] =	ssyncset.done $0x0  }
0x71: {  	[sflag:s9] =	ssyncadd.s32 $0xFFFFFC00  }
0x72: {  	[tilespmem:s15], [sflag:$0x1] =	stream.indirect.gather [hbm4b:s1+s14], $0x80, s3, s14, $0xb8;
	[tilespmem:$0x1C100] =	vst v63  }
0x73: {  	_ =	swait.ge [sflag:s24], $0x4000  }
0x74: {  	[sflag:s24] =	ssyncset.done $0x0  }
0x75: {  	[sflag:s24] =	ssyncadd.s32 $0xFFFFC000  }
0x76: {  	[spmem:s2] =	stream.indirect.scatter.add.f32 [tilespmem:s20], [sflag:$0x6], $0x80, s10, s14, $0xb8;
	[tilespmem:$0x1C100] =	vst v63  }
0x77: {  	_ =	swait.ge [sflag:s26], $0x4000  }
0x78: {  	s18 =	rddreg [dreg:$0x4];
	[sflag:s26] =	ssyncset.done $0x0  }
0x79: {  	[sflag:s26] =	ssyncadd.s32 $0xFFFFC000;
	s16 =	sadd.s32 $0x0, s18  }
0x7a: {  	[tilespmem:s13], [sflag:$0x4] =	stream.linear.gather [hbm4b:s16+s3], $0x400, $0x38;
	[tilespmem:$0x1C100] =	vst v63  }
0x7b: {  	_ = 	snop  }
0x7c: {  	[tilespmem:s20], [sflag:$0x2] =	stream.indirect.gather [hbm4b:s1+s14], $0x80, s19, s14, $0xb8;
	[tilespmem:$0x1C100] =	vst v63  }
0x7d: {  	_ =	swait.ge [sflag:s21], $0x4000  }
0x7e: {  	[sflag:s21] =	ssyncset.done $0x0  }
0x7f: {  	[sflag:s21] =	ssyncadd.s32 $0xFFFFC000  }
0x80: {  	[spmem:s2] =	stream.indirect.scatter.add.f32 [tilespmem:s15], [sflag:$0x5], $0x80, s14, s14, $0xb8;
	[tilespmem:$0x1C100] =	vst v63  }
0x81: {  	_ =	swait.ge [sflag:s22], $0x4000  }
0x82: {  	[sflag:s22] =	ssyncset.done $0x0  }
0x83: {  	[sflag:s22] =	ssyncadd.s32 $0xFFFFC000  }
0x84: {  	[tilespmem:s15], [sflag:$0x1] =	stream.indirect.gather [hbm4b:s1+s14], $0x80, s23, s14, $0xb8;
	[tilespmem:$0x1C100] =	vst v63  }
0x85: {  	_ =	swait.ge [sflag:s24], $0x4000  }
0x86: {  	[sflag:s24] =	ssyncset.done $0x0  }
0x87: {  	[sflag:s24] =	ssyncadd.s32 $0xFFFFC000  }
0x88: {  	[spmem:s2] =	stream.indirect.scatter.add.f32 [tilespmem:s20], [sflag:$0x6], $0x80, s25, s14, $0xb8;
	[tilespmem:$0x1C100] =	vst v63  }
0x89: {  	_ =	swait.ge [sflag:s26], $0x4000  }
0x8a: {  	[sflag:s26] =	ssyncset.done $0x0  }
0x8b: {  	[sflag:s26] =	ssyncadd.s32 $0xFFFFC000  }
0x8c: {  	[tilespmem:s20], [sflag:$0x2] =	stream.indirect.gather [hbm4b:s1+s14], $0x80, s28, s14, $0xb8;
	[tilespmem:$0x1C100] =	vst v63  }
0x8d: {  	_ =	swait.ge [sflag:s21], $0x4000  }
0x8e: {  	[sflag:s21] =	ssyncset.done $0x0  }
0x8f: {  	[sflag:s21] =	ssyncadd.s32 $0xFFFFC000  }
0x90: {  	[spmem:s2] =	stream.indirect.scatter.add.f32 [tilespmem:s15], [sflag:$0x5], $0x80, s29, s14, $0xb8;
	[tilespmem:$0x1C100] =	vst v63  }
0x91: {  	_ =	swait.ge [sflag:s22], $0x4000  }
0x92: {  	[sflag:s22] =	ssyncset.done $0x0  }
0x93: {  	[sflag:s22] =	ssyncadd.s32 $0xFFFFC000  }
0x94: {  	_ =	swait.ge [sflag:s30], $0x400  }
0x95: {  	[sflag:s30] =	ssyncset.done $0x0  }
0x96: {  	[sflag:s30] =	ssyncadd.s32 $0xFFFFFC00  }
0x97: {  	[tilespmem:s15], [sflag:$0x1] =	stream.indirect.gather [hbm4b:s1+s14], $0x80, s13, s14, $0xb8;
	[tilespmem:$0x1C100] =	vst v63  }
0x98: {  	_ =	swait.ge [sflag:s24], $0x4000  }
0x99: {  	[sflag:s24] =	ssyncset.done $0x0  }
0x9a: {  	s18 =	simm.s32 $0x100;
	[sflag:s24] =	ssyncadd.s32 $0xFFFFC000  }
.LBB2_2:
0x9b: {  	[spmem:s2] =	stream.indirect.scatter.add.f32 [tilespmem:s20], [sflag:$0x6], $0x80, s31, s14, $0xb8;
	[tilespmem:$0x1C100] =	vst v63  }
0x9c: {  	_ =	swait.ge [sflag:s26], $0x4000  }
0x9d: {  	s16 =	smov.u32 s18;
	[sflag:s26] =	ssyncset.done $0x0  }
0x9e: {  	s12 =	sadd.s32 s16, s11;
	[sflag:s26] =	ssyncadd.s32 $0xFFFFC000  }
0x9f: {  	[tilespmem:s3], [sflag:$0x3] =	stream.linear.gather [hbm4b:s12+s3], $0x400, $0x38;
	[tilespmem:$0x1C100] =	vst v63  }
0xa0: {  	_ = 	snop  }
0xa1: {  	[tilespmem:s20], [sflag:$0x2] =	stream.indirect.gather [hbm4b:s1+s14], $0x80, s0, s14, $0xb8;
	[tilespmem:$0x1C100] =	vst v63  }
0xa2: {  	_ =	swait.ge [sflag:s21], $0x4000  }
0xa3: {  	[sflag:s21] =	ssyncset.done $0x0  }
0xa4: {  	[sflag:s21] =	ssyncadd.s32 $0xFFFFC000  }
0xa5: {  	[spmem:s2] =	stream.indirect.scatter.add.f32 [tilespmem:s15], [sflag:$0x5], $0x80, s5, s14, $0xb8;
	[tilespmem:$0x1C100] =	vst v63  }
0xa6: {  	_ =	swait.ge [sflag:s22], $0x4000  }
0xa7: {  	[sflag:s22] =	ssyncset.done $0x0  }
0xa8: {  	[sflag:s22] =	ssyncadd.s32 $0xFFFFC000  }
0xa9: {  	[tilespmem:s15], [sflag:$0x1] =	stream.indirect.gather [hbm4b:s1+s14], $0x80, s6, s14, $0xb8;
	[tilespmem:$0x1C100] =	vst v63  }
0xaa: {  	_ =	swait.ge [sflag:s24], $0x4000  }
0xab: {  	[sflag:s24] =	ssyncset.done $0x0  }
0xac: {  	[sflag:s24] =	ssyncadd.s32 $0xFFFFC000  }
0xad: {  	[spmem:s2] =	stream.indirect.scatter.add.f32 [tilespmem:s20], [sflag:$0x6], $0x80, s7, s14, $0xb8;
	[tilespmem:$0x1C100] =	vst v63  }
0xae: {  	_ =	swait.ge [sflag:s26], $0x4000  }
0xaf: {  	[sflag:s26] =	ssyncset.done $0x0  }
0xb0: {  	[sflag:s26] =	ssyncadd.s32 $0xFFFFC000  }
0xb1: {  	[tilespmem:s20], [sflag:$0x2] =	stream.indirect.gather [hbm4b:s1+s14], $0x80, s4, s14, $0xb8;
	[tilespmem:$0x1C100] =	vst v63  }
0xb2: {  	_ =	swait.ge [sflag:s21], $0x4000  }
0xb3: {  	[sflag:s21] =	ssyncset.done $0x0  }
0xb4: {  	[sflag:s21] =	ssyncadd.s32 $0xFFFFC000  }
0xb5: {  	[spmem:s2] =	stream.indirect.scatter.add.f32 [tilespmem:s15], [sflag:$0x5], $0x80, s8, s14, $0xb8;
	[tilespmem:$0x1C100] =	vst v63  }
0xb6: {  	_ =	swait.ge [sflag:s22], $0x4000  }
0xb7: {  	[sflag:s22] =	ssyncset.done $0x0  }
0xb8: {  	[sflag:s22] =	ssyncadd.s32 $0xFFFFC000  }
0xb9: {  	_ =	swait.ge [sflag:s9], $0x400  }
0xba: {  	[sflag:s9] =	ssyncset.done $0x0  }
0xbb: {  	[sflag:s9] =	ssyncadd.s32 $0xFFFFFC00  }
0xbc: {  	[tilespmem:s15], [sflag:$0x1] =	stream.indirect.gather [hbm4b:s1+s14], $0x80, s3, s14, $0xb8;
	[tilespmem:$0x1C100] =	vst v63  }
0xbd: {  	_ =	swait.ge [sflag:s24], $0x4000  }
0xbe: {  	[sflag:s24] =	ssyncset.done $0x0  }
0xbf: {  	[sflag:s24] =	ssyncadd.s32 $0xFFFFC000  }
0xc0: {  	[spmem:s2] =	stream.indirect.scatter.add.f32 [tilespmem:s20], [sflag:$0x6], $0x80, s10, s14, $0xb8;
	[tilespmem:$0x1C100] =	vst v63  }
0xc1: {  	_ =	swait.ge [sflag:s26], $0x4000  }
0xc2: {  	s17 =	rddreg [dreg:$0x4];
	[sflag:s26] =	ssyncset.done $0x0  }
0xc3: {  	[sflag:s26] =	ssyncadd.s32 $0xFFFFC000;
	s12 =	sadd.s32 s16, s17  }
0xc4: {  	[tilespmem:s13], [sflag:$0x4] =	stream.linear.gather [hbm4b:s12+s3], $0x400, $0x38;
	[tilespmem:$0x1C100] =	vst v63  }
0xc5: {  	_ = 	snop  }
0xc6: {  	[tilespmem:s20], [sflag:$0x2] =	stream.indirect.gather [hbm4b:s1+s14], $0x80, s19, s14, $0xb8;
	[tilespmem:$0x1C100] =	vst v63  }
0xc7: {  	_ =	swait.ge [sflag:s21], $0x4000  }
0xc8: {  	[sflag:s21] =	ssyncset.done $0x0  }
0xc9: {  	[sflag:s21] =	ssyncadd.s32 $0xFFFFC000  }
0xca: {  	[spmem:s2] =	stream.indirect.scatter.add.f32 [tilespmem:s15], [sflag:$0x5], $0x80, s14, s14, $0xb8;
	[tilespmem:$0x1C100] =	vst v63  }
0xcb: {  	_ =	swait.ge [sflag:s22], $0x4000  }
0xcc: {  	[sflag:s22] =	ssyncset.done $0x0  }
0xcd: {  	[sflag:s22] =	ssyncadd.s32 $0xFFFFC000  }
0xce: {  	[tilespmem:s15], [sflag:$0x1] =	stream.indirect.gather [hbm4b:s1+s14], $0x80, s23, s14, $0xb8;
	[tilespmem:$0x1C100] =	vst v63  }
0xcf: {  	_ =	swait.ge [sflag:s24], $0x4000  }
0xd0: {  	[sflag:s24] =	ssyncset.done $0x0  }
0xd1: {  	[sflag:s24] =	ssyncadd.s32 $0xFFFFC000  }
0xd2: {  	[spmem:s2] =	stream.indirect.scatter.add.f32 [tilespmem:s20], [sflag:$0x6], $0x80, s25, s14, $0xb8;
	[tilespmem:$0x1C100] =	vst v63  }
0xd3: {  	_ =	swait.ge [sflag:s26], $0x4000  }
0xd4: {  	[sflag:s26] =	ssyncset.done $0x0  }
0xd5: {  	[sflag:s26] =	ssyncadd.s32 $0xFFFFC000  }
0xd6: {  	[tilespmem:s20], [sflag:$0x2] =	stream.indirect.gather [hbm4b:s1+s14], $0x80, s28, s14, $0xb8;
	[tilespmem:$0x1C100] =	vst v63  }
0xd7: {  	_ =	swait.ge [sflag:s21], $0x4000  }
0xd8: {  	[sflag:s21] =	ssyncset.done $0x0  }
0xd9: {  	[sflag:s21] =	ssyncadd.s32 $0xFFFFC000  }
0xda: {  	[spmem:s2] =	stream.indirect.scatter.add.f32 [tilespmem:s15], [sflag:$0x5], $0x80, s29, s14, $0xb8;
	[tilespmem:$0x1C100] =	vst v63  }
0xdb: {  	_ =	swait.ge [sflag:s22], $0x4000  }
0xdc: {  	[sflag:s22] =	ssyncset.done $0x0  }
0xdd: {  	[sflag:s22] =	ssyncadd.s32 $0xFFFFC000  }
0xde: {  	_ =	swait.ge [sflag:s30], $0x400  }
0xdf: {  	p1 =	sne.s32 s18, $0x800;
	[sflag:s30] =	ssyncset.done $0x0  }
.Ltmp0:
0xe0: {  	[sflag:s30] =	ssyncadd.s32 $0xFFFFFC00;
	(pc) =	sbr.rel @p1 .LBB2_2-.Ltmp0, $4  }
0xe1: {  	[tilespmem:s15], [sflag:$0x1] =	stream.indirect.gather [hbm4b:s1+s14], $0x80, s13, s14, $0xb8;
	[tilespmem:$0x1C100] =	vst v63  }
0xe2: {  	_ =	swait.ge [sflag:s24], $0x4000  }
0xe3: {  	[sflag:s24] =	ssyncset.done $0x0  }
0xe4: {  	s18 =	sadd.s32 $0x100, s18;
	[sflag:s24] =	ssyncadd.s32 $0xFFFFC000  }
0xe5: {  	[spmem:s2] =	stream.indirect.scatter.add.f32 [tilespmem:s20], [sflag:$0x6], $0x80, s31, s14, $0xb8;
	[tilespmem:$0x1C100] =	vst v63  }
0xe6: {  	_ =	swait.ge [sflag:s26], $0x4000  }
0xe7: {  	[sflag:s26] =	ssyncset.done $0x0  }
0xe8: {  	[sflag:s26] =	ssyncadd.s32 $0xFFFFC000  }
0xe9: {  	[tilespmem:s20], [sflag:$0x2] =	stream.indirect.gather [hbm4b:s1+s14], $0x80, s0, s14, $0xb8;
	[tilespmem:$0x1C100] =	vst v63  }
0xea: {  	_ =	swait.ge [sflag:s21], $0x4000  }
0xeb: {  	[sflag:s21] =	ssyncset.done $0x0  }
0xec: {  	[sflag:s21] =	ssyncadd.s32 $0xFFFFC000  }
0xed: {  	[spmem:s2] =	stream.indirect.scatter.add.f32 [tilespmem:s15], [sflag:$0x5], $0x80, s5, s14, $0xb8;
	[tilespmem:$0x1C100] =	vst v63  }
0xee: {  	_ =	swait.ge [sflag:s22], $0x4000  }
0xef: {  	[sflag:s22] =	ssyncset.done $0x0  }
0xf0: {  	[sflag:s22] =	ssyncadd.s32 $0xFFFFC000  }
0xf1: {  	[tilespmem:s15], [sflag:$0x1] =	stream.indirect.gather [hbm4b:s1+s14], $0x80, s6, s14, $0xb8;
	[tilespmem:$0x1C100] =	vst v63  }
0xf2: {  	_ =	swait.ge [sflag:s24], $0x4000  }
0xf3: {  	[sflag:s24] =	ssyncset.done $0x0  }
0xf4: {  	[sflag:s24] =	ssyncadd.s32 $0xFFFFC000  }
0xf5: {  	[spmem:s2] =	stream.indirect.scatter.add.f32 [tilespmem:s20], [sflag:$0x6], $0x80, s7, s14, $0xb8;
	[tilespmem:$0x1C100] =	vst v63  }
0xf6: {  	_ =	swait.ge [sflag:s26], $0x4000  }
0xf7: {  	[sflag:s26] =	ssyncset.done $0x0  }
0xf8: {  	[sflag:s26] =	ssyncadd.s32 $0xFFFFC000  }
0xf9: {  	_ =	swait.ge [sflag:s21], $0x4000  }
0xfa: {  	[sflag:s21] =	ssyncset.done $0x0  }
0xfb: {  	[sflag:s21] =	ssyncadd.s32 $0xFFFFC000  }
0xfc: {  	[spmem:s2] =	stream.indirect.scatter.add.f32 [tilespmem:s15], [sflag:$0x5], $0x80, s8, s14, $0xb8;
	[tilespmem:$0x1C100] =	vst v63  }
0xfd: {  	_ =	swait.ge [sflag:s22], $0x4000  }
0xfe: {  	[sflag:s22] =	ssyncset.done $0x0  }
0xff: {  	[sflag:s22] =	ssyncadd.s32 $0xFFFFC000  }
0x100: {  	[bflag:$0x0] =	sbarrier.arrive $0xFFFF  }
0x101: {  	s12 =	rddreg [dreg:$0x9]  }
0x102: {  	s17 =	rddreg [dreg:$0xc]  }
0x103: {  	s18 =	simm.s32 $0x7;
	s16 =	rddreg [dreg:$0xd]  }
0x104: {  	[hbm:s12], [sflag:s17] =	dma.local [spmem:s16], $0x2700  }
0x105: {  	_ =	swait.ge [sflag:s18], $0x2700  }
0x106: {  	[sflag:s18] =	ssyncset.done $0x0;
	s12 =	rddreg [dreg:$0xa]  }
0x107: {  	s16 =	rddreg [dreg:$0xe];
	[sflag:s18] =	ssyncadd.s32 $0xFFFFD900  }
0x108: {  	[hbm:s12], [sflag:s17] =	dma.local @!p0 [spmem:s16], $0x100  }
0x109: {  	s16 =	simm.s32 @!p0 $0x7  }
0x10a: {  	_ =	swait.ge @!p0 [sflag:s16], $0x100  }
0x10b: {  	s12 =	rddreg [dreg:$0xf]  }
0x10c: {  	[sflag:s16] =	ssyncset.done @!p0 $0x0;
	s16 =	rddreg [dreg:$0xb];
	s12 =	sadd.s32 $0x1, s12  }
0x10d: {  	p1 =	sne.s32 s12, s16  }
.Ltmp1:
0x10e: {  	_ = 	snop;
	(pc) =	sbr.rel @p1 .LBB2_1-.Ltmp1, $3  }
0x10f: {  	_ =	sdelay $0x1  }
0x110: {  	[dreg:$0xf] =	wrdreg s12;
	s12 =	simm.s32 @!p0 $0x7  }
0x111: {  	s16 =	smov.u32 s17;
	s17 =	rddreg [dreg:$0xd];
	[sflag:s12] =	ssyncadd.s32 @!p0 $0xFFFFFF00  }
0x112: {  	_ =	sfence.sel $0x180000  }
0x113: {  	[bflag:$0x0] =	sbarrier.arrive $0xFFFF  }
0x114: {  	_ =	strace $0x9000004A  }
0x115: {  	[bflag:$0x2] =	sbarrier.arrive $0xFFFF  }
0x116: {  	s0 =	rddreg [dreg:$0x3]  }
0x117: {  	s0 =	sadd.s32 @!p0 $0x100000, s0  }
0x118: {  	[sflag:s0] =	ssyncadd.tile.s32 @!p0 $0x1;
	_ =	shalt  }
.Lfunc_end2:
_tile_overlayer_lowered:
.L_overlay_start_2:
0x119: {  	(tag) =	ssettag $0x2  }
0x11a: {  	s0 =	rddreg [dreg:$0x0];
	s2 =	stileid.u32  }
0x11b: {  	s1 =	rddreg [dreg:$0x1];
	p0 =	sne.s32 s2, $0x0  }
0x11c: {  	s3 =	rddreg [dreg:$0x2];
	[bflag:$0x3] =	sbarrier.arrive $0xFFFF;
	s2 =	simm.s32 @!p0 $0x1C07  }
0x11d: {  	[timem:s3], [sflag:s2] =	dma.local @!p0 [hbm:s0], s1  }
0x11e: {  	s0 =	simm.s32 @!p0 $0x7  }
0x11f: {  	_ =	swait.ge @!p0 [sflag:s0], s1  }
0x120: {  	s1 =	ssub.s32 @!p0 $0x0, s1;
	[sflag:s0] =	ssyncset.done @!p0 $0x0  }
0x121: {  	[sflag:s0] =	ssyncadd.s32 @!p0 s1  }
0x122: {  	[bflag:$0x3] =	sbarrier.arrive $0xFFFF  }
0x123: {  	_ =	shalt  }

// kernel: kernel.14.cloned.1.call-start
scs
__scs_entry_jumppad:
0x0: {  	(pc) =	sbr.rel $0x88, $3  }
0x1: {  	(tag) =	ssettag $0x0;
	lr =	simm.s32 $0x1  }
0x2: {  	[smem:$0x3F99] =	sst lr;
	_ =	strace $0xD0000000  }
0x3: {  	_ = 	snop  }
0x4: {  	_ = 	snop  }
0x5: {  	_ = 	snop  }
0x6: {  	_ = 	snop  }
0x7: {  	_ = 	snop  }
__scs_overlays_trampoline_lowered:
0x8: {  	[smem:$0x3FA8] =	sst s0  }
0x9: {  	[smem:$0x3FA9] =	sst s1  }
0xa: {  	[smem:$0x3FAA] =	sst s2  }
0xb: {  	[smem:$0x3FAB] =	sst s3  }
0xc: {  	[smem:$0x3FAC] =	sst s4  }
0xd: {  	[smem:$0x3FAD] =	sst s5  }
0xe: {  	[smem:$0x3FAE] =	sst s6  }
0xf: {  	[smem:$0x3FAF] =	sst s7  }
0x10: {  	[smem:$0x3FB0] =	sst s8  }
0x11: {  	[smem:$0x3FB1] =	sst s9;
	s0 =	simm.s32 @!p0 $0x0  }
0x12: {  	s1 =	sld [smem:$0x3F97];
	s0 =	simm.s32 @p0 $0x1  }
0x13: {  	[smem:$0x3FB2] =	sst s0;
	s0 =	simm.s32 @!p1 $0x0  }
0x14: {  	s2 =	sld [smem:$0x3F96];
	s0 =	simm.s32 @p1 $0x1  }
0x15: {  	[smem:$0x3FB3] =	sst s0;
	s0 =	simm.s32 @!p2 $0x0  }
0x16: {  	s3 =	sld [smem:$0x3FDB];
	s0 =	simm.s32 @p2 $0x1  }
0x17: {  	s4 =	simm.s32 $0x1BF5;
	[smem:$0x3FB5] =	sst s0  }
0x18: {  	s0 =	sld [smem:$0x3F98];
	_ =	swait.ge [sflag:s4], $0x0  }
0x19: {  	s7 =	sld [smem:$0x3F99]  }
0x1a: {  	s8 =	sadd.s32 $0xFFFFE003, lr  }
0x1b: {  	s9 =	sadd.s32 $0xFFFFFEF7, lr;
	s5 =	simm.s32 $0xFFFFFFFF;
	p2 =	slt.u32 s8, $0xFFFFF086  }
0x1c: {  	p1 =	slt.u32 s9, $0xF7A;
	s5 =	simm.s32 @!p2 $0x0  }
0x1d: {  	s5 =	simm.s32 @p1 $0x1;
	p0 =	seq.s32 s7, s2  }
0x1e: {  	s7 =	smul.u32 @!p0 $0xF7A, s2;
	p2 =	seq.s32 @!p0 s5, $0x0  }
0x1f: {  	s9 =	smul.u32 $0xF7A, s1;
	s8 =	simm.s32 @!p0 $0x1BF5;
	p2 =	por !p2, p0  }
0x20: {  	[sflag:s8] =	ssyncset.s32 @!p0 $0xFFFFF086;
	s6 =	sadd.s32 @!p0 s3, s7;
	s7 =	simm.s32 @!p0 $0x108  }
0x21: {  	s3 =	sadd.s32 s3, s9;
	s6 =	sadd.s32 @!p0 $0x88, s6;
	s7 =	simm.s32 @p2 $0x1082  }
0x22: {  	[simem:s7], [sflag:s8] =	dma.local @!p0 [hbm:s6], $0xF7A  }
0x23: {  	s9 =	sor.u32 $0xD0000000, s2;
	s6 =	simm.s32 $0x108;
	_ =	swait.ge @!p0 [sflag:s8], $0x0  }
0x24: {  	s3 =	sadd.s32 $0x88, s3;
	s6 =	simm.s32 @!p1 $0x1082;
	[sflag:s4] =	ssyncset.s32 $0xFFFFF086  }
0x25: {  	[simem:s6], [sflag:s4] =	dma.local [hbm:s3], $0xF7A  }
0x26: {  	[smem:$0x3F99] =	sst s1;
	(tag) =	ssettag s2;
	_ =	strace s9  }
0x27: {  	s1 =	sld [smem:$0x3FA9]  }
0x28: {  	s2 =	sld [smem:$0x3FAA]  }
0x29: {  	s4 =	sld [smem:$0x3FAC]  }
0x2a: {  	p0 =	seq.s32 s5, $0x0;
	s5 =	sld [smem:$0x3FAD]  }
0x2b: {  	s6 =	sld [smem:$0x3FAE]  }
0x2c: {  	s7 =	sld [smem:$0x3FAF]  }
0x2d: {  	s3 =	simm.s32 $0x108;
	s8 =	sld [smem:$0x3FB0]  }
0x2e: {  	s3 =	simm.s32 @!p0 $0x1082;
	s9 =	sld [smem:$0x3FB1]  }
0x2f: {  	lr =	sadd.s32 s0, s3;
	s0 =	sld [smem:$0x3FA8]  }
0x30: {  	s3 =	sld [smem:$0x3FAB]  }
0x31: {  	[smem:$0x3FB4] =	sst s10  }
0x32: {  	s10 =	sld [smem:$0x3FB2];
	_ =	sdelay $0x3  }
0x33: {  	p0 =	seq.s32 s10, $0x1;
	s10 =	sld [smem:$0x3FB4];
	_ =	sdelay $0x3  }
0x34: {  	[smem:$0x3FB4] =	sst s10  }
0x35: {  	s10 =	sld [smem:$0x3FB3];
	_ =	sdelay $0x3  }
0x36: {  	p1 =	seq.s32 s10, $0x1;
	s10 =	sld [smem:$0x3FB4];
	_ =	sdelay $0x3  }
0x37: {  	[smem:$0x3FB4] =	sst s10  }
0x38: {  	s10 =	sld [smem:$0x3FB5]  }
0x39: {  	_ = 	snop;
	(pc) =	sbr.ind lr, $3  }
0x3a: {  	_ = 	snop  }
0x3b: {  	_ = 	snop  }
0x3c: {  	p2 =	seq.s32 s10, $0x1;
	s10 =	sld [smem:$0x3FB4]  }
0x3d: {  	_ =	shalt  }
0x3e: {  	_ =	shalt  }
0x3f: {  	_ =	shalt  }
0x40: {  	_ =	shalt  }
0x41: {  	_ =	shalt  }
0x42: {  	_ =	shalt  }
0x43: {  	_ =	shalt  }
0x44: {  	_ =	shalt  }
0x45: {  	_ =	shalt  }
0x46: {  	_ =	shalt  }
0x47: {  	_ =	shalt  }
0x48: {  	_ =	shalt  }
0x49: {  	_ =	shalt  }
0x4a: {  	_ =	shalt  }
0x4b: {  	_ =	shalt  }
0x4c: {  	_ =	shalt  }
0x4d: {  	_ =	shalt  }
0x4e: {  	_ =	shalt  }
0x4f: {  	_ =	shalt  }
0x50: {  	_ =	shalt  }
0x51: {  	_ =	shalt  }
0x52: {  	_ =	shalt  }
0x53: {  	_ =	shalt  }
0x54: {  	_ =	shalt  }
0x55: {  	_ =	shalt  }
0x56: {  	_ =	shalt  }
0x57: {  	_ =	shalt  }
0x58: {  	_ =	shalt  }
0x59: {  	_ =	shalt  }
0x5a: {  	_ =	shalt  }
0x5b: {  	_ =	shalt  }
0x5c: {  	_ =	shalt  }
0x5d: {  	_ =	shalt  }
0x5e: {  	_ =	shalt  }
0x5f: {  	_ =	shalt  }
0x60: {  	_ =	shalt  }
0x61: {  	_ =	shalt  }
0x62: {  	_ =	shalt  }
0x63: {  	_ =	shalt  }
0x64: {  	_ =	shalt  }
0x65: {  	_ =	shalt  }
0x66: {  	_ =	shalt  }
0x67: {  	_ =	shalt  }
0x68: {  	_ =	shalt  }
0x69: {  	_ =	shalt  }
0x6a: {  	_ =	shalt  }
0x6b: {  	_ =	shalt  }
0x6c: {  	_ =	shalt  }
0x6d: {  	_ =	shalt  }
0x6e: {  	_ =	shalt  }
0x6f: {  	_ =	shalt  }
0x70: {  	_ =	shalt  }
0x71: {  	_ =	shalt  }
0x72: {  	_ =	shalt  }
0x73: {  	_ =	shalt  }
0x74: {  	_ =	shalt  }
0x75: {  	_ =	shalt  }
0x76: {  	_ =	shalt  }
0x77: {  	_ =	shalt  }
0x78: {  	_ =	shalt  }
0x79: {  	_ =	shalt  }
0x7a: {  	_ =	shalt  }
0x7b: {  	_ =	shalt  }
0x7c: {  	_ =	shalt  }
0x7d: {  	_ =	shalt  }
0x7e: {  	_ =	shalt  }
0x7f: {  	_ =	shalt  }
0x80: {  	_ =	shalt  }
0x81: {  	_ =	shalt  }
0x82: {  	_ =	shalt  }
0x83: {  	_ =	shalt  }
0x84: {  	_ =	shalt  }
0x85: {  	_ =	shalt  }
0x86: {  	_ =	shalt  }
0x87: {  	_ =	shalt  }
.Lfunc_end0:
.L_simem_size_0:
called_computation.2_lowered:
.L_overlay_start_0:
0x88: {  	s2 =	sld [smem:$0x3FD9]  }
0x89: {  	s3 =	sld [smem:$0x3FFE];
	_ =	sdelay $0x1  }
0x8a: {  	s1 =	srdreg.scid  }
0x8b: {  	s0 =	sand.u32 $0x1, s1  }
0x8c: {  	s17 =	sshll.u32 s0, $0xA;
	s2 =	sadd.s32 s3, s2  }
0x8d: {  	s2 =	sadd.s32 s2, s17  }
0x8e: {  	[smem:$0x3FC0] =	sst s2  }
0x8f: {  	_ = 	snop  }
0x90: {  	s2 =	sld [smem:$0x3FD0];
	(tm) =	ssettm $0x1  }
0x91: {  	s18 =	sld [smem:$0x3FFB];
	_ =	sdelay $0x3  }
0x92: {  	_ =	strace s18  }
0x93: {  	s3 =	sld [smem:$0x3FFC];
	_ =	sdelay $0x3  }
0x94: {  	_ =	strace s3  }
0x95: {  	s3 =	sld [smem:$0x3FFD];
	_ =	sdelay $0x3  }
0x96: {  	_ =	strace s3  }
0x97: {  	_ =	strace $0x8FFFFFFF  }
0x98: {  	s19 =	sld [smem:$0x3FDB];
	_ =	sdelay $0x1  }
0x99: {  	s4 =	simm.s32 $_scs_section_size  }
0x9a: {  	s5 =	simm.s32 $_size__tile_overlayer_lowered;
	s6 =	simm.s32 $_tile_overlayer_lowered  }
0x9b: {  	s22 =	simm.s32 $0x1BFF;
	s21 =	sshll.u32 s6, $0x1;
	s3 =	sadd.s32 s4, s19  }
0x9c: {  	s7 =	simm.s32 $0x0;
	s20 =	sshll.u32 s5, $0x1;
	s5 =	sadd.s32 s21, s3  }
0x9d: {  	[timem:s7], [sflag:s22] =	dma.local [hbm:s5], s20  }
0x9e: {  	_ =	swait.ge [sflag:s22], s20  }
0x9f: {  	s4 =	ssub.s32 $0x0, s20;
	[sflag:s22] =	ssyncset.done $0x0  }
0xa0: {  	[sflag:s22] =	ssyncadd.s32 s4;
	_ =	sdelay $0x1  }
0xa1: {  	s23 =	simm.s32 $0x1B8B  }
0xa2: {  	_ =	swait.ge [sflag:s23], $0x1  }
0xa3: {  	[sflag:s23] =	ssyncset.done $0x0  }
0xa4: {  	s25 =	simm.s32 $0x1B8E;
	s24 =	sld [smem:$0x3FFE];
	[sflag:s23] =	ssyncadd.s32 $0xFFFFFFFF  }
0xa5: {  	s26 =	simm.s32 $execute0_lowered;
	[smem:$0x3FD2] =	sst s25  }
0xa6: {  	s5 =	sshll.u32 s26, $0x1;
	_ =	strace $0x8000004C;
	[dreg:$0x1] =	wrdreg $0xFFFFFFFF  }
0xa7: {  	s28 =	simm.s32 $_size_execute0_lowered;
	s3 =	sadd.s32 s3, s5;
	[dreg:$0x0] =	wrdreg $0x0  }
0xa8: {  	s5 =	sshll.u32 s28, $0x1;
	[dreg:$0x2] =	wrdreg s3  }
0xa9: {  	[dreg:$0x3] =	wrdreg s5  }
0xaa: {  	[dreg:$0x4] =	wrdreg $0xC0  }
0xab: {  	_ =	task [dreg:s7], $0x5FFFF  }
0xac: {  	[dreg:$0x1] =	wrdreg $0xFFFFFFFF  }
0xad: {  	[dreg:$0x0] =	wrdreg $0x60  }
0xae: {  	[dreg:$0x2] =	wrdreg s2  }
0xaf: {  	[dreg:$0x3] =	wrdreg s24  }
0xb0: {  	[dreg:$0x4] =	wrdreg $0x88000  }
0xb1: {  	[dreg:$0x5] =	wrdreg $0x9  }
0xb2: {  	_ =	task.clear_ibuf [dreg:s7], $0x6FFFF;
	_ =	strace $0x9000004C  }
0xb3: {  	s29 =	simm.s32 $0x9;
	_ =	strace $0x8000004E  }
0xb4: {  	_ =	swait.ge [sflag:s29], $0x1  }
0xb5: {  	[sflag:s29] =	ssyncadd.s32 $0xFFFFFFFF  }
0xb6: {  	_ =	strace $0x9000004E  }
0xb7: {  	_ =	sfence  }
0xb8: {  	s30 =	sld [smem:$0x0];
	_ =	sdelay $0x2  }
0xb9: {  	s31 =	sshll.u32 s1, $0xD;
	s1 =	sshrl.u32 s1, $0x2  }
0xba: {  	s3 =	sand.u32 $0x4000, s31;
	s1 =	sadd.s32 s1, s30  }
0xbb: {  	s0 =	sor.u32 s3, s0;
	s1 =	sshll.u32 s1, $0x11  }
0xbc: {  	s0 =	sor.u32 s1, s0  }
0xbd: {  	s0 =	sadd.s32 $0x8F2B, s0  }
0xbe: {  	[sflag:s0] =	ssyncadd.remote.s32 $0x1  }
0xbf: {  	_ =	sfence.sel $0xFFFF  }
0xc0: {  	[dreg:$0x0] =	wrdreg $0xFFFFFFFF;
	(pc) =	sbr.abs _section_cstart, $3  }
0xc1: {  	[dreg:$0x1] =	wrdreg $0xFFFFFFFF  }
0xc2: {  	_ =	task.clear_ibuf [dreg:s7], $0x2FFFF;
	_ =	strace $0x9FFFFFFF  }
0xc3: {  	(tm) =	ssettm $0x7FFFFFFF  }
tec
execute0_lowered:
.L_overlay_start_1:
0x0: {  	(tag) =	ssettag $0x1  }
0x1: {  	s1 =	rddreg [dreg:$0x0]  }
0x2: {  	s0 =	rddreg [dreg:$0x1]  }
0x3: {  	s2 =	rddreg [dreg:$0x2]  }
0x4: {  	s3 =	srdreg.scid;
	s5 =	stileid.u32;
	s18 =	simm.s32 $0x7  }
0x5: {  	s14 =	simm.s32 $0x80;
	s15 =	simm.s32 $0x800;
	s28 =	simm.s32 $0x300  }
0x6: {  	s29 =	simm.s32 $0x280;
	s30 =	simm.s32 $0x4;
	s31 =	simm.s32 $0x380  }
0x7: {  	s4 =	sand.u32 $0x1, s3;
	s3 =	simm.s32 $0x0;
	s9 =	smul.u32 $0x4E000, s5  }
0x8: {  	s7 =	sadd.s32 $0x3400, s0;
	s0 =	sadd.s32 $0x17400, s0;
	s11 =	smul.u32 $0x13800, s5  }
0x9: {  	s12 =	smul.u32 $0x5000, s5;
	s13 =	sadd.s32 $0x27000, s1;
	p0 =	sne.s32 s5, $0x0  }
0xa: {  	s26 =	sshll.u32 s5, $0x6;
	s6 =	sshll.u32 s4, $0x4;
	s20 =	smul.u32 $0x138800, s4  }
0xb: {  	[smem:$0x7FF] =	sst s3;
	s8 =	ssub.s32 $0x2, s4;
	s4 =	smul.u32 $0x50000, s4  }
0xc: {  	s16 =	sor.u32 $0x1C07, s26;
	s26 =	simm.s32 $0x6;
	s6 =	sor.u32 s5, s6  }
0xd: {  	_ =	strace $0x8000004D;
	s10 =	sshrl.u32 s8, $0x1;
	s9 =	sshrl.u32 s9, $0x2  }
0xe: {  	s21 =	sshrl.u32 s11, $0x3;
	[dreg:$0x8] =	wrdreg s13;
	s13 =	simm.s32 $0x400  }
0xf: {  	s5 =	simm.s32 $0x480;
	[dreg:$0xc] =	wrdreg s16;
	s6 =	smul.u32 $0x5000, s6  }
0x10: {  	s8 =	ssub.s32 s8, s10;
	s9 =	sadd.s32 s9, s2;
	s11 =	sadd.s32 s11, s20  }
0x11: {  	s4 =	sadd.s32 s12, s4;
	s12 =	simm.s32 $0x0;
	s11 =	sshrl.u32 s11, $0x3  }
0x12: {  	s22 =	sor.u32 $0xC00, s4;
	s4 =	sor.u32 $0x800, s4;
	s25 =	smax.u32 s8, $0x1  }
0x13: {  	s17 =	sshrl.u32 s9, $0x3;
	s8 =	simm.s32 $0x680;
	s9 =	simm.s32 $0x3  }
0x14: {  	[dreg:$0xf] =	wrdreg s12;
	s6 =	sshrl.u32 s6, $0x3;
	s11 =	sadd.s32 s0, s11  }
0x15: {  	s23 =	sshrl.u32 s22, $0x3;
	s4 =	sshrl.u32 s4, $0x3;
	[dreg:$0xb] =	wrdreg s25  }
0x16: {  	s22 =	simm.s32 $0x5;
	s25 =	simm.s32 $0x180;
	[dreg:$0xd] =	wrdreg s17  }
0x17: {  	s19 =	sadd.s32 s7, s6;
	[dreg:$0x9] =	wrdreg s11;
	s6 =	sshrl.u32 s20, $0x3  }
0x18: {  	s24 =	sadd.s32 s23, s7;
	s11 =	sadd.s32 s4, s7;
	s20 =	simm.s32 $0x4800  }
0x19: {  	s23 =	simm.s32 $0x200;
	s7 =	simm.s32 $0x580;
	s4 =	simm.s32 $0x700  }
0x1a: {  	[dreg:$0x5] =	wrdreg s19;
	s10 =	sadd.s32 $0x80, s19;
	s0 =	sadd.s32 s0, s6  }
0x1b: {  	[dreg:$0x4] =	wrdreg s24;
	s19 =	simm.s32 $0x100;
	s24 =	simm.s32 $0x2  }
0x1c: {  	s6 =	simm.s32 $0x600;
	[dreg:$0x6] =	wrdreg s10;
	s10 =	sadd.s32 s1, s21  }
0x1d: {  	s0 =	sadd.s32 $0x27000, s0;
	[dreg:$0x7] =	wrdreg s10;
	s10 =	sadd.s32 $0x138000, s2  }
0x1e: {  	s21 =	simm.s32 $0x1;
	[dreg:$0xa] =	wrdreg s0;
	s0 =	sshrl.u32 @!p0 s10, $0x3  }
0x1f: {  	s10 =	simm.s32 $0x780;
	[dreg:$0xe] =	wrdreg s0;
	s0 =	simm.s32 $0x500  }
.LBB2_1:
0x20: {  	s12 =	rddreg [dreg:$0x5]  }
0x21: {  	[tilespmem:s3], [sflag:$0x7] =	stream.linear.gather [hbm4b:s12+s3], $0x400, $0x38;
	[tilespmem:$0x1C100] =	vst v63  }
0x22: {  	_ =	swait.ge [sflag:s18], $0x400  }
0x23: {  	[sflag:s18] =	ssyncset.done $0x0  }
0x24: {  	s12 =	rddreg [dreg:$0x6];
	[sflag:s18] =	ssyncadd.s32 $0xFFFFFC00  }
0x25: {  	[tilespmem:s13], [sflag:$0x4] =	stream.linear.gather [hbm4b:s12+s3], $0x400, $0x38;
	[tilespmem:$0x1C100] =	vst v63  }
0x26: {  	s12 =	rddreg [dreg:$0x7]  }
0x27: {  	[tilespmem:s15], [sflag:$0x1] =	stream.indirect.gather [hbm4b:s1+s14], $0x80, s3, s14, $0xb8;
	[tilespmem:$0x1C100] =	vst v63  }
0x28: {  	[spmem:s17], [sflag:s16] =	dma.local [hbm:s12], $0x2700  }
0x29: {  	_ =	swait.ge [sflag:s18], $0x2700  }
0x2a: {  	[sflag:s18] =	ssyncset.done $0x0;
	s12 =	rddreg [dreg:$0x8]  }
0x2b: {  	s17 =	rddreg [dreg:$0xe];
	[sflag:s18] =	ssyncadd.s32 $0xFFFFD900  }
0x2c: {  	[spmem:s17], [sflag:s16] =	dma.local @!p0 [hbm:s12], $0x100  }
0x2d: {  	s16 =	simm.s32 @!p0 $0x7  }
0x2e: {  	_ =	swait.ge @!p0 [sflag:s16], $0x100  }
0x2f: {  	[sflag:s16] =	ssyncset.done @!p0 $0x0  }
0x30: {  	[sflag:s16] =	ssyncadd.s32 @!p0 $0xFFFFFF00  }
0x31: {  	[bflag:$0x0] =	sbarrier.arrive $0xFFFF  }
0x32: {  	[tilespmem:s20], [sflag:$0x2] =	stream.indirect.gather [hbm4b:s1+s14], $0x80, s19, s14, $0xb8;
	[tilespmem:$0x1C100] =	vst v63  }
0x33: {  	_ =	swait.ge [sflag:s21], $0x4000  }
0x34: {  	[sflag:s21] =	ssyncset.done $0x0  }
0x35: {  	[sflag:s21] =	ssyncadd.s32 $0xFFFFC000  }
0x36: {  	[spmem:s2] =	stream.indirect.scatter.add.f32 [tilespmem:s15], [sflag:$0x5], $0x80, s14, s14, $0xb8;
	[tilespmem:$0x1C100] =	vst v63  }
0x37: {  	_ =	swait.ge [sflag:s22], $0x4000  }
0x38: {  	[sflag:s22] =	ssyncset.done $0x0  }
0x39: {  	[sflag:s22] =	ssyncadd.s32 $0xFFFFC000  }
0x3a: {  	[tilespmem:s15], [sflag:$0x1] =	stream.indirect.gather [hbm4b:s1+s14], $0x80, s23, s14, $0xb8;
	[tilespmem:$0x1C100] =	vst v63  }
0x3b: {  	_ =	swait.ge [sflag:s24], $0x4000  }
0x3c: {  	[sflag:s24] =	ssyncset.done $0x0  }
0x3d: {  	[sflag:s24] =	ssyncadd.s32 $0xFFFFC000  }
0x3e: {  	[spmem:s2] =	stream.indirect.scatter.add.f32 [tilespmem:s20], [sflag:$0x6], $0x80, s25, s14, $0xb8;
	[tilespmem:$0x1C100] =	vst v63  }
0x3f: {  	_ =	swait.ge [sflag:s26], $0x4000  }
0x40: {  	[sflag:s26] =	ssyncset.done $0x0  }
0x41: {  	[sflag:s26] =	ssyncadd.s32 $0xFFFFC000  }
0x42: {  	[tilespmem:s20], [sflag:$0x2] =	stream.indirect.gather [hbm4b:s1+s14], $0x80, s28, s14, $0xb8;
	[tilespmem:$0x1C100] =	vst v63  }
0x43: {  	_ =	swait.ge [sflag:s21], $0x4000  }
0x44: {  	[sflag:s21] =	ssyncset.done $0x0  }
0x45: {  	[sflag:s21] =	ssyncadd.s32 $0xFFFFC000  }
0x46: {  	[spmem:s2] =	stream.indirect.scatter.add.f32 [tilespmem:s15], [sflag:$0x5], $0x80, s29, s14, $0xb8;
	[tilespmem:$0x1C100] =	vst v63  }
0x47: {  	_ =	swait.ge [sflag:s22], $0x4000  }
0x48: {  	[sflag:s22] =	ssyncset.done $0x0  }
0x49: {  	[sflag:s22] =	ssyncadd.s32 $0xFFFFC000  }
0x4a: {  	_ =	swait.ge [sflag:s30], $0x400  }
0x4b: {  	[sflag:s30] =	ssyncset.done $0x0  }
0x4c: {  	[sflag:s30] =	ssyncadd.s32 $0xFFFFFC00  }
0x4d: {  	[tilespmem:s15], [sflag:$0x1] =	stream.indirect.gather [hbm4b:s1+s14], $0x80, s13, s14, $0xb8;
	[tilespmem:$0x1C100] =	vst v63  }
0x4e: {  	_ =	swait.ge [sflag:s24], $0x4000  }
0x4f: {  	[sflag:s24] =	ssyncset.done $0x0  }
0x50: {  	[sflag:s24] =	ssyncadd.s32 $0xFFFFC000  }
0x51: {  	[spmem:s2] =	stream.indirect.scatter.add.f32 [tilespmem:s20], [sflag:$0x6], $0x80, s31, s14, $0xb8;
	[tilespmem:$0x1C100] =	vst v63  }
0x52: {  	_ =	swait.ge [sflag:s26], $0x4000  }
0x53: {  	[sflag:s26] =	ssyncset.done $0x0  }
0x54: {  	s17 =	sadd.s32 $0x0, s11;
	[sflag:s26] =	ssyncadd.s32 $0xFFFFC000  }
0x55: {  	[tilespmem:s3], [sflag:$0x3] =	stream.linear.gather [hbm4b:s17+s3], $0x400, $0x38;
	[tilespmem:$0x1C100] =	vst v63  }
0x56: {  	_ = 	snop  }
0x57: {  	[tilespmem:s20], [sflag:$0x2] =	stream.indirect.gather [hbm4b:s1+s14], $0x80, s0, s14, $0xb8;
	[tilespmem:$0x1C100] =	vst v63  }
0x58: {  	_ =	swait.ge [sflag:s21], $0x4000  }
0x59: {  	[sflag:s21] =	ssyncset.done $0x0  }
0x5a: {  	[sflag:s21] =	ssyncadd.s32 $0xFFFFC000  }
0x5b: {  	[spmem:s2] =	stream.indirect.scatter.add.f32 [tilespmem:s15], [sflag:$0x5], $0x80, s5, s14, $0xb8;
	[tilespmem:$0x1C100] =	vst v63  }
0x5c: {  	_ =	swait.ge [sflag:s22], $0x4000  }
0x5d: {  	[sflag:s22] =	ssyncset.done $0x0  }
0x5e: {  	[sflag:s22] =	ssyncadd.s32 $0xFFFFC000  }
0x5f: {  	[tilespmem:s15], [sflag:$0x1] =	stream.indirect.gather [hbm4b:s1+s14], $0x80, s6, s14, $0xb8;
	[tilespmem:$0x1C100] =	vst v63  }
0x60: {  	_ =	swait.ge [sflag:s24], $0x4000  }
0x61: {  	[sflag:s24] =	ssyncset.done $0x0  }
0x62: {  	[sflag:s24] =	ssyncadd.s32 $0xFFFFC000  }
0x63: {  	[spmem:s2] =	stream.indirect.scatter.add.f32 [tilespmem:s20], [sflag:$0x6], $0x80, s7, s14, $0xb8;
	[tilespmem:$0x1C100] =	vst v63  }
0x64: {  	_ =	swait.ge [sflag:s26], $0x4000  }
0x65: {  	[sflag:s26] =	ssyncset.done $0x0  }
0x66: {  	[sflag:s26] =	ssyncadd.s32 $0xFFFFC000  }
0x67: {  	[tilespmem:s20], [sflag:$0x2] =	stream.indirect.gather [hbm4b:s1+s14], $0x80, s4, s14, $0xb8;
	[tilespmem:$0x1C100] =	vst v63  }
0x68: {  	_ =	swait.ge [sflag:s21], $0x4000  }
0x69: {  	[sflag:s21] =	ssyncset.done $0x0  }
0x6a: {  	[sflag:s21] =	ssyncadd.s32 $0xFFFFC000  }
0x6b: {  	[spmem:s2] =	stream.indirect.scatter.add.f32 [tilespmem:s15], [sflag:$0x5], $0x80, s8, s14, $0xb8;
	[tilespmem:$0x1C100] =	vst v63  }
0x6c: {  	_ =	swait.ge [sflag:s22], $0x4000  }
0x6d: {  	[sflag:s22] =	ssyncset.done $0x0  }
0x6e: {  	[sflag:s22] =	ssyncadd.s32 $0xFFFFC000  }
0x6f: {  	_ =	swait.ge [sflag:s9], $0x400  }
0x70: {  	[sflag:s9] =	ssyncset.done $0x0  }
0x71: {  	[sflag:s9] =	ssyncadd.s32 $0xFFFFFC00  }
0x72: {  	[tilespmem:s15], [sflag:$0x1] =	stream.indirect.gather [hbm4b:s1+s14], $0x80, s3, s14, $0xb8;
	[tilespmem:$0x1C100] =	vst v63  }
0x73: {  	_ =	swait.ge [sflag:s24], $0x4000  }
0x74: {  	[sflag:s24] =	ssyncset.done $0x0  }
0x75: {  	[sflag:s24] =	ssyncadd.s32 $0xFFFFC000  }
0x76: {  	[spmem:s2] =	stream.indirect.scatter.add.f32 [tilespmem:s20], [sflag:$0x6], $0x80, s10, s14, $0xb8;
	[tilespmem:$0x1C100] =	vst v63  }
0x77: {  	_ =	swait.ge [sflag:s26], $0x4000  }
0x78: {  	s18 =	rddreg [dreg:$0x4];
	[sflag:s26] =	ssyncset.done $0x0  }
0x79: {  	[sflag:s26] =	ssyncadd.s32 $0xFFFFC000;
	s16 =	sadd.s32 $0x0, s18  }
0x7a: {  	[tilespmem:s13], [sflag:$0x4] =	stream.linear.gather [hbm4b:s16+s3], $0x400, $0x38;
	[tilespmem:$0x1C100] =	vst v63  }
0x7b: {  	_ = 	snop  }
0x7c: {  	[tilespmem:s20], [sflag:$0x2] =	stream.indirect.gather [hbm4b:s1+s14], $0x80, s19, s14, $0xb8;
	[tilespmem:$0x1C100] =	vst v63  }
0x7d: {  	_ =	swait.ge [sflag:s21], $0x4000  }
0x7e: {  	[sflag:s21] =	ssyncset.done $0x0  }
0x7f: {  	[sflag:s21] =	ssyncadd.s32 $0xFFFFC000  }
0x80: {  	[spmem:s2] =	stream.indirect.scatter.add.f32 [tilespmem:s15], [sflag:$0x5], $0x80, s14, s14, $0xb8;
	[tilespmem:$0x1C100] =	vst v63  }
0x81: {  	_ =	swait.ge [sflag:s22], $0x4000  }
0x82: {  	[sflag:s22] =	ssyncset.done $0x0  }
0x83: {  	[sflag:s22] =	ssyncadd.s32 $0xFFFFC000  }
0x84: {  	[tilespmem:s15], [sflag:$0x1] =	stream.indirect.gather [hbm4b:s1+s14], $0x80, s23, s14, $0xb8;
	[tilespmem:$0x1C100] =	vst v63  }
0x85: {  	_ =	swait.ge [sflag:s24], $0x4000  }
0x86: {  	[sflag:s24] =	ssyncset.done $0x0  }
0x87: {  	[sflag:s24] =	ssyncadd.s32 $0xFFFFC000  }
0x88: {  	[spmem:s2] =	stream.indirect.scatter.add.f32 [tilespmem:s20], [sflag:$0x6], $0x80, s25, s14, $0xb8;
	[tilespmem:$0x1C100] =	vst v63  }
0x89: {  	_ =	swait.ge [sflag:s26], $0x4000  }
0x8a: {  	[sflag:s26] =	ssyncset.done $0x0  }
0x8b: {  	[sflag:s26] =	ssyncadd.s32 $0xFFFFC000  }
0x8c: {  	[tilespmem:s20], [sflag:$0x2] =	stream.indirect.gather [hbm4b:s1+s14], $0x80, s28, s14, $0xb8;
	[tilespmem:$0x1C100] =	vst v63  }
0x8d: {  	_ =	swait.ge [sflag:s21], $0x4000  }
0x8e: {  	[sflag:s21] =	ssyncset.done $0x0  }
0x8f: {  	[sflag:s21] =	ssyncadd.s32 $0xFFFFC000  }
0x90: {  	[spmem:s2] =	stream.indirect.scatter.add.f32 [tilespmem:s15], [sflag:$0x5], $0x80, s29, s14, $0xb8;
	[tilespmem:$0x1C100] =	vst v63  }
0x91: {  	_ =	swait.ge [sflag:s22], $0x4000  }
0x92: {  	[sflag:s22] =	ssyncset.done $0x0  }
0x93: {  	[sflag:s22] =	ssyncadd.s32 $0xFFFFC000  }
0x94: {  	_ =	swait.ge [sflag:s30], $0x400  }
0x95: {  	[sflag:s30] =	ssyncset.done $0x0  }
0x96: {  	[sflag:s30] =	ssyncadd.s32 $0xFFFFFC00  }
0x97: {  	[tilespmem:s15], [sflag:$0x1] =	stream.indirect.gather [hbm4b:s1+s14], $0x80, s13, s14, $0xb8;
	[tilespmem:$0x1C100] =	vst v63  }
0x98: {  	_ =	swait.ge [sflag:s24], $0x4000  }
0x99: {  	[sflag:s24] =	ssyncset.done $0x0  }
0x9a: {  	s18 =	simm.s32 $0x100;
	[sflag:s24] =	ssyncadd.s32 $0xFFFFC000  }
.LBB2_2:
0x9b: {  	[spmem:s2] =	stream.indirect.scatter.add.f32 [tilespmem:s20], [sflag:$0x6], $0x80, s31, s14, $0xb8;
	[tilespmem:$0x1C100] =	vst v63  }
0x9c: {  	_ =	swait.ge [sflag:s26], $0x4000  }
0x9d: {  	s16 =	smov.u32 s18;
	[sflag:s26] =	ssyncset.done $0x0  }
0x9e: {  	s12 =	sadd.s32 s16, s11;
	[sflag:s26] =	ssyncadd.s32 $0xFFFFC000  }
0x9f: {  	[tilespmem:s3], [sflag:$0x3] =	stream.linear.gather [hbm4b:s12+s3], $0x400, $0x38;
	[tilespmem:$0x1C100] =	vst v63  }
0xa0: {  	_ = 	snop  }
0xa1: {  	[tilespmem:s20], [sflag:$0x2] =	stream.indirect.gather [hbm4b:s1+s14], $0x80, s0, s14, $0xb8;
	[tilespmem:$0x1C100] =	vst v63  }
0xa2: {  	_ =	swait.ge [sflag:s21], $0x4000  }
0xa3: {  	[sflag:s21] =	ssyncset.done $0x0  }
0xa4: {  	[sflag:s21] =	ssyncadd.s32 $0xFFFFC000  }
0xa5: {  	[spmem:s2] =	stream.indirect.scatter.add.f32 [tilespmem:s15], [sflag:$0x5], $0x80, s5, s14, $0xb8;
	[tilespmem:$0x1C100] =	vst v63  }
0xa6: {  	_ =	swait.ge [sflag:s22], $0x4000  }
0xa7: {  	[sflag:s22] =	ssyncset.done $0x0  }
0xa8: {  	[sflag:s22] =	ssyncadd.s32 $0xFFFFC000  }
0xa9: {  	[tilespmem:s15], [sflag:$0x1] =	stream.indirect.gather [hbm4b:s1+s14], $0x80, s6, s14, $0xb8;
	[tilespmem:$0x1C100] =	vst v63  }
0xaa: {  	_ =	swait.ge [sflag:s24], $0x4000  }
0xab: {  	[sflag:s24] =	ssyncset.done $0x0  }
0xac: {  	[sflag:s24] =	ssyncadd.s32 $0xFFFFC000  }
0xad: {  	[spmem:s2] =	stream.indirect.scatter.add.f32 [tilespmem:s20], [sflag:$0x6], $0x80, s7, s14, $0xb8;
	[tilespmem:$0x1C100] =	vst v63  }
0xae: {  	_ =	swait.ge [sflag:s26], $0x4000  }
0xaf: {  	[sflag:s26] =	ssyncset.done $0x0  }
0xb0: {  	[sflag:s26] =	ssyncadd.s32 $0xFFFFC000  }
0xb1: {  	[tilespmem:s20], [sflag:$0x2] =	stream.indirect.gather [hbm4b:s1+s14], $0x80, s4, s14, $0xb8;
	[tilespmem:$0x1C100] =	vst v63  }
0xb2: {  	_ =	swait.ge [sflag:s21], $0x4000  }
0xb3: {  	[sflag:s21] =	ssyncset.done $0x0  }
0xb4: {  	[sflag:s21] =	ssyncadd.s32 $0xFFFFC000  }
0xb5: {  	[spmem:s2] =	stream.indirect.scatter.add.f32 [tilespmem:s15], [sflag:$0x5], $0x80, s8, s14, $0xb8;
	[tilespmem:$0x1C100] =	vst v63  }
0xb6: {  	_ =	swait.ge [sflag:s22], $0x4000  }
0xb7: {  	[sflag:s22] =	ssyncset.done $0x0  }
0xb8: {  	[sflag:s22] =	ssyncadd.s32 $0xFFFFC000  }
0xb9: {  	_ =	swait.ge [sflag:s9], $0x400  }
0xba: {  	[sflag:s9] =	ssyncset.done $0x0  }
0xbb: {  	[sflag:s9] =	ssyncadd.s32 $0xFFFFFC00  }
0xbc: {  	[tilespmem:s15], [sflag:$0x1] =	stream.indirect.gather [hbm4b:s1+s14], $0x80, s3, s14, $0xb8;
	[tilespmem:$0x1C100] =	vst v63  }
0xbd: {  	_ =	swait.ge [sflag:s24], $0x4000  }
0xbe: {  	[sflag:s24] =	ssyncset.done $0x0  }
0xbf: {  	[sflag:s24] =	ssyncadd.s32 $0xFFFFC000  }
0xc0: {  	[spmem:s2] =	stream.indirect.scatter.add.f32 [tilespmem:s20], [sflag:$0x6], $0x80, s10, s14, $0xb8;
	[tilespmem:$0x1C100] =	vst v63  }
0xc1: {  	_ =	swait.ge [sflag:s26], $0x4000  }
0xc2: {  	s17 =	rddreg [dreg:$0x4];
	[sflag:s26] =	ssyncset.done $0x0  }
0xc3: {  	[sflag:s26] =	ssyncadd.s32 $0xFFFFC000;
	s12 =	sadd.s32 s16, s17  }
0xc4: {  	[tilespmem:s13], [sflag:$0x4] =	stream.linear.gather [hbm4b:s12+s3], $0x400, $0x38;
	[tilespmem:$0x1C100] =	vst v63  }
0xc5: {  	_ = 	snop  }
0xc6: {  	[tilespmem:s20], [sflag:$0x2] =	stream.indirect.gather [hbm4b:s1+s14], $0x80, s19, s14, $0xb8;
	[tilespmem:$0x1C100] =	vst v63  }
0xc7: {  	_ =	swait.ge [sflag:s21], $0x4000  }
0xc8: {  	[sflag:s21] =	ssyncset.done $0x0  }
0xc9: {  	[sflag:s21] =	ssyncadd.s32 $0xFFFFC000  }
0xca: {  	[spmem:s2] =	stream.indirect.scatter.add.f32 [tilespmem:s15], [sflag:$0x5], $0x80, s14, s14, $0xb8;
	[tilespmem:$0x1C100] =	vst v63  }
0xcb: {  	_ =	swait.ge [sflag:s22], $0x4000  }
0xcc: {  	[sflag:s22] =	ssyncset.done $0x0  }
0xcd: {  	[sflag:s22] =	ssyncadd.s32 $0xFFFFC000  }
0xce: {  	[tilespmem:s15], [sflag:$0x1] =	stream.indirect.gather [hbm4b:s1+s14], $0x80, s23, s14, $0xb8;
	[tilespmem:$0x1C100] =	vst v63  }
0xcf: {  	_ =	swait.ge [sflag:s24], $0x4000  }
0xd0: {  	[sflag:s24] =	ssyncset.done $0x0  }
0xd1: {  	[sflag:s24] =	ssyncadd.s32 $0xFFFFC000  }
0xd2: {  	[spmem:s2] =	stream.indirect.scatter.add.f32 [tilespmem:s20], [sflag:$0x6], $0x80, s25, s14, $0xb8;
	[tilespmem:$0x1C100] =	vst v63  }
0xd3: {  	_ =	swait.ge [sflag:s26], $0x4000  }
0xd4: {  	[sflag:s26] =	ssyncset.done $0x0  }
0xd5: {  	[sflag:s26] =	ssyncadd.s32 $0xFFFFC000  }
0xd6: {  	[tilespmem:s20], [sflag:$0x2] =	stream.indirect.gather [hbm4b:s1+s14], $0x80, s28, s14, $0xb8;
	[tilespmem:$0x1C100] =	vst v63  }
0xd7: {  	_ =	swait.ge [sflag:s21], $0x4000  }
0xd8: {  	[sflag:s21] =	ssyncset.done $0x0  }
0xd9: {  	[sflag:s21] =	ssyncadd.s32 $0xFFFFC000  }
0xda: {  	[spmem:s2] =	stream.indirect.scatter.add.f32 [tilespmem:s15], [sflag:$0x5], $0x80, s29, s14, $0xb8;
	[tilespmem:$0x1C100] =	vst v63  }
0xdb: {  	_ =	swait.ge [sflag:s22], $0x4000  }
0xdc: {  	[sflag:s22] =	ssyncset.done $0x0  }
0xdd: {  	[sflag:s22] =	ssyncadd.s32 $0xFFFFC000  }
0xde: {  	_ =	swait.ge [sflag:s30], $0x400  }
0xdf: {  	p1 =	sne.s32 s18, $0x800;
	[sflag:s30] =	ssyncset.done $0x0  }
.Ltmp0:
0xe0: {  	[sflag:s30] =	ssyncadd.s32 $0xFFFFFC00;
	(pc) =	sbr.rel @p1 .LBB2_2-.Ltmp0, $4  }
0xe1: {  	[tilespmem:s15], [sflag:$0x1] =	stream.indirect.gather [hbm4b:s1+s14], $0x80, s13, s14, $0xb8;
	[tilespmem:$0x1C100] =	vst v63  }
0xe2: {  	_ =	swait.ge [sflag:s24], $0x4000  }
0xe3: {  	[sflag:s24] =	ssyncset.done $0x0  }
0xe4: {  	s18 =	sadd.s32 $0x100, s18;
	[sflag:s24] =	ssyncadd.s32 $0xFFFFC000  }
0xe5: {  	[spmem:s2] =	stream.indirect.scatter.add.f32 [tilespmem:s20], [sflag:$0x6], $0x80, s31, s14, $0xb8;
	[tilespmem:$0x1C100] =	vst v63  }
0xe6: {  	_ =	swait.ge [sflag:s26], $0x4000  }
0xe7: {  	[sflag:s26] =	ssyncset.done $0x0  }
0xe8: {  	[sflag:s26] =	ssyncadd.s32 $0xFFFFC000  }
0xe9: {  	[tilespmem:s20], [sflag:$0x2] =	stream.indirect.gather [hbm4b:s1+s14], $0x80, s0, s14, $0xb8;
	[tilespmem:$0x1C100] =	vst v63  }
0xea: {  	_ =	swait.ge [sflag:s21], $0x4000  }
0xeb: {  	[sflag:s21] =	ssyncset.done $0x0  }
0xec: {  	[sflag:s21] =	ssyncadd.s32 $0xFFFFC000  }
0xed: {  	[spmem:s2] =	stream.indirect.scatter.add.f32 [tilespmem:s15], [sflag:$0x5], $0x80, s5, s14, $0xb8;
	[tilespmem:$0x1C100] =	vst v63  }
0xee: {  	_ =	swait.ge [sflag:s22], $0x4000  }
0xef: {  	[sflag:s22] =	ssyncset.done $0x0  }
0xf0: {  	[sflag:s22] =	ssyncadd.s32 $0xFFFFC000  }
0xf1: {  	[tilespmem:s15], [sflag:$0x1] =	stream.indirect.gather [hbm4b:s1+s14], $0x80, s6, s14, $0xb8;
	[tilespmem:$0x1C100] =	vst v63  }
0xf2: {  	_ =	swait.ge [sflag:s24], $0x4000  }
0xf3: {  	[sflag:s24] =	ssyncset.done $0x0  }
0xf4: {  	[sflag:s24] =	ssyncadd.s32 $0xFFFFC000  }
0xf5: {  	[spmem:s2] =	stream.indirect.scatter.add.f32 [tilespmem:s20], [sflag:$0x6], $0x80, s7, s14, $0xb8;
	[tilespmem:$0x1C100] =	vst v63  }
0xf6: {  	_ =	swait.ge [sflag:s26], $0x4000  }
0xf7: {  	[sflag:s26] =	ssyncset.done $0x0  }
0xf8: {  	[sflag:s26] =	ssyncadd.s32 $0xFFFFC000  }
0xf9: {  	_ =	swait.ge [sflag:s21], $0x4000  }
0xfa: {  	[sflag:s21] =	ssyncset.done $0x0  }
0xfb: {  	[sflag:s21] =	ssyncadd.s32 $0xFFFFC000  }
0xfc: {  	[spmem:s2] =	stream.indirect.scatter.add.f32 [tilespmem:s15], [sflag:$0x5], $0x80, s8, s14, $0xb8;
	[tilespmem:$0x1C100] =	vst v63  }
0xfd: {  	_ =	swait.ge [sflag:s22], $0x4000  }
0xfe: {  	[sflag:s22] =	ssyncset.done $0x0  }
0xff: {  	[sflag:s22] =	ssyncadd.s32 $0xFFFFC000  }
0x100: {  	[bflag:$0x0] =	sbarrier.arrive $0xFFFF  }
0x101: {  	s12 =	rddreg [dreg:$0x9]  }
0x102: {  	s17 =	rddreg [dreg:$0xc]  }
0x103: {  	s18 =	simm.s32 $0x7;
	s16 =	rddreg [dreg:$0xd]  }
0x104: {  	[hbm:s12], [sflag:s17] =	dma.local [spmem:s16], $0x2700  }
0x105: {  	_ =	swait.ge [sflag:s18], $0x2700  }
0x106: {  	[sflag:s18] =	ssyncset.done $0x0;
	s12 =	rddreg [dreg:$0xa]  }
0x107: {  	s16 =	rddreg [dreg:$0xe];
	[sflag:s18] =	ssyncadd.s32 $0xFFFFD900  }
0x108: {  	[hbm:s12], [sflag:s17] =	dma.local @!p0 [spmem:s16], $0x100  }
0x109: {  	s16 =	simm.s32 @!p0 $0x7  }
0x10a: {  	_ =	swait.ge @!p0 [sflag:s16], $0x100  }
0x10b: {  	s12 =	rddreg [dreg:$0xf]  }
0x10c: {  	[sflag:s16] =	ssyncset.done @!p0 $0x0;
	s16 =	rddreg [dreg:$0xb];
	s12 =	sadd.s32 $0x1, s12  }
0x10d: {  	p1 =	sne.s32 s12, s16  }
.Ltmp1:
0x10e: {  	_ = 	snop;
	(pc) =	sbr.rel @p1 .LBB2_1-.Ltmp1, $3  }
0x10f: {  	_ =	sdelay $0x1  }
0x110: {  	[dreg:$0xf] =	wrdreg s12;
	s12 =	simm.s32 @!p0 $0x7  }
0x111: {  	s16 =	smov.u32 s17;
	s17 =	rddreg [dreg:$0xd];
	[sflag:s12] =	ssyncadd.s32 @!p0 $0xFFFFFF00  }
0x112: {  	_ =	sfence.sel $0x180000  }
0x113: {  	[bflag:$0x0] =	sbarrier.arrive $0xFFFF  }
0x114: {  	_ =	strace $0x9000004D  }
0x115: {  	[bflag:$0x2] =	sbarrier.arrive $0xFFFF  }
0x116: {  	s0 =	rddreg [dreg:$0x3]  }
0x117: {  	s0 =	sadd.s32 @!p0 $0x100000, s0  }
0x118: {  	[sflag:s0] =	ssyncadd.tile.s32 @!p0 $0x1;
	_ =	shalt  }
.Lfunc_end2:
_tile_overlayer_lowered:
.L_overlay_start_2:
0x119: {  	(tag) =	ssettag $0x2  }
0x11a: {  	s0 =	rddreg [dreg:$0x0];
	s2 =	stileid.u32  }
0x11b: {  	s1 =	rddreg [dreg:$0x1];
	p0 =	sne.s32 s2, $0x0  }
0x11c: {  	s3 =	rddreg [dreg:$0x2];
	[bflag:$0x3] =	sbarrier.arrive $0xFFFF;
	s2 =	simm.s32 @!p0 $0x1C07  }
0x11d: {  	[timem:s3], [sflag:s2] =	dma.local @!p0 [hbm:s0], s1  }
0x11e: {  	s0 =	simm.s32 @!p0 $0x7  }
0x11f: {  	_ =	swait.ge @!p0 [sflag:s0], s1  }
0x120: {  	s1 =	ssub.s32 @!p0 $0x0, s1;
	[sflag:s0] =	ssyncset.done @!p0 $0x0  }
0x121: {  	[sflag:s0] =	ssyncadd.s32 @!p0 s1  }
0x122: {  	[bflag:$0x3] =	sbarrier.arrive $0xFFFF  }
0x123: {  	_ =	shalt  }

// kernel: kernel.8.cloned.1.call-start
scs
__scs_entry_jumppad:
0x0: {  	(pc) =	sbr.rel $0x88, $3  }
0x1: {  	(tag) =	ssettag $0x0;
	lr =	simm.s32 $0x1  }
0x2: {  	[smem:$0x3F99] =	sst lr;
	_ =	strace $0xD0000000  }
0x3: {  	_ = 	snop  }
0x4: {  	_ = 	snop  }
0x5: {  	_ = 	snop  }
0x6: {  	_ = 	snop  }
0x7: {  	_ = 	snop  }
__scs_overlays_trampoline_lowered:
0x8: {  	[smem:$0x3FA8] =	sst s0  }
0x9: {  	[smem:$0x3FA9] =	sst s1  }
0xa: {  	[smem:$0x3FAA] =	sst s2  }
0xb: {  	[smem:$0x3FAB] =	sst s3  }
0xc: {  	[smem:$0x3FAC] =	sst s4  }
0xd: {  	[smem:$0x3FAD] =	sst s5  }
0xe: {  	[smem:$0x3FAE] =	sst s6  }
0xf: {  	[smem:$0x3FAF] =	sst s7  }
0x10: {  	[smem:$0x3FB0] =	sst s8  }
0x11: {  	[smem:$0x3FB1] =	sst s9;
	s0 =	simm.s32 @!p0 $0x0  }
0x12: {  	s1 =	sld [smem:$0x3F97];
	s0 =	simm.s32 @p0 $0x1  }
0x13: {  	[smem:$0x3FB2] =	sst s0;
	s0 =	simm.s32 @!p1 $0x0  }
0x14: {  	s2 =	sld [smem:$0x3F96];
	s0 =	simm.s32 @p1 $0x1  }
0x15: {  	[smem:$0x3FB3] =	sst s0;
	s0 =	simm.s32 @!p2 $0x0  }
0x16: {  	s3 =	sld [smem:$0x3FDB];
	s0 =	simm.s32 @p2 $0x1  }
0x17: {  	s4 =	simm.s32 $0x1BF5;
	[smem:$0x3FB5] =	sst s0  }
0x18: {  	s0 =	sld [smem:$0x3F98];
	_ =	swait.ge [sflag:s4], $0x0  }
0x19: {  	s7 =	sld [smem:$0x3F99]  }
0x1a: {  	s8 =	sadd.s32 $0xFFFFE003, lr  }
0x1b: {  	s9 =	sadd.s32 $0xFFFFFEF7, lr;
	s5 =	simm.s32 $0xFFFFFFFF;
	p2 =	slt.u32 s8, $0xFFFFF086  }
0x1c: {  	p1 =	slt.u32 s9, $0xF7A;
	s5 =	simm.s32 @!p2 $0x0  }
0x1d: {  	s5 =	simm.s32 @p1 $0x1;
	p0 =	seq.s32 s7, s2  }
0x1e: {  	s7 =	smul.u32 @!p0 $0xF7A, s2;
	p2 =	seq.s32 @!p0 s5, $0x0  }
0x1f: {  	s9 =	smul.u32 $0xF7A, s1;
	s8 =	simm.s32 @!p0 $0x1BF5;
	p2 =	por !p2, p0  }
0x20: {  	[sflag:s8] =	ssyncset.s32 @!p0 $0xFFFFF086;
	s6 =	sadd.s32 @!p0 s3, s7;
	s7 =	simm.s32 @!p0 $0x108  }
0x21: {  	s3 =	sadd.s32 s3, s9;
	s6 =	sadd.s32 @!p0 $0x88, s6;
	s7 =	simm.s32 @p2 $0x1082  }
0x22: {  	[simem:s7], [sflag:s8] =	dma.local @!p0 [hbm:s6], $0xF7A  }
0x23: {  	s9 =	sor.u32 $0xD0000000, s2;
	s6 =	simm.s32 $0x108;
	_ =	swait.ge @!p0 [sflag:s8], $0x0  }
0x24: {  	s3 =	sadd.s32 $0x88, s3;
	s6 =	simm.s32 @!p1 $0x1082;
	[sflag:s4] =	ssyncset.s32 $0xFFFFF086  }
0x25: {  	[simem:s6], [sflag:s4] =	dma.local [hbm:s3], $0xF7A  }
0x26: {  	[smem:$0x3F99] =	sst s1;
	(tag) =	ssettag s2;
	_ =	strace s9  }
0x27: {  	s1 =	sld [smem:$0x3FA9]  }
0x28: {  	s2 =	sld [smem:$0x3FAA]  }
0x29: {  	s4 =	sld [smem:$0x3FAC]  }
0x2a: {  	p0 =	seq.s32 s5, $0x0;
	s5 =	sld [smem:$0x3FAD]  }
0x2b: {  	s6 =	sld [smem:$0x3FAE]  }
0x2c: {  	s7 =	sld [smem:$0x3FAF]  }
0x2d: {  	s3 =	simm.s32 $0x108;
	s8 =	sld [smem:$0x3FB0]  }
0x2e: {  	s3 =	simm.s32 @!p0 $0x1082;
	s9 =	sld [smem:$0x3FB1]  }
0x2f: {  	lr =	sadd.s32 s0, s3;
	s0 =	sld [smem:$0x3FA8]  }
0x30: {  	s3 =	sld [smem:$0x3FAB]  }
0x31: {  	[smem:$0x3FB4] =	sst s10  }
0x32: {  	s10 =	sld [smem:$0x3FB2];
	_ =	sdelay $0x3  }
0x33: {  	p0 =	seq.s32 s10, $0x1;
	s10 =	sld [smem:$0x3FB4];
	_ =	sdelay $0x3  }
0x34: {  	[smem:$0x3FB4] =	sst s10  }
0x35: {  	s10 =	sld [smem:$0x3FB3];
	_ =	sdelay $0x3  }
0x36: {  	p1 =	seq.s32 s10, $0x1;
	s10 =	sld [smem:$0x3FB4];
	_ =	sdelay $0x3  }
0x37: {  	[smem:$0x3FB4] =	sst s10  }
0x38: {  	s10 =	sld [smem:$0x3FB5]  }
0x39: {  	_ = 	snop;
	(pc) =	sbr.ind lr, $3  }
0x3a: {  	_ = 	snop  }
0x3b: {  	_ = 	snop  }
0x3c: {  	p2 =	seq.s32 s10, $0x1;
	s10 =	sld [smem:$0x3FB4]  }
0x3d: {  	_ =	shalt  }
0x3e: {  	_ =	shalt  }
0x3f: {  	_ =	shalt  }
0x40: {  	_ =	shalt  }
0x41: {  	_ =	shalt  }
0x42: {  	_ =	shalt  }
0x43: {  	_ =	shalt  }
0x44: {  	_ =	shalt  }
0x45: {  	_ =	shalt  }
0x46: {  	_ =	shalt  }
0x47: {  	_ =	shalt  }
0x48: {  	_ =	shalt  }
0x49: {  	_ =	shalt  }
0x4a: {  	_ =	shalt  }
0x4b: {  	_ =	shalt  }
0x4c: {  	_ =	shalt  }
0x4d: {  	_ =	shalt  }
0x4e: {  	_ =	shalt  }
0x4f: {  	_ =	shalt  }
0x50: {  	_ =	shalt  }
0x51: {  	_ =	shalt  }
0x52: {  	_ =	shalt  }
0x53: {  	_ =	shalt  }
0x54: {  	_ =	shalt  }
0x55: {  	_ =	shalt  }
0x56: {  	_ =	shalt  }
0x57: {  	_ =	shalt  }
0x58: {  	_ =	shalt  }
0x59: {  	_ =	shalt  }
0x5a: {  	_ =	shalt  }
0x5b: {  	_ =	shalt  }
0x5c: {  	_ =	shalt  }
0x5d: {  	_ =	shalt  }
0x5e: {  	_ =	shalt  }
0x5f: {  	_ =	shalt  }
0x60: {  	_ =	shalt  }
0x61: {  	_ =	shalt  }
0x62: {  	_ =	shalt  }
0x63: {  	_ =	shalt  }
0x64: {  	_ =	shalt  }
0x65: {  	_ =	shalt  }
0x66: {  	_ =	shalt  }
0x67: {  	_ =	shalt  }
0x68: {  	_ =	shalt  }
0x69: {  	_ =	shalt  }
0x6a: {  	_ =	shalt  }
0x6b: {  	_ =	shalt  }
0x6c: {  	_ =	shalt  }
0x6d: {  	_ =	shalt  }
0x6e: {  	_ =	shalt  }
0x6f: {  	_ =	shalt  }
0x70: {  	_ =	shalt  }
0x71: {  	_ =	shalt  }
0x72: {  	_ =	shalt  }
0x73: {  	_ =	shalt  }
0x74: {  	_ =	shalt  }
0x75: {  	_ =	shalt  }
0x76: {  	_ =	shalt  }
0x77: {  	_ =	shalt  }
0x78: {  	_ =	shalt  }
0x79: {  	_ =	shalt  }
0x7a: {  	_ =	shalt  }
0x7b: {  	_ =	shalt  }
0x7c: {  	_ =	shalt  }
0x7d: {  	_ =	shalt  }
0x7e: {  	_ =	shalt  }
0x7f: {  	_ =	shalt  }
0x80: {  	_ =	shalt  }
0x81: {  	_ =	shalt  }
0x82: {  	_ =	shalt  }
0x83: {  	_ =	shalt  }
0x84: {  	_ =	shalt  }
0x85: {  	_ =	shalt  }
0x86: {  	_ =	shalt  }
0x87: {  	_ =	shalt  }
.Lfunc_end0:
.L_simem_size_0:
called_computation_lowered:
.L_overlay_start_0:
0x88: {  	s2 =	sld [smem:$0x3FD9]  }
0x89: {  	s3 =	sld [smem:$0x3FFE];
	_ =	sdelay $0x1  }
0x8a: {  	s1 =	srdreg.scid  }
0x8b: {  	s0 =	sand.u32 $0x1, s1  }
0x8c: {  	s17 =	sshll.u32 s0, $0xA;
	s2 =	sadd.s32 s3, s2  }
0x8d: {  	s2 =	sadd.s32 s2, s17  }
0x8e: {  	[smem:$0x3FC0] =	sst s2  }
0x8f: {  	_ = 	snop  }
0x90: {  	s2 =	sld [smem:$0x3FD0];
	(tm) =	ssettm $0x1  }
0x91: {  	s18 =	sld [smem:$0x3FFB];
	_ =	sdelay $0x3  }
0x92: {  	_ =	strace s18  }
0x93: {  	s3 =	sld [smem:$0x3FFC];
	_ =	sdelay $0x3  }
0x94: {  	_ =	strace s3  }
0x95: {  	s3 =	sld [smem:$0x3FFD];
	_ =	sdelay $0x3  }
0x96: {  	_ =	strace s3  }
0x97: {  	_ =	strace $0x8FFFFFFF  }
0x98: {  	s19 =	sld [smem:$0x3FDB];
	_ =	sdelay $0x1  }
0x99: {  	s4 =	simm.s32 $_scs_section_size  }
0x9a: {  	s5 =	simm.s32 $_size__tile_overlayer_lowered;
	s6 =	simm.s32 $_tile_overlayer_lowered  }
0x9b: {  	s22 =	simm.s32 $0x1BFF;
	s21 =	sshll.u32 s6, $0x1;
	s3 =	sadd.s32 s4, s19  }
0x9c: {  	s7 =	simm.s32 $0x0;
	s20 =	sshll.u32 s5, $0x1;
	s5 =	sadd.s32 s21, s3  }
0x9d: {  	[timem:s7], [sflag:s22] =	dma.local [hbm:s5], s20  }
0x9e: {  	_ =	swait.ge [sflag:s22], s20  }
0x9f: {  	s4 =	ssub.s32 $0x0, s20;
	[sflag:s22] =	ssyncset.done $0x0  }
0xa0: {  	[sflag:s22] =	ssyncadd.s32 s4;
	_ =	sdelay $0x1  }
0xa1: {  	s23 =	simm.s32 $0x1B8B  }
0xa2: {  	_ =	swait.ge [sflag:s23], $0x1  }
0xa3: {  	[sflag:s23] =	ssyncset.done $0x0  }
0xa4: {  	s25 =	simm.s32 $0x1B8E;
	s24 =	sld [smem:$0x3FFE];
	[sflag:s23] =	ssyncadd.s32 $0xFFFFFFFF  }
0xa5: {  	s26 =	simm.s32 $execute0_lowered;
	[smem:$0x3FD2] =	sst s25  }
0xa6: {  	s5 =	sshll.u32 s26, $0x1;
	_ =	strace $0x80000046;
	[dreg:$0x1] =	wrdreg $0xFFFFFFFF  }
0xa7: {  	s28 =	simm.s32 $_size_execute0_lowered;
	s3 =	sadd.s32 s3, s5;
	[dreg:$0x0] =	wrdreg $0x0  }
0xa8: {  	s5 =	sshll.u32 s28, $0x1;
	[dreg:$0x2] =	wrdreg s3  }
0xa9: {  	[dreg:$0x3] =	wrdreg s5  }
0xaa: {  	[dreg:$0x4] =	wrdreg $0xC0  }
0xab: {  	_ =	task [dreg:s7], $0x5FFFF  }
0xac: {  	[dreg:$0x1] =	wrdreg $0xFFFFFFFF  }
0xad: {  	[dreg:$0x0] =	wrdreg $0x60  }
0xae: {  	[dreg:$0x2] =	wrdreg s2  }
0xaf: {  	[dreg:$0x3] =	wrdreg s24  }
0xb0: {  	[dreg:$0x4] =	wrdreg $0x2B000  }
0xb1: {  	[dreg:$0x5] =	wrdreg $0x9  }
0xb2: {  	_ =	task.clear_ibuf [dreg:s7], $0x6FFFF;
	_ =	strace $0x90000046  }
0xb3: {  	s29 =	simm.s32 $0x9;
	_ =	strace $0x80000048  }
0xb4: {  	_ =	swait.ge [sflag:s29], $0x1  }
0xb5: {  	[sflag:s29] =	ssyncadd.s32 $0xFFFFFFFF  }
0xb6: {  	_ =	strace $0x90000048  }
0xb7: {  	_ =	sfence  }
0xb8: {  	s30 =	sld [smem:$0x0];
	_ =	sdelay $0x2  }
0xb9: {  	s31 =	sshll.u32 s1, $0xD;
	s1 =	sshrl.u32 s1, $0x2  }
0xba: {  	s3 =	sand.u32 $0x4000, s31;
	s1 =	sadd.s32 s1, s30  }
0xbb: {  	s0 =	sor.u32 s3, s0;
	s1 =	sshll.u32 s1, $0x11  }
0xbc: {  	s0 =	sor.u32 s1, s0  }
0xbd: {  	s0 =	sadd.s32 $0x8F2B, s0  }
0xbe: {  	[sflag:s0] =	ssyncadd.remote.s32 $0x1  }
0xbf: {  	_ =	sfence.sel $0xFFFF  }
0xc0: {  	[dreg:$0x0] =	wrdreg $0xFFFFFFFF;
	(pc) =	sbr.abs _section_cstart, $3  }
0xc1: {  	[dreg:$0x1] =	wrdreg $0xFFFFFFFF  }
0xc2: {  	_ =	task.clear_ibuf [dreg:s7], $0x2FFFF;
	_ =	strace $0x9FFFFFFF  }
0xc3: {  	(tm) =	ssettm $0x7FFFFFFF  }
tec
execute0_lowered:
.L_overlay_start_1:
0x0: {  	(tag) =	ssettag $0x1  }
0x1: {  	s4 =	rddreg [dreg:$0x0]  }
0x2: {  	s5 =	rddreg [dreg:$0x1]  }
0x3: {  	s2 =	rddreg [dreg:$0x2]  }
0x4: {  	s0 =	rddreg [dreg:$0x3];
	s6 =	srdreg.scid  }
0x5: {  	s1 =	stileid.u32;
	s3 =	simm.s32 $0x0;
	s11 =	simm.s32 $0x80  }
0x6: {  	s12 =	simm.s32 $0x2A80;
	s13 =	simm.s32 $0x100;
	s14 =	simm.s32 $0x180  }
0x7: {  	s15 =	simm.s32 $0x2;
	s18 =	simm.s32 $0x20;
	s19 =	simm.s32 $0x10  }
0x8: {  	s20 =	simm.s32 $0x0;
	s6 =	sand.u32 $0x1, s6;
	s7 =	smul.u32 $0x500, s1  }
0x9: {  	[smem:$0x7FF] =	sst s3;
	s9 =	smul.u32 $0xA00, s1;
	s16 =	sshll.u32 s1, $0x6  }
0xa: {  	s8 =	sshll.u32 s6, $0x7;
	_ =	strace $0x80000047;
	s30 =	sshll.u32 s6, $0x4  }
0xb: {  	s6 =	ssub.s32 $0x2, s6;
	s16 =	sor.u32 $0x1C03, s16;
	s7 =	sor.u32 s8, s7  }
0xc: {  	s8 =	sor.u32 s1, s30;
	s10 =	sshrl.u32 s6, $0x1;
	s31 =	sshrl.u32 s9, $0x2  }
0xd: {  	s9 =	simm.s32 $0x3;
	s7 =	sshrl.u32 s7, $0x3;
	s8 =	smul.u32 $0x500, s8  }
0xe: {  	s10 =	ssub.s32 s6, s10;
	s7 =	sadd.s32 s7, s5;
	s5 =	sadd.s32 s31, s2  }
0xf: {  	s4 =	sadd.s32 s4, s8;
	s6 =	sadd.s32 $0x2A00, s7;
	s7 =	smax.u32 s10, $0x1  }
0x10: {  	v0 =	vimm.f32 $0.0e+00;
	v1 =	vimm.f32 $1.000000000e+00;
	s8 =	simm.s32 $0x2800;
	s10 =	simm.s32 $0x1;
	s17 =	sshrl.u32 s5, $0x3  }
.LBB2_1:
0x11: {  	[tilespmem:s3], [sflag:$0x1] =	stream.linear.gather [hbm4b:s4+s3], $0x2800, $0x38;
	[tilespmem:$0x2D80] =	vst v63  }
0x12: {  	[tilespmem:$0x2800] =	vst v0  }
0x13: {  	[tilespmem:$0x2810] =	vst v0  }
0x14: {  	[tilespmem:$0x2820] =	vst v0  }
0x15: {  	[tilespmem:$0x2830] =	vst v0  }
0x16: {  	[tilespmem:$0x2840] =	vst v0  }
0x17: {  	[tilespmem:$0x2850] =	vst v0  }
0x18: {  	[tilespmem:$0x2860] =	vst v0  }
0x19: {  	[tilespmem:$0x2870] =	vst v0  }
0x1a: {  	[tilespmem:$0x2880] =	vst v0  }
0x1b: {  	[tilespmem:$0x2890] =	vst v0  }
0x1c: {  	[tilespmem:$0x28A0] =	vst v0  }
0x1d: {  	[tilespmem:$0x28B0] =	vst v0  }
0x1e: {  	[tilespmem:$0x28C0] =	vst v0  }
0x1f: {  	[tilespmem:$0x28D0] =	vst v0  }
0x20: {  	[tilespmem:$0x28E0] =	vst v0  }
0x21: {  	[tilespmem:$0x28F0] =	vst v0  }
0x22: {  	[tilespmem:$0x2900] =	vst v0  }
0x23: {  	[tilespmem:$0x2910] =	vst v0  }
0x24: {  	[tilespmem:$0x2920] =	vst v0  }
0x25: {  	[tilespmem:$0x2930] =	vst v0  }
0x26: {  	[tilespmem:$0x2940] =	vst v0  }
0x27: {  	[tilespmem:$0x2950] =	vst v0  }
0x28: {  	[tilespmem:$0x2960] =	vst v0  }
0x29: {  	[tilespmem:$0x2970] =	vst v0  }
0x2a: {  	[tilespmem:$0x2980] =	vst v0  }
0x2b: {  	[tilespmem:$0x2990] =	vst v0  }
0x2c: {  	[tilespmem:$0x29A0] =	vst v0  }
0x2d: {  	[tilespmem:$0x29B0] =	vst v0  }
0x2e: {  	[tilespmem:$0x29C0] =	vst v0  }
0x2f: {  	[tilespmem:$0x29D0] =	vst v0  }
0x30: {  	[tilespmem:$0x29E0] =	vst v0  }
0x31: {  	[tilespmem:$0x29F0] =	vst v0  }
0x32: {  	[tilespmem:$0x2A00] =	vst v0  }
0x33: {  	[tilespmem:$0x2A10] =	vst v0  }
0x34: {  	[tilespmem:$0x2A20] =	vst v0  }
0x35: {  	[tilespmem:$0x2A30] =	vst v0  }
0x36: {  	[tilespmem:$0x2A40] =	vst v0  }
0x37: {  	[tilespmem:$0x2A50] =	vst v0  }
0x38: {  	[tilespmem:$0x2A60] =	vst v0  }
0x39: {  	[tilespmem:$0x2A70] =	vst v0  }
0x3a: {  	[tilespmem:$0x2A80] =	vst v1  }
0x3b: {  	[tilespmem:$0x2A90] =	vst v1  }
0x3c: {  	[tilespmem:$0x2AA0] =	vst v1  }
0x3d: {  	[tilespmem:$0x2AB0] =	vst v1  }
0x3e: {  	[tilespmem:$0x2AC0] =	vst v1  }
0x3f: {  	[tilespmem:$0x2AD0] =	vst v1  }
0x40: {  	[tilespmem:$0x2AE0] =	vst v1  }
0x41: {  	[tilespmem:$0x2AF0] =	vst v1  }
0x42: {  	[spmem:s5] =	stream.linear.scatter [tilespmem:s8], [sflag:$0x3], $0x280, $0x38;
	[tilespmem:$0x2D80] =	vst v63  }
0x43: {  	_ =	swait.ge [sflag:s9], $0x280  }
0x44: {  	[sflag:s9] =	ssyncset.done $0x0  }
0x45: {  	[sflag:s9] =	ssyncadd.s32 $0xFFFFFD80  }
0x46: {  	_ =	swait.ge [sflag:s10], $0x2800  }
0x47: {  	[sflag:s10] =	ssyncset.done $0x0  }
0x48: {  	[sflag:s10] =	ssyncadd.s32 $0xFFFFD800  }
0x49: {  	[bflag:$0x0] =	sbarrier.arrive $0xFFFF  }
0x4a: {  	[spmem:s2] =	stream.indirect.scatter.add.f32 [tilespmem:s12], [sflag:$0x2], $0x1, s3, s11, $0xb8;
	[tilespmem:$0x2D80] =	vst v63  }
0x4b: {  	_ = 	snop  }
0x4c: {  	[spmem:s2] =	stream.indirect.scatter.add.f32 [tilespmem:s12], [sflag:$0x2], $0x1, s11, s11, $0xb8;
	[tilespmem:$0x2D80] =	vst v63  }
0x4d: {  	_ = 	snop  }
0x4e: {  	[spmem:s2] =	stream.indirect.scatter.add.f32 [tilespmem:s12], [sflag:$0x2], $0x1, s13, s11, $0xb8;
	[tilespmem:$0x2D80] =	vst v63  }
0x4f: {  	_ = 	snop  }
0x50: {  	[spmem:s2] =	stream.indirect.scatter.add.f32 [tilespmem:s12], [sflag:$0x2], $0x1, s14, s11, $0xb8;
	[tilespmem:$0x2D80] =	vst v63  }
0x51: {  	_ =	swait.ge [sflag:s15], $0x80  }
0x52: {  	[sflag:s15] =	ssyncset.done $0x0  }
0x53: {  	s21 =	simm.s32 $0xA00;
	s22 =	simm.s32 $0x200;
	[sflag:s15] =	ssyncadd.s32 $0xFFFFFF80  }
.LBB2_2:
0x54: {  	[spmem:s2] =	stream.indirect.scatter.add.f32 [tilespmem:s12], [sflag:$0x2], $0x1, s22, s11, $0xb8;
	[tilespmem:$0x2D80] =	vst v63  }
0x55: {  	s22 =	smov.u32 s21;
	p0 =	sne.s32 s21, $0x9C00  }
.Ltmp0:
0x56: {  	s21 =	sadd.s32 $0x200, s21;
	(pc) =	sbr.rel @p0 .LBB2_2-.Ltmp0, $4  }
0x57: {  	_ = 	snop  }
0x58: {  	_ =	swait.ge [sflag:s15], $0x80  }
0x59: {  	[sflag:s15] =	ssyncset.done $0x0  }
0x5a: {  	s22 =	sshra.s32 s22, $0x2;
	[sflag:s15] =	ssyncadd.s32 $0xFFFFFF80  }
0x5b: {  	[spmem:s2] =	stream.indirect.scatter.add.f32 [tilespmem:s12], [sflag:$0x2], $0x1, s22, s11, $0xb8;
	[tilespmem:$0x2D80] =	vst v63  }
0x5c: {  	_ =	swait.ge [sflag:s15], $0x80  }
0x5d: {  	[sflag:s15] =	ssyncset.done $0x0  }
0x5e: {  	[sflag:s15] =	ssyncadd.s32 $0xFFFFFF80  }
0x5f: {  	_ =	swait.ge [sflag:s15], $0x80  }
0x60: {  	[sflag:s15] =	ssyncset.done $0x0  }
0x61: {  	[sflag:s15] =	ssyncadd.s32 $0xFFFFFF80  }
0x62: {  	_ =	swait.ge [sflag:s15], $0x80  }
0x63: {  	[sflag:s15] =	ssyncset.done $0x0  }
0x64: {  	[sflag:s15] =	ssyncadd.s32 $0xFFFFFF80  }
0x65: {  	_ =	swait.ge [sflag:s15], $0x80  }
0x66: {  	s20 =	sadd.s32 $0x1, s20;
	[sflag:s15] =	ssyncset.done $0x0  }
0x67: {  	p0 =	sne.s32 s20, s7;
	[sflag:s15] =	ssyncadd.s32 $0xFFFFFF80  }
.Ltmp1:
0x68: {  	[bflag:$0x0] =	sbarrier.arrive $0xFFFF;
	(pc) =	sbr.rel @p0 .LBB2_1-.Ltmp1, $4  }
0x69: {  	[hbm:s6@s18], [sflag:s16] =	dma.strided [spmem:s17@s19], $0x50, s10, $0x10   }
0x6a: {  	_ =	swait.ge [sflag:s9], $0x50  }
0x6b: {  	[sflag:s9] =	ssyncset.done $0x0  }
0x6c: {  	[sflag:s9] =	ssyncadd.s32 $0xFFFFFFB0  }
0x6d: {  	_ =	sfence.sel $0x180000  }
0x6e: {  	[bflag:$0x0] =	sbarrier.arrive $0xFFFF  }
0x6f: {  	p0 =	sne.s32 s1, $0x0;
	_ =	strace $0x90000047  }
0x70: {  	s0 =	sadd.s32 @!p0 $0x100000, s0;
	[bflag:$0x2] =	sbarrier.arrive $0xFFFF  }
0x71: {  	[sflag:s0] =	ssyncadd.tile.s32 @!p0 $0x1;
	_ =	shalt  }
.Lfunc_end2:
_tile_overlayer_lowered:
.L_overlay_start_2:
0x72: {  	(tag) =	ssettag $0x2  }
0x73: {  	s0 =	rddreg [dreg:$0x0];
	s2 =	stileid.u32  }
0x74: {  	s1 =	rddreg [dreg:$0x1];
	p0 =	sne.s32 s2, $0x0  }
0x75: {  	s3 =	rddreg [dreg:$0x2];
	[bflag:$0x3] =	sbarrier.arrive $0xFFFF;
	s2 =	simm.s32 @!p0 $0x1C03  }
0x76: {  	[timem:s3], [sflag:s2] =	dma.local @!p0 [hbm:s0], s1  }
0x77: {  	s0 =	simm.s32 @!p0 $0x3  }
0x78: {  	_ =	swait.ge @!p0 [sflag:s0], s1  }
0x79: {  	s1 =	ssub.s32 @!p0 $0x0, s1;
	[sflag:s0] =	ssyncset.done @!p0 $0x0  }
0x7a: {  	[sflag:s0] =	ssyncadd.s32 @!p0 s1  }
0x7b: {  	[bflag:$0x3] =	sbarrier.arrive $0xFFFF  }
0x7c: {  	_ =	shalt  }

</sc_bundles>
